<compile_context>
chip_gen: v7x
topology: tpu7x:2x2x1
jax: 0.10.2.dev20260603
libtpu: 0.0.44.dev20260713+nightly
codegen_flags: <defaults>
</compile_context>

<pallas_src>
import functools

import jax
import jax.numpy as jnp
from jax import lax
from jax.experimental import pallas as pl
from jax.experimental.pallas import tpu as pltpu
from jax.experimental.pallas import tpu_sc as plsc

B = 16384
OUT_D = 112
NC = 2
NS = 16
NW = NC * NS
RPW = B // NW
L = 16
RT = RPW // 128

_mesh = plsc.VectorSubcoreMesh(core_axis_name="c", subcore_axis_name="s")


@functools.partial(
    pl.kernel,
    out_type=jax.ShapeDtypeStruct((OUT_D // 8, B // 128, 8, 128), jnp.float32),
    mesh=_mesh,
    scratch_types=[
        pltpu.VMEM((RPW,), jnp.int32),
        pltpu.VMEM((RPW,), jnp.int32),
        pltpu.VMEM((RPW,), jnp.int32),
        pltpu.VMEM((RPW,), jnp.int32),
        pltpu.VMEM((RT, 4, 128), jnp.float32),
        pltpu.VMEM((RT, 4, 128), jnp.float32),
        pltpu.VMEM((RT, 4, 128), jnp.float32),
        pltpu.VMEM((RT, 4, 128), jnp.float32),
        pltpu.VMEM((2, RT, 8, 128), jnp.float32),
        pltpu.VMEM((2, RT, 8, 128), jnp.float32),
        pltpu.VMEM((4, 4, 8, 128), jnp.float32),
        pltpu.VMEM((4, 128), jnp.float32),
        pltpu.VMEM((OUT_D // 8, RT, 8, 128), jnp.float32),
        pltpu.SemaphoreType.DMA,
        pltpu.SemaphoreType.DMA,
    ],
    compiler_params=pltpu.CompilerParams(use_tc_tiling_on_sc=False,
                                         needs_layout_passes=False),
)
def _encode(p0c, p0b, p0k, p0a, p0j,
            p1c, p1b, p1k, p1a, p1j,
            at, jt, out,
            i0a, i0j, i1a, i1j,
            cs0, cs1, bs0, bs1, ks0, ks1, at_s, jt_s,
            blk, semi, semo):
    wid = lax.axis_index("s") * NC + lax.axis_index("c")
    base = wid * RPW
    sl = pl.ds(base, RPW)
    tsl = pl.ds(wid * RT, RT)

    cps = [
        pltpu.async_copy(p0a.at[sl], i0a, semi),
        pltpu.async_copy(p1a.at[sl], i1a, semi),
        pltpu.async_copy(p0j.at[sl], i0j, semi),
        pltpu.async_copy(p1j.at[sl], i1j, semi),
        pltpu.async_copy(p0c.at[tsl], cs0, semi),
        pltpu.async_copy(p1c.at[tsl], cs1, semi),
        pltpu.async_copy(p0b.at[tsl], bs0, semi),
        pltpu.async_copy(p1b.at[tsl], bs1, semi),
        pltpu.async_copy(p0k.at[:, tsl], ks0, semi),
        pltpu.async_copy(p1k.at[:, tsl], ks1, semi),
        pltpu.async_copy(at, at_s, semi),
        pltpu.async_copy(jt, jt_s, semi),
    ]
    for cp in cps:
        cp.wait()

    @plsc.parallel_loop(0, RPW // L)
    def body(m):
        rt = m // 8
        risl = pl.ds((m % 8) * L, L)
        gsl = pl.ds(m * L, L)
        for half, csx, bsx, ksx, av, jv in (
            (0, cs0, bs0, ks0, i0a[gsl], i0j[gsl]),
            (56, cs1, bs1, ks1, i1a[gsl], i1j[gsl]),
        ):
            avr = jnp.right_shift(av, 7)
            avi = jnp.bitwise_and(av, 127)
            for c in range(4):
                o = half + c
                blk[o // 8, rt, o % 8, risl] = csx[rt, c, risl]
            for c in range(3):
                o = half + 4 + c
                blk[o // 8, rt, o % 8, risl] = bsx[rt, c, risl]
            for c in range(13):
                o = half + 7 + c
                blk[o // 8, rt, o % 8, risl] = ksx[c // 8, rt, c % 8, risl]
            for c in range(32):
                o = half + 20 + c
                blk[o // 8, rt, o % 8, risl] = plsc.load_gather(
                    at_s, [jnp.full((L,), c // 8, jnp.int32), avr,
                           jnp.full((L,), c % 8, jnp.int32), avi])
            for c in range(4):
                o = half + 52 + c
                blk[o // 8, rt, o % 8, risl] = plsc.load_gather(
                    jt_s, [jnp.full((L,), c, jnp.int32), jv])

    o = pltpu.async_copy(blk, out.at[:, pl.ds(wid * RT, RT)], semo)
    o.wait()


def _tiled_view_small(x, cols):
    if cols < 4:
        x = jnp.pad(x, ((0, 0), (0, 4 - cols)))
    return x.reshape(128, 128, 4).transpose(0, 2, 1)


def kernel(p0_continuous, p0_binary, p0_controller, p0_action, p0_jumps,
           p1_continuous, p1_binary, p1_controller, p1_action, p1_jumps,
           action_table, jumps_table):
    c0 = _tiled_view_small(p0_continuous, 4)
    c1 = _tiled_view_small(p1_continuous, 4)
    b0 = _tiled_view_small(p0_binary, 3)
    b1 = _tiled_view_small(p1_binary, 3)
    k0 = jnp.pad(p0_controller, ((0, 0), (0, 3))).reshape(128, 128, 2, 8).transpose(2, 0, 3, 1)
    k1 = jnp.pad(p1_controller, ((0, 0), (0, 3))).reshape(128, 128, 2, 8).transpose(2, 0, 3, 1)
    at4 = jnp.pad(action_table, ((0, 112), (0, 0))).reshape(4, 128, 4, 8).transpose(2, 0, 3, 1)
    jt2 = jnp.pad(jumps_table, ((0, 120), (0, 0))).T
    raw = _encode(c0, b0, k0,
                  p0_action.astype(jnp.int32), p0_jumps.astype(jnp.int32),
                  c1, b1, k1,
                  p1_action.astype(jnp.int32), p1_jumps.astype(jnp.int32),
                  at4, jt2)
    return raw.transpose(1, 3, 0, 2).reshape(B, OUT_D)

# --- scband reference (transcript-rebuilt; emitter-appended) ---
"""Pipeline reference for scband-state-encoder-72164040507994 (READ-ONLY COPY).

The authoritative reference and input builder live on the scoring server;
editing this copy changes nothing except your own understanding.
"""

import jax, jax.numpy as jnp
import numpy as np

B = 16384
ACTION_VOCAB = 400
ACTION_EMBED_DIM = 32
JUMPS_VOCAB = 8
JUMPS_EMBED_DIM = 4


def setup_inputs(seed: int = 0) -> dict:
    key = jax.random.key(seed)
    ks = jax.random.split(key, 12)
    return {
        "p0_continuous": jax.random.normal(ks[0], (B, 4), dtype=jnp.float32),
        "p0_binary": jax.random.uniform(ks[1], (B, 3), dtype=jnp.float32),
        "p0_controller": jax.random.uniform(ks[2], (B, 13), dtype=jnp.float32),
        "p0_action": jax.random.randint(ks[3], (B,), 0, ACTION_VOCAB, dtype=jnp.int64 if jax.config.jax_enable_x64 else jnp.int32),
        "p0_jumps": jax.random.randint(ks[4], (B,), 0, JUMPS_VOCAB, dtype=jnp.int64 if jax.config.jax_enable_x64 else jnp.int32),
        "p1_continuous": jax.random.normal(ks[5], (B, 4), dtype=jnp.float32),
        "p1_binary": jax.random.uniform(ks[6], (B, 3), dtype=jnp.float32),
        "p1_controller": jax.random.uniform(ks[7], (B, 13), dtype=jnp.float32),
        "p1_action": jax.random.randint(ks[8], (B,), 0, ACTION_VOCAB, dtype=jnp.int64 if jax.config.jax_enable_x64 else jnp.int32),
        "p1_jumps": jax.random.randint(ks[9], (B,), 0, JUMPS_VOCAB, dtype=jnp.int64 if jax.config.jax_enable_x64 else jnp.int32),
        "action_table": jax.random.normal(ks[10], (ACTION_VOCAB, ACTION_EMBED_DIM), dtype=jnp.float32),
        "jumps_table": jax.random.normal(ks[11], (JUMPS_VOCAB, JUMPS_EMBED_DIM), dtype=jnp.float32),
    }


def _player(continuous, binary, controller, action, jumps, action_table, jumps_table):
    action_emb = jnp.take(action_table, action, axis=0)
    jumps_emb = jnp.take(jumps_table, jumps, axis=0)
    return jnp.concatenate([continuous, binary, controller, action_emb, jumps_emb], axis=-1)


def reference(p0_continuous, p0_binary, p0_controller, p0_action, p0_jumps,
              p1_continuous, p1_binary, p1_controller, p1_action, p1_jumps,
              action_table, jumps_table):
    p0 = _player(p0_continuous, p0_binary, p0_controller, p0_action, p0_jumps, action_table, jumps_table)
    p1 = _player(p1_continuous, p1_binary, p1_controller, p1_action, p1_jumps, action_table, jumps_table)
    return jnp.concatenate([p0, p1], axis=-1)

if __name__ == "__main__":
    import jax
    _d = setup_inputs()
    print(jax.jit(kernel)(*tuple(_d.values())))

</pallas_src>

<mosaic_0001>
#map = affine_map<(d0, d1) -> (0, 0, 0)>
#map1 = affine_map<(d0, d1) -> (0, 0, 0, 0)>
#map2 = affine_map<(d0, d1) -> (0)>
#map3 = affine_map<(d0, d1) -> (0, 0)>
module attributes {stable_mosaic.version = 14 : i64} {
  func.func @_encode(%arg0: i32, %arg1: i32, %arg2: memref<128x4x128xf32, #tpu.memory_space<hbm>>, %arg3: memref<128x4x128xf32, #tpu.memory_space<hbm>>, %arg4: memref<2x128x8x128xf32, #tpu.memory_space<hbm>>, %arg5: memref<16384xi32, #tpu.memory_space<hbm>>, %arg6: memref<16384xi32, #tpu.memory_space<hbm>>, %arg7: memref<128x4x128xf32, #tpu.memory_space<hbm>>, %arg8: memref<128x4x128xf32, #tpu.memory_space<hbm>>, %arg9: memref<2x128x8x128xf32, #tpu.memory_space<hbm>>, %arg10: memref<16384xi32, #tpu.memory_space<hbm>>, %arg11: memref<16384xi32, #tpu.memory_space<hbm>>, %arg12: memref<4x4x8x128xf32, #tpu.memory_space<hbm>>, %arg13: memref<4x128xf32, #tpu.memory_space<hbm>>, %arg14: memref<14x128x8x128xf32, #tpu.memory_space<hbm>>, %arg15: memref<512xi32, #tpu.memory_space<vmem>>, %arg16: memref<512xi32, #tpu.memory_space<vmem>>, %arg17: memref<512xi32, #tpu.memory_space<vmem>>, %arg18: memref<512xi32, #tpu.memory_space<vmem>>, %arg19: memref<4x4x128xf32, #tpu.memory_space<vmem>>, %arg20: memref<4x4x128xf32, #tpu.memory_space<vmem>>, %arg21: memref<4x4x128xf32, #tpu.memory_space<vmem>>, %arg22: memref<4x4x128xf32, #tpu.memory_space<vmem>>, %arg23: memref<2x4x8x128xf32, #tpu.memory_space<vmem>>, %arg24: memref<2x4x8x128xf32, #tpu.memory_space<vmem>>, %arg25: memref<4x4x8x128xf32, #tpu.memory_space<vmem>>, %arg26: memref<4x128xf32, #tpu.memory_space<vmem>>, %arg27: memref<14x4x8x128xf32, #tpu.memory_space<vmem>>, %arg28: memref<!tpu.dma_semaphore, #tpu.memory_space<semaphore_mem>>, %arg29: memref<!tpu.dma_semaphore, #tpu.memory_space<semaphore_mem>>) attributes {dimension_semantics = [#tpu.dimension_semantics<core_parallel>, #tpu.dimension_semantics<subcore_parallel>], iteration_bounds = array<i64: 2, 16>, scalar_prefetch = 0 : i64, scratch_operands = 15 : i64, tpu.core_type = #tpu.core_type<sc_vector_subcore>, window_params = [{transform_indices = #map}, {transform_indices = #map}, {transform_indices = #map1}, {transform_indices = #map2}, {transform_indices = #map2}, {transform_indices = #map}, {transform_indices = #map}, {transform_indices = #map1}, {transform_indices = #map2}, {transform_indices = #map2}, {transform_indices = #map1}, {transform_indices = #map3}, {transform_indices = #map1}]} {
    %mul3A = arith.constant 2 : i32
    %mul3A_0 = arith.muli %arg1, %mul3A : i32
    %add3A = arith.addi %mul3A_0, %arg0 : i32
    %mul3A_1 = arith.constant 512 : i32
    %mul3A_2 = arith.muli %add3A, %mul3A_1 : i32
    %mul3A_3 = arith.constant 4 : i32
    %mul3A_4 = arith.muli %add3A, %mul3A_3 : i32
    %dma_start3A = tpu.memref_slice %arg5[%mul3A_2] : memref<16384xi32, #tpu.memory_space<hbm>> -> memref<512xi32, #tpu.memory_space<hbm>>
    %dma_start3A_5 = tpu.memref_slice %arg5[%mul3A_2] : memref<16384xi32, #tpu.memory_space<hbm>> -> memref<512xi32, #tpu.memory_space<hbm>>
    tpu.enqueue_dma source(%dma_start3A_5 : memref<512xi32, #tpu.memory_space<hbm>>) target(%arg15 : memref<512xi32, #tpu.memory_space<vmem>>) target_semaphore(%arg28 : memref<!tpu.dma_semaphore, #tpu.memory_space<semaphore_mem>>)
    %dma_start3A_6 = tpu.memref_slice %arg10[%mul3A_2] : memref<16384xi32, #tpu.memory_space<hbm>> -> memref<512xi32, #tpu.memory_space<hbm>>
    %dma_start3A_7 = tpu.memref_slice %arg10[%mul3A_2] : memref<16384xi32, #tpu.memory_space<hbm>> -> memref<512xi32, #tpu.memory_space<hbm>>
    tpu.enqueue_dma source(%dma_start3A_7 : memref<512xi32, #tpu.memory_space<hbm>>) target(%arg17 : memref<512xi32, #tpu.memory_space<vmem>>) target_semaphore(%arg28 : memref<!tpu.dma_semaphore, #tpu.memory_space<semaphore_mem>>)
    %dma_start3A_8 = tpu.memref_slice %arg6[%mul3A_2] : memref<16384xi32, #tpu.memory_space<hbm>> -> memref<512xi32, #tpu.memory_space<hbm>>
    %dma_start3A_9 = tpu.memref_slice %arg6[%mul3A_2] : memref<16384xi32, #tpu.memory_space<hbm>> -> memref<512xi32, #tpu.memory_space<hbm>>
    tpu.enqueue_dma source(%dma_start3A_9 : memref<512xi32, #tpu.memory_space<hbm>>) target(%arg16 : memref<512xi32, #tpu.memory_space<vmem>>) target_semaphore(%arg28 : memref<!tpu.dma_semaphore, #tpu.memory_space<semaphore_mem>>)
    %dma_start3A_10 = tpu.memref_slice %arg11[%mul3A_2] : memref<16384xi32, #tpu.memory_space<hbm>> -> memref<512xi32, #tpu.memory_space<hbm>>
    %dma_start3A_11 = tpu.memref_slice %arg11[%mul3A_2] : memref<16384xi32, #tpu.memory_space<hbm>> -> memref<512xi32, #tpu.memory_space<hbm>>
    tpu.enqueue_dma source(%dma_start3A_11 : memref<512xi32, #tpu.memory_space<hbm>>) target(%arg18 : memref<512xi32, #tpu.memory_space<vmem>>) target_semaphore(%arg28 : memref<!tpu.dma_semaphore, #tpu.memory_space<semaphore_mem>>)
    %dma_start3A_12 = arith.constant 0 : i32
    %dma_start3A_13 = arith.constant 0 : i32
    %dma_start3A_14 = tpu.memref_slice %arg2[%mul3A_4, %dma_start3A_12, %dma_start3A_13] : memref<128x4x128xf32, #tpu.memory_space<hbm>> -> memref<4x4x128xf32, #tpu.memory_space<hbm>>
    %dma_start3A_15 = arith.constant 0 : i32
    %dma_start3A_16 = arith.constant 0 : i32
    %dma_start3A_17 = tpu.memref_slice %arg2[%mul3A_4, %dma_start3A_15, %dma_start3A_16] : memref<128x4x128xf32, #tpu.memory_space<hbm>> -> memref<4x4x128xf32, #tpu.memory_space<hbm>>
    tpu.enqueue_dma source(%dma_start3A_17 : memref<4x4x128xf32, #tpu.memory_space<hbm>>) target(%arg19 : memref<4x4x128xf32, #tpu.memory_space<vmem>>) target_semaphore(%arg28 : memref<!tpu.dma_semaphore, #tpu.memory_space<semaphore_mem>>)
    %dma_start3A_18 = arith.constant 0 : i32
    %dma_start3A_19 = arith.constant 0 : i32
    %dma_start3A_20 = tpu.memref_slice %arg7[%mul3A_4, %dma_start3A_18, %dma_start3A_19] : memref<128x4x128xf32, #tpu.memory_space<hbm>> -> memref<4x4x128xf32, #tpu.memory_space<hbm>>
    %dma_start3A_21 = arith.constant 0 : i32
    %dma_start3A_22 = arith.constant 0 : i32
    %dma_start3A_23 = tpu.memref_slice %arg7[%mul3A_4, %dma_start3A_21, %dma_start3A_22] : memref<128x4x128xf32, #tpu.memory_space<hbm>> -> memref<4x4x128xf32, #tpu.memory_space<hbm>>
    tpu.enqueue_dma source(%dma_start3A_23 : memref<4x4x128xf32, #tpu.memory_space<hbm>>) target(%arg20 : memref<4x4x128xf32, #tpu.memory_space<vmem>>) target_semaphore(%arg28 : memref<!tpu.dma_semaphore, #tpu.memory_space<semaphore_mem>>)
    %dma_start3A_24 = arith.constant 0 : i32
    %dma_start3A_25 = arith.constant 0 : i32
    %dma_start3A_26 = tpu.memref_slice %arg3[%mul3A_4, %dma_start3A_24, %dma_start3A_25] : memref<128x4x128xf32, #tpu.memory_space<hbm>> -> memref<4x4x128xf32, #tpu.memory_space<hbm>>
    %dma_start3A_27 = arith.constant 0 : i32
    %dma_start3A_28 = arith.constant 0 : i32
    %dma_start3A_29 = tpu.memref_slice %arg3[%mul3A_4, %dma_start3A_27, %dma_start3A_28] : memref<128x4x128xf32, #tpu.memory_space<hbm>> -> memref<4x4x128xf32, #tpu.memory_space<hbm>>
    tpu.enqueue_dma source(%dma_start3A_29 : memref<4x4x128xf32, #tpu.memory_space<hbm>>) target(%arg21 : memref<4x4x128xf32, #tpu.memory_space<vmem>>) target_semaphore(%arg28 : memref<!tpu.dma_semaphore, #tpu.memory_space<semaphore_mem>>)
    %dma_start3A_30 = arith.constant 0 : i32
    %dma_start3A_31 = arith.constant 0 : i32
    %dma_start3A_32 = tpu.memref_slice %arg8[%mul3A_4, %dma_start3A_30, %dma_start3A_31] : memref<128x4x128xf32, #tpu.memory_space<hbm>> -> memref<4x4x128xf32, #tpu.memory_space<hbm>>
    %dma_start3A_33 = arith.constant 0 : i32
    %dma_start3A_34 = arith.constant 0 : i32
    %dma_start3A_35 = tpu.memref_slice %arg8[%mul3A_4, %dma_start3A_33, %dma_start3A_34] : memref<128x4x128xf32, #tpu.memory_space<hbm>> -> memref<4x4x128xf32, #tpu.memory_space<hbm>>
    tpu.enqueue_dma source(%dma_start3A_35 : memref<4x4x128xf32, #tpu.memory_space<hbm>>) target(%arg22 : memref<4x4x128xf32, #tpu.memory_space<vmem>>) target_semaphore(%arg28 : memref<!tpu.dma_semaphore, #tpu.memory_space<semaphore_mem>>)
    %dma_start3A_36 = arith.constant 0 : i32
    %dma_start3A_37 = arith.constant 0 : i32
    %dma_start3A_38 = arith.constant 0 : i32
    %dma_start3A_39 = tpu.memref_slice %arg4[%dma_start3A_36, %mul3A_4, %dma_start3A_37, %dma_start3A_38] : memref<2x128x8x128xf32, #tpu.memory_space<hbm>> -> memref<2x4x8x128xf32, #tpu.memory_space<hbm>>
    %dma_start3A_40 = arith.constant 0 : i32
    %dma_start3A_41 = arith.constant 0 : i32
    %dma_start3A_42 = arith.constant 0 : i32
    %dma_start3A_43 = tpu.memref_slice %arg4[%dma_start3A_40, %mul3A_4, %dma_start3A_41, %dma_start3A_42] : memref<2x128x8x128xf32, #tpu.memory_space<hbm>> -> memref<2x4x8x128xf32, #tpu.memory_space<hbm>>
    tpu.enqueue_dma source(%dma_start3A_43 : memref<2x4x8x128xf32, #tpu.memory_space<hbm>>) target(%arg23 : memref<2x4x8x128xf32, #tpu.memory_space<vmem>>) target_semaphore(%arg28 : memref<!tpu.dma_semaphore, #tpu.memory_space<semaphore_mem>>)
    %dma_start3A_44 = arith.constant 0 : i32
    %dma_start3A_45 = arith.constant 0 : i32
    %dma_start3A_46 = arith.constant 0 : i32
    %dma_start3A_47 = tpu.memref_slice %arg9[%dma_start3A_44, %mul3A_4, %dma_start3A_45, %dma_start3A_46] : memref<2x128x8x128xf32, #tpu.memory_space<hbm>> -> memref<2x4x8x128xf32, #tpu.memory_space<hbm>>
    %dma_start3A_48 = arith.constant 0 : i32
    %dma_start3A_49 = arith.constant 0 : i32
    %dma_start3A_50 = arith.constant 0 : i32
    %dma_start3A_51 = tpu.memref_slice %arg9[%dma_start3A_48, %mul3A_4, %dma_start3A_49, %dma_start3A_50] : memref<2x128x8x128xf32, #tpu.memory_space<hbm>> -> memref<2x4x8x128xf32, #tpu.memory_space<hbm>>
    tpu.enqueue_dma source(%dma_start3A_51 : memref<2x4x8x128xf32, #tpu.memory_space<hbm>>) target(%arg24 : memref<2x4x8x128xf32, #tpu.memory_space<vmem>>) target_semaphore(%arg28 : memref<!tpu.dma_semaphore, #tpu.memory_space<semaphore_mem>>)
    tpu.enqueue_dma source(%arg12 : memref<4x4x8x128xf32, #tpu.memory_space<hbm>>) target(%arg25 : memref<4x4x8x128xf32, #tpu.memory_space<vmem>>) target_semaphore(%arg28 : memref<!tpu.dma_semaphore, #tpu.memory_space<semaphore_mem>>)
    tpu.enqueue_dma source(%arg13 : memref<4x128xf32, #tpu.memory_space<hbm>>) target(%arg26 : memref<4x128xf32, #tpu.memory_space<vmem>>) target_semaphore(%arg28 : memref<!tpu.dma_semaphore, #tpu.memory_space<semaphore_mem>>)
    %dma_wait3A = tpu.memref_slice %arg5[%mul3A_2] : memref<16384xi32, #tpu.memory_space<hbm>> -> memref<512xi32, #tpu.memory_space<hbm>>
    %dma_wait3A_52 = tpu.memref_slice %arg5[%mul3A_2] : memref<16384xi32, #tpu.memory_space<hbm>> -> memref<512xi32, #tpu.memory_space<hbm>>
    tpu.wait_dma2 semaphore(%arg28 : memref<!tpu.dma_semaphore, #tpu.memory_space<semaphore_mem>>) src(%dma_wait3A_52 : memref<512xi32, #tpu.memory_space<hbm>>) dst(%arg15 : memref<512xi32, #tpu.memory_space<vmem>>)
    %dma_wait3A_53 = tpu.memref_slice %arg10[%mul3A_2] : memref<16384xi32, #tpu.memory_space<hbm>> -> memref<512xi32, #tpu.memory_space<hbm>>
    %dma_wait3A_54 = tpu.memref_slice %arg10[%mul3A_2] : memref<16384xi32, #tpu.memory_space<hbm>> -> memref<512xi32, #tpu.memory_space<hbm>>
    tpu.wait_dma2 semaphore(%arg28 : memref<!tpu.dma_semaphore, #tpu.memory_space<semaphore_mem>>) src(%dma_wait3A_54 : memref<512xi32, #tpu.memory_space<hbm>>) dst(%arg17 : memref<512xi32, #tpu.memory_space<vmem>>)
    %dma_wait3A_55 = tpu.memref_slice %arg6[%mul3A_2] : memref<16384xi32, #tpu.memory_space<hbm>> -> memref<512xi32, #tpu.memory_space<hbm>>
    %dma_wait3A_56 = tpu.memref_slice %arg6[%mul3A_2] : memref<16384xi32, #tpu.memory_space<hbm>> -> memref<512xi32, #tpu.memory_space<hbm>>
    tpu.wait_dma2 semaphore(%arg28 : memref<!tpu.dma_semaphore, #tpu.memory_space<semaphore_mem>>) src(%dma_wait3A_56 : memref<512xi32, #tpu.memory_space<hbm>>) dst(%arg16 : memref<512xi32, #tpu.memory_space<vmem>>)
    %dma_wait3A_57 = tpu.memref_slice %arg11[%mul3A_2] : memref<16384xi32, #tpu.memory_space<hbm>> -> memref<512xi32, #tpu.memory_space<hbm>>
    %dma_wait3A_58 = tpu.memref_slice %arg11[%mul3A_2] : memref<16384xi32, #tpu.memory_space<hbm>> -> memref<512xi32, #tpu.memory_space<hbm>>
    tpu.wait_dma2 semaphore(%arg28 : memref<!tpu.dma_semaphore, #tpu.memory_space<semaphore_mem>>) src(%dma_wait3A_58 : memref<512xi32, #tpu.memory_space<hbm>>) dst(%arg18 : memref<512xi32, #tpu.memory_space<vmem>>)
    %dma_wait3A_59 = arith.constant 0 : i32
    %dma_wait3A_60 = arith.constant 0 : i32
    %dma_wait3A_61 = tpu.memref_slice %arg2[%mul3A_4, %dma_wait3A_59, %dma_wait3A_60] : memref<128x4x128xf32, #tpu.memory_space<hbm>> -> memref<4x4x128xf32, #tpu.memory_space<hbm>>
    %dma_wait3A_62 = arith.constant 0 : i32
    %dma_wait3A_63 = arith.constant 0 : i32
    %dma_wait3A_64 = tpu.memref_slice %arg2[%mul3A_4, %dma_wait3A_62, %dma_wait3A_63] : memref<128x4x128xf32, #tpu.memory_space<hbm>> -> memref<4x4x128xf32, #tpu.memory_space<hbm>>
    tpu.wait_dma2 semaphore(%arg28 : memref<!tpu.dma_semaphore, #tpu.memory_space<semaphore_mem>>) src(%dma_wait3A_64 : memref<4x4x128xf32, #tpu.memory_space<hbm>>) dst(%arg19 : memref<4x4x128xf32, #tpu.memory_space<vmem>>)
    %dma_wait3A_65 = arith.constant 0 : i32
    %dma_wait3A_66 = arith.constant 0 : i32
    %dma_wait3A_67 = tpu.memref_slice %arg7[%mul3A_4, %dma_wait3A_65, %dma_wait3A_66] : memref<128x4x128xf32, #tpu.memory_space<hbm>> -> memref<4x4x128xf32, #tpu.memory_space<hbm>>
    %dma_wait3A_68 = arith.constant 0 : i32
    %dma_wait3A_69 = arith.constant 0 : i32
    %dma_wait3A_70 = tpu.memref_slice %arg7[%mul3A_4, %dma_wait3A_68, %dma_wait3A_69] : memref<128x4x128xf32, #tpu.memory_space<hbm>> -> memref<4x4x128xf32, #tpu.memory_space<hbm>>
    tpu.wait_dma2 semaphore(%arg28 : memref<!tpu.dma_semaphore, #tpu.memory_space<semaphore_mem>>) src(%dma_wait3A_70 : memref<4x4x128xf32, #tpu.memory_space<hbm>>) dst(%arg20 : memref<4x4x128xf32, #tpu.memory_space<vmem>>)
    %dma_wait3A_71 = arith.constant 0 : i32
    %dma_wait3A_72 = arith.constant 0 : i32
    %dma_wait3A_73 = tpu.memref_slice %arg3[%mul3A_4, %dma_wait3A_71, %dma_wait3A_72] : memref<128x4x128xf32, #tpu.memory_space<hbm>> -> memref<4x4x128xf32, #tpu.memory_space<hbm>>
    %dma_wait3A_74 = arith.constant 0 : i32
    %dma_wait3A_75 = arith.constant 0 : i32
    %dma_wait3A_76 = tpu.memref_slice %arg3[%mul3A_4, %dma_wait3A_74, %dma_wait3A_75] : memref<128x4x128xf32, #tpu.memory_space<hbm>> -> memref<4x4x128xf32, #tpu.memory_space<hbm>>
    tpu.wait_dma2 semaphore(%arg28 : memref<!tpu.dma_semaphore, #tpu.memory_space<semaphore_mem>>) src(%dma_wait3A_76 : memref<4x4x128xf32, #tpu.memory_space<hbm>>) dst(%arg21 : memref<4x4x128xf32, #tpu.memory_space<vmem>>)
    %dma_wait3A_77 = arith.constant 0 : i32
    %dma_wait3A_78 = arith.constant 0 : i32
    %dma_wait3A_79 = tpu.memref_slice %arg8[%mul3A_4, %dma_wait3A_77, %dma_wait3A_78] : memref<128x4x128xf32, #tpu.memory_space<hbm>> -> memref<4x4x128xf32, #tpu.memory_space<hbm>>
    %dma_wait3A_80 = arith.constant 0 : i32
    %dma_wait3A_81 = arith.constant 0 : i32
    %dma_wait3A_82 = tpu.memref_slice %arg8[%mul3A_4, %dma_wait3A_80, %dma_wait3A_81] : memref<128x4x128xf32, #tpu.memory_space<hbm>> -> memref<4x4x128xf32, #tpu.memory_space<hbm>>
    tpu.wait_dma2 semaphore(%arg28 : memref<!tpu.dma_semaphore, #tpu.memory_space<semaphore_mem>>) src(%dma_wait3A_82 : memref<4x4x128xf32, #tpu.memory_space<hbm>>) dst(%arg22 : memref<4x4x128xf32, #tpu.memory_space<vmem>>)
    %dma_wait3A_83 = arith.constant 0 : i32
    %dma_wait3A_84 = arith.constant 0 : i32
    %dma_wait3A_85 = arith.constant 0 : i32
    %dma_wait3A_86 = tpu.memref_slice %arg4[%dma_wait3A_83, %mul3A_4, %dma_wait3A_84, %dma_wait3A_85] : memref<2x128x8x128xf32, #tpu.memory_space<hbm>> -> memref<2x4x8x128xf32, #tpu.memory_space<hbm>>
    %dma_wait3A_87 = arith.constant 0 : i32
    %dma_wait3A_88 = arith.constant 0 : i32
    %dma_wait3A_89 = arith.constant 0 : i32
    %dma_wait3A_90 = tpu.memref_slice %arg4[%dma_wait3A_87, %mul3A_4, %dma_wait3A_88, %dma_wait3A_89] : memref<2x128x8x128xf32, #tpu.memory_space<hbm>> -> memref<2x4x8x128xf32, #tpu.memory_space<hbm>>
    tpu.wait_dma2 semaphore(%arg28 : memref<!tpu.dma_semaphore, #tpu.memory_space<semaphore_mem>>) src(%dma_wait3A_90 : memref<2x4x8x128xf32, #tpu.memory_space<hbm>>) dst(%arg23 : memref<2x4x8x128xf32, #tpu.memory_space<vmem>>)
    %dma_wait3A_91 = arith.constant 0 : i32
    %dma_wait3A_92 = arith.constant 0 : i32
    %dma_wait3A_93 = arith.constant 0 : i32
    %dma_wait3A_94 = tpu.memref_slice %arg9[%dma_wait3A_91, %mul3A_4, %dma_wait3A_92, %dma_wait3A_93] : memref<2x128x8x128xf32, #tpu.memory_space<hbm>> -> memref<2x4x8x128xf32, #tpu.memory_space<hbm>>
    %dma_wait3A_95 = arith.constant 0 : i32
    %dma_wait3A_96 = arith.constant 0 : i32
    %dma_wait3A_97 = arith.constant 0 : i32
    %dma_wait3A_98 = tpu.memref_slice %arg9[%dma_wait3A_95, %mul3A_4, %dma_wait3A_96, %dma_wait3A_97] : memref<2x128x8x128xf32, #tpu.memory_space<hbm>> -> memref<2x4x8x128xf32, #tpu.memory_space<hbm>>
    tpu.wait_dma2 semaphore(%arg28 : memref<!tpu.dma_semaphore, #tpu.memory_space<semaphore_mem>>) src(%dma_wait3A_98 : memref<2x4x8x128xf32, #tpu.memory_space<hbm>>) dst(%arg24 : memref<2x4x8x128xf32, #tpu.memory_space<vmem>>)
    tpu.wait_dma2 semaphore(%arg28 : memref<!tpu.dma_semaphore, #tpu.memory_space<semaphore_mem>>) src(%arg12 : memref<4x4x8x128xf32, #tpu.memory_space<hbm>>) dst(%arg25 : memref<4x4x8x128xf32, #tpu.memory_space<vmem>>)
    tpu.wait_dma2 semaphore(%arg28 : memref<!tpu.dma_semaphore, #tpu.memory_space<semaphore_mem>>) src(%arg13 : memref<4x128xf32, #tpu.memory_space<hbm>>) dst(%arg26 : memref<4x128xf32, #tpu.memory_space<vmem>>)
    %parallel_loop3A = arith.constant 0 : i32
    %parallel_loop3A_99 = arith.constant 32 : i32
    %parallel_loop3A_100 = arith.constant 1 : i32
    scf.for %parallel_loop3A_119 = %parallel_loop3A to %parallel_loop3A_99 step %parallel_loop3A_100  : i32 {
      %parallel_loop3A_120 = arith.constant 8 : i32
      %parallel_loop3A_121 = arith.divsi %parallel_loop3A_119, %parallel_loop3A_120 : i32
      %parallel_loop3A_122 = arith.constant 0 : i32
      %parallel_loop3A_123 = arith.cmpi sgt, %parallel_loop3A_119, %parallel_loop3A_122 : i32
      %parallel_loop3A_124 = arith.extui %parallel_loop3A_123 : i1 to i32
      %parallel_loop3A_125 = arith.constant 0 : i32
      %parallel_loop3A_126 = arith.cmpi slt, %parallel_loop3A_119, %parallel_loop3A_125 : i32
      %parallel_loop3A_127 = arith.extui %parallel_loop3A_126 : i1 to i32
      %parallel_loop3A_128 = arith.subi %parallel_loop3A_124, %parallel_loop3A_127 : i32
      %parallel_loop3A_129 = arith.constant 0 : i32
      %parallel_loop3A_130 = arith.cmpi sgt, %parallel_loop3A_120, %parallel_loop3A_129 : i32
      %parallel_loop3A_131 = arith.extui %parallel_loop3A_130 : i1 to i32
      %parallel_loop3A_132 = arith.constant 0 : i32
      %parallel_loop3A_133 = arith.cmpi slt, %parallel_loop3A_120, %parallel_loop3A_132 : i32
      %parallel_loop3A_134 = arith.extui %parallel_loop3A_133 : i1 to i32
      %parallel_loop3A_135 = arith.subi %parallel_loop3A_131, %parallel_loop3A_134 : i32
      %parallel_loop3A_136 = arith.cmpi ne, %parallel_loop3A_128, %parallel_loop3A_135 : i32
      %parallel_loop3A_137 = arith.remsi %parallel_loop3A_119, %parallel_loop3A_120 : i32
      %parallel_loop3A_138 = arith.constant 0 : i32
      %parallel_loop3A_139 = arith.cmpi ne, %parallel_loop3A_137, %parallel_loop3A_138 : i32
      %parallel_loop3A_140 = arith.andi %parallel_loop3A_136, %parallel_loop3A_139 : i1
      %parallel_loop3A_141 = arith.constant 1 : i32
      %parallel_loop3A_142 = arith.subi %parallel_loop3A_121, %parallel_loop3A_141 : i32
      %parallel_loop3A_143 = arith.select %parallel_loop3A_140, %parallel_loop3A_142, %parallel_loop3A_121 : i32
      %parallel_loop3A_144 = arith.constant 8 : i32
      %parallel_loop3A_145 = arith.constant 0 : i32
      %parallel_loop3A_146 = arith.cmpi eq, %parallel_loop3A_144, %parallel_loop3A_145 : i32
      %parallel_loop3A_147 = arith.constant 1 : i32
      %parallel_loop3A_148 = arith.select %parallel_loop3A_146, %parallel_loop3A_147, %parallel_loop3A_144 : i32
      %parallel_loop3A_149 = arith.remsi %parallel_loop3A_119, %parallel_loop3A_148 : i32
      %parallel_loop3A_150 = arith.constant 0 : i32
      %parallel_loop3A_151 = arith.cmpi ne, %parallel_loop3A_149, %parallel_loop3A_150 : i32
      %parallel_loop3A_152 = arith.constant 0 : i32
      %parallel_loop3A_153 = arith.cmpi slt, %parallel_loop3A_149, %parallel_loop3A_152 : i32
      %parallel_loop3A_154 = arith.constant 0 : i32
      %parallel_loop3A_155 = arith.cmpi slt, %parallel_loop3A_148, %parallel_loop3A_154 : i32
      %parallel_loop3A_156 = arith.xori %parallel_loop3A_153, %parallel_loop3A_155 : i1
      %parallel_loop3A_157 = arith.andi %parallel_loop3A_156, %parallel_loop3A_151 : i1
      %parallel_loop3A_158 = arith.addi %parallel_loop3A_149, %parallel_loop3A_148 : i32
      %parallel_loop3A_159 = arith.select %parallel_loop3A_157, %parallel_loop3A_158, %parallel_loop3A_149 : i32
      %parallel_loop3A_160 = arith.constant 16 : i32
      %parallel_loop3A_161 = arith.muli %parallel_loop3A_159, %parallel_loop3A_160 : i32
      %parallel_loop3A_162 = arith.constant 16 : i32
      %parallel_loop3A_163 = arith.muli %parallel_loop3A_119, %parallel_loop3A_162 : i32
      %parallel_loop3A_164 = arith.index_cast %parallel_loop3A_163 : i32 to index
      %parallel_loop3A_165 = tpu.vector_load %arg15[%parallel_loop3A_164] {strides = array<i32>} : memref<512xi32, #tpu.memory_space<vmem>>, vector<16xi32>,
      %parallel_loop3A_166 = arith.index_cast %parallel_loop3A_163 : i32 to index
      %parallel_loop3A_167 = tpu.vector_load %arg16[%parallel_loop3A_166] {strides = array<i32>} : memref<512xi32, #tpu.memory_space<vmem>>, vector<16xi32>,
      %parallel_loop3A_168 = arith.index_cast %parallel_loop3A_163 : i32 to index
      %parallel_loop3A_169 = tpu.vector_load %arg17[%parallel_loop3A_168] {strides = array<i32>} : memref<512xi32, #tpu.memory_space<vmem>>, vector<16xi32>,
      %parallel_loop3A_170 = arith.index_cast %parallel_loop3A_163 : i32 to index
      %parallel_loop3A_171 = tpu.vector_load %arg18[%parallel_loop3A_170] {strides = array<i32>} : memref<512xi32, #tpu.memory_space<vmem>>, vector<16xi32>,
      %parallel_loop3A_172 = arith.constant 7 : i32
      %parallel_loop3A_173 = vector.broadcast %parallel_loop3A_172 : i32 to vector<16xi32>
      %parallel_loop3A_174 = arith.shrsi %parallel_loop3A_165, %parallel_loop3A_173 : vector<16xi32>
      %parallel_loop3A_175 = arith.constant 127 : i32
      %parallel_loop3A_176 = vector.broadcast %parallel_loop3A_175 : i32 to vector<16xi32>
      %parallel_loop3A_177 = arith.andi %parallel_loop3A_165, %parallel_loop3A_176 : vector<16xi32>
      %parallel_loop3A_178 = arith.constant 0 : i32
      %parallel_loop3A_179 = arith.index_cast %parallel_loop3A_143 : i32 to index
      %parallel_loop3A_180 = arith.index_cast %parallel_loop3A_178 : i32 to index
      %parallel_loop3A_181 = arith.index_cast %parallel_loop3A_161 : i32 to index
      %parallel_loop3A_182 = tpu.vector_load %arg19[%parallel_loop3A_179, %parallel_loop3A_180, %parallel_loop3A_181] {strides = array<i32>} : memref<4x4x128xf32, #tpu.memory_space<vmem>>, vector<16xf32>,
      %parallel_loop3A_183 = arith.constant 0 : i32
      %parallel_loop3A_184 = arith.constant 0 : i32
      %parallel_loop3A_185 = arith.index_cast %parallel_loop3A_183 : i32 to index
      %parallel_loop3A_186 = arith.index_cast %parallel_loop3A_143 : i32 to index
      %parallel_loop3A_187 = arith.index_cast %parallel_loop3A_184 : i32 to index
      %parallel_loop3A_188 = arith.index_cast %parallel_loop3A_161 : i32 to index
      %parallel_loop3A_189 = tpu.vector_load %arg27[%parallel_loop3A_185, %parallel_loop3A_186, %parallel_loop3A_187, %parallel_loop3A_188] {strides = array<i32>} : memref<14x4x8x128xf32, #tpu.memory_space<vmem>>, vector<16xf32>,
      tpu.vector_store %arg27[%parallel_loop3A_185, %parallel_loop3A_186, %parallel_loop3A_187, %parallel_loop3A_188], %parallel_loop3A_182 {strides = array<i32>} : memref<14x4x8x128xf32, #tpu.memory_space<vmem>>, vector<16xf32>,
      %parallel_loop3A_190 = arith.constant 1 : i32
      %parallel_loop3A_191 = arith.index_cast %parallel_loop3A_143 : i32 to index
      %parallel_loop3A_192 = arith.index_cast %parallel_loop3A_190 : i32 to index
      %parallel_loop3A_193 = arith.index_cast %parallel_loop3A_161 : i32 to index
      %parallel_loop3A_194 = tpu.vector_load %arg19[%parallel_loop3A_191, %parallel_loop3A_192, %parallel_loop3A_193] {strides = array<i32>} : memref<4x4x128xf32, #tpu.memory_space<vmem>>, vector<16xf32>,
      %parallel_loop3A_195 = arith.constant 0 : i32
      %parallel_loop3A_196 = arith.constant 1 : i32
      %parallel_loop3A_197 = arith.index_cast %parallel_loop3A_195 : i32 to index
      %parallel_loop3A_198 = arith.index_cast %parallel_loop3A_143 : i32 to index
      %parallel_loop3A_199 = arith.index_cast %parallel_loop3A_196 : i32 to index
      %parallel_loop3A_200 = arith.index_cast %parallel_loop3A_161 : i32 to index
      %parallel_loop3A_201 = tpu.vector_load %arg27[%parallel_loop3A_197, %parallel_loop3A_198, %parallel_loop3A_199, %parallel_loop3A_200] {strides = array<i32>} : memref<14x4x8x128xf32, #tpu.memory_space<vmem>>, vector<16xf32>,
      tpu.vector_store %arg27[%parallel_loop3A_197, %parallel_loop3A_198, %parallel_loop3A_199, %parallel_loop3A_200], %parallel_loop3A_194 {strides = array<i32>} : memref<14x4x8x128xf32, #tpu.memory_space<vmem>>, vector<16xf32>,
      %parallel_loop3A_202 = arith.constant 2 : i32
      %parallel_loop3A_203 = arith.index_cast %parallel_loop3A_143 : i32 to index
      %parallel_loop3A_204 = arith.index_cast %parallel_loop3A_202 : i32 to index
      %parallel_loop3A_205 = arith.index_cast %parallel_loop3A_161 : i32 to index
      %parallel_loop3A_206 = tpu.vector_load %arg19[%parallel_loop3A_203, %parallel_loop3A_204, %parallel_loop3A_205] {strides = array<i32>} : memref<4x4x128xf32, #tpu.memory_space<vmem>>, vector<16xf32>,
      %parallel_loop3A_207 = arith.constant 0 : i32
      %parallel_loop3A_208 = arith.constant 2 : i32
      %parallel_loop3A_209 = arith.index_cast %parallel_loop3A_207 : i32 to index
      %parallel_loop3A_210 = arith.index_cast %parallel_loop3A_143 : i32 to index
      %parallel_loop3A_211 = arith.index_cast %parallel_loop3A_208 : i32 to index
      %parallel_loop3A_212 = arith.index_cast %parallel_loop3A_161 : i32 to index
      %parallel_loop3A_213 = tpu.vector_load %arg27[%parallel_loop3A_209, %parallel_loop3A_210, %parallel_loop3A_211, %parallel_loop3A_212] {strides = array<i32>} : memref<14x4x8x128xf32, #tpu.memory_space<vmem>>, vector<16xf32>,
      tpu.vector_store %arg27[%parallel_loop3A_209, %parallel_loop3A_210, %parallel_loop3A_211, %parallel_loop3A_212], %parallel_loop3A_206 {strides = array<i32>} : memref<14x4x8x128xf32, #tpu.memory_space<vmem>>, vector<16xf32>,
      %parallel_loop3A_214 = arith.constant 3 : i32
      %parallel_loop3A_215 = arith.index_cast %parallel_loop3A_143 : i32 to index
      %parallel_loop3A_216 = arith.index_cast %parallel_loop3A_214 : i32 to index
      %parallel_loop3A_217 = arith.index_cast %parallel_loop3A_161 : i32 to index
      %parallel_loop3A_218 = tpu.vector_load %arg19[%parallel_loop3A_215, %parallel_loop3A_216, %parallel_loop3A_217] {strides = array<i32>} : memref<4x4x128xf32, #tpu.memory_space<vmem>>, vector<16xf32>,
      %parallel_loop3A_219 = arith.constant 0 : i32
      %parallel_loop3A_220 = arith.constant 3 : i32
      %parallel_loop3A_221 = arith.index_cast %parallel_loop3A_219 : i32 to index
      %parallel_loop3A_222 = arith.index_cast %parallel_loop3A_143 : i32 to index
      %parallel_loop3A_223 = arith.index_cast %parallel_loop3A_220 : i32 to index
      %parallel_loop3A_224 = arith.index_cast %parallel_loop3A_161 : i32 to index
      %parallel_loop3A_225 = tpu.vector_load %arg27[%parallel_loop3A_221, %parallel_loop3A_222, %parallel_loop3A_223, %parallel_loop3A_224] {strides = array<i32>} : memref<14x4x8x128xf32, #tpu.memory_space<vmem>>, vector<16xf32>,
      tpu.vector_store %arg27[%parallel_loop3A_221, %parallel_loop3A_222, %parallel_loop3A_223, %parallel_loop3A_224], %parallel_loop3A_218 {strides = array<i32>} : memref<14x4x8x128xf32, #tpu.memory_space<vmem>>, vector<16xf32>,
      %parallel_loop3A_226 = arith.constant 0 : i32
      %parallel_loop3A_227 = arith.index_cast %parallel_loop3A_143 : i32 to index
      %parallel_loop3A_228 = arith.index_cast %parallel_loop3A_226 : i32 to index
      %parallel_loop3A_229 = arith.index_cast %parallel_loop3A_161 : i32 to index
      %parallel_loop3A_230 = tpu.vector_load %arg21[%parallel_loop3A_227, %parallel_loop3A_228, %parallel_loop3A_229] {strides = array<i32>} : memref<4x4x128xf32, #tpu.memory_space<vmem>>, vector<16xf32>,
      %parallel_loop3A_231 = arith.constant 0 : i32
      %parallel_loop3A_232 = arith.constant 4 : i32
      %parallel_loop3A_233 = arith.index_cast %parallel_loop3A_231 : i32 to index
      %parallel_loop3A_234 = arith.index_cast %parallel_loop3A_143 : i32 to index
      %parallel_loop3A_235 = arith.index_cast %parallel_loop3A_232 : i32 to index
      %parallel_loop3A_236 = arith.index_cast %parallel_loop3A_161 : i32 to index
      %parallel_loop3A_237 = tpu.vector_load %arg27[%parallel_loop3A_233, %parallel_loop3A_234, %parallel_loop3A_235, %parallel_loop3A_236] {strides = array<i32>} : memref<14x4x8x128xf32, #tpu.memory_space<vmem>>, vector<16xf32>,
      tpu.vector_store %arg27[%parallel_loop3A_233, %parallel_loop3A_234, %parallel_loop3A_235, %parallel_loop3A_236], %parallel_loop3A_230 {strides = array<i32>} : memref<14x4x8x128xf32, #tpu.memory_space<vmem>>, vector<16xf32>,
      %parallel_loop3A_238 = arith.constant 1 : i32
      %parallel_loop3A_239 = arith.index_cast %parallel_loop3A_143 : i32 to index
      %parallel_loop3A_240 = arith.index_cast %parallel_loop3A_238 : i32 to index
      %parallel_loop3A_241 = arith.index_cast %parallel_loop3A_161 : i32 to index
      %parallel_loop3A_242 = tpu.vector_load %arg21[%parallel_loop3A_239, %parallel_loop3A_240, %parallel_loop3A_241] {strides = array<i32>} : memref<4x4x128xf32, #tpu.memory_space<vmem>>, vector<16xf32>,
      %parallel_loop3A_243 = arith.constant 0 : i32
      %parallel_loop3A_244 = arith.constant 5 : i32
      %parallel_loop3A_245 = arith.index_cast %parallel_loop3A_243 : i32 to index
      %parallel_loop3A_246 = arith.index_cast %parallel_loop3A_143 : i32 to index
      %parallel_loop3A_247 = arith.index_cast %parallel_loop3A_244 : i32 to index
      %parallel_loop3A_248 = arith.index_cast %parallel_loop3A_161 : i32 to index
      %parallel_loop3A_249 = tpu.vector_load %arg27[%parallel_loop3A_245, %parallel_loop3A_246, %parallel_loop3A_247, %parallel_loop3A_248] {strides = array<i32>} : memref<14x4x8x128xf32, #tpu.memory_space<vmem>>, vector<16xf32>,
      tpu.vector_store %arg27[%parallel_loop3A_245, %parallel_loop3A_246, %parallel_loop3A_247, %parallel_loop3A_248], %parallel_loop3A_242 {strides = array<i32>} : memref<14x4x8x128xf32, #tpu.memory_space<vmem>>, vector<16xf32>,
      %parallel_loop3A_250 = arith.constant 2 : i32
      %parallel_loop3A_251 = arith.index_cast %parallel_loop3A_143 : i32 to index
      %parallel_loop3A_252 = arith.index_cast %parallel_loop3A_250 : i32 to index
      %parallel_loop3A_253 = arith.index_cast %parallel_loop3A_161 : i32 to index
      %parallel_loop3A_254 = tpu.vector_load %arg21[%parallel_loop3A_251, %parallel_loop3A_252, %parallel_loop3A_253] {strides = array<i32>} : memref<4x4x128xf32, #tpu.memory_space<vmem>>, vector<16xf32>,
      %parallel_loop3A_255 = arith.constant 0 : i32
      %parallel_loop3A_256 = arith.constant 6 : i32
      %parallel_loop3A_257 = arith.index_cast %parallel_loop3A_255 : i32 to index
      %parallel_loop3A_258 = arith.index_cast %parallel_loop3A_143 : i32 to index
      %parallel_loop3A_259 = arith.index_cast %parallel_loop3A_256 : i32 to index
      %parallel_loop3A_260 = arith.index_cast %parallel_loop3A_161 : i32 to index
      %parallel_loop3A_261 = tpu.vector_load %arg27[%parallel_loop3A_257, %parallel_loop3A_258, %parallel_loop3A_259, %parallel_loop3A_260] {strides = array<i32>} : memref<14x4x8x128xf32, #tpu.memory_space<vmem>>, vector<16xf32>,
      tpu.vector_store %arg27[%parallel_loop3A_257, %parallel_loop3A_258, %parallel_loop3A_259, %parallel_loop3A_260], %parallel_loop3A_254 {strides = array<i32>} : memref<14x4x8x128xf32, #tpu.memory_space<vmem>>, vector<16xf32>,
      %parallel_loop3A_262 = arith.constant 0 : i32
      %parallel_loop3A_263 = arith.constant 0 : i32
      %parallel_loop3A_264 = arith.index_cast %parallel_loop3A_262 : i32 to index
      %parallel_loop3A_265 = arith.index_cast %parallel_loop3A_143 : i32 to index
      %parallel_loop3A_266 = arith.index_cast %parallel_loop3A_263 : i32 to index
      %parallel_loop3A_267 = arith.index_cast %parallel_loop3A_161 : i32 to index
      %parallel_loop3A_268 = tpu.vector_load %arg23[%parallel_loop3A_264, %parallel_loop3A_265, %parallel_loop3A_266, %parallel_loop3A_267] {strides = array<i32>} : memref<2x4x8x128xf32, #tpu.memory_space<vmem>>, vector<16xf32>,
      %parallel_loop3A_269 = arith.constant 0 : i32
      %parallel_loop3A_270 = arith.constant 7 : i32
      %parallel_loop3A_271 = arith.index_cast %parallel_loop3A_269 : i32 to index
      %parallel_loop3A_272 = arith.index_cast %parallel_loop3A_143 : i32 to index
      %parallel_loop3A_273 = arith.index_cast %parallel_loop3A_270 : i32 to index
      %parallel_loop3A_274 = arith.index_cast %parallel_loop3A_161 : i32 to index
      %parallel_loop3A_275 = tpu.vector_load %arg27[%parallel_loop3A_271, %parallel_loop3A_272, %parallel_loop3A_273, %parallel_loop3A_274] {strides = array<i32>} : memref<14x4x8x128xf32, #tpu.memory_space<vmem>>, vector<16xf32>,
      tpu.vector_store %arg27[%parallel_loop3A_271, %parallel_loop3A_272, %parallel_loop3A_273, %parallel_loop3A_274], %parallel_loop3A_268 {strides = array<i32>} : memref<14x4x8x128xf32, #tpu.memory_space<vmem>>, vector<16xf32>,
      %parallel_loop3A_276 = arith.constant 0 : i32
      %parallel_loop3A_277 = arith.constant 1 : i32
      %parallel_loop3A_278 = arith.index_cast %parallel_loop3A_276 : i32 to index
      %parallel_loop3A_279 = arith.index_cast %parallel_loop3A_143 : i32 to index
      %parallel_loop3A_280 = arith.index_cast %parallel_loop3A_277 : i32 to index
      %parallel_loop3A_281 = arith.index_cast %parallel_loop3A_161 : i32 to index
      %parallel_loop3A_282 = tpu.vector_load %arg23[%parallel_loop3A_278, %parallel_loop3A_279, %parallel_loop3A_280, %parallel_loop3A_281] {strides = array<i32>} : memref<2x4x8x128xf32, #tpu.memory_space<vmem>>, vector<16xf32>,
      %parallel_loop3A_283 = arith.constant 1 : i32
      %parallel_loop3A_284 = arith.constant 0 : i32
      %parallel_loop3A_285 = arith.index_cast %parallel_loop3A_283 : i32 to index
      %parallel_loop3A_286 = arith.index_cast %parallel_loop3A_143 : i32 to index
      %parallel_loop3A_287 = arith.index_cast %parallel_loop3A_284 : i32 to index
      %parallel_loop3A_288 = arith.index_cast %parallel_loop3A_161 : i32 to index
      %parallel_loop3A_289 = tpu.vector_load %arg27[%parallel_loop3A_285, %parallel_loop3A_286, %parallel_loop3A_287, %parallel_loop3A_288] {strides = array<i32>} : memref<14x4x8x128xf32, #tpu.memory_space<vmem>>, vector<16xf32>,
      tpu.vector_store %arg27[%parallel_loop3A_285, %parallel_loop3A_286, %parallel_loop3A_287, %parallel_loop3A_288], %parallel_loop3A_282 {strides = array<i32>} : memref<14x4x8x128xf32, #tpu.memory_space<vmem>>, vector<16xf32>,
      %parallel_loop3A_290 = arith.constant 0 : i32
      %parallel_loop3A_291 = arith.constant 2 : i32
      %parallel_loop3A_292 = arith.index_cast %parallel_loop3A_290 : i32 to index
      %parallel_loop3A_293 = arith.index_cast %parallel_loop3A_143 : i32 to index
      %parallel_loop3A_294 = arith.index_cast %parallel_loop3A_291 : i32 to index
      %parallel_loop3A_295 = arith.index_cast %parallel_loop3A_161 : i32 to index
      %parallel_loop3A_296 = tpu.vector_load %arg23[%parallel_loop3A_292, %parallel_loop3A_293, %parallel_loop3A_294, %parallel_loop3A_295] {strides = array<i32>} : memref<2x4x8x128xf32, #tpu.memory_space<vmem>>, vector<16xf32>,
      %parallel_loop3A_297 = arith.constant 1 : i32
      %parallel_loop3A_298 = arith.constant 1 : i32
      %parallel_loop3A_299 = arith.index_cast %parallel_loop3A_297 : i32 to index
      %parallel_loop3A_300 = arith.index_cast %parallel_loop3A_143 : i32 to index
      %parallel_loop3A_301 = arith.index_cast %parallel_loop3A_298 : i32 to index
      %parallel_loop3A_302 = arith.index_cast %parallel_loop3A_161 : i32 to index
      %parallel_loop3A_303 = tpu.vector_load %arg27[%parallel_loop3A_299, %parallel_loop3A_300, %parallel_loop3A_301, %parallel_loop3A_302] {strides = array<i32>} : memref<14x4x8x128xf32, #tpu.memory_space<vmem>>, vector<16xf32>,
      tpu.vector_store %arg27[%parallel_loop3A_299, %parallel_loop3A_300, %parallel_loop3A_301, %parallel_loop3A_302], %parallel_loop3A_296 {strides = array<i32>} : memref<14x4x8x128xf32, #tpu.memory_space<vmem>>, vector<16xf32>,
      %parallel_loop3A_304 = arith.constant 0 : i32
      %parallel_loop3A_305 = arith.constant 3 : i32
      %parallel_loop3A_306 = arith.index_cast %parallel_loop3A_304 : i32 to index
      %parallel_loop3A_307 = arith.index_cast %parallel_loop3A_143 : i32 to index
      %parallel_loop3A_308 = arith.index_cast %parallel_loop3A_305 : i32 to index
      %parallel_loop3A_309 = arith.index_cast %parallel_loop3A_161 : i32 to index
      %parallel_loop3A_310 = tpu.vector_load %arg23[%parallel_loop3A_306, %parallel_loop3A_307, %parallel_loop3A_308, %parallel_loop3A_309] {strides = array<i32>} : memref<2x4x8x128xf32, #tpu.memory_space<vmem>>, vector<16xf32>,
      %parallel_loop3A_311 = arith.constant 1 : i32
      %parallel_loop3A_312 = arith.constant 2 : i32
      %parallel_loop3A_313 = arith.index_cast %parallel_loop3A_311 : i32 to index
      %parallel_loop3A_314 = arith.index_cast %parallel_loop3A_143 : i32 to index
      %parallel_loop3A_315 = arith.index_cast %parallel_loop3A_312 : i32 to index
      %parallel_loop3A_316 = arith.index_cast %parallel_loop3A_161 : i32 to index
      %parallel_loop3A_317 = tpu.vector_load %arg27[%parallel_loop3A_313, %parallel_loop3A_314, %parallel_loop3A_315, %parallel_loop3A_316] {strides = array<i32>} : memref<14x4x8x128xf32, #tpu.memory_space<vmem>>, vector<16xf32>,
      tpu.vector_store %arg27[%parallel_loop3A_313, %parallel_loop3A_314, %parallel_loop3A_315, %parallel_loop3A_316], %parallel_loop3A_310 {strides = array<i32>} : memref<14x4x8x128xf32, #tpu.memory_space<vmem>>, vector<16xf32>,
      %parallel_loop3A_318 = arith.constant 0 : i32
      %parallel_loop3A_319 = arith.constant 4 : i32
      %parallel_loop3A_320 = arith.index_cast %parallel_loop3A_318 : i32 to index
      %parallel_loop3A_321 = arith.index_cast %parallel_loop3A_143 : i32 to index
      %parallel_loop3A_322 = arith.index_cast %parallel_loop3A_319 : i32 to index
      %parallel_loop3A_323 = arith.index_cast %parallel_loop3A_161 : i32 to index
      %parallel_loop3A_324 = tpu.vector_load %arg23[%parallel_loop3A_320, %parallel_loop3A_321, %parallel_loop3A_322, %parallel_loop3A_323] {strides = array<i32>} : memref<2x4x8x128xf32, #tpu.memory_space<vmem>>, vector<16xf32>,
      %parallel_loop3A_325 = arith.constant 1 : i32
      %parallel_loop3A_326 = arith.constant 3 : i32
      %parallel_loop3A_327 = arith.index_cast %parallel_loop3A_325 : i32 to index
      %parallel_loop3A_328 = arith.index_cast %parallel_loop3A_143 : i32 to index
      %parallel_loop3A_329 = arith.index_cast %parallel_loop3A_326 : i32 to index
      %parallel_loop3A_330 = arith.index_cast %parallel_loop3A_161 : i32 to index
      %parallel_loop3A_331 = tpu.vector_load %arg27[%parallel_loop3A_327, %parallel_loop3A_328, %parallel_loop3A_329, %parallel_loop3A_330] {strides = array<i32>} : memref<14x4x8x128xf32, #tpu.memory_space<vmem>>, vector<16xf32>,
      tpu.vector_store %arg27[%parallel_loop3A_327, %parallel_loop3A_328, %parallel_loop3A_329, %parallel_loop3A_330], %parallel_loop3A_324 {strides = array<i32>} : memref<14x4x8x128xf32, #tpu.memory_space<vmem>>, vector<16xf32>,
      %parallel_loop3A_332 = arith.constant 0 : i32
      %parallel_loop3A_333 = arith.constant 5 : i32
      %parallel_loop3A_334 = arith.index_cast %parallel_loop3A_332 : i32 to index
      %parallel_loop3A_335 = arith.index_cast %parallel_loop3A_143 : i32 to index
      %parallel_loop3A_336 = arith.index_cast %parallel_loop3A_333 : i32 to index
      %parallel_loop3A_337 = arith.index_cast %parallel_loop3A_161 : i32 to index
      %parallel_loop3A_338 = tpu.vector_load %arg23[%parallel_loop3A_334, %parallel_loop3A_335, %parallel_loop3A_336, %parallel_loop3A_337] {strides = array<i32>} : memref<2x4x8x128xf32, #tpu.memory_space<vmem>>, vector<16xf32>,
      %parallel_loop3A_339 = arith.constant 1 : i32
      %parallel_loop3A_340 = arith.constant 4 : i32
      %parallel_loop3A_341 = arith.index_cast %parallel_loop3A_339 : i32 to index
      %parallel_loop3A_342 = arith.index_cast %parallel_loop3A_143 : i32 to index
      %parallel_loop3A_343 = arith.index_cast %parallel_loop3A_340 : i32 to index
      %parallel_loop3A_344 = arith.index_cast %parallel_loop3A_161 : i32 to index
      %parallel_loop3A_345 = tpu.vector_load %arg27[%parallel_loop3A_341, %parallel_loop3A_342, %parallel_loop3A_343, %parallel_loop3A_344] {strides = array<i32>} : memref<14x4x8x128xf32, #tpu.memory_space<vmem>>, vector<16xf32>,
      tpu.vector_store %arg27[%parallel_loop3A_341, %parallel_loop3A_342, %parallel_loop3A_343, %parallel_loop3A_344], %parallel_loop3A_338 {strides = array<i32>} : memref<14x4x8x128xf32, #tpu.memory_space<vmem>>, vector<16xf32>,
      %parallel_loop3A_346 = arith.constant 0 : i32
      %parallel_loop3A_347 = arith.constant 6 : i32
      %parallel_loop3A_348 = arith.index_cast %parallel_loop3A_346 : i32 to index
      %parallel_loop3A_349 = arith.index_cast %parallel_loop3A_143 : i32 to index
      %parallel_loop3A_350 = arith.index_cast %parallel_loop3A_347 : i32 to index
      %parallel_loop3A_351 = arith.index_cast %parallel_loop3A_161 : i32 to index
      %parallel_loop3A_352 = tpu.vector_load %arg23[%parallel_loop3A_348, %parallel_loop3A_349, %parallel_loop3A_350, %parallel_loop3A_351] {strides = array<i32>} : memref<2x4x8x128xf32, #tpu.memory_space<vmem>>, vector<16xf32>,
      %parallel_loop3A_353 = arith.constant 1 : i32
      %parallel_loop3A_354 = arith.constant 5 : i32
      %parallel_loop3A_355 = arith.index_cast %parallel_loop3A_353 : i32 to index
      %parallel_loop3A_356 = arith.index_cast %parallel_loop3A_143 : i32 to index
      %parallel_loop3A_357 = arith.index_cast %parallel_loop3A_354 : i32 to index
      %parallel_loop3A_358 = arith.index_cast %parallel_loop3A_161 : i32 to index
      %parallel_loop3A_359 = tpu.vector_load %arg27[%parallel_loop3A_355, %parallel_loop3A_356, %parallel_loop3A_357, %parallel_loop3A_358] {strides = array<i32>} : memref<14x4x8x128xf32, #tpu.memory_space<vmem>>, vector<16xf32>,
      tpu.vector_store %arg27[%parallel_loop3A_355, %parallel_loop3A_356, %parallel_loop3A_357, %parallel_loop3A_358], %parallel_loop3A_352 {strides = array<i32>} : memref<14x4x8x128xf32, #tpu.memory_space<vmem>>, vector<16xf32>,
      %parallel_loop3A_360 = arith.constant 0 : i32
      %parallel_loop3A_361 = arith.constant 7 : i32
      %parallel_loop3A_362 = arith.index_cast %parallel_loop3A_360 : i32 to index
      %parallel_loop3A_363 = arith.index_cast %parallel_loop3A_143 : i32 to index
      %parallel_loop3A_364 = arith.index_cast %parallel_loop3A_361 : i32 to index
      %parallel_loop3A_365 = arith.index_cast %parallel_loop3A_161 : i32 to index
      %parallel_loop3A_366 = tpu.vector_load %arg23[%parallel_loop3A_362, %parallel_loop3A_363, %parallel_loop3A_364, %parallel_loop3A_365] {strides = array<i32>} : memref<2x4x8x128xf32, #tpu.memory_space<vmem>>, vector<16xf32>,
      %parallel_loop3A_367 = arith.constant 1 : i32
      %parallel_loop3A_368 = arith.constant 6 : i32
      %parallel_loop3A_369 = arith.index_cast %parallel_loop3A_367 : i32 to index
      %parallel_loop3A_370 = arith.index_cast %parallel_loop3A_143 : i32 to index
      %parallel_loop3A_371 = arith.index_cast %parallel_loop3A_368 : i32 to index
      %parallel_loop3A_372 = arith.index_cast %parallel_loop3A_161 : i32 to index
      %parallel_loop3A_373 = tpu.vector_load %arg27[%parallel_loop3A_369, %parallel_loop3A_370, %parallel_loop3A_371, %parallel_loop3A_372] {strides = array<i32>} : memref<14x4x8x128xf32, #tpu.memory_space<vmem>>, vector<16xf32>,
      tpu.vector_store %arg27[%parallel_loop3A_369, %parallel_loop3A_370, %parallel_loop3A_371, %parallel_loop3A_372], %parallel_loop3A_366 {strides = array<i32>} : memref<14x4x8x128xf32, #tpu.memory_space<vmem>>, vector<16xf32>,
      %parallel_loop3A_374 = arith.constant 1 : i32
      %parallel_loop3A_375 = arith.constant 0 : i32
      %parallel_loop3A_376 = arith.index_cast %parallel_loop3A_374 : i32 to index
      %parallel_loop3A_377 = arith.index_cast %parallel_loop3A_143 : i32 to index
      %parallel_loop3A_378 = arith.index_cast %parallel_loop3A_375 : i32 to index
      %parallel_loop3A_379 = arith.index_cast %parallel_loop3A_161 : i32 to index
      %parallel_loop3A_380 = tpu.vector_load %arg23[%parallel_loop3A_376, %parallel_loop3A_377, %parallel_loop3A_378, %parallel_loop3A_379] {strides = array<i32>} : memref<2x4x8x128xf32, #tpu.memory_space<vmem>>, vector<16xf32>,
      %parallel_loop3A_381 = arith.constant 1 : i32
      %parallel_loop3A_382 = arith.constant 7 : i32
      %parallel_loop3A_383 = arith.index_cast %parallel_loop3A_381 : i32 to index
      %parallel_loop3A_384 = arith.index_cast %parallel_loop3A_143 : i32 to index
      %parallel_loop3A_385 = arith.index_cast %parallel_loop3A_382 : i32 to index
      %parallel_loop3A_386 = arith.index_cast %parallel_loop3A_161 : i32 to index
      %parallel_loop3A_387 = tpu.vector_load %arg27[%parallel_loop3A_383, %parallel_loop3A_384, %parallel_loop3A_385, %parallel_loop3A_386] {strides = array<i32>} : memref<14x4x8x128xf32, #tpu.memory_space<vmem>>, vector<16xf32>,
      tpu.vector_store %arg27[%parallel_loop3A_383, %parallel_loop3A_384, %parallel_loop3A_385, %parallel_loop3A_386], %parallel_loop3A_380 {strides = array<i32>} : memref<14x4x8x128xf32, #tpu.memory_space<vmem>>, vector<16xf32>,
      %parallel_loop3A_388 = arith.constant 1 : i32
      %parallel_loop3A_389 = arith.constant 1 : i32
      %parallel_loop3A_390 = arith.index_cast %parallel_loop3A_388 : i32 to index
      %parallel_loop3A_391 = arith.index_cast %parallel_loop3A_143 : i32 to index
      %parallel_loop3A_392 = arith.index_cast %parallel_loop3A_389 : i32 to index
      %parallel_loop3A_393 = arith.index_cast %parallel_loop3A_161 : i32 to index
      %parallel_loop3A_394 = tpu.vector_load %arg23[%parallel_loop3A_390, %parallel_loop3A_391, %parallel_loop3A_392, %parallel_loop3A_393] {strides = array<i32>} : memref<2x4x8x128xf32, #tpu.memory_space<vmem>>, vector<16xf32>,
      %parallel_loop3A_395 = arith.constant 2 : i32
      %parallel_loop3A_396 = arith.constant 0 : i32
      %parallel_loop3A_397 = arith.index_cast %parallel_loop3A_395 : i32 to index
      %parallel_loop3A_398 = arith.index_cast %parallel_loop3A_143 : i32 to index
      %parallel_loop3A_399 = arith.index_cast %parallel_loop3A_396 : i32 to index
      %parallel_loop3A_400 = arith.index_cast %parallel_loop3A_161 : i32 to index
      %parallel_loop3A_401 = tpu.vector_load %arg27[%parallel_loop3A_397, %parallel_loop3A_398, %parallel_loop3A_399, %parallel_loop3A_400] {strides = array<i32>} : memref<14x4x8x128xf32, #tpu.memory_space<vmem>>, vector<16xf32>,
      tpu.vector_store %arg27[%parallel_loop3A_397, %parallel_loop3A_398, %parallel_loop3A_399, %parallel_loop3A_400], %parallel_loop3A_394 {strides = array<i32>} : memref<14x4x8x128xf32, #tpu.memory_space<vmem>>, vector<16xf32>,
      %parallel_loop3A_402 = arith.constant 1 : i32
      %parallel_loop3A_403 = arith.constant 2 : i32
      %parallel_loop3A_404 = arith.index_cast %parallel_loop3A_402 : i32 to index
      %parallel_loop3A_405 = arith.index_cast %parallel_loop3A_143 : i32 to index
      %parallel_loop3A_406 = arith.index_cast %parallel_loop3A_403 : i32 to index
      %parallel_loop3A_407 = arith.index_cast %parallel_loop3A_161 : i32 to index
      %parallel_loop3A_408 = tpu.vector_load %arg23[%parallel_loop3A_404, %parallel_loop3A_405, %parallel_loop3A_406, %parallel_loop3A_407] {strides = array<i32>} : memref<2x4x8x128xf32, #tpu.memory_space<vmem>>, vector<16xf32>,
      %parallel_loop3A_409 = arith.constant 2 : i32
      %parallel_loop3A_410 = arith.constant 1 : i32
      %parallel_loop3A_411 = arith.index_cast %parallel_loop3A_409 : i32 to index
      %parallel_loop3A_412 = arith.index_cast %parallel_loop3A_143 : i32 to index
      %parallel_loop3A_413 = arith.index_cast %parallel_loop3A_410 : i32 to index
      %parallel_loop3A_414 = arith.index_cast %parallel_loop3A_161 : i32 to index
      %parallel_loop3A_415 = tpu.vector_load %arg27[%parallel_loop3A_411, %parallel_loop3A_412, %parallel_loop3A_413, %parallel_loop3A_414] {strides = array<i32>} : memref<14x4x8x128xf32, #tpu.memory_space<vmem>>, vector<16xf32>,
      tpu.vector_store %arg27[%parallel_loop3A_411, %parallel_loop3A_412, %parallel_loop3A_413, %parallel_loop3A_414], %parallel_loop3A_408 {strides = array<i32>} : memref<14x4x8x128xf32, #tpu.memory_space<vmem>>, vector<16xf32>,
      %parallel_loop3A_416 = arith.constant 1 : i32
      %parallel_loop3A_417 = arith.constant 3 : i32
      %parallel_loop3A_418 = arith.index_cast %parallel_loop3A_416 : i32 to index
      %parallel_loop3A_419 = arith.index_cast %parallel_loop3A_143 : i32 to index
      %parallel_loop3A_420 = arith.index_cast %parallel_loop3A_417 : i32 to index
      %parallel_loop3A_421 = arith.index_cast %parallel_loop3A_161 : i32 to index
      %parallel_loop3A_422 = tpu.vector_load %arg23[%parallel_loop3A_418, %parallel_loop3A_419, %parallel_loop3A_420, %parallel_loop3A_421] {strides = array<i32>} : memref<2x4x8x128xf32, #tpu.memory_space<vmem>>, vector<16xf32>,
      %parallel_loop3A_423 = arith.constant 2 : i32
      %parallel_loop3A_424 = arith.constant 2 : i32
      %parallel_loop3A_425 = arith.index_cast %parallel_loop3A_423 : i32 to index
      %parallel_loop3A_426 = arith.index_cast %parallel_loop3A_143 : i32 to index
      %parallel_loop3A_427 = arith.index_cast %parallel_loop3A_424 : i32 to index
      %parallel_loop3A_428 = arith.index_cast %parallel_loop3A_161 : i32 to index
      %parallel_loop3A_429 = tpu.vector_load %arg27[%parallel_loop3A_425, %parallel_loop3A_426, %parallel_loop3A_427, %parallel_loop3A_428] {strides = array<i32>} : memref<14x4x8x128xf32, #tpu.memory_space<vmem>>, vector<16xf32>,
      tpu.vector_store %arg27[%parallel_loop3A_425, %parallel_loop3A_426, %parallel_loop3A_427, %parallel_loop3A_428], %parallel_loop3A_422 {strides = array<i32>} : memref<14x4x8x128xf32, #tpu.memory_space<vmem>>, vector<16xf32>,
      %parallel_loop3A_430 = arith.constant 1 : i32
      %parallel_loop3A_431 = arith.constant 4 : i32
      %parallel_loop3A_432 = arith.index_cast %parallel_loop3A_430 : i32 to index
      %parallel_loop3A_433 = arith.index_cast %parallel_loop3A_143 : i32 to index
      %parallel_loop3A_434 = arith.index_cast %parallel_loop3A_431 : i32 to index
      %parallel_loop3A_435 = arith.index_cast %parallel_loop3A_161 : i32 to index
      %parallel_loop3A_436 = tpu.vector_load %arg23[%parallel_loop3A_432, %parallel_loop3A_433, %parallel_loop3A_434, %parallel_loop3A_435] {strides = array<i32>} : memref<2x4x8x128xf32, #tpu.memory_space<vmem>>, vector<16xf32>,
      %parallel_loop3A_437 = arith.constant 2 : i32
      %parallel_loop3A_438 = arith.constant 3 : i32
      %parallel_loop3A_439 = arith.index_cast %parallel_loop3A_437 : i32 to index
      %parallel_loop3A_440 = arith.index_cast %parallel_loop3A_143 : i32 to index
      %parallel_loop3A_441 = arith.index_cast %parallel_loop3A_438 : i32 to index
      %parallel_loop3A_442 = arith.index_cast %parallel_loop3A_161 : i32 to index
      %parallel_loop3A_443 = tpu.vector_load %arg27[%parallel_loop3A_439, %parallel_loop3A_440, %parallel_loop3A_441, %parallel_loop3A_442] {strides = array<i32>} : memref<14x4x8x128xf32, #tpu.memory_space<vmem>>, vector<16xf32>,
      tpu.vector_store %arg27[%parallel_loop3A_439, %parallel_loop3A_440, %parallel_loop3A_441, %parallel_loop3A_442], %parallel_loop3A_436 {strides = array<i32>} : memref<14x4x8x128xf32, #tpu.memory_space<vmem>>, vector<16xf32>,
      %parallel_loop3A_444 = arith.constant 0 : i32
      %parallel_loop3A_445 = vector.broadcast %parallel_loop3A_444 : i32 to vector<16xi32>
      %parallel_loop3A_446 = arith.constant 0 : i32
      %parallel_loop3A_447 = vector.broadcast %parallel_loop3A_446 : i32 to vector<16xi32>
      %parallel_loop3A_448 = tpu.vector_load_idx %arg25[%parallel_loop3A_445, %parallel_loop3A_174, %parallel_loop3A_447, %parallel_loop3A_177] : memref<4x4x8x128xf32, #tpu.memory_space<vmem>>[vector<16xi32>, vector<16xi32>, vector<16xi32>, vector<16xi32>], vector<16xf32>,
      %parallel_loop3A_449 = arith.constant 2 : i32
      %parallel_loop3A_450 = arith.constant 4 : i32
      %parallel_loop3A_451 = arith.index_cast %parallel_loop3A_449 : i32 to index
      %parallel_loop3A_452 = arith.index_cast %parallel_loop3A_143 : i32 to index
      %parallel_loop3A_453 = arith.index_cast %parallel_loop3A_450 : i32 to index
      %parallel_loop3A_454 = arith.index_cast %parallel_loop3A_161 : i32 to index
      %parallel_loop3A_455 = tpu.vector_load %arg27[%parallel_loop3A_451, %parallel_loop3A_452, %parallel_loop3A_453, %parallel_loop3A_454] {strides = array<i32>} : memref<14x4x8x128xf32, #tpu.memory_space<vmem>>, vector<16xf32>,
      tpu.vector_store %arg27[%parallel_loop3A_451, %parallel_loop3A_452, %parallel_loop3A_453, %parallel_loop3A_454], %parallel_loop3A_448 {strides = array<i32>} : memref<14x4x8x128xf32, #tpu.memory_space<vmem>>, vector<16xf32>,
      %parallel_loop3A_456 = arith.constant 0 : i32
      %parallel_loop3A_457 = vector.broadcast %parallel_loop3A_456 : i32 to vector<16xi32>
      %parallel_loop3A_458 = arith.constant 1 : i32
      %parallel_loop3A_459 = vector.broadcast %parallel_loop3A_458 : i32 to vector<16xi32>
      %parallel_loop3A_460 = tpu.vector_load_idx %arg25[%parallel_loop3A_457, %parallel_loop3A_174, %parallel_loop3A_459, %parallel_loop3A_177] : memref<4x4x8x128xf32, #tpu.memory_space<vmem>>[vector<16xi32>, vector<16xi32>, vector<16xi32>, vector<16xi32>], vector<16xf32>,
      %parallel_loop3A_461 = arith.constant 2 : i32
      %parallel_loop3A_462 = arith.constant 5 : i32
      %parallel_loop3A_463 = arith.index_cast %parallel_loop3A_461 : i32 to index
      %parallel_loop3A_464 = arith.index_cast %parallel_loop3A_143 : i32 to index
      %parallel_loop3A_465 = arith.index_cast %parallel_loop3A_462 : i32 to index
      %parallel_loop3A_466 = arith.index_cast %parallel_loop3A_161 : i32 to index
      %parallel_loop3A_467 = tpu.vector_load %arg27[%parallel_loop3A_463, %parallel_loop3A_464, %parallel_loop3A_465, %parallel_loop3A_466] {strides = array<i32>} : memref<14x4x8x128xf32, #tpu.memory_space<vmem>>, vector<16xf32>,
      tpu.vector_store %arg27[%parallel_loop3A_463, %parallel_loop3A_464, %parallel_loop3A_465, %parallel_loop3A_466], %parallel_loop3A_460 {strides = array<i32>} : memref<14x4x8x128xf32, #tpu.memory_space<vmem>>, vector<16xf32>,
      %parallel_loop3A_468 = arith.constant 0 : i32
      %parallel_loop3A_469 = vector.broadcast %parallel_loop3A_468 : i32 to vector<16xi32>
      %parallel_loop3A_470 = arith.constant 2 : i32
      %parallel_loop3A_471 = vector.broadcast %parallel_loop3A_470 : i32 to vector<16xi32>
      %parallel_loop3A_472 = tpu.vector_load_idx %arg25[%parallel_loop3A_469, %parallel_loop3A_174, %parallel_loop3A_471, %parallel_loop3A_177] : memref<4x4x8x128xf32, #tpu.memory_space<vmem>>[vector<16xi32>, vector<16xi32>, vector<16xi32>, vector<16xi32>], vector<16xf32>,
      %parallel_loop3A_473 = arith.constant 2 : i32
      %parallel_loop3A_474 = arith.constant 6 : i32
      %parallel_loop3A_475 = arith.index_cast %parallel_loop3A_473 : i32 to index
      %parallel_loop3A_476 = arith.index_cast %parallel_loop3A_143 : i32 to index
      %parallel_loop3A_477 = arith.index_cast %parallel_loop3A_474 : i32 to index
      %parallel_loop3A_478 = arith.index_cast %parallel_loop3A_161 : i32 to index
      %parallel_loop3A_479 = tpu.vector_load %arg27[%parallel_loop3A_475, %parallel_loop3A_476, %parallel_loop3A_477, %parallel_loop3A_478] {strides = array<i32>} : memref<14x4x8x128xf32, #tpu.memory_space<vmem>>, vector<16xf32>,
      tpu.vector_store %arg27[%parallel_loop3A_475, %parallel_loop3A_476, %parallel_loop3A_477, %parallel_loop3A_478], %parallel_loop3A_472 {strides = array<i32>} : memref<14x4x8x128xf32, #tpu.memory_space<vmem>>, vector<16xf32>,
      %parallel_loop3A_480 = arith.constant 0 : i32
      %parallel_loop3A_481 = vector.broadcast %parallel_loop3A_480 : i32 to vector<16xi32>
      %parallel_loop3A_482 = arith.constant 3 : i32
      %parallel_loop3A_483 = vector.broadcast %parallel_loop3A_482 : i32 to vector<16xi32>
      %parallel_loop3A_484 = tpu.vector_load_idx %arg25[%parallel_loop3A_481, %parallel_loop3A_174, %parallel_loop3A_483, %parallel_loop3A_177] : memref<4x4x8x128xf32, #tpu.memory_space<vmem>>[vector<16xi32>, vector<16xi32>, vector<16xi32>, vector<16xi32>], vector<16xf32>,
      %parallel_loop3A_485 = arith.constant 2 : i32
      %parallel_loop3A_486 = arith.constant 7 : i32
      %parallel_loop3A_487 = arith.index_cast %parallel_loop3A_485 : i32 to index
      %parallel_loop3A_488 = arith.index_cast %parallel_loop3A_143 : i32 to index
      %parallel_loop3A_489 = arith.index_cast %parallel_loop3A_486 : i32 to index
      %parallel_loop3A_490 = arith.index_cast %parallel_loop3A_161 : i32 to index
      %parallel_loop3A_491 = tpu.vector_load %arg27[%parallel_loop3A_487, %parallel_loop3A_488, %parallel_loop3A_489, %parallel_loop3A_490] {strides = array<i32>} : memref<14x4x8x128xf32, #tpu.memory_space<vmem>>, vector<16xf32>,
      tpu.vector_store %arg27[%parallel_loop3A_487, %parallel_loop3A_488, %parallel_loop3A_489, %parallel_loop3A_490], %parallel_loop3A_484 {strides = array<i32>} : memref<14x4x8x128xf32, #tpu.memory_space<vmem>>, vector<16xf32>,
      %parallel_loop3A_492 = arith.constant 0 : i32
      %parallel_loop3A_493 = vector.broadcast %parallel_loop3A_492 : i32 to vector<16xi32>
      %parallel_loop3A_494 = arith.constant 4 : i32
      %parallel_loop3A_495 = vector.broadcast %parallel_loop3A_494 : i32 to vector<16xi32>
      %parallel_loop3A_496 = tpu.vector_load_idx %arg25[%parallel_loop3A_493, %parallel_loop3A_174, %parallel_loop3A_495, %parallel_loop3A_177] : memref<4x4x8x128xf32, #tpu.memory_space<vmem>>[vector<16xi32>, vector<16xi32>, vector<16xi32>, vector<16xi32>], vector<16xf32>,
      %parallel_loop3A_497 = arith.constant 3 : i32
      %parallel_loop3A_498 = arith.constant 0 : i32
      %parallel_loop3A_499 = arith.index_cast %parallel_loop3A_497 : i32 to index
      %parallel_loop3A_500 = arith.index_cast %parallel_loop3A_143 : i32 to index
      %parallel_loop3A_501 = arith.index_cast %parallel_loop3A_498 : i32 to index
      %parallel_loop3A_502 = arith.index_cast %parallel_loop3A_161 : i32 to index
      %parallel_loop3A_503 = tpu.vector_load %arg27[%parallel_loop3A_499, %parallel_loop3A_500, %parallel_loop3A_501, %parallel_loop3A_502] {strides = array<i32>} : memref<14x4x8x128xf32, #tpu.memory_space<vmem>>, vector<16xf32>,
      tpu.vector_store %arg27[%parallel_loop3A_499, %parallel_loop3A_500, %parallel_loop3A_501, %parallel_loop3A_502], %parallel_loop3A_496 {strides = array<i32>} : memref<14x4x8x128xf32, #tpu.memory_space<vmem>>, vector<16xf32>,
      %parallel_loop3A_504 = arith.constant 0 : i32
      %parallel_loop3A_505 = vector.broadcast %parallel_loop3A_504 : i32 to vector<16xi32>
      %parallel_loop3A_506 = arith.constant 5 : i32
      %parallel_loop3A_507 = vector.broadcast %parallel_loop3A_506 : i32 to vector<16xi32>
      %parallel_loop3A_508 = tpu.vector_load_idx %arg25[%parallel_loop3A_505, %parallel_loop3A_174, %parallel_loop3A_507, %parallel_loop3A_177] : memref<4x4x8x128xf32, #tpu.memory_space<vmem>>[vector<16xi32>, vector<16xi32>, vector<16xi32>, vector<16xi32>], vector<16xf32>,
      %parallel_loop3A_509 = arith.constant 3 : i32
      %parallel_loop3A_510 = arith.constant 1 : i32
      %parallel_loop3A_511 = arith.index_cast %parallel_loop3A_509 : i32 to index
      %parallel_loop3A_512 = arith.index_cast %parallel_loop3A_143 : i32 to index
      %parallel_loop3A_513 = arith.index_cast %parallel_loop3A_510 : i32 to index
      %parallel_loop3A_514 = arith.index_cast %parallel_loop3A_161 : i32 to index
      %parallel_loop3A_515 = tpu.vector_load %arg27[%parallel_loop3A_511, %parallel_loop3A_512, %parallel_loop3A_513, %parallel_loop3A_514] {strides = array<i32>} : memref<14x4x8x128xf32, #tpu.memory_space<vmem>>, vector<16xf32>,
      tpu.vector_store %arg27[%parallel_loop3A_511, %parallel_loop3A_512, %parallel_loop3A_513, %parallel_loop3A_514], %parallel_loop3A_508 {strides = array<i32>} : memref<14x4x8x128xf32, #tpu.memory_space<vmem>>, vector<16xf32>,
      %parallel_loop3A_516 = arith.constant 0 : i32
      %parallel_loop3A_517 = vector.broadcast %parallel_loop3A_516 : i32 to vector<16xi32>
      %parallel_loop3A_518 = arith.constant 6 : i32
      %parallel_loop3A_519 = vector.broadcast %parallel_loop3A_518 : i32 to vector<16xi32>
      %parallel_loop3A_520 = tpu.vector_load_idx %arg25[%parallel_loop3A_517, %parallel_loop3A_174, %parallel_loop3A_519, %parallel_loop3A_177] : memref<4x4x8x128xf32, #tpu.memory_space<vmem>>[vector<16xi32>, vector<16xi32>, vector<16xi32>, vector<16xi32>], vector<16xf32>,
      %parallel_loop3A_521 = arith.constant 3 : i32
      %parallel_loop3A_522 = arith.constant 2 : i32
      %parallel_loop3A_523 = arith.index_cast %parallel_loop3A_521 : i32 to index
      %parallel_loop3A_524 = arith.index_cast %parallel_loop3A_143 : i32 to index
      %parallel_loop3A_525 = arith.index_cast %parallel_loop3A_522 : i32 to index
      %parallel_loop3A_526 = arith.index_cast %parallel_loop3A_161 : i32 to index
      %parallel_loop3A_527 = tpu.vector_load %arg27[%parallel_loop3A_523, %parallel_loop3A_524, %parallel_loop3A_525, %parallel_loop3A_526] {strides = array<i32>} : memref<14x4x8x128xf32, #tpu.memory_space<vmem>>, vector<16xf32>,
      tpu.vector_store %arg27[%parallel_loop3A_523, %parallel_loop3A_524, %parallel_loop3A_525, %parallel_loop3A_526], %parallel_loop3A_520 {strides = array<i32>} : memref<14x4x8x128xf32, #tpu.memory_space<vmem>>, vector<16xf32>,
      %parallel_loop3A_528 = arith.constant 0 : i32
      %parallel_loop3A_529 = vector.broadcast %parallel_loop3A_528 : i32 to vector<16xi32>
      %parallel_loop3A_530 = arith.constant 7 : i32
      %parallel_loop3A_531 = vector.broadcast %parallel_loop3A_530 : i32 to vector<16xi32>
      %parallel_loop3A_532 = tpu.vector_load_idx %arg25[%parallel_loop3A_529, %parallel_loop3A_174, %parallel_loop3A_531, %parallel_loop3A_177] : memref<4x4x8x128xf32, #tpu.memory_space<vmem>>[vector<16xi32>, vector<16xi32>, vector<16xi32>, vector<16xi32>], vector<16xf32>,
      %parallel_loop3A_533 = arith.constant 3 : i32
      %parallel_loop3A_534 = arith.constant 3 : i32
      %parallel_loop3A_535 = arith.index_cast %parallel_loop3A_533 : i32 to index
      %parallel_loop3A_536 = arith.index_cast %parallel_loop3A_143 : i32 to index
      %parallel_loop3A_537 = arith.index_cast %parallel_loop3A_534 : i32 to index
      %parallel_loop3A_538 = arith.index_cast %parallel_loop3A_161 : i32 to index
      %parallel_loop3A_539 = tpu.vector_load %arg27[%parallel_loop3A_535, %parallel_loop3A_536, %parallel_loop3A_537, %parallel_loop3A_538] {strides = array<i32>} : memref<14x4x8x128xf32, #tpu.memory_space<vmem>>, vector<16xf32>,
      tpu.vector_store %arg27[%parallel_loop3A_535, %parallel_loop3A_536, %parallel_loop3A_537, %parallel_loop3A_538], %parallel_loop3A_532 {strides = array<i32>} : memref<14x4x8x128xf32, #tpu.memory_space<vmem>>, vector<16xf32>,
      %parallel_loop3A_540 = arith.constant 1 : i32
      %parallel_loop3A_541 = vector.broadcast %parallel_loop3A_540 : i32 to vector<16xi32>
      %parallel_loop3A_542 = arith.constant 0 : i32
      %parallel_loop3A_543 = vector.broadcast %parallel_loop3A_542 : i32 to vector<16xi32>
      %parallel_loop3A_544 = tpu.vector_load_idx %arg25[%parallel_loop3A_541, %parallel_loop3A_174, %parallel_loop3A_543, %parallel_loop3A_177] : memref<4x4x8x128xf32, #tpu.memory_space<vmem>>[vector<16xi32>, vector<16xi32>, vector<16xi32>, vector<16xi32>], vector<16xf32>,
      %parallel_loop3A_545 = arith.constant 3 : i32
      %parallel_loop3A_546 = arith.constant 4 : i32
      %parallel_loop3A_547 = arith.index_cast %parallel_loop3A_545 : i32 to index
      %parallel_loop3A_548 = arith.index_cast %parallel_loop3A_143 : i32 to index
      %parallel_loop3A_549 = arith.index_cast %parallel_loop3A_546 : i32 to index
      %parallel_loop3A_550 = arith.index_cast %parallel_loop3A_161 : i32 to index
      %parallel_loop3A_551 = tpu.vector_load %arg27[%parallel_loop3A_547, %parallel_loop3A_548, %parallel_loop3A_549, %parallel_loop3A_550] {strides = array<i32>} : memref<14x4x8x128xf32, #tpu.memory_space<vmem>>, vector<16xf32>,
      tpu.vector_store %arg27[%parallel_loop3A_547, %parallel_loop3A_548, %parallel_loop3A_549, %parallel_loop3A_550], %parallel_loop3A_544 {strides = array<i32>} : memref<14x4x8x128xf32, #tpu.memory_space<vmem>>, vector<16xf32>,
      %parallel_loop3A_552 = arith.constant 1 : i32
      %parallel_loop3A_553 = vector.broadcast %parallel_loop3A_552 : i32 to vector<16xi32>
      %parallel_loop3A_554 = arith.constant 1 : i32
      %parallel_loop3A_555 = vector.broadcast %parallel_loop3A_554 : i32 to vector<16xi32>
      %parallel_loop3A_556 = tpu.vector_load_idx %arg25[%parallel_loop3A_553, %parallel_loop3A_174, %parallel_loop3A_555, %parallel_loop3A_177] : memref<4x4x8x128xf32, #tpu.memory_space<vmem>>[vector<16xi32>, vector<16xi32>, vector<16xi32>, vector<16xi32>], vector<16xf32>,
      %parallel_loop3A_557 = arith.constant 3 : i32
      %parallel_loop3A_558 = arith.constant 5 : i32
      %parallel_loop3A_559 = arith.index_cast %parallel_loop3A_557 : i32 to index
      %parallel_loop3A_560 = arith.index_cast %parallel_loop3A_143 : i32 to index
      %parallel_loop3A_561 = arith.index_cast %parallel_loop3A_558 : i32 to index
      %parallel_loop3A_562 = arith.index_cast %parallel_loop3A_161 : i32 to index
      %parallel_loop3A_563 = tpu.vector_load %arg27[%parallel_loop3A_559, %parallel_loop3A_560, %parallel_loop3A_561, %parallel_loop3A_562] {strides = array<i32>} : memref<14x4x8x128xf32, #tpu.memory_space<vmem>>, vector<16xf32>,
      tpu.vector_store %arg27[%parallel_loop3A_559, %parallel_loop3A_560, %parallel_loop3A_561, %parallel_loop3A_562], %parallel_loop3A_556 {strides = array<i32>} : memref<14x4x8x128xf32, #tpu.memory_space<vmem>>, vector<16xf32>,
      %parallel_loop3A_564 = arith.constant 1 : i32
      %parallel_loop3A_565 = vector.broadcast %parallel_loop3A_564 : i32 to vector<16xi32>
      %parallel_loop3A_566 = arith.constant 2 : i32
      %parallel_loop3A_567 = vector.broadcast %parallel_loop3A_566 : i32 to vector<16xi32>
      %parallel_loop3A_568 = tpu.vector_load_idx %arg25[%parallel_loop3A_565, %parallel_loop3A_174, %parallel_loop3A_567, %parallel_loop3A_177] : memref<4x4x8x128xf32, #tpu.memory_space<vmem>>[vector<16xi32>, vector<16xi32>, vector<16xi32>, vector<16xi32>], vector<16xf32>,
      %parallel_loop3A_569 = arith.constant 3 : i32
      %parallel_loop3A_570 = arith.constant 6 : i32
      %parallel_loop3A_571 = arith.index_cast %parallel_loop3A_569 : i32 to index
      %parallel_loop3A_572 = arith.index_cast %parallel_loop3A_143 : i32 to index
      %parallel_loop3A_573 = arith.index_cast %parallel_loop3A_570 : i32 to index
      %parallel_loop3A_574 = arith.index_cast %parallel_loop3A_161 : i32 to index
      %parallel_loop3A_575 = tpu.vector_load %arg27[%parallel_loop3A_571, %parallel_loop3A_572, %parallel_loop3A_573, %parallel_loop3A_574] {strides = array<i32>} : memref<14x4x8x128xf32, #tpu.memory_space<vmem>>, vector<16xf32>,
      tpu.vector_store %arg27[%parallel_loop3A_571, %parallel_loop3A_572, %parallel_loop3A_573, %parallel_loop3A_574], %parallel_loop3A_568 {strides = array<i32>} : memref<14x4x8x128xf32, #tpu.memory_space<vmem>>, vector<16xf32>,
      %parallel_loop3A_576 = arith.constant 1 : i32
      %parallel_loop3A_577 = vector.broadcast %parallel_loop3A_576 : i32 to vector<16xi32>
      %parallel_loop3A_578 = arith.constant 3 : i32
      %parallel_loop3A_579 = vector.broadcast %parallel_loop3A_578 : i32 to vector<16xi32>
      %parallel_loop3A_580 = tpu.vector_load_idx %arg25[%parallel_loop3A_577, %parallel_loop3A_174, %parallel_loop3A_579, %parallel_loop3A_177] : memref<4x4x8x128xf32, #tpu.memory_space<vmem>>[vector<16xi32>, vector<16xi32>, vector<16xi32>, vector<16xi32>], vector<16xf32>,
      %parallel_loop3A_581 = arith.constant 3 : i32
      %parallel_loop3A_582 = arith.constant 7 : i32
      %parallel_loop3A_583 = arith.index_cast %parallel_loop3A_581 : i32 to index
      %parallel_loop3A_584 = arith.index_cast %parallel_loop3A_143 : i32 to index
      %parallel_loop3A_585 = arith.index_cast %parallel_loop3A_582 : i32 to index
      %parallel_loop3A_586 = arith.index_cast %parallel_loop3A_161 : i32 to index
      %parallel_loop3A_587 = tpu.vector_load %arg27[%parallel_loop3A_583, %parallel_loop3A_584, %parallel_loop3A_585, %parallel_loop3A_586] {strides = array<i32>} : memref<14x4x8x128xf32, #tpu.memory_space<vmem>>, vector<16xf32>,
      tpu.vector_store %arg27[%parallel_loop3A_583, %parallel_loop3A_584, %parallel_loop3A_585, %parallel_loop3A_586], %parallel_loop3A_580 {strides = array<i32>} : memref<14x4x8x128xf32, #tpu.memory_space<vmem>>, vector<16xf32>,
      %parallel_loop3A_588 = arith.constant 1 : i32
      %parallel_loop3A_589 = vector.broadcast %parallel_loop3A_588 : i32 to vector<16xi32>
      %parallel_loop3A_590 = arith.constant 4 : i32
      %parallel_loop3A_591 = vector.broadcast %parallel_loop3A_590 : i32 to vector<16xi32>
      %parallel_loop3A_592 = tpu.vector_load_idx %arg25[%parallel_loop3A_589, %parallel_loop3A_174, %parallel_loop3A_591, %parallel_loop3A_177] : memref<4x4x8x128xf32, #tpu.memory_space<vmem>>[vector<16xi32>, vector<16xi32>, vector<16xi32>, vector<16xi32>], vector<16xf32>,
      %parallel_loop3A_593 = arith.constant 4 : i32
      %parallel_loop3A_594 = arith.constant 0 : i32
      %parallel_loop3A_595 = arith.index_cast %parallel_loop3A_593 : i32 to index
      %parallel_loop3A_596 = arith.index_cast %parallel_loop3A_143 : i32 to index
      %parallel_loop3A_597 = arith.index_cast %parallel_loop3A_594 : i32 to index
      %parallel_loop3A_598 = arith.index_cast %parallel_loop3A_161 : i32 to index
      %parallel_loop3A_599 = tpu.vector_load %arg27[%parallel_loop3A_595, %parallel_loop3A_596, %parallel_loop3A_597, %parallel_loop3A_598] {strides = array<i32>} : memref<14x4x8x128xf32, #tpu.memory_space<vmem>>, vector<16xf32>,
      tpu.vector_store %arg27[%parallel_loop3A_595, %parallel_loop3A_596, %parallel_loop3A_597, %parallel_loop3A_598], %parallel_loop3A_592 {strides = array<i32>} : memref<14x4x8x128xf32, #tpu.memory_space<vmem>>, vector<16xf32>,
      %parallel_loop3A_600 = arith.constant 1 : i32
      %parallel_loop3A_601 = vector.broadcast %parallel_loop3A_600 : i32 to vector<16xi32>
      %parallel_loop3A_602 = arith.constant 5 : i32
      %parallel_loop3A_603 = vector.broadcast %parallel_loop3A_602 : i32 to vector<16xi32>
      %parallel_loop3A_604 = tpu.vector_load_idx %arg25[%parallel_loop3A_601, %parallel_loop3A_174, %parallel_loop3A_603, %parallel_loop3A_177] : memref<4x4x8x128xf32, #tpu.memory_space<vmem>>[vector<16xi32>, vector<16xi32>, vector<16xi32>, vector<16xi32>], vector<16xf32>,
      %parallel_loop3A_605 = arith.constant 4 : i32
      %parallel_loop3A_606 = arith.constant 1 : i32
      %parallel_loop3A_607 = arith.index_cast %parallel_loop3A_605 : i32 to index
      %parallel_loop3A_608 = arith.index_cast %parallel_loop3A_143 : i32 to index
      %parallel_loop3A_609 = arith.index_cast %parallel_loop3A_606 : i32 to index
      %parallel_loop3A_610 = arith.index_cast %parallel_loop3A_161 : i32 to index
      %parallel_loop3A_611 = tpu.vector_load %arg27[%parallel_loop3A_607, %parallel_loop3A_608, %parallel_loop3A_609, %parallel_loop3A_610] {strides = array<i32>} : memref<14x4x8x128xf32, #tpu.memory_space<vmem>>, vector<16xf32>,
      tpu.vector_store %arg27[%parallel_loop3A_607, %parallel_loop3A_608, %parallel_loop3A_609, %parallel_loop3A_610], %parallel_loop3A_604 {strides = array<i32>} : memref<14x4x8x128xf32, #tpu.memory_space<vmem>>, vector<16xf32>,
      %parallel_loop3A_612 = arith.constant 1 : i32
      %parallel_loop3A_613 = vector.broadcast %parallel_loop3A_612 : i32 to vector<16xi32>
      %parallel_loop3A_614 = arith.constant 6 : i32
      %parallel_loop3A_615 = vector.broadcast %parallel_loop3A_614 : i32 to vector<16xi32>
      %parallel_loop3A_616 = tpu.vector_load_idx %arg25[%parallel_loop3A_613, %parallel_loop3A_174, %parallel_loop3A_615, %parallel_loop3A_177] : memref<4x4x8x128xf32, #tpu.memory_space<vmem>>[vector<16xi32>, vector<16xi32>, vector<16xi32>, vector<16xi32>], vector<16xf32>,
      %parallel_loop3A_617 = arith.constant 4 : i32
      %parallel_loop3A_618 = arith.constant 2 : i32
      %parallel_loop3A_619 = arith.index_cast %parallel_loop3A_617 : i32 to index
      %parallel_loop3A_620 = arith.index_cast %parallel_loop3A_143 : i32 to index
      %parallel_loop3A_621 = arith.index_cast %parallel_loop3A_618 : i32 to index
      %parallel_loop3A_622 = arith.index_cast %parallel_loop3A_161 : i32 to index
      %parallel_loop3A_623 = tpu.vector_load %arg27[%parallel_loop3A_619, %parallel_loop3A_620, %parallel_loop3A_621, %parallel_loop3A_622] {strides = array<i32>} : memref<14x4x8x128xf32, #tpu.memory_space<vmem>>, vector<16xf32>,
      tpu.vector_store %arg27[%parallel_loop3A_619, %parallel_loop3A_620, %parallel_loop3A_621, %parallel_loop3A_622], %parallel_loop3A_616 {strides = array<i32>} : memref<14x4x8x128xf32, #tpu.memory_space<vmem>>, vector<16xf32>,
      %parallel_loop3A_624 = arith.constant 1 : i32
      %parallel_loop3A_625 = vector.broadcast %parallel_loop3A_624 : i32 to vector<16xi32>
      %parallel_loop3A_626 = arith.constant 7 : i32
      %parallel_loop3A_627 = vector.broadcast %parallel_loop3A_626 : i32 to vector<16xi32>
      %parallel_loop3A_628 = tpu.vector_load_idx %arg25[%parallel_loop3A_625, %parallel_loop3A_174, %parallel_loop3A_627, %parallel_loop3A_177] : memref<4x4x8x128xf32, #tpu.memory_space<vmem>>[vector<16xi32>, vector<16xi32>, vector<16xi32>, vector<16xi32>], vector<16xf32>,
      %parallel_loop3A_629 = arith.constant 4 : i32
      %parallel_loop3A_630 = arith.constant 3 : i32
      %parallel_loop3A_631 = arith.index_cast %parallel_loop3A_629 : i32 to index
      %parallel_loop3A_632 = arith.index_cast %parallel_loop3A_143 : i32 to index
      %parallel_loop3A_633 = arith.index_cast %parallel_loop3A_630 : i32 to index
      %parallel_loop3A_634 = arith.index_cast %parallel_loop3A_161 : i32 to index
      %parallel_loop3A_635 = tpu.vector_load %arg27[%parallel_loop3A_631, %parallel_loop3A_632, %parallel_loop3A_633, %parallel_loop3A_634] {strides = array<i32>} : memref<14x4x8x128xf32, #tpu.memory_space<vmem>>, vector<16xf32>,
      tpu.vector_store %arg27[%parallel_loop3A_631, %parallel_loop3A_632, %parallel_loop3A_633, %parallel_loop3A_634], %parallel_loop3A_628 {strides = array<i32>} : memref<14x4x8x128xf32, #tpu.memory_space<vmem>>, vector<16xf32>,
      %parallel_loop3A_636 = arith.constant 2 : i32
      %parallel_loop3A_637 = vector.broadcast %parallel_loop3A_636 : i32 to vector<16xi32>
      %parallel_loop3A_638 = arith.constant 0 : i32
      %parallel_loop3A_639 = vector.broadcast %parallel_loop3A_638 : i32 to vector<16xi32>
      %parallel_loop3A_640 = tpu.vector_load_idx %arg25[%parallel_loop3A_637, %parallel_loop3A_174, %parallel_loop3A_639, %parallel_loop3A_177] : memref<4x4x8x128xf32, #tpu.memory_space<vmem>>[vector<16xi32>, vector<16xi32>, vector<16xi32>, vector<16xi32>], vector<16xf32>,
      %parallel_loop3A_641 = arith.constant 4 : i32
      %parallel_loop3A_642 = arith.constant 4 : i32
      %parallel_loop3A_643 = arith.index_cast %parallel_loop3A_641 : i32 to index
      %parallel_loop3A_644 = arith.index_cast %parallel_loop3A_143 : i32 to index
      %parallel_loop3A_645 = arith.index_cast %parallel_loop3A_642 : i32 to index
      %parallel_loop3A_646 = arith.index_cast %parallel_loop3A_161 : i32 to index
      %parallel_loop3A_647 = tpu.vector_load %arg27[%parallel_loop3A_643, %parallel_loop3A_644, %parallel_loop3A_645, %parallel_loop3A_646] {strides = array<i32>} : memref<14x4x8x128xf32, #tpu.memory_space<vmem>>, vector<16xf32>,
      tpu.vector_store %arg27[%parallel_loop3A_643, %parallel_loop3A_644, %parallel_loop3A_645, %parallel_loop3A_646], %parallel_loop3A_640 {strides = array<i32>} : memref<14x4x8x128xf32, #tpu.memory_space<vmem>>, vector<16xf32>,
      %parallel_loop3A_648 = arith.constant 2 : i32
      %parallel_loop3A_649 = vector.broadcast %parallel_loop3A_648 : i32 to vector<16xi32>
      %parallel_loop3A_650 = arith.constant 1 : i32
      %parallel_loop3A_651 = vector.broadcast %parallel_loop3A_650 : i32 to vector<16xi32>
      %parallel_loop3A_652 = tpu.vector_load_idx %arg25[%parallel_loop3A_649, %parallel_loop3A_174, %parallel_loop3A_651, %parallel_loop3A_177] : memref<4x4x8x128xf32, #tpu.memory_space<vmem>>[vector<16xi32>, vector<16xi32>, vector<16xi32>, vector<16xi32>], vector<16xf32>,
      %parallel_loop3A_653 = arith.constant 4 : i32
      %parallel_loop3A_654 = arith.constant 5 : i32
      %parallel_loop3A_655 = arith.index_cast %parallel_loop3A_653 : i32 to index
      %parallel_loop3A_656 = arith.index_cast %parallel_loop3A_143 : i32 to index
      %parallel_loop3A_657 = arith.index_cast %parallel_loop3A_654 : i32 to index
      %parallel_loop3A_658 = arith.index_cast %parallel_loop3A_161 : i32 to index
      %parallel_loop3A_659 = tpu.vector_load %arg27[%parallel_loop3A_655, %parallel_loop3A_656, %parallel_loop3A_657, %parallel_loop3A_658] {strides = array<i32>} : memref<14x4x8x128xf32, #tpu.memory_space<vmem>>, vector<16xf32>,
      tpu.vector_store %arg27[%parallel_loop3A_655, %parallel_loop3A_656, %parallel_loop3A_657, %parallel_loop3A_658], %parallel_loop3A_652 {strides = array<i32>} : memref<14x4x8x128xf32, #tpu.memory_space<vmem>>, vector<16xf32>,
      %parallel_loop3A_660 = arith.constant 2 : i32
      %parallel_loop3A_661 = vector.broadcast %parallel_loop3A_660 : i32 to vector<16xi32>
      %parallel_loop3A_662 = arith.constant 2 : i32
      %parallel_loop3A_663 = vector.broadcast %parallel_loop3A_662 : i32 to vector<16xi32>
      %parallel_loop3A_664 = tpu.vector_load_idx %arg25[%parallel_loop3A_661, %parallel_loop3A_174, %parallel_loop3A_663, %parallel_loop3A_177] : memref<4x4x8x128xf32, #tpu.memory_space<vmem>>[vector<16xi32>, vector<16xi32>, vector<16xi32>, vector<16xi32>], vector<16xf32>,
      %parallel_loop3A_665 = arith.constant 4 : i32
      %parallel_loop3A_666 = arith.constant 6 : i32
      %parallel_loop3A_667 = arith.index_cast %parallel_loop3A_665 : i32 to index
      %parallel_loop3A_668 = arith.index_cast %parallel_loop3A_143 : i32 to index
      %parallel_loop3A_669 = arith.index_cast %parallel_loop3A_666 : i32 to index
      %parallel_loop3A_670 = arith.index_cast %parallel_loop3A_161 : i32 to index
      %parallel_loop3A_671 = tpu.vector_load %arg27[%parallel_loop3A_667, %parallel_loop3A_668, %parallel_loop3A_669, %parallel_loop3A_670] {strides = array<i32>} : memref<14x4x8x128xf32, #tpu.memory_space<vmem>>, vector<16xf32>,
      tpu.vector_store %arg27[%parallel_loop3A_667, %parallel_loop3A_668, %parallel_loop3A_669, %parallel_loop3A_670], %parallel_loop3A_664 {strides = array<i32>} : memref<14x4x8x128xf32, #tpu.memory_space<vmem>>, vector<16xf32>,
      %parallel_loop3A_672 = arith.constant 2 : i32
      %parallel_loop3A_673 = vector.broadcast %parallel_loop3A_672 : i32 to vector<16xi32>
      %parallel_loop3A_674 = arith.constant 3 : i32
      %parallel_loop3A_675 = vector.broadcast %parallel_loop3A_674 : i32 to vector<16xi32>
      %parallel_loop3A_676 = tpu.vector_load_idx %arg25[%parallel_loop3A_673, %parallel_loop3A_174, %parallel_loop3A_675, %parallel_loop3A_177] : memref<4x4x8x128xf32, #tpu.memory_space<vmem>>[vector<16xi32>, vector<16xi32>, vector<16xi32>, vector<16xi32>], vector<16xf32>,
      %parallel_loop3A_677 = arith.constant 4 : i32
      %parallel_loop3A_678 = arith.constant 7 : i32
      %parallel_loop3A_679 = arith.index_cast %parallel_loop3A_677 : i32 to index
      %parallel_loop3A_680 = arith.index_cast %parallel_loop3A_143 : i32 to index
      %parallel_loop3A_681 = arith.index_cast %parallel_loop3A_678 : i32 to index
      %parallel_loop3A_682 = arith.index_cast %parallel_loop3A_161 : i32 to index
      %parallel_loop3A_683 = tpu.vector_load %arg27[%parallel_loop3A_679, %parallel_loop3A_680, %parallel_loop3A_681, %parallel_loop3A_682] {strides = array<i32>} : memref<14x4x8x128xf32, #tpu.memory_space<vmem>>, vector<16xf32>,
      tpu.vector_store %arg27[%parallel_loop3A_679, %parallel_loop3A_680, %parallel_loop3A_681, %parallel_loop3A_682], %parallel_loop3A_676 {strides = array<i32>} : memref<14x4x8x128xf32, #tpu.memory_space<vmem>>, vector<16xf32>,
      %parallel_loop3A_684 = arith.constant 2 : i32
      %parallel_loop3A_685 = vector.broadcast %parallel_loop3A_684 : i32 to vector<16xi32>
      %parallel_loop3A_686 = arith.constant 4 : i32
      %parallel_loop3A_687 = vector.broadcast %parallel_loop3A_686 : i32 to vector<16xi32>
      %parallel_loop3A_688 = tpu.vector_load_idx %arg25[%parallel_loop3A_685, %parallel_loop3A_174, %parallel_loop3A_687, %parallel_loop3A_177] : memref<4x4x8x128xf32, #tpu.memory_space<vmem>>[vector<16xi32>, vector<16xi32>, vector<16xi32>, vector<16xi32>], vector<16xf32>,
      %parallel_loop3A_689 = arith.constant 5 : i32
      %parallel_loop3A_690 = arith.constant 0 : i32
      %parallel_loop3A_691 = arith.index_cast %parallel_loop3A_689 : i32 to index
      %parallel_loop3A_692 = arith.index_cast %parallel_loop3A_143 : i32 to index
      %parallel_loop3A_693 = arith.index_cast %parallel_loop3A_690 : i32 to index
      %parallel_loop3A_694 = arith.index_cast %parallel_loop3A_161 : i32 to index
      %parallel_loop3A_695 = tpu.vector_load %arg27[%parallel_loop3A_691, %parallel_loop3A_692, %parallel_loop3A_693, %parallel_loop3A_694] {strides = array<i32>} : memref<14x4x8x128xf32, #tpu.memory_space<vmem>>, vector<16xf32>,
      tpu.vector_store %arg27[%parallel_loop3A_691, %parallel_loop3A_692, %parallel_loop3A_693, %parallel_loop3A_694], %parallel_loop3A_688 {strides = array<i32>} : memref<14x4x8x128xf32, #tpu.memory_space<vmem>>, vector<16xf32>,
      %parallel_loop3A_696 = arith.constant 2 : i32
      %parallel_loop3A_697 = vector.broadcast %parallel_loop3A_696 : i32 to vector<16xi32>
      %parallel_loop3A_698 = arith.constant 5 : i32
      %parallel_loop3A_699 = vector.broadcast %parallel_loop3A_698 : i32 to vector<16xi32>
      %parallel_loop3A_700 = tpu.vector_load_idx %arg25[%parallel_loop3A_697, %parallel_loop3A_174, %parallel_loop3A_699, %parallel_loop3A_177] : memref<4x4x8x128xf32, #tpu.memory_space<vmem>>[vector<16xi32>, vector<16xi32>, vector<16xi32>, vector<16xi32>], vector<16xf32>,
      %parallel_loop3A_701 = arith.constant 5 : i32
      %parallel_loop3A_702 = arith.constant 1 : i32
      %parallel_loop3A_703 = arith.index_cast %parallel_loop3A_701 : i32 to index
      %parallel_loop3A_704 = arith.index_cast %parallel_loop3A_143 : i32 to index
      %parallel_loop3A_705 = arith.index_cast %parallel_loop3A_702 : i32 to index
      %parallel_loop3A_706 = arith.index_cast %parallel_loop3A_161 : i32 to index
      %parallel_loop3A_707 = tpu.vector_load %arg27[%parallel_loop3A_703, %parallel_loop3A_704, %parallel_loop3A_705, %parallel_loop3A_706] {strides = array<i32>} : memref<14x4x8x128xf32, #tpu.memory_space<vmem>>, vector<16xf32>,
      tpu.vector_store %arg27[%parallel_loop3A_703, %parallel_loop3A_704, %parallel_loop3A_705, %parallel_loop3A_706], %parallel_loop3A_700 {strides = array<i32>} : memref<14x4x8x128xf32, #tpu.memory_space<vmem>>, vector<16xf32>,
      %parallel_loop3A_708 = arith.constant 2 : i32
      %parallel_loop3A_709 = vector.broadcast %parallel_loop3A_708 : i32 to vector<16xi32>
      %parallel_loop3A_710 = arith.constant 6 : i32
      %parallel_loop3A_711 = vector.broadcast %parallel_loop3A_710 : i32 to vector<16xi32>
      %parallel_loop3A_712 = tpu.vector_load_idx %arg25[%parallel_loop3A_709, %parallel_loop3A_174, %parallel_loop3A_711, %parallel_loop3A_177] : memref<4x4x8x128xf32, #tpu.memory_space<vmem>>[vector<16xi32>, vector<16xi32>, vector<16xi32>, vector<16xi32>], vector<16xf32>,
      %parallel_loop3A_713 = arith.constant 5 : i32
      %parallel_loop3A_714 = arith.constant 2 : i32
      %parallel_loop3A_715 = arith.index_cast %parallel_loop3A_713 : i32 to index
      %parallel_loop3A_716 = arith.index_cast %parallel_loop3A_143 : i32 to index
      %parallel_loop3A_717 = arith.index_cast %parallel_loop3A_714 : i32 to index
      %parallel_loop3A_718 = arith.index_cast %parallel_loop3A_161 : i32 to index
      %parallel_loop3A_719 = tpu.vector_load %arg27[%parallel_loop3A_715, %parallel_loop3A_716, %parallel_loop3A_717, %parallel_loop3A_718] {strides = array<i32>} : memref<14x4x8x128xf32, #tpu.memory_space<vmem>>, vector<16xf32>,
      tpu.vector_store %arg27[%parallel_loop3A_715, %parallel_loop3A_716, %parallel_loop3A_717, %parallel_loop3A_718], %parallel_loop3A_712 {strides = array<i32>} : memref<14x4x8x128xf32, #tpu.memory_space<vmem>>, vector<16xf32>,
      %parallel_loop3A_720 = arith.constant 2 : i32
      %parallel_loop3A_721 = vector.broadcast %parallel_loop3A_720 : i32 to vector<16xi32>
      %parallel_loop3A_722 = arith.constant 7 : i32
      %parallel_loop3A_723 = vector.broadcast %parallel_loop3A_722 : i32 to vector<16xi32>
      %parallel_loop3A_724 = tpu.vector_load_idx %arg25[%parallel_loop3A_721, %parallel_loop3A_174, %parallel_loop3A_723, %parallel_loop3A_177] : memref<4x4x8x128xf32, #tpu.memory_space<vmem>>[vector<16xi32>, vector<16xi32>, vector<16xi32>, vector<16xi32>], vector<16xf32>,
      %parallel_loop3A_725 = arith.constant 5 : i32
      %parallel_loop3A_726 = arith.constant 3 : i32
      %parallel_loop3A_727 = arith.index_cast %parallel_loop3A_725 : i32 to index
      %parallel_loop3A_728 = arith.index_cast %parallel_loop3A_143 : i32 to index
      %parallel_loop3A_729 = arith.index_cast %parallel_loop3A_726 : i32 to index
      %parallel_loop3A_730 = arith.index_cast %parallel_loop3A_161 : i32 to index
      %parallel_loop3A_731 = tpu.vector_load %arg27[%parallel_loop3A_727, %parallel_loop3A_728, %parallel_loop3A_729, %parallel_loop3A_730] {strides = array<i32>} : memref<14x4x8x128xf32, #tpu.memory_space<vmem>>, vector<16xf32>,
      tpu.vector_store %arg27[%parallel_loop3A_727, %parallel_loop3A_728, %parallel_loop3A_729, %parallel_loop3A_730], %parallel_loop3A_724 {strides = array<i32>} : memref<14x4x8x128xf32, #tpu.memory_space<vmem>>, vector<16xf32>,
      %parallel_loop3A_732 = arith.constant 3 : i32
      %parallel_loop3A_733 = vector.broadcast %parallel_loop3A_732 : i32 to vector<16xi32>
      %parallel_loop3A_734 = arith.constant 0 : i32
      %parallel_loop3A_735 = vector.broadcast %parallel_loop3A_734 : i32 to vector<16xi32>
      %parallel_loop3A_736 = tpu.vector_load_idx %arg25[%parallel_loop3A_733, %parallel_loop3A_174, %parallel_loop3A_735, %parallel_loop3A_177] : memref<4x4x8x128xf32, #tpu.memory_space<vmem>>[vector<16xi32>, vector<16xi32>, vector<16xi32>, vector<16xi32>], vector<16xf32>,
      %parallel_loop3A_737 = arith.constant 5 : i32
      %parallel_loop3A_738 = arith.constant 4 : i32
      %parallel_loop3A_739 = arith.index_cast %parallel_loop3A_737 : i32 to index
      %parallel_loop3A_740 = arith.index_cast %parallel_loop3A_143 : i32 to index
      %parallel_loop3A_741 = arith.index_cast %parallel_loop3A_738 : i32 to index
      %parallel_loop3A_742 = arith.index_cast %parallel_loop3A_161 : i32 to index
      %parallel_loop3A_743 = tpu.vector_load %arg27[%parallel_loop3A_739, %parallel_loop3A_740, %parallel_loop3A_741, %parallel_loop3A_742] {strides = array<i32>} : memref<14x4x8x128xf32, #tpu.memory_space<vmem>>, vector<16xf32>,
      tpu.vector_store %arg27[%parallel_loop3A_739, %parallel_loop3A_740, %parallel_loop3A_741, %parallel_loop3A_742], %parallel_loop3A_736 {strides = array<i32>} : memref<14x4x8x128xf32, #tpu.memory_space<vmem>>, vector<16xf32>,
      %parallel_loop3A_744 = arith.constant 3 : i32
      %parallel_loop3A_745 = vector.broadcast %parallel_loop3A_744 : i32 to vector<16xi32>
      %parallel_loop3A_746 = arith.constant 1 : i32
      %parallel_loop3A_747 = vector.broadcast %parallel_loop3A_746 : i32 to vector<16xi32>
      %parallel_loop3A_748 = tpu.vector_load_idx %arg25[%parallel_loop3A_745, %parallel_loop3A_174, %parallel_loop3A_747, %parallel_loop3A_177] : memref<4x4x8x128xf32, #tpu.memory_space<vmem>>[vector<16xi32>, vector<16xi32>, vector<16xi32>, vector<16xi32>], vector<16xf32>,
      %parallel_loop3A_749 = arith.constant 5 : i32
      %parallel_loop3A_750 = arith.constant 5 : i32
      %parallel_loop3A_751 = arith.index_cast %parallel_loop3A_749 : i32 to index
      %parallel_loop3A_752 = arith.index_cast %parallel_loop3A_143 : i32 to index
      %parallel_loop3A_753 = arith.index_cast %parallel_loop3A_750 : i32 to index
      %parallel_loop3A_754 = arith.index_cast %parallel_loop3A_161 : i32 to index
      %parallel_loop3A_755 = tpu.vector_load %arg27[%parallel_loop3A_751, %parallel_loop3A_752, %parallel_loop3A_753, %parallel_loop3A_754] {strides = array<i32>} : memref<14x4x8x128xf32, #tpu.memory_space<vmem>>, vector<16xf32>,
      tpu.vector_store %arg27[%parallel_loop3A_751, %parallel_loop3A_752, %parallel_loop3A_753, %parallel_loop3A_754], %parallel_loop3A_748 {strides = array<i32>} : memref<14x4x8x128xf32, #tpu.memory_space<vmem>>, vector<16xf32>,
      %parallel_loop3A_756 = arith.constant 3 : i32
      %parallel_loop3A_757 = vector.broadcast %parallel_loop3A_756 : i32 to vector<16xi32>
      %parallel_loop3A_758 = arith.constant 2 : i32
      %parallel_loop3A_759 = vector.broadcast %parallel_loop3A_758 : i32 to vector<16xi32>
      %parallel_loop3A_760 = tpu.vector_load_idx %arg25[%parallel_loop3A_757, %parallel_loop3A_174, %parallel_loop3A_759, %parallel_loop3A_177] : memref<4x4x8x128xf32, #tpu.memory_space<vmem>>[vector<16xi32>, vector<16xi32>, vector<16xi32>, vector<16xi32>], vector<16xf32>,
      %parallel_loop3A_761 = arith.constant 5 : i32
      %parallel_loop3A_762 = arith.constant 6 : i32
      %parallel_loop3A_763 = arith.index_cast %parallel_loop3A_761 : i32 to index
      %parallel_loop3A_764 = arith.index_cast %parallel_loop3A_143 : i32 to index
      %parallel_loop3A_765 = arith.index_cast %parallel_loop3A_762 : i32 to index
      %parallel_loop3A_766 = arith.index_cast %parallel_loop3A_161 : i32 to index
      %parallel_loop3A_767 = tpu.vector_load %arg27[%parallel_loop3A_763, %parallel_loop3A_764, %parallel_loop3A_765, %parallel_loop3A_766] {strides = array<i32>} : memref<14x4x8x128xf32, #tpu.memory_space<vmem>>, vector<16xf32>,
      tpu.vector_store %arg27[%parallel_loop3A_763, %parallel_loop3A_764, %parallel_loop3A_765, %parallel_loop3A_766], %parallel_loop3A_760 {strides = array<i32>} : memref<14x4x8x128xf32, #tpu.memory_space<vmem>>, vector<16xf32>,
      %parallel_loop3A_768 = arith.constant 3 : i32
      %parallel_loop3A_769 = vector.broadcast %parallel_loop3A_768 : i32 to vector<16xi32>
      %parallel_loop3A_770 = arith.constant 3 : i32
      %parallel_loop3A_771 = vector.broadcast %parallel_loop3A_770 : i32 to vector<16xi32>
      %parallel_loop3A_772 = tpu.vector_load_idx %arg25[%parallel_loop3A_769, %parallel_loop3A_174, %parallel_loop3A_771, %parallel_loop3A_177] : memref<4x4x8x128xf32, #tpu.memory_space<vmem>>[vector<16xi32>, vector<16xi32>, vector<16xi32>, vector<16xi32>], vector<16xf32>,
      %parallel_loop3A_773 = arith.constant 5 : i32
      %parallel_loop3A_774 = arith.constant 7 : i32
      %parallel_loop3A_775 = arith.index_cast %parallel_loop3A_773 : i32 to index
      %parallel_loop3A_776 = arith.index_cast %parallel_loop3A_143 : i32 to index
      %parallel_loop3A_777 = arith.index_cast %parallel_loop3A_774 : i32 to index
      %parallel_loop3A_778 = arith.index_cast %parallel_loop3A_161 : i32 to index
      %parallel_loop3A_779 = tpu.vector_load %arg27[%parallel_loop3A_775, %parallel_loop3A_776, %parallel_loop3A_777, %parallel_loop3A_778] {strides = array<i32>} : memref<14x4x8x128xf32, #tpu.memory_space<vmem>>, vector<16xf32>,
      tpu.vector_store %arg27[%parallel_loop3A_775, %parallel_loop3A_776, %parallel_loop3A_777, %parallel_loop3A_778], %parallel_loop3A_772 {strides = array<i32>} : memref<14x4x8x128xf32, #tpu.memory_space<vmem>>, vector<16xf32>,
      %parallel_loop3A_780 = arith.constant 3 : i32
      %parallel_loop3A_781 = vector.broadcast %parallel_loop3A_780 : i32 to vector<16xi32>
      %parallel_loop3A_782 = arith.constant 4 : i32
      %parallel_loop3A_783 = vector.broadcast %parallel_loop3A_782 : i32 to vector<16xi32>
      %parallel_loop3A_784 = tpu.vector_load_idx %arg25[%parallel_loop3A_781, %parallel_loop3A_174, %parallel_loop3A_783, %parallel_loop3A_177] : memref<4x4x8x128xf32, #tpu.memory_space<vmem>>[vector<16xi32>, vector<16xi32>, vector<16xi32>, vector<16xi32>], vector<16xf32>,
      %parallel_loop3A_785 = arith.constant 6 : i32
      %parallel_loop3A_786 = arith.constant 0 : i32
      %parallel_loop3A_787 = arith.index_cast %parallel_loop3A_785 : i32 to index
      %parallel_loop3A_788 = arith.index_cast %parallel_loop3A_143 : i32 to index
      %parallel_loop3A_789 = arith.index_cast %parallel_loop3A_786 : i32 to index
      %parallel_loop3A_790 = arith.index_cast %parallel_loop3A_161 : i32 to index
      %parallel_loop3A_791 = tpu.vector_load %arg27[%parallel_loop3A_787, %parallel_loop3A_788, %parallel_loop3A_789, %parallel_loop3A_790] {strides = array<i32>} : memref<14x4x8x128xf32, #tpu.memory_space<vmem>>, vector<16xf32>,
      tpu.vector_store %arg27[%parallel_loop3A_787, %parallel_loop3A_788, %parallel_loop3A_789, %parallel_loop3A_790], %parallel_loop3A_784 {strides = array<i32>} : memref<14x4x8x128xf32, #tpu.memory_space<vmem>>, vector<16xf32>,
      %parallel_loop3A_792 = arith.constant 3 : i32
      %parallel_loop3A_793 = vector.broadcast %parallel_loop3A_792 : i32 to vector<16xi32>
      %parallel_loop3A_794 = arith.constant 5 : i32
      %parallel_loop3A_795 = vector.broadcast %parallel_loop3A_794 : i32 to vector<16xi32>
      %parallel_loop3A_796 = tpu.vector_load_idx %arg25[%parallel_loop3A_793, %parallel_loop3A_174, %parallel_loop3A_795, %parallel_loop3A_177] : memref<4x4x8x128xf32, #tpu.memory_space<vmem>>[vector<16xi32>, vector<16xi32>, vector<16xi32>, vector<16xi32>], vector<16xf32>,
      %parallel_loop3A_797 = arith.constant 6 : i32
      %parallel_loop3A_798 = arith.constant 1 : i32
      %parallel_loop3A_799 = arith.index_cast %parallel_loop3A_797 : i32 to index
      %parallel_loop3A_800 = arith.index_cast %parallel_loop3A_143 : i32 to index
      %parallel_loop3A_801 = arith.index_cast %parallel_loop3A_798 : i32 to index
      %parallel_loop3A_802 = arith.index_cast %parallel_loop3A_161 : i32 to index
      %parallel_loop3A_803 = tpu.vector_load %arg27[%parallel_loop3A_799, %parallel_loop3A_800, %parallel_loop3A_801, %parallel_loop3A_802] {strides = array<i32>} : memref<14x4x8x128xf32, #tpu.memory_space<vmem>>, vector<16xf32>,
      tpu.vector_store %arg27[%parallel_loop3A_799, %parallel_loop3A_800, %parallel_loop3A_801, %parallel_loop3A_802], %parallel_loop3A_796 {strides = array<i32>} : memref<14x4x8x128xf32, #tpu.memory_space<vmem>>, vector<16xf32>,
      %parallel_loop3A_804 = arith.constant 3 : i32
      %parallel_loop3A_805 = vector.broadcast %parallel_loop3A_804 : i32 to vector<16xi32>
      %parallel_loop3A_806 = arith.constant 6 : i32
      %parallel_loop3A_807 = vector.broadcast %parallel_loop3A_806 : i32 to vector<16xi32>
      %parallel_loop3A_808 = tpu.vector_load_idx %arg25[%parallel_loop3A_805, %parallel_loop3A_174, %parallel_loop3A_807, %parallel_loop3A_177] : memref<4x4x8x128xf32, #tpu.memory_space<vmem>>[vector<16xi32>, vector<16xi32>, vector<16xi32>, vector<16xi32>], vector<16xf32>,
      %parallel_loop3A_809 = arith.constant 6 : i32
      %parallel_loop3A_810 = arith.constant 2 : i32
      %parallel_loop3A_811 = arith.index_cast %parallel_loop3A_809 : i32 to index
      %parallel_loop3A_812 = arith.index_cast %parallel_loop3A_143 : i32 to index
      %parallel_loop3A_813 = arith.index_cast %parallel_loop3A_810 : i32 to index
      %parallel_loop3A_814 = arith.index_cast %parallel_loop3A_161 : i32 to index
      %parallel_loop3A_815 = tpu.vector_load %arg27[%parallel_loop3A_811, %parallel_loop3A_812, %parallel_loop3A_813, %parallel_loop3A_814] {strides = array<i32>} : memref<14x4x8x128xf32, #tpu.memory_space<vmem>>, vector<16xf32>,
      tpu.vector_store %arg27[%parallel_loop3A_811, %parallel_loop3A_812, %parallel_loop3A_813, %parallel_loop3A_814], %parallel_loop3A_808 {strides = array<i32>} : memref<14x4x8x128xf32, #tpu.memory_space<vmem>>, vector<16xf32>,
      %parallel_loop3A_816 = arith.constant 3 : i32
      %parallel_loop3A_817 = vector.broadcast %parallel_loop3A_816 : i32 to vector<16xi32>
      %parallel_loop3A_818 = arith.constant 7 : i32
      %parallel_loop3A_819 = vector.broadcast %parallel_loop3A_818 : i32 to vector<16xi32>
      %parallel_loop3A_820 = tpu.vector_load_idx %arg25[%parallel_loop3A_817, %parallel_loop3A_174, %parallel_loop3A_819, %parallel_loop3A_177] : memref<4x4x8x128xf32, #tpu.memory_space<vmem>>[vector<16xi32>, vector<16xi32>, vector<16xi32>, vector<16xi32>], vector<16xf32>,
      %parallel_loop3A_821 = arith.constant 6 : i32
      %parallel_loop3A_822 = arith.constant 3 : i32
      %parallel_loop3A_823 = arith.index_cast %parallel_loop3A_821 : i32 to index
      %parallel_loop3A_824 = arith.index_cast %parallel_loop3A_143 : i32 to index
      %parallel_loop3A_825 = arith.index_cast %parallel_loop3A_822 : i32 to index
      %parallel_loop3A_826 = arith.index_cast %parallel_loop3A_161 : i32 to index
      %parallel_loop3A_827 = tpu.vector_load %arg27[%parallel_loop3A_823, %parallel_loop3A_824, %parallel_loop3A_825, %parallel_loop3A_826] {strides = array<i32>} : memref<14x4x8x128xf32, #tpu.memory_space<vmem>>, vector<16xf32>,
      tpu.vector_store %arg27[%parallel_loop3A_823, %parallel_loop3A_824, %parallel_loop3A_825, %parallel_loop3A_826], %parallel_loop3A_820 {strides = array<i32>} : memref<14x4x8x128xf32, #tpu.memory_space<vmem>>, vector<16xf32>,
      %parallel_loop3A_828 = arith.constant 0 : i32
      %parallel_loop3A_829 = vector.broadcast %parallel_loop3A_828 : i32 to vector<16xi32>
      %parallel_loop3A_830 = tpu.vector_load_idx %arg26[%parallel_loop3A_829, %parallel_loop3A_167] : memref<4x128xf32, #tpu.memory_space<vmem>>[vector<16xi32>, vector<16xi32>], vector<16xf32>,
      %parallel_loop3A_831 = arith.constant 6 : i32
      %parallel_loop3A_832 = arith.constant 4 : i32
      %parallel_loop3A_833 = arith.index_cast %parallel_loop3A_831 : i32 to index
      %parallel_loop3A_834 = arith.index_cast %parallel_loop3A_143 : i32 to index
      %parallel_loop3A_835 = arith.index_cast %parallel_loop3A_832 : i32 to index
      %parallel_loop3A_836 = arith.index_cast %parallel_loop3A_161 : i32 to index
      %parallel_loop3A_837 = tpu.vector_load %arg27[%parallel_loop3A_833, %parallel_loop3A_834, %parallel_loop3A_835, %parallel_loop3A_836] {strides = array<i32>} : memref<14x4x8x128xf32, #tpu.memory_space<vmem>>, vector<16xf32>,
      tpu.vector_store %arg27[%parallel_loop3A_833, %parallel_loop3A_834, %parallel_loop3A_835, %parallel_loop3A_836], %parallel_loop3A_830 {strides = array<i32>} : memref<14x4x8x128xf32, #tpu.memory_space<vmem>>, vector<16xf32>,
      %parallel_loop3A_838 = arith.constant 1 : i32
      %parallel_loop3A_839 = vector.broadcast %parallel_loop3A_838 : i32 to vector<16xi32>
      %parallel_loop3A_840 = tpu.vector_load_idx %arg26[%parallel_loop3A_839, %parallel_loop3A_167] : memref<4x128xf32, #tpu.memory_space<vmem>>[vector<16xi32>, vector<16xi32>], vector<16xf32>,
      %parallel_loop3A_841 = arith.constant 6 : i32
      %parallel_loop3A_842 = arith.constant 5 : i32
      %parallel_loop3A_843 = arith.index_cast %parallel_loop3A_841 : i32 to index
      %parallel_loop3A_844 = arith.index_cast %parallel_loop3A_143 : i32 to index
      %parallel_loop3A_845 = arith.index_cast %parallel_loop3A_842 : i32 to index
      %parallel_loop3A_846 = arith.index_cast %parallel_loop3A_161 : i32 to index
      %parallel_loop3A_847 = tpu.vector_load %arg27[%parallel_loop3A_843, %parallel_loop3A_844, %parallel_loop3A_845, %parallel_loop3A_846] {strides = array<i32>} : memref<14x4x8x128xf32, #tpu.memory_space<vmem>>, vector<16xf32>,
      tpu.vector_store %arg27[%parallel_loop3A_843, %parallel_loop3A_844, %parallel_loop3A_845, %parallel_loop3A_846], %parallel_loop3A_840 {strides = array<i32>} : memref<14x4x8x128xf32, #tpu.memory_space<vmem>>, vector<16xf32>,
      %parallel_loop3A_848 = arith.constant 2 : i32
      %parallel_loop3A_849 = vector.broadcast %parallel_loop3A_848 : i32 to vector<16xi32>
      %parallel_loop3A_850 = tpu.vector_load_idx %arg26[%parallel_loop3A_849, %parallel_loop3A_167] : memref<4x128xf32, #tpu.memory_space<vmem>>[vector<16xi32>, vector<16xi32>], vector<16xf32>,
      %parallel_loop3A_851 = arith.constant 6 : i32
      %parallel_loop3A_852 = arith.constant 6 : i32
      %parallel_loop3A_853 = arith.index_cast %parallel_loop3A_851 : i32 to index
      %parallel_loop3A_854 = arith.index_cast %parallel_loop3A_143 : i32 to index
      %parallel_loop3A_855 = arith.index_cast %parallel_loop3A_852 : i32 to index
      %parallel_loop3A_856 = arith.index_cast %parallel_loop3A_161 : i32 to index
      %parallel_loop3A_857 = tpu.vector_load %arg27[%parallel_loop3A_853, %parallel_loop3A_854, %parallel_loop3A_855, %parallel_loop3A_856] {strides = array<i32>} : memref<14x4x8x128xf32, #tpu.memory_space<vmem>>, vector<16xf32>,
      tpu.vector_store %arg27[%parallel_loop3A_853, %parallel_loop3A_854, %parallel_loop3A_855, %parallel_loop3A_856], %parallel_loop3A_850 {strides = array<i32>} : memref<14x4x8x128xf32, #tpu.memory_space<vmem>>, vector<16xf32>,
      %parallel_loop3A_858 = arith.constant 3 : i32
      %parallel_loop3A_859 = vector.broadcast %parallel_loop3A_858 : i32 to vector<16xi32>
      %parallel_loop3A_860 = tpu.vector_load_idx %arg26[%parallel_loop3A_859, %parallel_loop3A_167] : memref<4x128xf32, #tpu.memory_space<vmem>>[vector<16xi32>, vector<16xi32>], vector<16xf32>,
      %parallel_loop3A_861 = arith.constant 6 : i32
      %parallel_loop3A_862 = arith.constant 7 : i32
      %parallel_loop3A_863 = arith.index_cast %parallel_loop3A_861 : i32 to index
      %parallel_loop3A_864 = arith.index_cast %parallel_loop3A_143 : i32 to index
      %parallel_loop3A_865 = arith.index_cast %parallel_loop3A_862 : i32 to index
      %parallel_loop3A_866 = arith.index_cast %parallel_loop3A_161 : i32 to index
      %parallel_loop3A_867 = tpu.vector_load %arg27[%parallel_loop3A_863, %parallel_loop3A_864, %parallel_loop3A_865, %parallel_loop3A_866] {strides = array<i32>} : memref<14x4x8x128xf32, #tpu.memory_space<vmem>>, vector<16xf32>,
      tpu.vector_store %arg27[%parallel_loop3A_863, %parallel_loop3A_864, %parallel_loop3A_865, %parallel_loop3A_866], %parallel_loop3A_860 {strides = array<i32>} : memref<14x4x8x128xf32, #tpu.memory_space<vmem>>, vector<16xf32>,
      %parallel_loop3A_868 = arith.constant 7 : i32
      %parallel_loop3A_869 = vector.broadcast %parallel_loop3A_868 : i32 to vector<16xi32>
      %parallel_loop3A_870 = arith.shrsi %parallel_loop3A_169, %parallel_loop3A_869 : vector<16xi32>
      %parallel_loop3A_871 = arith.constant 127 : i32
      %parallel_loop3A_872 = vector.broadcast %parallel_loop3A_871 : i32 to vector<16xi32>
      %parallel_loop3A_873 = arith.andi %parallel_loop3A_169, %parallel_loop3A_872 : vector<16xi32>
      %parallel_loop3A_874 = arith.constant 0 : i32
      %parallel_loop3A_875 = arith.index_cast %parallel_loop3A_143 : i32 to index
      %parallel_loop3A_876 = arith.index_cast %parallel_loop3A_874 : i32 to index
      %parallel_loop3A_877 = arith.index_cast %parallel_loop3A_161 : i32 to index
      %parallel_loop3A_878 = tpu.vector_load %arg20[%parallel_loop3A_875, %parallel_loop3A_876, %parallel_loop3A_877] {strides = array<i32>} : memref<4x4x128xf32, #tpu.memory_space<vmem>>, vector<16xf32>,
      %parallel_loop3A_879 = arith.constant 7 : i32
      %parallel_loop3A_880 = arith.constant 0 : i32
      %parallel_loop3A_881 = arith.index_cast %parallel_loop3A_879 : i32 to index
      %parallel_loop3A_882 = arith.index_cast %parallel_loop3A_143 : i32 to index
      %parallel_loop3A_883 = arith.index_cast %parallel_loop3A_880 : i32 to index
      %parallel_loop3A_884 = arith.index_cast %parallel_loop3A_161 : i32 to index
      %parallel_loop3A_885 = tpu.vector_load %arg27[%parallel_loop3A_881, %parallel_loop3A_882, %parallel_loop3A_883, %parallel_loop3A_884] {strides = array<i32>} : memref<14x4x8x128xf32, #tpu.memory_space<vmem>>, vector<16xf32>,
      tpu.vector_store %arg27[%parallel_loop3A_881, %parallel_loop3A_882, %parallel_loop3A_883, %parallel_loop3A_884], %parallel_loop3A_878 {strides = array<i32>} : memref<14x4x8x128xf32, #tpu.memory_space<vmem>>, vector<16xf32>,
      %parallel_loop3A_886 = arith.constant 1 : i32
      %parallel_loop3A_887 = arith.index_cast %parallel_loop3A_143 : i32 to index
      %parallel_loop3A_888 = arith.index_cast %parallel_loop3A_886 : i32 to index
      %parallel_loop3A_889 = arith.index_cast %parallel_loop3A_161 : i32 to index
      %parallel_loop3A_890 = tpu.vector_load %arg20[%parallel_loop3A_887, %parallel_loop3A_888, %parallel_loop3A_889] {strides = array<i32>} : memref<4x4x128xf32, #tpu.memory_space<vmem>>, vector<16xf32>,
      %parallel_loop3A_891 = arith.constant 7 : i32
      %parallel_loop3A_892 = arith.constant 1 : i32
      %parallel_loop3A_893 = arith.index_cast %parallel_loop3A_891 : i32 to index
      %parallel_loop3A_894 = arith.index_cast %parallel_loop3A_143 : i32 to index
      %parallel_loop3A_895 = arith.index_cast %parallel_loop3A_892 : i32 to index
      %parallel_loop3A_896 = arith.index_cast %parallel_loop3A_161 : i32 to index
      %parallel_loop3A_897 = tpu.vector_load %arg27[%parallel_loop3A_893, %parallel_loop3A_894, %parallel_loop3A_895, %parallel_loop3A_896] {strides = array<i32>} : memref<14x4x8x128xf32, #tpu.memory_space<vmem>>, vector<16xf32>,
      tpu.vector_store %arg27[%parallel_loop3A_893, %parallel_loop3A_894, %parallel_loop3A_895, %parallel_loop3A_896], %parallel_loop3A_890 {strides = array<i32>} : memref<14x4x8x128xf32, #tpu.memory_space<vmem>>, vector<16xf32>,
      %parallel_loop3A_898 = arith.constant 2 : i32
      %parallel_loop3A_899 = arith.index_cast %parallel_loop3A_143 : i32 to index
      %parallel_loop3A_900 = arith.index_cast %parallel_loop3A_898 : i32 to index
      %parallel_loop3A_901 = arith.index_cast %parallel_loop3A_161 : i32 to index
      %parallel_loop3A_902 = tpu.vector_load %arg20[%parallel_loop3A_899, %parallel_loop3A_900, %parallel_loop3A_901] {strides = array<i32>} : memref<4x4x128xf32, #tpu.memory_space<vmem>>, vector<16xf32>,
      %parallel_loop3A_903 = arith.constant 7 : i32
      %parallel_loop3A_904 = arith.constant 2 : i32
      %parallel_loop3A_905 = arith.index_cast %parallel_loop3A_903 : i32 to index
      %parallel_loop3A_906 = arith.index_cast %parallel_loop3A_143 : i32 to index
      %parallel_loop3A_907 = arith.index_cast %parallel_loop3A_904 : i32 to index
      %parallel_loop3A_908 = arith.index_cast %parallel_loop3A_161 : i32 to index
      %parallel_loop3A_909 = tpu.vector_load %arg27[%parallel_loop3A_905, %parallel_loop3A_906, %parallel_loop3A_907, %parallel_loop3A_908] {strides = array<i32>} : memref<14x4x8x128xf32, #tpu.memory_space<vmem>>, vector<16xf32>,
      tpu.vector_store %arg27[%parallel_loop3A_905, %parallel_loop3A_906, %parallel_loop3A_907, %parallel_loop3A_908], %parallel_loop3A_902 {strides = array<i32>} : memref<14x4x8x128xf32, #tpu.memory_space<vmem>>, vector<16xf32>,
      %parallel_loop3A_910 = arith.constant 3 : i32
      %parallel_loop3A_911 = arith.index_cast %parallel_loop3A_143 : i32 to index
      %parallel_loop3A_912 = arith.index_cast %parallel_loop3A_910 : i32 to index
      %parallel_loop3A_913 = arith.index_cast %parallel_loop3A_161 : i32 to index
      %parallel_loop3A_914 = tpu.vector_load %arg20[%parallel_loop3A_911, %parallel_loop3A_912, %parallel_loop3A_913] {strides = array<i32>} : memref<4x4x128xf32, #tpu.memory_space<vmem>>, vector<16xf32>,
      %parallel_loop3A_915 = arith.constant 7 : i32
      %parallel_loop3A_916 = arith.constant 3 : i32
      %parallel_loop3A_917 = arith.index_cast %parallel_loop3A_915 : i32 to index
      %parallel_loop3A_918 = arith.index_cast %parallel_loop3A_143 : i32 to index
      %parallel_loop3A_919 = arith.index_cast %parallel_loop3A_916 : i32 to index
      %parallel_loop3A_920 = arith.index_cast %parallel_loop3A_161 : i32 to index
      %parallel_loop3A_921 = tpu.vector_load %arg27[%parallel_loop3A_917, %parallel_loop3A_918, %parallel_loop3A_919, %parallel_loop3A_920] {strides = array<i32>} : memref<14x4x8x128xf32, #tpu.memory_space<vmem>>, vector<16xf32>,
      tpu.vector_store %arg27[%parallel_loop3A_917, %parallel_loop3A_918, %parallel_loop3A_919, %parallel_loop3A_920], %parallel_loop3A_914 {strides = array<i32>} : memref<14x4x8x128xf32, #tpu.memory_space<vmem>>, vector<16xf32>,
      %parallel_loop3A_922 = arith.constant 0 : i32
      %parallel_loop3A_923 = arith.index_cast %parallel_loop3A_143 : i32 to index
      %parallel_loop3A_924 = arith.index_cast %parallel_loop3A_922 : i32 to index
      %parallel_loop3A_925 = arith.index_cast %parallel_loop3A_161 : i32 to index
      %parallel_loop3A_926 = tpu.vector_load %arg22[%parallel_loop3A_923, %parallel_loop3A_924, %parallel_loop3A_925] {strides = array<i32>} : memref<4x4x128xf32, #tpu.memory_space<vmem>>, vector<16xf32>,
      %parallel_loop3A_927 = arith.constant 7 : i32
      %parallel_loop3A_928 = arith.constant 4 : i32
      %parallel_loop3A_929 = arith.index_cast %parallel_loop3A_927 : i32 to index
      %parallel_loop3A_930 = arith.index_cast %parallel_loop3A_143 : i32 to index
      %parallel_loop3A_931 = arith.index_cast %parallel_loop3A_928 : i32 to index
      %parallel_loop3A_932 = arith.index_cast %parallel_loop3A_161 : i32 to index
      %parallel_loop3A_933 = tpu.vector_load %arg27[%parallel_loop3A_929, %parallel_loop3A_930, %parallel_loop3A_931, %parallel_loop3A_932] {strides = array<i32>} : memref<14x4x8x128xf32, #tpu.memory_space<vmem>>, vector<16xf32>,
      tpu.vector_store %arg27[%parallel_loop3A_929, %parallel_loop3A_930, %parallel_loop3A_931, %parallel_loop3A_932], %parallel_loop3A_926 {strides = array<i32>} : memref<14x4x8x128xf32, #tpu.memory_space<vmem>>, vector<16xf32>,
      %parallel_loop3A_934 = arith.constant 1 : i32
      %parallel_loop3A_935 = arith.index_cast %parallel_loop3A_143 : i32 to index
      %parallel_loop3A_936 = arith.index_cast %parallel_loop3A_934 : i32 to index
      %parallel_loop3A_937 = arith.index_cast %parallel_loop3A_161 : i32 to index
      %parallel_loop3A_938 = tpu.vector_load %arg22[%parallel_loop3A_935, %parallel_loop3A_936, %parallel_loop3A_937] {strides = array<i32>} : memref<4x4x128xf32, #tpu.memory_space<vmem>>, vector<16xf32>,
      %parallel_loop3A_939 = arith.constant 7 : i32
      %parallel_loop3A_940 = arith.constant 5 : i32
      %parallel_loop3A_941 = arith.index_cast %parallel_loop3A_939 : i32 to index
      %parallel_loop3A_942 = arith.index_cast %parallel_loop3A_143 : i32 to index
      %parallel_loop3A_943 = arith.index_cast %parallel_loop3A_940 : i32 to index
      %parallel_loop3A_944 = arith.index_cast %parallel_loop3A_161 : i32 to index
      %parallel_loop3A_945 = tpu.vector_load %arg27[%parallel_loop3A_941, %parallel_loop3A_942, %parallel_loop3A_943, %parallel_loop3A_944] {strides = array<i32>} : memref<14x4x8x128xf32, #tpu.memory_space<vmem>>, vector<16xf32>,
      tpu.vector_store %arg27[%parallel_loop3A_941, %parallel_loop3A_942, %parallel_loop3A_943, %parallel_loop3A_944], %parallel_loop3A_938 {strides = array<i32>} : memref<14x4x8x128xf32, #tpu.memory_space<vmem>>, vector<16xf32>,
      %parallel_loop3A_946 = arith.constant 2 : i32
      %parallel_loop3A_947 = arith.index_cast %parallel_loop3A_143 : i32 to index
      %parallel_loop3A_948 = arith.index_cast %parallel_loop3A_946 : i32 to index
      %parallel_loop3A_949 = arith.index_cast %parallel_loop3A_161 : i32 to index
      %parallel_loop3A_950 = tpu.vector_load %arg22[%parallel_loop3A_947, %parallel_loop3A_948, %parallel_loop3A_949] {strides = array<i32>} : memref<4x4x128xf32, #tpu.memory_space<vmem>>, vector<16xf32>,
      %parallel_loop3A_951 = arith.constant 7 : i32
      %parallel_loop3A_952 = arith.constant 6 : i32
      %parallel_loop3A_953 = arith.index_cast %parallel_loop3A_951 : i32 to index
      %parallel_loop3A_954 = arith.index_cast %parallel_loop3A_143 : i32 to index
      %parallel_loop3A_955 = arith.index_cast %parallel_loop3A_952 : i32 to index
      %parallel_loop3A_956 = arith.index_cast %parallel_loop3A_161 : i32 to index
      %parallel_loop3A_957 = tpu.vector_load %arg27[%parallel_loop3A_953, %parallel_loop3A_954, %parallel_loop3A_955, %parallel_loop3A_956] {strides = array<i32>} : memref<14x4x8x128xf32, #tpu.memory_space<vmem>>, vector<16xf32>,
      tpu.vector_store %arg27[%parallel_loop3A_953, %parallel_loop3A_954, %parallel_loop3A_955, %parallel_loop3A_956], %parallel_loop3A_950 {strides = array<i32>} : memref<14x4x8x128xf32, #tpu.memory_space<vmem>>, vector<16xf32>,
      %parallel_loop3A_958 = arith.constant 0 : i32
      %parallel_loop3A_959 = arith.constant 0 : i32
      %parallel_loop3A_960 = arith.index_cast %parallel_loop3A_958 : i32 to index
      %parallel_loop3A_961 = arith.index_cast %parallel_loop3A_143 : i32 to index
      %parallel_loop3A_962 = arith.index_cast %parallel_loop3A_959 : i32 to index
      %parallel_loop3A_963 = arith.index_cast %parallel_loop3A_161 : i32 to index
      %parallel_loop3A_964 = tpu.vector_load %arg24[%parallel_loop3A_960, %parallel_loop3A_961, %parallel_loop3A_962, %parallel_loop3A_963] {strides = array<i32>} : memref<2x4x8x128xf32, #tpu.memory_space<vmem>>, vector<16xf32>,
      %parallel_loop3A_965 = arith.constant 7 : i32
      %parallel_loop3A_966 = arith.constant 7 : i32
      %parallel_loop3A_967 = arith.index_cast %parallel_loop3A_965 : i32 to index
      %parallel_loop3A_968 = arith.index_cast %parallel_loop3A_143 : i32 to index
      %parallel_loop3A_969 = arith.index_cast %parallel_loop3A_966 : i32 to index
      %parallel_loop3A_970 = arith.index_cast %parallel_loop3A_161 : i32 to index
      %parallel_loop3A_971 = tpu.vector_load %arg27[%parallel_loop3A_967, %parallel_loop3A_968, %parallel_loop3A_969, %parallel_loop3A_970] {strides = array<i32>} : memref<14x4x8x128xf32, #tpu.memory_space<vmem>>, vector<16xf32>,
      tpu.vector_store %arg27[%parallel_loop3A_967, %parallel_loop3A_968, %parallel_loop3A_969, %parallel_loop3A_970], %parallel_loop3A_964 {strides = array<i32>} : memref<14x4x8x128xf32, #tpu.memory_space<vmem>>, vector<16xf32>,
      %parallel_loop3A_972 = arith.constant 0 : i32
      %parallel_loop3A_973 = arith.constant 1 : i32
      %parallel_loop3A_974 = arith.index_cast %parallel_loop3A_972 : i32 to index
      %parallel_loop3A_975 = arith.index_cast %parallel_loop3A_143 : i32 to index
      %parallel_loop3A_976 = arith.index_cast %parallel_loop3A_973 : i32 to index
      %parallel_loop3A_977 = arith.index_cast %parallel_loop3A_161 : i32 to index
      %parallel_loop3A_978 = tpu.vector_load %arg24[%parallel_loop3A_974, %parallel_loop3A_975, %parallel_loop3A_976, %parallel_loop3A_977] {strides = array<i32>} : memref<2x4x8x128xf32, #tpu.memory_space<vmem>>, vector<16xf32>,
      %parallel_loop3A_979 = arith.constant 8 : i32
      %parallel_loop3A_980 = arith.constant 0 : i32
      %parallel_loop3A_981 = arith.index_cast %parallel_loop3A_979 : i32 to index
      %parallel_loop3A_982 = arith.index_cast %parallel_loop3A_143 : i32 to index
      %parallel_loop3A_983 = arith.index_cast %parallel_loop3A_980 : i32 to index
      %parallel_loop3A_984 = arith.index_cast %parallel_loop3A_161 : i32 to index
      %parallel_loop3A_985 = tpu.vector_load %arg27[%parallel_loop3A_981, %parallel_loop3A_982, %parallel_loop3A_983, %parallel_loop3A_984] {strides = array<i32>} : memref<14x4x8x128xf32, #tpu.memory_space<vmem>>, vector<16xf32>,
      tpu.vector_store %arg27[%parallel_loop3A_981, %parallel_loop3A_982, %parallel_loop3A_983, %parallel_loop3A_984], %parallel_loop3A_978 {strides = array<i32>} : memref<14x4x8x128xf32, #tpu.memory_space<vmem>>, vector<16xf32>,
      %parallel_loop3A_986 = arith.constant 0 : i32
      %parallel_loop3A_987 = arith.constant 2 : i32
      %parallel_loop3A_988 = arith.index_cast %parallel_loop3A_986 : i32 to index
      %parallel_loop3A_989 = arith.index_cast %parallel_loop3A_143 : i32 to index
      %parallel_loop3A_990 = arith.index_cast %parallel_loop3A_987 : i32 to index
      %parallel_loop3A_991 = arith.index_cast %parallel_loop3A_161 : i32 to index
      %parallel_loop3A_992 = tpu.vector_load %arg24[%parallel_loop3A_988, %parallel_loop3A_989, %parallel_loop3A_990, %parallel_loop3A_991] {strides = array<i32>} : memref<2x4x8x128xf32, #tpu.memory_space<vmem>>, vector<16xf32>,
      %parallel_loop3A_993 = arith.constant 8 : i32
      %parallel_loop3A_994 = arith.constant 1 : i32
      %parallel_loop3A_995 = arith.index_cast %parallel_loop3A_993 : i32 to index
      %parallel_loop3A_996 = arith.index_cast %parallel_loop3A_143 : i32 to index
      %parallel_loop3A_997 = arith.index_cast %parallel_loop3A_994 : i32 to index
      %parallel_loop3A_998 = arith.index_cast %parallel_loop3A_161 : i32 to index
      %parallel_loop3A_999 = tpu.vector_load %arg27[%parallel_loop3A_995, %parallel_loop3A_996, %parallel_loop3A_997, %parallel_loop3A_998] {strides = array<i32>} : memref<14x4x8x128xf32, #tpu.memory_space<vmem>>, vector<16xf32>,
      tpu.vector_store %arg27[%parallel_loop3A_995, %parallel_loop3A_996, %parallel_loop3A_997, %parallel_loop3A_998], %parallel_loop3A_992 {strides = array<i32>} : memref<14x4x8x128xf32, #tpu.memory_space<vmem>>, vector<16xf32>,
      %parallel_loop3A_1000 = arith.constant 0 : i32
      %parallel_loop3A_1001 = arith.constant 3 : i32
      %parallel_loop3A_1002 = arith.index_cast %parallel_loop3A_1000 : i32 to index
      %parallel_loop3A_1003 = arith.index_cast %parallel_loop3A_143 : i32 to index
      %parallel_loop3A_1004 = arith.index_cast %parallel_loop3A_1001 : i32 to index
      %parallel_loop3A_1005 = arith.index_cast %parallel_loop3A_161 : i32 to index
      %parallel_loop3A_1006 = tpu.vector_load %arg24[%parallel_loop3A_1002, %parallel_loop3A_1003, %parallel_loop3A_1004, %parallel_loop3A_1005] {strides = array<i32>} : memref<2x4x8x128xf32, #tpu.memory_space<vmem>>, vector<16xf32>,
      %parallel_loop3A_1007 = arith.constant 8 : i32
      %parallel_loop3A_1008 = arith.constant 2 : i32
      %parallel_loop3A_1009 = arith.index_cast %parallel_loop3A_1007 : i32 to index
      %parallel_loop3A_1010 = arith.index_cast %parallel_loop3A_143 : i32 to index
      %parallel_loop3A_1011 = arith.index_cast %parallel_loop3A_1008 : i32 to index
      %parallel_loop3A_1012 = arith.index_cast %parallel_loop3A_161 : i32 to index
      %parallel_loop3A_1013 = tpu.vector_load %arg27[%parallel_loop3A_1009, %parallel_loop3A_1010, %parallel_loop3A_1011, %parallel_loop3A_1012] {strides = array<i32>} : memref<14x4x8x128xf32, #tpu.memory_space<vmem>>, vector<16xf32>,
      tpu.vector_store %arg27[%parallel_loop3A_1009, %parallel_loop3A_1010, %parallel_loop3A_1011, %parallel_loop3A_1012], %parallel_loop3A_1006 {strides = array<i32>} : memref<14x4x8x128xf32, #tpu.memory_space<vmem>>, vector<16xf32>,
      %parallel_loop3A_1014 = arith.constant 0 : i32
      %parallel_loop3A_1015 = arith.constant 4 : i32
      %parallel_loop3A_1016 = arith.index_cast %parallel_loop3A_1014 : i32 to index
      %parallel_loop3A_1017 = arith.index_cast %parallel_loop3A_143 : i32 to index
      %parallel_loop3A_1018 = arith.index_cast %parallel_loop3A_1015 : i32 to index
      %parallel_loop3A_1019 = arith.index_cast %parallel_loop3A_161 : i32 to index
      %parallel_loop3A_1020 = tpu.vector_load %arg24[%parallel_loop3A_1016, %parallel_loop3A_1017, %parallel_loop3A_1018, %parallel_loop3A_1019] {strides = array<i32>} : memref<2x4x8x128xf32, #tpu.memory_space<vmem>>, vector<16xf32>,
      %parallel_loop3A_1021 = arith.constant 8 : i32
      %parallel_loop3A_1022 = arith.constant 3 : i32
      %parallel_loop3A_1023 = arith.index_cast %parallel_loop3A_1021 : i32 to index
      %parallel_loop3A_1024 = arith.index_cast %parallel_loop3A_143 : i32 to index
      %parallel_loop3A_1025 = arith.index_cast %parallel_loop3A_1022 : i32 to index
      %parallel_loop3A_1026 = arith.index_cast %parallel_loop3A_161 : i32 to index
      %parallel_loop3A_1027 = tpu.vector_load %arg27[%parallel_loop3A_1023, %parallel_loop3A_1024, %parallel_loop3A_1025, %parallel_loop3A_1026] {strides = array<i32>} : memref<14x4x8x128xf32, #tpu.memory_space<vmem>>, vector<16xf32>,
      tpu.vector_store %arg27[%parallel_loop3A_1023, %parallel_loop3A_1024, %parallel_loop3A_1025, %parallel_loop3A_1026], %parallel_loop3A_1020 {strides = array<i32>} : memref<14x4x8x128xf32, #tpu.memory_space<vmem>>, vector<16xf32>,
      %parallel_loop3A_1028 = arith.constant 0 : i32
      %parallel_loop3A_1029 = arith.constant 5 : i32
      %parallel_loop3A_1030 = arith.index_cast %parallel_loop3A_1028 : i32 to index
      %parallel_loop3A_1031 = arith.index_cast %parallel_loop3A_143 : i32 to index
      %parallel_loop3A_1032 = arith.index_cast %parallel_loop3A_1029 : i32 to index
      %parallel_loop3A_1033 = arith.index_cast %parallel_loop3A_161 : i32 to index
      %parallel_loop3A_1034 = tpu.vector_load %arg24[%parallel_loop3A_1030, %parallel_loop3A_1031, %parallel_loop3A_1032, %parallel_loop3A_1033] {strides = array<i32>} : memref<2x4x8x128xf32, #tpu.memory_space<vmem>>, vector<16xf32>,
      %parallel_loop3A_1035 = arith.constant 8 : i32
      %parallel_loop3A_1036 = arith.constant 4 : i32
      %parallel_loop3A_1037 = arith.index_cast %parallel_loop3A_1035 : i32 to index
      %parallel_loop3A_1038 = arith.index_cast %parallel_loop3A_143 : i32 to index
      %parallel_loop3A_1039 = arith.index_cast %parallel_loop3A_1036 : i32 to index
      %parallel_loop3A_1040 = arith.index_cast %parallel_loop3A_161 : i32 to index
      %parallel_loop3A_1041 = tpu.vector_load %arg27[%parallel_loop3A_1037, %parallel_loop3A_1038, %parallel_loop3A_1039, %parallel_loop3A_1040] {strides = array<i32>} : memref<14x4x8x128xf32, #tpu.memory_space<vmem>>, vector<16xf32>,
      tpu.vector_store %arg27[%parallel_loop3A_1037, %parallel_loop3A_1038, %parallel_loop3A_1039, %parallel_loop3A_1040], %parallel_loop3A_1034 {strides = array<i32>} : memref<14x4x8x128xf32, #tpu.memory_space<vmem>>, vector<16xf32>,
      %parallel_loop3A_1042 = arith.constant 0 : i32
      %parallel_loop3A_1043 = arith.constant 6 : i32
      %parallel_loop3A_1044 = arith.index_cast %parallel_loop3A_1042 : i32 to index
      %parallel_loop3A_1045 = arith.index_cast %parallel_loop3A_143 : i32 to index
      %parallel_loop3A_1046 = arith.index_cast %parallel_loop3A_1043 : i32 to index
      %parallel_loop3A_1047 = arith.index_cast %parallel_loop3A_161 : i32 to index
      %parallel_loop3A_1048 = tpu.vector_load %arg24[%parallel_loop3A_1044, %parallel_loop3A_1045, %parallel_loop3A_1046, %parallel_loop3A_1047] {strides = array<i32>} : memref<2x4x8x128xf32, #tpu.memory_space<vmem>>, vector<16xf32>,
      %parallel_loop3A_1049 = arith.constant 8 : i32
      %parallel_loop3A_1050 = arith.constant 5 : i32
      %parallel_loop3A_1051 = arith.index_cast %parallel_loop3A_1049 : i32 to index
      %parallel_loop3A_1052 = arith.index_cast %parallel_loop3A_143 : i32 to index
      %parallel_loop3A_1053 = arith.index_cast %parallel_loop3A_1050 : i32 to index
      %parallel_loop3A_1054 = arith.index_cast %parallel_loop3A_161 : i32 to index
      %parallel_loop3A_1055 = tpu.vector_load %arg27[%parallel_loop3A_1051, %parallel_loop3A_1052, %parallel_loop3A_1053, %parallel_loop3A_1054] {strides = array<i32>} : memref<14x4x8x128xf32, #tpu.memory_space<vmem>>, vector<16xf32>,
      tpu.vector_store %arg27[%parallel_loop3A_1051, %parallel_loop3A_1052, %parallel_loop3A_1053, %parallel_loop3A_1054], %parallel_loop3A_1048 {strides = array<i32>} : memref<14x4x8x128xf32, #tpu.memory_space<vmem>>, vector<16xf32>,
      %parallel_loop3A_1056 = arith.constant 0 : i32
      %parallel_loop3A_1057 = arith.constant 7 : i32
      %parallel_loop3A_1058 = arith.index_cast %parallel_loop3A_1056 : i32 to index
      %parallel_loop3A_1059 = arith.index_cast %parallel_loop3A_143 : i32 to index
      %parallel_loop3A_1060 = arith.index_cast %parallel_loop3A_1057 : i32 to index
      %parallel_loop3A_1061 = arith.index_cast %parallel_loop3A_161 : i32 to index
      %parallel_loop3A_1062 = tpu.vector_load %arg24[%parallel_loop3A_1058, %parallel_loop3A_1059, %parallel_loop3A_1060, %parallel_loop3A_1061] {strides = array<i32>} : memref<2x4x8x128xf32, #tpu.memory_space<vmem>>, vector<16xf32>,
      %parallel_loop3A_1063 = arith.constant 8 : i32
      %parallel_loop3A_1064 = arith.constant 6 : i32
      %parallel_loop3A_1065 = arith.index_cast %parallel_loop3A_1063 : i32 to index
      %parallel_loop3A_1066 = arith.index_cast %parallel_loop3A_143 : i32 to index
      %parallel_loop3A_1067 = arith.index_cast %parallel_loop3A_1064 : i32 to index
      %parallel_loop3A_1068 = arith.index_cast %parallel_loop3A_161 : i32 to index
      %parallel_loop3A_1069 = tpu.vector_load %arg27[%parallel_loop3A_1065, %parallel_loop3A_1066, %parallel_loop3A_1067, %parallel_loop3A_1068] {strides = array<i32>} : memref<14x4x8x128xf32, #tpu.memory_space<vmem>>, vector<16xf32>,
      tpu.vector_store %arg27[%parallel_loop3A_1065, %parallel_loop3A_1066, %parallel_loop3A_1067, %parallel_loop3A_1068], %parallel_loop3A_1062 {strides = array<i32>} : memref<14x4x8x128xf32, #tpu.memory_space<vmem>>, vector<16xf32>,
      %parallel_loop3A_1070 = arith.constant 1 : i32
      %parallel_loop3A_1071 = arith.constant 0 : i32
      %parallel_loop3A_1072 = arith.index_cast %parallel_loop3A_1070 : i32 to index
      %parallel_loop3A_1073 = arith.index_cast %parallel_loop3A_143 : i32 to index
      %parallel_loop3A_1074 = arith.index_cast %parallel_loop3A_1071 : i32 to index
      %parallel_loop3A_1075 = arith.index_cast %parallel_loop3A_161 : i32 to index
      %parallel_loop3A_1076 = tpu.vector_load %arg24[%parallel_loop3A_1072, %parallel_loop3A_1073, %parallel_loop3A_1074, %parallel_loop3A_1075] {strides = array<i32>} : memref<2x4x8x128xf32, #tpu.memory_space<vmem>>, vector<16xf32>,
      %parallel_loop3A_1077 = arith.constant 8 : i32
      %parallel_loop3A_1078 = arith.constant 7 : i32
      %parallel_loop3A_1079 = arith.index_cast %parallel_loop3A_1077 : i32 to index
      %parallel_loop3A_1080 = arith.index_cast %parallel_loop3A_143 : i32 to index
      %parallel_loop3A_1081 = arith.index_cast %parallel_loop3A_1078 : i32 to index
      %parallel_loop3A_1082 = arith.index_cast %parallel_loop3A_161 : i32 to index
      %parallel_loop3A_1083 = tpu.vector_load %arg27[%parallel_loop3A_1079, %parallel_loop3A_1080, %parallel_loop3A_1081, %parallel_loop3A_1082] {strides = array<i32>} : memref<14x4x8x128xf32, #tpu.memory_space<vmem>>, vector<16xf32>,
      tpu.vector_store %arg27[%parallel_loop3A_1079, %parallel_loop3A_1080, %parallel_loop3A_1081, %parallel_loop3A_1082], %parallel_loop3A_1076 {strides = array<i32>} : memref<14x4x8x128xf32, #tpu.memory_space<vmem>>, vector<16xf32>,
      %parallel_loop3A_1084 = arith.constant 1 : i32
      %parallel_loop3A_1085 = arith.constant 1 : i32
      %parallel_loop3A_1086 = arith.index_cast %parallel_loop3A_1084 : i32 to index
      %parallel_loop3A_1087 = arith.index_cast %parallel_loop3A_143 : i32 to index
      %parallel_loop3A_1088 = arith.index_cast %parallel_loop3A_1085 : i32 to index
      %parallel_loop3A_1089 = arith.index_cast %parallel_loop3A_161 : i32 to index
      %parallel_loop3A_1090 = tpu.vector_load %arg24[%parallel_loop3A_1086, %parallel_loop3A_1087, %parallel_loop3A_1088, %parallel_loop3A_1089] {strides = array<i32>} : memref<2x4x8x128xf32, #tpu.memory_space<vmem>>, vector<16xf32>,
      %parallel_loop3A_1091 = arith.constant 9 : i32
      %parallel_loop3A_1092 = arith.constant 0 : i32
      %parallel_loop3A_1093 = arith.index_cast %parallel_loop3A_1091 : i32 to index
      %parallel_loop3A_1094 = arith.index_cast %parallel_loop3A_143 : i32 to index
      %parallel_loop3A_1095 = arith.index_cast %parallel_loop3A_1092 : i32 to index
      %parallel_loop3A_1096 = arith.index_cast %parallel_loop3A_161 : i32 to index
      %parallel_loop3A_1097 = tpu.vector_load %arg27[%parallel_loop3A_1093, %parallel_loop3A_1094, %parallel_loop3A_1095, %parallel_loop3A_1096] {strides = array<i32>} : memref<14x4x8x128xf32, #tpu.memory_space<vmem>>, vector<16xf32>,
      tpu.vector_store %arg27[%parallel_loop3A_1093, %parallel_loop3A_1094, %parallel_loop3A_1095, %parallel_loop3A_1096], %parallel_loop3A_1090 {strides = array<i32>} : memref<14x4x8x128xf32, #tpu.memory_space<vmem>>, vector<16xf32>,
      %parallel_loop3A_1098 = arith.constant 1 : i32
      %parallel_loop3A_1099 = arith.constant 2 : i32
      %parallel_loop3A_1100 = arith.index_cast %parallel_loop3A_1098 : i32 to index
      %parallel_loop3A_1101 = arith.index_cast %parallel_loop3A_143 : i32 to index
      %parallel_loop3A_1102 = arith.index_cast %parallel_loop3A_1099 : i32 to index
      %parallel_loop3A_1103 = arith.index_cast %parallel_loop3A_161 : i32 to index
      %parallel_loop3A_1104 = tpu.vector_load %arg24[%parallel_loop3A_1100, %parallel_loop3A_1101, %parallel_loop3A_1102, %parallel_loop3A_1103] {strides = array<i32>} : memref<2x4x8x128xf32, #tpu.memory_space<vmem>>, vector<16xf32>,
      %parallel_loop3A_1105 = arith.constant 9 : i32
      %parallel_loop3A_1106 = arith.constant 1 : i32
      %parallel_loop3A_1107 = arith.index_cast %parallel_loop3A_1105 : i32 to index
      %parallel_loop3A_1108 = arith.index_cast %parallel_loop3A_143 : i32 to index
      %parallel_loop3A_1109 = arith.index_cast %parallel_loop3A_1106 : i32 to index
      %parallel_loop3A_1110 = arith.index_cast %parallel_loop3A_161 : i32 to index
      %parallel_loop3A_1111 = tpu.vector_load %arg27[%parallel_loop3A_1107, %parallel_loop3A_1108, %parallel_loop3A_1109, %parallel_loop3A_1110] {strides = array<i32>} : memref<14x4x8x128xf32, #tpu.memory_space<vmem>>, vector<16xf32>,
      tpu.vector_store %arg27[%parallel_loop3A_1107, %parallel_loop3A_1108, %parallel_loop3A_1109, %parallel_loop3A_1110], %parallel_loop3A_1104 {strides = array<i32>} : memref<14x4x8x128xf32, #tpu.memory_space<vmem>>, vector<16xf32>,
      %parallel_loop3A_1112 = arith.constant 1 : i32
      %parallel_loop3A_1113 = arith.constant 3 : i32
      %parallel_loop3A_1114 = arith.index_cast %parallel_loop3A_1112 : i32 to index
      %parallel_loop3A_1115 = arith.index_cast %parallel_loop3A_143 : i32 to index
      %parallel_loop3A_1116 = arith.index_cast %parallel_loop3A_1113 : i32 to index
      %parallel_loop3A_1117 = arith.index_cast %parallel_loop3A_161 : i32 to index
      %parallel_loop3A_1118 = tpu.vector_load %arg24[%parallel_loop3A_1114, %parallel_loop3A_1115, %parallel_loop3A_1116, %parallel_loop3A_1117] {strides = array<i32>} : memref<2x4x8x128xf32, #tpu.memory_space<vmem>>, vector<16xf32>,
      %parallel_loop3A_1119 = arith.constant 9 : i32
      %parallel_loop3A_1120 = arith.constant 2 : i32
      %parallel_loop3A_1121 = arith.index_cast %parallel_loop3A_1119 : i32 to index
      %parallel_loop3A_1122 = arith.index_cast %parallel_loop3A_143 : i32 to index
      %parallel_loop3A_1123 = arith.index_cast %parallel_loop3A_1120 : i32 to index
      %parallel_loop3A_1124 = arith.index_cast %parallel_loop3A_161 : i32 to index
      %parallel_loop3A_1125 = tpu.vector_load %arg27[%parallel_loop3A_1121, %parallel_loop3A_1122, %parallel_loop3A_1123, %parallel_loop3A_1124] {strides = array<i32>} : memref<14x4x8x128xf32, #tpu.memory_space<vmem>>, vector<16xf32>,
      tpu.vector_store %arg27[%parallel_loop3A_1121, %parallel_loop3A_1122, %parallel_loop3A_1123, %parallel_loop3A_1124], %parallel_loop3A_1118 {strides = array<i32>} : memref<14x4x8x128xf32, #tpu.memory_space<vmem>>, vector<16xf32>,
      %parallel_loop3A_1126 = arith.constant 1 : i32
      %parallel_loop3A_1127 = arith.constant 4 : i32
      %parallel_loop3A_1128 = arith.index_cast %parallel_loop3A_1126 : i32 to index
      %parallel_loop3A_1129 = arith.index_cast %parallel_loop3A_143 : i32 to index
      %parallel_loop3A_1130 = arith.index_cast %parallel_loop3A_1127 : i32 to index
      %parallel_loop3A_1131 = arith.index_cast %parallel_loop3A_161 : i32 to index
      %parallel_loop3A_1132 = tpu.vector_load %arg24[%parallel_loop3A_1128, %parallel_loop3A_1129, %parallel_loop3A_1130, %parallel_loop3A_1131] {strides = array<i32>} : memref<2x4x8x128xf32, #tpu.memory_space<vmem>>, vector<16xf32>,
      %parallel_loop3A_1133 = arith.constant 9 : i32
      %parallel_loop3A_1134 = arith.constant 3 : i32
      %parallel_loop3A_1135 = arith.index_cast %parallel_loop3A_1133 : i32 to index
      %parallel_loop3A_1136 = arith.index_cast %parallel_loop3A_143 : i32 to index
      %parallel_loop3A_1137 = arith.index_cast %parallel_loop3A_1134 : i32 to index
      %parallel_loop3A_1138 = arith.index_cast %parallel_loop3A_161 : i32 to index
      %parallel_loop3A_1139 = tpu.vector_load %arg27[%parallel_loop3A_1135, %parallel_loop3A_1136, %parallel_loop3A_1137, %parallel_loop3A_1138] {strides = array<i32>} : memref<14x4x8x128xf32, #tpu.memory_space<vmem>>, vector<16xf32>,
      tpu.vector_store %arg27[%parallel_loop3A_1135, %parallel_loop3A_1136, %parallel_loop3A_1137, %parallel_loop3A_1138], %parallel_loop3A_1132 {strides = array<i32>} : memref<14x4x8x128xf32, #tpu.memory_space<vmem>>, vector<16xf32>,
      %parallel_loop3A_1140 = arith.constant 0 : i32
      %parallel_loop3A_1141 = vector.broadcast %parallel_loop3A_1140 : i32 to vector<16xi32>
      %parallel_loop3A_1142 = arith.constant 0 : i32
      %parallel_loop3A_1143 = vector.broadcast %parallel_loop3A_1142 : i32 to vector<16xi32>
      %parallel_loop3A_1144 = tpu.vector_load_idx %arg25[%parallel_loop3A_1141, %parallel_loop3A_870, %parallel_loop3A_1143, %parallel_loop3A_873] : memref<4x4x8x128xf32, #tpu.memory_space<vmem>>[vector<16xi32>, vector<16xi32>, vector<16xi32>, vector<16xi32>], vector<16xf32>,
      %parallel_loop3A_1145 = arith.constant 9 : i32
      %parallel_loop3A_1146 = arith.constant 4 : i32
      %parallel_loop3A_1147 = arith.index_cast %parallel_loop3A_1145 : i32 to index
      %parallel_loop3A_1148 = arith.index_cast %parallel_loop3A_143 : i32 to index
      %parallel_loop3A_1149 = arith.index_cast %parallel_loop3A_1146 : i32 to index
      %parallel_loop3A_1150 = arith.index_cast %parallel_loop3A_161 : i32 to index
      %parallel_loop3A_1151 = tpu.vector_load %arg27[%parallel_loop3A_1147, %parallel_loop3A_1148, %parallel_loop3A_1149, %parallel_loop3A_1150] {strides = array<i32>} : memref<14x4x8x128xf32, #tpu.memory_space<vmem>>, vector<16xf32>,
      tpu.vector_store %arg27[%parallel_loop3A_1147, %parallel_loop3A_1148, %parallel_loop3A_1149, %parallel_loop3A_1150], %parallel_loop3A_1144 {strides = array<i32>} : memref<14x4x8x128xf32, #tpu.memory_space<vmem>>, vector<16xf32>,
      %parallel_loop3A_1152 = arith.constant 0 : i32
      %parallel_loop3A_1153 = vector.broadcast %parallel_loop3A_1152 : i32 to vector<16xi32>
      %parallel_loop3A_1154 = arith.constant 1 : i32
      %parallel_loop3A_1155 = vector.broadcast %parallel_loop3A_1154 : i32 to vector<16xi32>
      %parallel_loop3A_1156 = tpu.vector_load_idx %arg25[%parallel_loop3A_1153, %parallel_loop3A_870, %parallel_loop3A_1155, %parallel_loop3A_873] : memref<4x4x8x128xf32, #tpu.memory_space<vmem>>[vector<16xi32>, vector<16xi32>, vector<16xi32>, vector<16xi32>], vector<16xf32>,
      %parallel_loop3A_1157 = arith.constant 9 : i32
      %parallel_loop3A_1158 = arith.constant 5 : i32
      %parallel_loop3A_1159 = arith.index_cast %parallel_loop3A_1157 : i32 to index
      %parallel_loop3A_1160 = arith.index_cast %parallel_loop3A_143 : i32 to index
      %parallel_loop3A_1161 = arith.index_cast %parallel_loop3A_1158 : i32 to index
      %parallel_loop3A_1162 = arith.index_cast %parallel_loop3A_161 : i32 to index
      %parallel_loop3A_1163 = tpu.vector_load %arg27[%parallel_loop3A_1159, %parallel_loop3A_1160, %parallel_loop3A_1161, %parallel_loop3A_1162] {strides = array<i32>} : memref<14x4x8x128xf32, #tpu.memory_space<vmem>>, vector<16xf32>,
      tpu.vector_store %arg27[%parallel_loop3A_1159, %parallel_loop3A_1160, %parallel_loop3A_1161, %parallel_loop3A_1162], %parallel_loop3A_1156 {strides = array<i32>} : memref<14x4x8x128xf32, #tpu.memory_space<vmem>>, vector<16xf32>,
      %parallel_loop3A_1164 = arith.constant 0 : i32
      %parallel_loop3A_1165 = vector.broadcast %parallel_loop3A_1164 : i32 to vector<16xi32>
      %parallel_loop3A_1166 = arith.constant 2 : i32
      %parallel_loop3A_1167 = vector.broadcast %parallel_loop3A_1166 : i32 to vector<16xi32>
      %parallel_loop3A_1168 = tpu.vector_load_idx %arg25[%parallel_loop3A_1165, %parallel_loop3A_870, %parallel_loop3A_1167, %parallel_loop3A_873] : memref<4x4x8x128xf32, #tpu.memory_space<vmem>>[vector<16xi32>, vector<16xi32>, vector<16xi32>, vector<16xi32>], vector<16xf32>,
      %parallel_loop3A_1169 = arith.constant 9 : i32
      %parallel_loop3A_1170 = arith.constant 6 : i32
      %parallel_loop3A_1171 = arith.index_cast %parallel_loop3A_1169 : i32 to index
      %parallel_loop3A_1172 = arith.index_cast %parallel_loop3A_143 : i32 to index
      %parallel_loop3A_1173 = arith.index_cast %parallel_loop3A_1170 : i32 to index
      %parallel_loop3A_1174 = arith.index_cast %parallel_loop3A_161 : i32 to index
      %parallel_loop3A_1175 = tpu.vector_load %arg27[%parallel_loop3A_1171, %parallel_loop3A_1172, %parallel_loop3A_1173, %parallel_loop3A_1174] {strides = array<i32>} : memref<14x4x8x128xf32, #tpu.memory_space<vmem>>, vector<16xf32>,
      tpu.vector_store %arg27[%parallel_loop3A_1171, %parallel_loop3A_1172, %parallel_loop3A_1173, %parallel_loop3A_1174], %parallel_loop3A_1168 {strides = array<i32>} : memref<14x4x8x128xf32, #tpu.memory_space<vmem>>, vector<16xf32>,
      %parallel_loop3A_1176 = arith.constant 0 : i32
      %parallel_loop3A_1177 = vector.broadcast %parallel_loop3A_1176 : i32 to vector<16xi32>
      %parallel_loop3A_1178 = arith.constant 3 : i32
      %parallel_loop3A_1179 = vector.broadcast %parallel_loop3A_1178 : i32 to vector<16xi32>
      %parallel_loop3A_1180 = tpu.vector_load_idx %arg25[%parallel_loop3A_1177, %parallel_loop3A_870, %parallel_loop3A_1179, %parallel_loop3A_873] : memref<4x4x8x128xf32, #tpu.memory_space<vmem>>[vector<16xi32>, vector<16xi32>, vector<16xi32>, vector<16xi32>], vector<16xf32>,
      %parallel_loop3A_1181 = arith.constant 9 : i32
      %parallel_loop3A_1182 = arith.constant 7 : i32
      %parallel_loop3A_1183 = arith.index_cast %parallel_loop3A_1181 : i32 to index
      %parallel_loop3A_1184 = arith.index_cast %parallel_loop3A_143 : i32 to index
      %parallel_loop3A_1185 = arith.index_cast %parallel_loop3A_1182 : i32 to index
      %parallel_loop3A_1186 = arith.index_cast %parallel_loop3A_161 : i32 to index
      %parallel_loop3A_1187 = tpu.vector_load %arg27[%parallel_loop3A_1183, %parallel_loop3A_1184, %parallel_loop3A_1185, %parallel_loop3A_1186] {strides = array<i32>} : memref<14x4x8x128xf32, #tpu.memory_space<vmem>>, vector<16xf32>,
      tpu.vector_store %arg27[%parallel_loop3A_1183, %parallel_loop3A_1184, %parallel_loop3A_1185, %parallel_loop3A_1186], %parallel_loop3A_1180 {strides = array<i32>} : memref<14x4x8x128xf32, #tpu.memory_space<vmem>>, vector<16xf32>,
      %parallel_loop3A_1188 = arith.constant 0 : i32
      %parallel_loop3A_1189 = vector.broadcast %parallel_loop3A_1188 : i32 to vector<16xi32>
      %parallel_loop3A_1190 = arith.constant 4 : i32
      %parallel_loop3A_1191 = vector.broadcast %parallel_loop3A_1190 : i32 to vector<16xi32>
      %parallel_loop3A_1192 = tpu.vector_load_idx %arg25[%parallel_loop3A_1189, %parallel_loop3A_870, %parallel_loop3A_1191, %parallel_loop3A_873] : memref<4x4x8x128xf32, #tpu.memory_space<vmem>>[vector<16xi32>, vector<16xi32>, vector<16xi32>, vector<16xi32>], vector<16xf32>,
      %parallel_loop3A_1193 = arith.constant 10 : i32
      %parallel_loop3A_1194 = arith.constant 0 : i32
      %parallel_loop3A_1195 = arith.index_cast %parallel_loop3A_1193 : i32 to index
      %parallel_loop3A_1196 = arith.index_cast %parallel_loop3A_143 : i32 to index
      %parallel_loop3A_1197 = arith.index_cast %parallel_loop3A_1194 : i32 to index
      %parallel_loop3A_1198 = arith.index_cast %parallel_loop3A_161 : i32 to index
      %parallel_loop3A_1199 = tpu.vector_load %arg27[%parallel_loop3A_1195, %parallel_loop3A_1196, %parallel_loop3A_1197, %parallel_loop3A_1198] {strides = array<i32>} : memref<14x4x8x128xf32, #tpu.memory_space<vmem>>, vector<16xf32>,
      tpu.vector_store %arg27[%parallel_loop3A_1195, %parallel_loop3A_1196, %parallel_loop3A_1197, %parallel_loop3A_1198], %parallel_loop3A_1192 {strides = array<i32>} : memref<14x4x8x128xf32, #tpu.memory_space<vmem>>, vector<16xf32>,
      %parallel_loop3A_1200 = arith.constant 0 : i32
      %parallel_loop3A_1201 = vector.broadcast %parallel_loop3A_1200 : i32 to vector<16xi32>
      %parallel_loop3A_1202 = arith.constant 5 : i32
      %parallel_loop3A_1203 = vector.broadcast %parallel_loop3A_1202 : i32 to vector<16xi32>
      %parallel_loop3A_1204 = tpu.vector_load_idx %arg25[%parallel_loop3A_1201, %parallel_loop3A_870, %parallel_loop3A_1203, %parallel_loop3A_873] : memref<4x4x8x128xf32, #tpu.memory_space<vmem>>[vector<16xi32>, vector<16xi32>, vector<16xi32>, vector<16xi32>], vector<16xf32>,
      %parallel_loop3A_1205 = arith.constant 10 : i32
      %parallel_loop3A_1206 = arith.constant 1 : i32
      %parallel_loop3A_1207 = arith.index_cast %parallel_loop3A_1205 : i32 to index
      %parallel_loop3A_1208 = arith.index_cast %parallel_loop3A_143 : i32 to index
      %parallel_loop3A_1209 = arith.index_cast %parallel_loop3A_1206 : i32 to index
      %parallel_loop3A_1210 = arith.index_cast %parallel_loop3A_161 : i32 to index
      %parallel_loop3A_1211 = tpu.vector_load %arg27[%parallel_loop3A_1207, %parallel_loop3A_1208, %parallel_loop3A_1209, %parallel_loop3A_1210] {strides = array<i32>} : memref<14x4x8x128xf32, #tpu.memory_space<vmem>>, vector<16xf32>,
      tpu.vector_store %arg27[%parallel_loop3A_1207, %parallel_loop3A_1208, %parallel_loop3A_1209, %parallel_loop3A_1210], %parallel_loop3A_1204 {strides = array<i32>} : memref<14x4x8x128xf32, #tpu.memory_space<vmem>>, vector<16xf32>,
      %parallel_loop3A_1212 = arith.constant 0 : i32
      %parallel_loop3A_1213 = vector.broadcast %parallel_loop3A_1212 : i32 to vector<16xi32>
      %parallel_loop3A_1214 = arith.constant 6 : i32
      %parallel_loop3A_1215 = vector.broadcast %parallel_loop3A_1214 : i32 to vector<16xi32>
      %parallel_loop3A_1216 = tpu.vector_load_idx %arg25[%parallel_loop3A_1213, %parallel_loop3A_870, %parallel_loop3A_1215, %parallel_loop3A_873] : memref<4x4x8x128xf32, #tpu.memory_space<vmem>>[vector<16xi32>, vector<16xi32>, vector<16xi32>, vector<16xi32>], vector<16xf32>,
      %parallel_loop3A_1217 = arith.constant 10 : i32
      %parallel_loop3A_1218 = arith.constant 2 : i32
      %parallel_loop3A_1219 = arith.index_cast %parallel_loop3A_1217 : i32 to index
      %parallel_loop3A_1220 = arith.index_cast %parallel_loop3A_143 : i32 to index
      %parallel_loop3A_1221 = arith.index_cast %parallel_loop3A_1218 : i32 to index
      %parallel_loop3A_1222 = arith.index_cast %parallel_loop3A_161 : i32 to index
      %parallel_loop3A_1223 = tpu.vector_load %arg27[%parallel_loop3A_1219, %parallel_loop3A_1220, %parallel_loop3A_1221, %parallel_loop3A_1222] {strides = array<i32>} : memref<14x4x8x128xf32, #tpu.memory_space<vmem>>, vector<16xf32>,
      tpu.vector_store %arg27[%parallel_loop3A_1219, %parallel_loop3A_1220, %parallel_loop3A_1221, %parallel_loop3A_1222], %parallel_loop3A_1216 {strides = array<i32>} : memref<14x4x8x128xf32, #tpu.memory_space<vmem>>, vector<16xf32>,
      %parallel_loop3A_1224 = arith.constant 0 : i32
      %parallel_loop3A_1225 = vector.broadcast %parallel_loop3A_1224 : i32 to vector<16xi32>
      %parallel_loop3A_1226 = arith.constant 7 : i32
      %parallel_loop3A_1227 = vector.broadcast %parallel_loop3A_1226 : i32 to vector<16xi32>
      %parallel_loop3A_1228 = tpu.vector_load_idx %arg25[%parallel_loop3A_1225, %parallel_loop3A_870, %parallel_loop3A_1227, %parallel_loop3A_873] : memref<4x4x8x128xf32, #tpu.memory_space<vmem>>[vector<16xi32>, vector<16xi32>, vector<16xi32>, vector<16xi32>], vector<16xf32>,
      %parallel_loop3A_1229 = arith.constant 10 : i32
      %parallel_loop3A_1230 = arith.constant 3 : i32
      %parallel_loop3A_1231 = arith.index_cast %parallel_loop3A_1229 : i32 to index
      %parallel_loop3A_1232 = arith.index_cast %parallel_loop3A_143 : i32 to index
      %parallel_loop3A_1233 = arith.index_cast %parallel_loop3A_1230 : i32 to index
      %parallel_loop3A_1234 = arith.index_cast %parallel_loop3A_161 : i32 to index
      %parallel_loop3A_1235 = tpu.vector_load %arg27[%parallel_loop3A_1231, %parallel_loop3A_1232, %parallel_loop3A_1233, %parallel_loop3A_1234] {strides = array<i32>} : memref<14x4x8x128xf32, #tpu.memory_space<vmem>>, vector<16xf32>,
      tpu.vector_store %arg27[%parallel_loop3A_1231, %parallel_loop3A_1232, %parallel_loop3A_1233, %parallel_loop3A_1234], %parallel_loop3A_1228 {strides = array<i32>} : memref<14x4x8x128xf32, #tpu.memory_space<vmem>>, vector<16xf32>,
      %parallel_loop3A_1236 = arith.constant 1 : i32
      %parallel_loop3A_1237 = vector.broadcast %parallel_loop3A_1236 : i32 to vector<16xi32>
      %parallel_loop3A_1238 = arith.constant 0 : i32
      %parallel_loop3A_1239 = vector.broadcast %parallel_loop3A_1238 : i32 to vector<16xi32>
      %parallel_loop3A_1240 = tpu.vector_load_idx %arg25[%parallel_loop3A_1237, %parallel_loop3A_870, %parallel_loop3A_1239, %parallel_loop3A_873] : memref<4x4x8x128xf32, #tpu.memory_space<vmem>>[vector<16xi32>, vector<16xi32>, vector<16xi32>, vector<16xi32>], vector<16xf32>,
      %parallel_loop3A_1241 = arith.constant 10 : i32
      %parallel_loop3A_1242 = arith.constant 4 : i32
      %parallel_loop3A_1243 = arith.index_cast %parallel_loop3A_1241 : i32 to index
      %parallel_loop3A_1244 = arith.index_cast %parallel_loop3A_143 : i32 to index
      %parallel_loop3A_1245 = arith.index_cast %parallel_loop3A_1242 : i32 to index
      %parallel_loop3A_1246 = arith.index_cast %parallel_loop3A_161 : i32 to index
      %parallel_loop3A_1247 = tpu.vector_load %arg27[%parallel_loop3A_1243, %parallel_loop3A_1244, %parallel_loop3A_1245, %parallel_loop3A_1246] {strides = array<i32>} : memref<14x4x8x128xf32, #tpu.memory_space<vmem>>, vector<16xf32>,
      tpu.vector_store %arg27[%parallel_loop3A_1243, %parallel_loop3A_1244, %parallel_loop3A_1245, %parallel_loop3A_1246], %parallel_loop3A_1240 {strides = array<i32>} : memref<14x4x8x128xf32, #tpu.memory_space<vmem>>, vector<16xf32>,
      %parallel_loop3A_1248 = arith.constant 1 : i32
      %parallel_loop3A_1249 = vector.broadcast %parallel_loop3A_1248 : i32 to vector<16xi32>
      %parallel_loop3A_1250 = arith.constant 1 : i32
      %parallel_loop3A_1251 = vector.broadcast %parallel_loop3A_1250 : i32 to vector<16xi32>
      %parallel_loop3A_1252 = tpu.vector_load_idx %arg25[%parallel_loop3A_1249, %parallel_loop3A_870, %parallel_loop3A_1251, %parallel_loop3A_873] : memref<4x4x8x128xf32, #tpu.memory_space<vmem>>[vector<16xi32>, vector<16xi32>, vector<16xi32>, vector<16xi32>], vector<16xf32>,
      %parallel_loop3A_1253 = arith.constant 10 : i32
      %parallel_loop3A_1254 = arith.constant 5 : i32
      %parallel_loop3A_1255 = arith.index_cast %parallel_loop3A_1253 : i32 to index
      %parallel_loop3A_1256 = arith.index_cast %parallel_loop3A_143 : i32 to index
      %parallel_loop3A_1257 = arith.index_cast %parallel_loop3A_1254 : i32 to index
      %parallel_loop3A_1258 = arith.index_cast %parallel_loop3A_161 : i32 to index
      %parallel_loop3A_1259 = tpu.vector_load %arg27[%parallel_loop3A_1255, %parallel_loop3A_1256, %parallel_loop3A_1257, %parallel_loop3A_1258] {strides = array<i32>} : memref<14x4x8x128xf32, #tpu.memory_space<vmem>>, vector<16xf32>,
      tpu.vector_store %arg27[%parallel_loop3A_1255, %parallel_loop3A_1256, %parallel_loop3A_1257, %parallel_loop3A_1258], %parallel_loop3A_1252 {strides = array<i32>} : memref<14x4x8x128xf32, #tpu.memory_space<vmem>>, vector<16xf32>,
      %parallel_loop3A_1260 = arith.constant 1 : i32
      %parallel_loop3A_1261 = vector.broadcast %parallel_loop3A_1260 : i32 to vector<16xi32>
      %parallel_loop3A_1262 = arith.constant 2 : i32
      %parallel_loop3A_1263 = vector.broadcast %parallel_loop3A_1262 : i32 to vector<16xi32>
      %parallel_loop3A_1264 = tpu.vector_load_idx %arg25[%parallel_loop3A_1261, %parallel_loop3A_870, %parallel_loop3A_1263, %parallel_loop3A_873] : memref<4x4x8x128xf32, #tpu.memory_space<vmem>>[vector<16xi32>, vector<16xi32>, vector<16xi32>, vector<16xi32>], vector<16xf32>,
      %parallel_loop3A_1265 = arith.constant 10 : i32
      %parallel_loop3A_1266 = arith.constant 6 : i32
      %parallel_loop3A_1267 = arith.index_cast %parallel_loop3A_1265 : i32 to index
      %parallel_loop3A_1268 = arith.index_cast %parallel_loop3A_143 : i32 to index
      %parallel_loop3A_1269 = arith.index_cast %parallel_loop3A_1266 : i32 to index
      %parallel_loop3A_1270 = arith.index_cast %parallel_loop3A_161 : i32 to index
      %parallel_loop3A_1271 = tpu.vector_load %arg27[%parallel_loop3A_1267, %parallel_loop3A_1268, %parallel_loop3A_1269, %parallel_loop3A_1270] {strides = array<i32>} : memref<14x4x8x128xf32, #tpu.memory_space<vmem>>, vector<16xf32>,
      tpu.vector_store %arg27[%parallel_loop3A_1267, %parallel_loop3A_1268, %parallel_loop3A_1269, %parallel_loop3A_1270], %parallel_loop3A_1264 {strides = array<i32>} : memref<14x4x8x128xf32, #tpu.memory_space<vmem>>, vector<16xf32>,
      %parallel_loop3A_1272 = arith.constant 1 : i32
      %parallel_loop3A_1273 = vector.broadcast %parallel_loop3A_1272 : i32 to vector<16xi32>
      %parallel_loop3A_1274 = arith.constant 3 : i32
      %parallel_loop3A_1275 = vector.broadcast %parallel_loop3A_1274 : i32 to vector<16xi32>
      %parallel_loop3A_1276 = tpu.vector_load_idx %arg25[%parallel_loop3A_1273, %parallel_loop3A_870, %parallel_loop3A_1275, %parallel_loop3A_873] : memref<4x4x8x128xf32, #tpu.memory_space<vmem>>[vector<16xi32>, vector<16xi32>, vector<16xi32>, vector<16xi32>], vector<16xf32>,
      %parallel_loop3A_1277 = arith.constant 10 : i32
      %parallel_loop3A_1278 = arith.constant 7 : i32
      %parallel_loop3A_1279 = arith.index_cast %parallel_loop3A_1277 : i32 to index
      %parallel_loop3A_1280 = arith.index_cast %parallel_loop3A_143 : i32 to index
      %parallel_loop3A_1281 = arith.index_cast %parallel_loop3A_1278 : i32 to index
      %parallel_loop3A_1282 = arith.index_cast %parallel_loop3A_161 : i32 to index
      %parallel_loop3A_1283 = tpu.vector_load %arg27[%parallel_loop3A_1279, %parallel_loop3A_1280, %parallel_loop3A_1281, %parallel_loop3A_1282] {strides = array<i32>} : memref<14x4x8x128xf32, #tpu.memory_space<vmem>>, vector<16xf32>,
      tpu.vector_store %arg27[%parallel_loop3A_1279, %parallel_loop3A_1280, %parallel_loop3A_1281, %parallel_loop3A_1282], %parallel_loop3A_1276 {strides = array<i32>} : memref<14x4x8x128xf32, #tpu.memory_space<vmem>>, vector<16xf32>,
      %parallel_loop3A_1284 = arith.constant 1 : i32
      %parallel_loop3A_1285 = vector.broadcast %parallel_loop3A_1284 : i32 to vector<16xi32>
      %parallel_loop3A_1286 = arith.constant 4 : i32
      %parallel_loop3A_1287 = vector.broadcast %parallel_loop3A_1286 : i32 to vector<16xi32>
      %parallel_loop3A_1288 = tpu.vector_load_idx %arg25[%parallel_loop3A_1285, %parallel_loop3A_870, %parallel_loop3A_1287, %parallel_loop3A_873] : memref<4x4x8x128xf32, #tpu.memory_space<vmem>>[vector<16xi32>, vector<16xi32>, vector<16xi32>, vector<16xi32>], vector<16xf32>,
      %parallel_loop3A_1289 = arith.constant 11 : i32
      %parallel_loop3A_1290 = arith.constant 0 : i32
      %parallel_loop3A_1291 = arith.index_cast %parallel_loop3A_1289 : i32 to index
      %parallel_loop3A_1292 = arith.index_cast %parallel_loop3A_143 : i32 to index
      %parallel_loop3A_1293 = arith.index_cast %parallel_loop3A_1290 : i32 to index
      %parallel_loop3A_1294 = arith.index_cast %parallel_loop3A_161 : i32 to index
      %parallel_loop3A_1295 = tpu.vector_load %arg27[%parallel_loop3A_1291, %parallel_loop3A_1292, %parallel_loop3A_1293, %parallel_loop3A_1294] {strides = array<i32>} : memref<14x4x8x128xf32, #tpu.memory_space<vmem>>, vector<16xf32>,
      tpu.vector_store %arg27[%parallel_loop3A_1291, %parallel_loop3A_1292, %parallel_loop3A_1293, %parallel_loop3A_1294], %parallel_loop3A_1288 {strides = array<i32>} : memref<14x4x8x128xf32, #tpu.memory_space<vmem>>, vector<16xf32>,
      %parallel_loop3A_1296 = arith.constant 1 : i32
      %parallel_loop3A_1297 = vector.broadcast %parallel_loop3A_1296 : i32 to vector<16xi32>
      %parallel_loop3A_1298 = arith.constant 5 : i32
      %parallel_loop3A_1299 = vector.broadcast %parallel_loop3A_1298 : i32 to vector<16xi32>
      %parallel_loop3A_1300 = tpu.vector_load_idx %arg25[%parallel_loop3A_1297, %parallel_loop3A_870, %parallel_loop3A_1299, %parallel_loop3A_873] : memref<4x4x8x128xf32, #tpu.memory_space<vmem>>[vector<16xi32>, vector<16xi32>, vector<16xi32>, vector<16xi32>], vector<16xf32>,
      %parallel_loop3A_1301 = arith.constant 11 : i32
      %parallel_loop3A_1302 = arith.constant 1 : i32
      %parallel_loop3A_1303 = arith.index_cast %parallel_loop3A_1301 : i32 to index
      %parallel_loop3A_1304 = arith.index_cast %parallel_loop3A_143 : i32 to index
      %parallel_loop3A_1305 = arith.index_cast %parallel_loop3A_1302 : i32 to index
      %parallel_loop3A_1306 = arith.index_cast %parallel_loop3A_161 : i32 to index
      %parallel_loop3A_1307 = tpu.vector_load %arg27[%parallel_loop3A_1303, %parallel_loop3A_1304, %parallel_loop3A_1305, %parallel_loop3A_1306] {strides = array<i32>} : memref<14x4x8x128xf32, #tpu.memory_space<vmem>>, vector<16xf32>,
      tpu.vector_store %arg27[%parallel_loop3A_1303, %parallel_loop3A_1304, %parallel_loop3A_1305, %parallel_loop3A_1306], %parallel_loop3A_1300 {strides = array<i32>} : memref<14x4x8x128xf32, #tpu.memory_space<vmem>>, vector<16xf32>,
      %parallel_loop3A_1308 = arith.constant 1 : i32
      %parallel_loop3A_1309 = vector.broadcast %parallel_loop3A_1308 : i32 to vector<16xi32>
      %parallel_loop3A_1310 = arith.constant 6 : i32
      %parallel_loop3A_1311 = vector.broadcast %parallel_loop3A_1310 : i32 to vector<16xi32>
      %parallel_loop3A_1312 = tpu.vector_load_idx %arg25[%parallel_loop3A_1309, %parallel_loop3A_870, %parallel_loop3A_1311, %parallel_loop3A_873] : memref<4x4x8x128xf32, #tpu.memory_space<vmem>>[vector<16xi32>, vector<16xi32>, vector<16xi32>, vector<16xi32>], vector<16xf32>,
      %parallel_loop3A_1313 = arith.constant 11 : i32
      %parallel_loop3A_1314 = arith.constant 2 : i32
      %parallel_loop3A_1315 = arith.index_cast %parallel_loop3A_1313 : i32 to index
      %parallel_loop3A_1316 = arith.index_cast %parallel_loop3A_143 : i32 to index
      %parallel_loop3A_1317 = arith.index_cast %parallel_loop3A_1314 : i32 to index
      %parallel_loop3A_1318 = arith.index_cast %parallel_loop3A_161 : i32 to index
      %parallel_loop3A_1319 = tpu.vector_load %arg27[%parallel_loop3A_1315, %parallel_loop3A_1316, %parallel_loop3A_1317, %parallel_loop3A_1318] {strides = array<i32>} : memref<14x4x8x128xf32, #tpu.memory_space<vmem>>, vector<16xf32>,
      tpu.vector_store %arg27[%parallel_loop3A_1315, %parallel_loop3A_1316, %parallel_loop3A_1317, %parallel_loop3A_1318], %parallel_loop3A_1312 {strides = array<i32>} : memref<14x4x8x128xf32, #tpu.memory_space<vmem>>, vector<16xf32>,
      %parallel_loop3A_1320 = arith.constant 1 : i32
      %parallel_loop3A_1321 = vector.broadcast %parallel_loop3A_1320 : i32 to vector<16xi32>
      %parallel_loop3A_1322 = arith.constant 7 : i32
      %parallel_loop3A_1323 = vector.broadcast %parallel_loop3A_1322 : i32 to vector<16xi32>
      %parallel_loop3A_1324 = tpu.vector_load_idx %arg25[%parallel_loop3A_1321, %parallel_loop3A_870, %parallel_loop3A_1323, %parallel_loop3A_873] : memref<4x4x8x128xf32, #tpu.memory_space<vmem>>[vector<16xi32>, vector<16xi32>, vector<16xi32>, vector<16xi32>], vector<16xf32>,
      %parallel_loop3A_1325 = arith.constant 11 : i32
      %parallel_loop3A_1326 = arith.constant 3 : i32
      %parallel_loop3A_1327 = arith.index_cast %parallel_loop3A_1325 : i32 to index
      %parallel_loop3A_1328 = arith.index_cast %parallel_loop3A_143 : i32 to index
      %parallel_loop3A_1329 = arith.index_cast %parallel_loop3A_1326 : i32 to index
      %parallel_loop3A_1330 = arith.index_cast %parallel_loop3A_161 : i32 to index
      %parallel_loop3A_1331 = tpu.vector_load %arg27[%parallel_loop3A_1327, %parallel_loop3A_1328, %parallel_loop3A_1329, %parallel_loop3A_1330] {strides = array<i32>} : memref<14x4x8x128xf32, #tpu.memory_space<vmem>>, vector<16xf32>,
      tpu.vector_store %arg27[%parallel_loop3A_1327, %parallel_loop3A_1328, %parallel_loop3A_1329, %parallel_loop3A_1330], %parallel_loop3A_1324 {strides = array<i32>} : memref<14x4x8x128xf32, #tpu.memory_space<vmem>>, vector<16xf32>,
      %parallel_loop3A_1332 = arith.constant 2 : i32
      %parallel_loop3A_1333 = vector.broadcast %parallel_loop3A_1332 : i32 to vector<16xi32>
      %parallel_loop3A_1334 = arith.constant 0 : i32
      %parallel_loop3A_1335 = vector.broadcast %parallel_loop3A_1334 : i32 to vector<16xi32>
      %parallel_loop3A_1336 = tpu.vector_load_idx %arg25[%parallel_loop3A_1333, %parallel_loop3A_870, %parallel_loop3A_1335, %parallel_loop3A_873] : memref<4x4x8x128xf32, #tpu.memory_space<vmem>>[vector<16xi32>, vector<16xi32>, vector<16xi32>, vector<16xi32>], vector<16xf32>,
      %parallel_loop3A_1337 = arith.constant 11 : i32
      %parallel_loop3A_1338 = arith.constant 4 : i32
      %parallel_loop3A_1339 = arith.index_cast %parallel_loop3A_1337 : i32 to index
      %parallel_loop3A_1340 = arith.index_cast %parallel_loop3A_143 : i32 to index
      %parallel_loop3A_1341 = arith.index_cast %parallel_loop3A_1338 : i32 to index
      %parallel_loop3A_1342 = arith.index_cast %parallel_loop3A_161 : i32 to index
      %parallel_loop3A_1343 = tpu.vector_load %arg27[%parallel_loop3A_1339, %parallel_loop3A_1340, %parallel_loop3A_1341, %parallel_loop3A_1342] {strides = array<i32>} : memref<14x4x8x128xf32, #tpu.memory_space<vmem>>, vector<16xf32>,
      tpu.vector_store %arg27[%parallel_loop3A_1339, %parallel_loop3A_1340, %parallel_loop3A_1341, %parallel_loop3A_1342], %parallel_loop3A_1336 {strides = array<i32>} : memref<14x4x8x128xf32, #tpu.memory_space<vmem>>, vector<16xf32>,
      %parallel_loop3A_1344 = arith.constant 2 : i32
      %parallel_loop3A_1345 = vector.broadcast %parallel_loop3A_1344 : i32 to vector<16xi32>
      %parallel_loop3A_1346 = arith.constant 1 : i32
      %parallel_loop3A_1347 = vector.broadcast %parallel_loop3A_1346 : i32 to vector<16xi32>
      %parallel_loop3A_1348 = tpu.vector_load_idx %arg25[%parallel_loop3A_1345, %parallel_loop3A_870, %parallel_loop3A_1347, %parallel_loop3A_873] : memref<4x4x8x128xf32, #tpu.memory_space<vmem>>[vector<16xi32>, vector<16xi32>, vector<16xi32>, vector<16xi32>], vector<16xf32>,
      %parallel_loop3A_1349 = arith.constant 11 : i32
      %parallel_loop3A_1350 = arith.constant 5 : i32
      %parallel_loop3A_1351 = arith.index_cast %parallel_loop3A_1349 : i32 to index
      %parallel_loop3A_1352 = arith.index_cast %parallel_loop3A_143 : i32 to index
      %parallel_loop3A_1353 = arith.index_cast %parallel_loop3A_1350 : i32 to index
      %parallel_loop3A_1354 = arith.index_cast %parallel_loop3A_161 : i32 to index
      %parallel_loop3A_1355 = tpu.vector_load %arg27[%parallel_loop3A_1351, %parallel_loop3A_1352, %parallel_loop3A_1353, %parallel_loop3A_1354] {strides = array<i32>} : memref<14x4x8x128xf32, #tpu.memory_space<vmem>>, vector<16xf32>,
      tpu.vector_store %arg27[%parallel_loop3A_1351, %parallel_loop3A_1352, %parallel_loop3A_1353, %parallel_loop3A_1354], %parallel_loop3A_1348 {strides = array<i32>} : memref<14x4x8x128xf32, #tpu.memory_space<vmem>>, vector<16xf32>,
      %parallel_loop3A_1356 = arith.constant 2 : i32
      %parallel_loop3A_1357 = vector.broadcast %parallel_loop3A_1356 : i32 to vector<16xi32>
      %parallel_loop3A_1358 = arith.constant 2 : i32
      %parallel_loop3A_1359 = vector.broadcast %parallel_loop3A_1358 : i32 to vector<16xi32>
      %parallel_loop3A_1360 = tpu.vector_load_idx %arg25[%parallel_loop3A_1357, %parallel_loop3A_870, %parallel_loop3A_1359, %parallel_loop3A_873] : memref<4x4x8x128xf32, #tpu.memory_space<vmem>>[vector<16xi32>, vector<16xi32>, vector<16xi32>, vector<16xi32>], vector<16xf32>,
      %parallel_loop3A_1361 = arith.constant 11 : i32
      %parallel_loop3A_1362 = arith.constant 6 : i32
      %parallel_loop3A_1363 = arith.index_cast %parallel_loop3A_1361 : i32 to index
      %parallel_loop3A_1364 = arith.index_cast %parallel_loop3A_143 : i32 to index
      %parallel_loop3A_1365 = arith.index_cast %parallel_loop3A_1362 : i32 to index
      %parallel_loop3A_1366 = arith.index_cast %parallel_loop3A_161 : i32 to index
      %parallel_loop3A_1367 = tpu.vector_load %arg27[%parallel_loop3A_1363, %parallel_loop3A_1364, %parallel_loop3A_1365, %parallel_loop3A_1366] {strides = array<i32>} : memref<14x4x8x128xf32, #tpu.memory_space<vmem>>, vector<16xf32>,
      tpu.vector_store %arg27[%parallel_loop3A_1363, %parallel_loop3A_1364, %parallel_loop3A_1365, %parallel_loop3A_1366], %parallel_loop3A_1360 {strides = array<i32>} : memref<14x4x8x128xf32, #tpu.memory_space<vmem>>, vector<16xf32>,
      %parallel_loop3A_1368 = arith.constant 2 : i32
      %parallel_loop3A_1369 = vector.broadcast %parallel_loop3A_1368 : i32 to vector<16xi32>
      %parallel_loop3A_1370 = arith.constant 3 : i32
      %parallel_loop3A_1371 = vector.broadcast %parallel_loop3A_1370 : i32 to vector<16xi32>
      %parallel_loop3A_1372 = tpu.vector_load_idx %arg25[%parallel_loop3A_1369, %parallel_loop3A_870, %parallel_loop3A_1371, %parallel_loop3A_873] : memref<4x4x8x128xf32, #tpu.memory_space<vmem>>[vector<16xi32>, vector<16xi32>, vector<16xi32>, vector<16xi32>], vector<16xf32>,
      %parallel_loop3A_1373 = arith.constant 11 : i32
      %parallel_loop3A_1374 = arith.constant 7 : i32
      %parallel_loop3A_1375 = arith.index_cast %parallel_loop3A_1373 : i32 to index
      %parallel_loop3A_1376 = arith.index_cast %parallel_loop3A_143 : i32 to index
      %parallel_loop3A_1377 = arith.index_cast %parallel_loop3A_1374 : i32 to index
      %parallel_loop3A_1378 = arith.index_cast %parallel_loop3A_161 : i32 to index
      %parallel_loop3A_1379 = tpu.vector_load %arg27[%parallel_loop3A_1375, %parallel_loop3A_1376, %parallel_loop3A_1377, %parallel_loop3A_1378] {strides = array<i32>} : memref<14x4x8x128xf32, #tpu.memory_space<vmem>>, vector<16xf32>,
      tpu.vector_store %arg27[%parallel_loop3A_1375, %parallel_loop3A_1376, %parallel_loop3A_1377, %parallel_loop3A_1378], %parallel_loop3A_1372 {strides = array<i32>} : memref<14x4x8x128xf32, #tpu.memory_space<vmem>>, vector<16xf32>,
      %parallel_loop3A_1380 = arith.constant 2 : i32
      %parallel_loop3A_1381 = vector.broadcast %parallel_loop3A_1380 : i32 to vector<16xi32>
      %parallel_loop3A_1382 = arith.constant 4 : i32
      %parallel_loop3A_1383 = vector.broadcast %parallel_loop3A_1382 : i32 to vector<16xi32>
      %parallel_loop3A_1384 = tpu.vector_load_idx %arg25[%parallel_loop3A_1381, %parallel_loop3A_870, %parallel_loop3A_1383, %parallel_loop3A_873] : memref<4x4x8x128xf32, #tpu.memory_space<vmem>>[vector<16xi32>, vector<16xi32>, vector<16xi32>, vector<16xi32>], vector<16xf32>,
      %parallel_loop3A_1385 = arith.constant 12 : i32
      %parallel_loop3A_1386 = arith.constant 0 : i32
      %parallel_loop3A_1387 = arith.index_cast %parallel_loop3A_1385 : i32 to index
      %parallel_loop3A_1388 = arith.index_cast %parallel_loop3A_143 : i32 to index
      %parallel_loop3A_1389 = arith.index_cast %parallel_loop3A_1386 : i32 to index
      %parallel_loop3A_1390 = arith.index_cast %parallel_loop3A_161 : i32 to index
      %parallel_loop3A_1391 = tpu.vector_load %arg27[%parallel_loop3A_1387, %parallel_loop3A_1388, %parallel_loop3A_1389, %parallel_loop3A_1390] {strides = array<i32>} : memref<14x4x8x128xf32, #tpu.memory_space<vmem>>, vector<16xf32>,
      tpu.vector_store %arg27[%parallel_loop3A_1387, %parallel_loop3A_1388, %parallel_loop3A_1389, %parallel_loop3A_1390], %parallel_loop3A_1384 {strides = array<i32>} : memref<14x4x8x128xf32, #tpu.memory_space<vmem>>, vector<16xf32>,
      %parallel_loop3A_1392 = arith.constant 2 : i32
      %parallel_loop3A_1393 = vector.broadcast %parallel_loop3A_1392 : i32 to vector<16xi32>
      %parallel_loop3A_1394 = arith.constant 5 : i32
      %parallel_loop3A_1395 = vector.broadcast %parallel_loop3A_1394 : i32 to vector<16xi32>
      %parallel_loop3A_1396 = tpu.vector_load_idx %arg25[%parallel_loop3A_1393, %parallel_loop3A_870, %parallel_loop3A_1395, %parallel_loop3A_873] : memref<4x4x8x128xf32, #tpu.memory_space<vmem>>[vector<16xi32>, vector<16xi32>, vector<16xi32>, vector<16xi32>], vector<16xf32>,
      %parallel_loop3A_1397 = arith.constant 12 : i32
      %parallel_loop3A_1398 = arith.constant 1 : i32
      %parallel_loop3A_1399 = arith.index_cast %parallel_loop3A_1397 : i32 to index
      %parallel_loop3A_1400 = arith.index_cast %parallel_loop3A_143 : i32 to index
      %parallel_loop3A_1401 = arith.index_cast %parallel_loop3A_1398 : i32 to index
      %parallel_loop3A_1402 = arith.index_cast %parallel_loop3A_161 : i32 to index
      %parallel_loop3A_1403 = tpu.vector_load %arg27[%parallel_loop3A_1399, %parallel_loop3A_1400, %parallel_loop3A_1401, %parallel_loop3A_1402] {strides = array<i32>} : memref<14x4x8x128xf32, #tpu.memory_space<vmem>>, vector<16xf32>,
      tpu.vector_store %arg27[%parallel_loop3A_1399, %parallel_loop3A_1400, %parallel_loop3A_1401, %parallel_loop3A_1402], %parallel_loop3A_1396 {strides = array<i32>} : memref<14x4x8x128xf32, #tpu.memory_space<vmem>>, vector<16xf32>,
      %parallel_loop3A_1404 = arith.constant 2 : i32
      %parallel_loop3A_1405 = vector.broadcast %parallel_loop3A_1404 : i32 to vector<16xi32>
      %parallel_loop3A_1406 = arith.constant 6 : i32
      %parallel_loop3A_1407 = vector.broadcast %parallel_loop3A_1406 : i32 to vector<16xi32>
      %parallel_loop3A_1408 = tpu.vector_load_idx %arg25[%parallel_loop3A_1405, %parallel_loop3A_870, %parallel_loop3A_1407, %parallel_loop3A_873] : memref<4x4x8x128xf32, #tpu.memory_space<vmem>>[vector<16xi32>, vector<16xi32>, vector<16xi32>, vector<16xi32>], vector<16xf32>,
      %parallel_loop3A_1409 = arith.constant 12 : i32
      %parallel_loop3A_1410 = arith.constant 2 : i32
      %parallel_loop3A_1411 = arith.index_cast %parallel_loop3A_1409 : i32 to index
      %parallel_loop3A_1412 = arith.index_cast %parallel_loop3A_143 : i32 to index
      %parallel_loop3A_1413 = arith.index_cast %parallel_loop3A_1410 : i32 to index
      %parallel_loop3A_1414 = arith.index_cast %parallel_loop3A_161 : i32 to index
      %parallel_loop3A_1415 = tpu.vector_load %arg27[%parallel_loop3A_1411, %parallel_loop3A_1412, %parallel_loop3A_1413, %parallel_loop3A_1414] {strides = array<i32>} : memref<14x4x8x128xf32, #tpu.memory_space<vmem>>, vector<16xf32>,
      tpu.vector_store %arg27[%parallel_loop3A_1411, %parallel_loop3A_1412, %parallel_loop3A_1413, %parallel_loop3A_1414], %parallel_loop3A_1408 {strides = array<i32>} : memref<14x4x8x128xf32, #tpu.memory_space<vmem>>, vector<16xf32>,
      %parallel_loop3A_1416 = arith.constant 2 : i32
      %parallel_loop3A_1417 = vector.broadcast %parallel_loop3A_1416 : i32 to vector<16xi32>
      %parallel_loop3A_1418 = arith.constant 7 : i32
      %parallel_loop3A_1419 = vector.broadcast %parallel_loop3A_1418 : i32 to vector<16xi32>
      %parallel_loop3A_1420 = tpu.vector_load_idx %arg25[%parallel_loop3A_1417, %parallel_loop3A_870, %parallel_loop3A_1419, %parallel_loop3A_873] : memref<4x4x8x128xf32, #tpu.memory_space<vmem>>[vector<16xi32>, vector<16xi32>, vector<16xi32>, vector<16xi32>], vector<16xf32>,
      %parallel_loop3A_1421 = arith.constant 12 : i32
      %parallel_loop3A_1422 = arith.constant 3 : i32
      %parallel_loop3A_1423 = arith.index_cast %parallel_loop3A_1421 : i32 to index
      %parallel_loop3A_1424 = arith.index_cast %parallel_loop3A_143 : i32 to index
      %parallel_loop3A_1425 = arith.index_cast %parallel_loop3A_1422 : i32 to index
      %parallel_loop3A_1426 = arith.index_cast %parallel_loop3A_161 : i32 to index
      %parallel_loop3A_1427 = tpu.vector_load %arg27[%parallel_loop3A_1423, %parallel_loop3A_1424, %parallel_loop3A_1425, %parallel_loop3A_1426] {strides = array<i32>} : memref<14x4x8x128xf32, #tpu.memory_space<vmem>>, vector<16xf32>,
      tpu.vector_store %arg27[%parallel_loop3A_1423, %parallel_loop3A_1424, %parallel_loop3A_1425, %parallel_loop3A_1426], %parallel_loop3A_1420 {strides = array<i32>} : memref<14x4x8x128xf32, #tpu.memory_space<vmem>>, vector<16xf32>,
      %parallel_loop3A_1428 = arith.constant 3 : i32
      %parallel_loop3A_1429 = vector.broadcast %parallel_loop3A_1428 : i32 to vector<16xi32>
      %parallel_loop3A_1430 = arith.constant 0 : i32
      %parallel_loop3A_1431 = vector.broadcast %parallel_loop3A_1430 : i32 to vector<16xi32>
      %parallel_loop3A_1432 = tpu.vector_load_idx %arg25[%parallel_loop3A_1429, %parallel_loop3A_870, %parallel_loop3A_1431, %parallel_loop3A_873] : memref<4x4x8x128xf32, #tpu.memory_space<vmem>>[vector<16xi32>, vector<16xi32>, vector<16xi32>, vector<16xi32>], vector<16xf32>,
      %parallel_loop3A_1433 = arith.constant 12 : i32
      %parallel_loop3A_1434 = arith.constant 4 : i32
      %parallel_loop3A_1435 = arith.index_cast %parallel_loop3A_1433 : i32 to index
      %parallel_loop3A_1436 = arith.index_cast %parallel_loop3A_143 : i32 to index
      %parallel_loop3A_1437 = arith.index_cast %parallel_loop3A_1434 : i32 to index
      %parallel_loop3A_1438 = arith.index_cast %parallel_loop3A_161 : i32 to index
      %parallel_loop3A_1439 = tpu.vector_load %arg27[%parallel_loop3A_1435, %parallel_loop3A_1436, %parallel_loop3A_1437, %parallel_loop3A_1438] {strides = array<i32>} : memref<14x4x8x128xf32, #tpu.memory_space<vmem>>, vector<16xf32>,
      tpu.vector_store %arg27[%parallel_loop3A_1435, %parallel_loop3A_1436, %parallel_loop3A_1437, %parallel_loop3A_1438], %parallel_loop3A_1432 {strides = array<i32>} : memref<14x4x8x128xf32, #tpu.memory_space<vmem>>, vector<16xf32>,
      %parallel_loop3A_1440 = arith.constant 3 : i32
      %parallel_loop3A_1441 = vector.broadcast %parallel_loop3A_1440 : i32 to vector<16xi32>
      %parallel_loop3A_1442 = arith.constant 1 : i32
      %parallel_loop3A_1443 = vector.broadcast %parallel_loop3A_1442 : i32 to vector<16xi32>
      %parallel_loop3A_1444 = tpu.vector_load_idx %arg25[%parallel_loop3A_1441, %parallel_loop3A_870, %parallel_loop3A_1443, %parallel_loop3A_873] : memref<4x4x8x128xf32, #tpu.memory_space<vmem>>[vector<16xi32>, vector<16xi32>, vector<16xi32>, vector<16xi32>], vector<16xf32>,
      %parallel_loop3A_1445 = arith.constant 12 : i32
      %parallel_loop3A_1446 = arith.constant 5 : i32
      %parallel_loop3A_1447 = arith.index_cast %parallel_loop3A_1445 : i32 to index
      %parallel_loop3A_1448 = arith.index_cast %parallel_loop3A_143 : i32 to index
      %parallel_loop3A_1449 = arith.index_cast %parallel_loop3A_1446 : i32 to index
      %parallel_loop3A_1450 = arith.index_cast %parallel_loop3A_161 : i32 to index
      %parallel_loop3A_1451 = tpu.vector_load %arg27[%parallel_loop3A_1447, %parallel_loop3A_1448, %parallel_loop3A_1449, %parallel_loop3A_1450] {strides = array<i32>} : memref<14x4x8x128xf32, #tpu.memory_space<vmem>>, vector<16xf32>,
      tpu.vector_store %arg27[%parallel_loop3A_1447, %parallel_loop3A_1448, %parallel_loop3A_1449, %parallel_loop3A_1450], %parallel_loop3A_1444 {strides = array<i32>} : memref<14x4x8x128xf32, #tpu.memory_space<vmem>>, vector<16xf32>,
      %parallel_loop3A_1452 = arith.constant 3 : i32
      %parallel_loop3A_1453 = vector.broadcast %parallel_loop3A_1452 : i32 to vector<16xi32>
      %parallel_loop3A_1454 = arith.constant 2 : i32
      %parallel_loop3A_1455 = vector.broadcast %parallel_loop3A_1454 : i32 to vector<16xi32>
      %parallel_loop3A_1456 = tpu.vector_load_idx %arg25[%parallel_loop3A_1453, %parallel_loop3A_870, %parallel_loop3A_1455, %parallel_loop3A_873] : memref<4x4x8x128xf32, #tpu.memory_space<vmem>>[vector<16xi32>, vector<16xi32>, vector<16xi32>, vector<16xi32>], vector<16xf32>,
      %parallel_loop3A_1457 = arith.constant 12 : i32
      %parallel_loop3A_1458 = arith.constant 6 : i32
      %parallel_loop3A_1459 = arith.index_cast %parallel_loop3A_1457 : i32 to index
      %parallel_loop3A_1460 = arith.index_cast %parallel_loop3A_143 : i32 to index
      %parallel_loop3A_1461 = arith.index_cast %parallel_loop3A_1458 : i32 to index
      %parallel_loop3A_1462 = arith.index_cast %parallel_loop3A_161 : i32 to index
      %parallel_loop3A_1463 = tpu.vector_load %arg27[%parallel_loop3A_1459, %parallel_loop3A_1460, %parallel_loop3A_1461, %parallel_loop3A_1462] {strides = array<i32>} : memref<14x4x8x128xf32, #tpu.memory_space<vmem>>, vector<16xf32>,
      tpu.vector_store %arg27[%parallel_loop3A_1459, %parallel_loop3A_1460, %parallel_loop3A_1461, %parallel_loop3A_1462], %parallel_loop3A_1456 {strides = array<i32>} : memref<14x4x8x128xf32, #tpu.memory_space<vmem>>, vector<16xf32>,
      %parallel_loop3A_1464 = arith.constant 3 : i32
      %parallel_loop3A_1465 = vector.broadcast %parallel_loop3A_1464 : i32 to vector<16xi32>
      %parallel_loop3A_1466 = arith.constant 3 : i32
      %parallel_loop3A_1467 = vector.broadcast %parallel_loop3A_1466 : i32 to vector<16xi32>
      %parallel_loop3A_1468 = tpu.vector_load_idx %arg25[%parallel_loop3A_1465, %parallel_loop3A_870, %parallel_loop3A_1467, %parallel_loop3A_873] : memref<4x4x8x128xf32, #tpu.memory_space<vmem>>[vector<16xi32>, vector<16xi32>, vector<16xi32>, vector<16xi32>], vector<16xf32>,
      %parallel_loop3A_1469 = arith.constant 12 : i32
      %parallel_loop3A_1470 = arith.constant 7 : i32
      %parallel_loop3A_1471 = arith.index_cast %parallel_loop3A_1469 : i32 to index
      %parallel_loop3A_1472 = arith.index_cast %parallel_loop3A_143 : i32 to index
      %parallel_loop3A_1473 = arith.index_cast %parallel_loop3A_1470 : i32 to index
      %parallel_loop3A_1474 = arith.index_cast %parallel_loop3A_161 : i32 to index
      %parallel_loop3A_1475 = tpu.vector_load %arg27[%parallel_loop3A_1471, %parallel_loop3A_1472, %parallel_loop3A_1473, %parallel_loop3A_1474] {strides = array<i32>} : memref<14x4x8x128xf32, #tpu.memory_space<vmem>>, vector<16xf32>,
      tpu.vector_store %arg27[%parallel_loop3A_1471, %parallel_loop3A_1472, %parallel_loop3A_1473, %parallel_loop3A_1474], %parallel_loop3A_1468 {strides = array<i32>} : memref<14x4x8x128xf32, #tpu.memory_space<vmem>>, vector<16xf32>,
      %parallel_loop3A_1476 = arith.constant 3 : i32
      %parallel_loop3A_1477 = vector.broadcast %parallel_loop3A_1476 : i32 to vector<16xi32>
      %parallel_loop3A_1478 = arith.constant 4 : i32
      %parallel_loop3A_1479 = vector.broadcast %parallel_loop3A_1478 : i32 to vector<16xi32>
      %parallel_loop3A_1480 = tpu.vector_load_idx %arg25[%parallel_loop3A_1477, %parallel_loop3A_870, %parallel_loop3A_1479, %parallel_loop3A_873] : memref<4x4x8x128xf32, #tpu.memory_space<vmem>>[vector<16xi32>, vector<16xi32>, vector<16xi32>, vector<16xi32>], vector<16xf32>,
      %parallel_loop3A_1481 = arith.constant 13 : i32
      %parallel_loop3A_1482 = arith.constant 0 : i32
      %parallel_loop3A_1483 = arith.index_cast %parallel_loop3A_1481 : i32 to index
      %parallel_loop3A_1484 = arith.index_cast %parallel_loop3A_143 : i32 to index
      %parallel_loop3A_1485 = arith.index_cast %parallel_loop3A_1482 : i32 to index
      %parallel_loop3A_1486 = arith.index_cast %parallel_loop3A_161 : i32 to index
      %parallel_loop3A_1487 = tpu.vector_load %arg27[%parallel_loop3A_1483, %parallel_loop3A_1484, %parallel_loop3A_1485, %parallel_loop3A_1486] {strides = array<i32>} : memref<14x4x8x128xf32, #tpu.memory_space<vmem>>, vector<16xf32>,
      tpu.vector_store %arg27[%parallel_loop3A_1483, %parallel_loop3A_1484, %parallel_loop3A_1485, %parallel_loop3A_1486], %parallel_loop3A_1480 {strides = array<i32>} : memref<14x4x8x128xf32, #tpu.memory_space<vmem>>, vector<16xf32>,
      %parallel_loop3A_1488 = arith.constant 3 : i32
      %parallel_loop3A_1489 = vector.broadcast %parallel_loop3A_1488 : i32 to vector<16xi32>
      %parallel_loop3A_1490 = arith.constant 5 : i32
      %parallel_loop3A_1491 = vector.broadcast %parallel_loop3A_1490 : i32 to vector<16xi32>
      %parallel_loop3A_1492 = tpu.vector_load_idx %arg25[%parallel_loop3A_1489, %parallel_loop3A_870, %parallel_loop3A_1491, %parallel_loop3A_873] : memref<4x4x8x128xf32, #tpu.memory_space<vmem>>[vector<16xi32>, vector<16xi32>, vector<16xi32>, vector<16xi32>], vector<16xf32>,
      %parallel_loop3A_1493 = arith.constant 13 : i32
      %parallel_loop3A_1494 = arith.constant 1 : i32
      %parallel_loop3A_1495 = arith.index_cast %parallel_loop3A_1493 : i32 to index
      %parallel_loop3A_1496 = arith.index_cast %parallel_loop3A_143 : i32 to index
      %parallel_loop3A_1497 = arith.index_cast %parallel_loop3A_1494 : i32 to index
      %parallel_loop3A_1498 = arith.index_cast %parallel_loop3A_161 : i32 to index
      %parallel_loop3A_1499 = tpu.vector_load %arg27[%parallel_loop3A_1495, %parallel_loop3A_1496, %parallel_loop3A_1497, %parallel_loop3A_1498] {strides = array<i32>} : memref<14x4x8x128xf32, #tpu.memory_space<vmem>>, vector<16xf32>,
      tpu.vector_store %arg27[%parallel_loop3A_1495, %parallel_loop3A_1496, %parallel_loop3A_1497, %parallel_loop3A_1498], %parallel_loop3A_1492 {strides = array<i32>} : memref<14x4x8x128xf32, #tpu.memory_space<vmem>>, vector<16xf32>,
      %parallel_loop3A_1500 = arith.constant 3 : i32
      %parallel_loop3A_1501 = vector.broadcast %parallel_loop3A_1500 : i32 to vector<16xi32>
      %parallel_loop3A_1502 = arith.constant 6 : i32
      %parallel_loop3A_1503 = vector.broadcast %parallel_loop3A_1502 : i32 to vector<16xi32>
      %parallel_loop3A_1504 = tpu.vector_load_idx %arg25[%parallel_loop3A_1501, %parallel_loop3A_870, %parallel_loop3A_1503, %parallel_loop3A_873] : memref<4x4x8x128xf32, #tpu.memory_space<vmem>>[vector<16xi32>, vector<16xi32>, vector<16xi32>, vector<16xi32>], vector<16xf32>,
      %parallel_loop3A_1505 = arith.constant 13 : i32
      %parallel_loop3A_1506 = arith.constant 2 : i32
      %parallel_loop3A_1507 = arith.index_cast %parallel_loop3A_1505 : i32 to index
      %parallel_loop3A_1508 = arith.index_cast %parallel_loop3A_143 : i32 to index
      %parallel_loop3A_1509 = arith.index_cast %parallel_loop3A_1506 : i32 to index
      %parallel_loop3A_1510 = arith.index_cast %parallel_loop3A_161 : i32 to index
      %parallel_loop3A_1511 = tpu.vector_load %arg27[%parallel_loop3A_1507, %parallel_loop3A_1508, %parallel_loop3A_1509, %parallel_loop3A_1510] {strides = array<i32>} : memref<14x4x8x128xf32, #tpu.memory_space<vmem>>, vector<16xf32>,
      tpu.vector_store %arg27[%parallel_loop3A_1507, %parallel_loop3A_1508, %parallel_loop3A_1509, %parallel_loop3A_1510], %parallel_loop3A_1504 {strides = array<i32>} : memref<14x4x8x128xf32, #tpu.memory_space<vmem>>, vector<16xf32>,
      %parallel_loop3A_1512 = arith.constant 3 : i32
      %parallel_loop3A_1513 = vector.broadcast %parallel_loop3A_1512 : i32 to vector<16xi32>
      %parallel_loop3A_1514 = arith.constant 7 : i32
      %parallel_loop3A_1515 = vector.broadcast %parallel_loop3A_1514 : i32 to vector<16xi32>
      %parallel_loop3A_1516 = tpu.vector_load_idx %arg25[%parallel_loop3A_1513, %parallel_loop3A_870, %parallel_loop3A_1515, %parallel_loop3A_873] : memref<4x4x8x128xf32, #tpu.memory_space<vmem>>[vector<16xi32>, vector<16xi32>, vector<16xi32>, vector<16xi32>], vector<16xf32>,
      %parallel_loop3A_1517 = arith.constant 13 : i32
      %parallel_loop3A_1518 = arith.constant 3 : i32
      %parallel_loop3A_1519 = arith.index_cast %parallel_loop3A_1517 : i32 to index
      %parallel_loop3A_1520 = arith.index_cast %parallel_loop3A_143 : i32 to index
      %parallel_loop3A_1521 = arith.index_cast %parallel_loop3A_1518 : i32 to index
      %parallel_loop3A_1522 = arith.index_cast %parallel_loop3A_161 : i32 to index
      %parallel_loop3A_1523 = tpu.vector_load %arg27[%parallel_loop3A_1519, %parallel_loop3A_1520, %parallel_loop3A_1521, %parallel_loop3A_1522] {strides = array<i32>} : memref<14x4x8x128xf32, #tpu.memory_space<vmem>>, vector<16xf32>,
      tpu.vector_store %arg27[%parallel_loop3A_1519, %parallel_loop3A_1520, %parallel_loop3A_1521, %parallel_loop3A_1522], %parallel_loop3A_1516 {strides = array<i32>} : memref<14x4x8x128xf32, #tpu.memory_space<vmem>>, vector<16xf32>,
      %parallel_loop3A_1524 = arith.constant 0 : i32
      %parallel_loop3A_1525 = vector.broadcast %parallel_loop3A_1524 : i32 to vector<16xi32>
      %parallel_loop3A_1526 = tpu.vector_load_idx %arg26[%parallel_loop3A_1525, %parallel_loop3A_171] : memref<4x128xf32, #tpu.memory_space<vmem>>[vector<16xi32>, vector<16xi32>], vector<16xf32>,
      %parallel_loop3A_1527 = arith.constant 13 : i32
      %parallel_loop3A_1528 = arith.constant 4 : i32
      %parallel_loop3A_1529 = arith.index_cast %parallel_loop3A_1527 : i32 to index
      %parallel_loop3A_1530 = arith.index_cast %parallel_loop3A_143 : i32 to index
      %parallel_loop3A_1531 = arith.index_cast %parallel_loop3A_1528 : i32 to index
      %parallel_loop3A_1532 = arith.index_cast %parallel_loop3A_161 : i32 to index
      %parallel_loop3A_1533 = tpu.vector_load %arg27[%parallel_loop3A_1529, %parallel_loop3A_1530, %parallel_loop3A_1531, %parallel_loop3A_1532] {strides = array<i32>} : memref<14x4x8x128xf32, #tpu.memory_space<vmem>>, vector<16xf32>,
      tpu.vector_store %arg27[%parallel_loop3A_1529, %parallel_loop3A_1530, %parallel_loop3A_1531, %parallel_loop3A_1532], %parallel_loop3A_1526 {strides = array<i32>} : memref<14x4x8x128xf32, #tpu.memory_space<vmem>>, vector<16xf32>,
      %parallel_loop3A_1534 = arith.constant 1 : i32
      %parallel_loop3A_1535 = vector.broadcast %parallel_loop3A_1534 : i32 to vector<16xi32>
      %parallel_loop3A_1536 = tpu.vector_load_idx %arg26[%parallel_loop3A_1535, %parallel_loop3A_171] : memref<4x128xf32, #tpu.memory_space<vmem>>[vector<16xi32>, vector<16xi32>], vector<16xf32>,
      %parallel_loop3A_1537 = arith.constant 13 : i32
      %parallel_loop3A_1538 = arith.constant 5 : i32
      %parallel_loop3A_1539 = arith.index_cast %parallel_loop3A_1537 : i32 to index
      %parallel_loop3A_1540 = arith.index_cast %parallel_loop3A_143 : i32 to index
      %parallel_loop3A_1541 = arith.index_cast %parallel_loop3A_1538 : i32 to index
      %parallel_loop3A_1542 = arith.index_cast %parallel_loop3A_161 : i32 to index
      %parallel_loop3A_1543 = tpu.vector_load %arg27[%parallel_loop3A_1539, %parallel_loop3A_1540, %parallel_loop3A_1541, %parallel_loop3A_1542] {strides = array<i32>} : memref<14x4x8x128xf32, #tpu.memory_space<vmem>>, vector<16xf32>,
      tpu.vector_store %arg27[%parallel_loop3A_1539, %parallel_loop3A_1540, %parallel_loop3A_1541, %parallel_loop3A_1542], %parallel_loop3A_1536 {strides = array<i32>} : memref<14x4x8x128xf32, #tpu.memory_space<vmem>>, vector<16xf32>,
      %parallel_loop3A_1544 = arith.constant 2 : i32
      %parallel_loop3A_1545 = vector.broadcast %parallel_loop3A_1544 : i32 to vector<16xi32>
      %parallel_loop3A_1546 = tpu.vector_load_idx %arg26[%parallel_loop3A_1545, %parallel_loop3A_171] : memref<4x128xf32, #tpu.memory_space<vmem>>[vector<16xi32>, vector<16xi32>], vector<16xf32>,
      %parallel_loop3A_1547 = arith.constant 13 : i32
      %parallel_loop3A_1548 = arith.constant 6 : i32
      %parallel_loop3A_1549 = arith.index_cast %parallel_loop3A_1547 : i32 to index
      %parallel_loop3A_1550 = arith.index_cast %parallel_loop3A_143 : i32 to index
      %parallel_loop3A_1551 = arith.index_cast %parallel_loop3A_1548 : i32 to index
      %parallel_loop3A_1552 = arith.index_cast %parallel_loop3A_161 : i32 to index
      %parallel_loop3A_1553 = tpu.vector_load %arg27[%parallel_loop3A_1549, %parallel_loop3A_1550, %parallel_loop3A_1551, %parallel_loop3A_1552] {strides = array<i32>} : memref<14x4x8x128xf32, #tpu.memory_space<vmem>>, vector<16xf32>,
      tpu.vector_store %arg27[%parallel_loop3A_1549, %parallel_loop3A_1550, %parallel_loop3A_1551, %parallel_loop3A_1552], %parallel_loop3A_1546 {strides = array<i32>} : memref<14x4x8x128xf32, #tpu.memory_space<vmem>>, vector<16xf32>,
      %parallel_loop3A_1554 = arith.constant 3 : i32
      %parallel_loop3A_1555 = vector.broadcast %parallel_loop3A_1554 : i32 to vector<16xi32>
      %parallel_loop3A_1556 = tpu.vector_load_idx %arg26[%parallel_loop3A_1555, %parallel_loop3A_171] : memref<4x128xf32, #tpu.memory_space<vmem>>[vector<16xi32>, vector<16xi32>], vector<16xf32>,
      %parallel_loop3A_1557 = arith.constant 13 : i32
      %parallel_loop3A_1558 = arith.constant 7 : i32
      %parallel_loop3A_1559 = arith.index_cast %parallel_loop3A_1557 : i32 to index
      %parallel_loop3A_1560 = arith.index_cast %parallel_loop3A_143 : i32 to index
      %parallel_loop3A_1561 = arith.index_cast %parallel_loop3A_1558 : i32 to index
      %parallel_loop3A_1562 = arith.index_cast %parallel_loop3A_161 : i32 to index
      %parallel_loop3A_1563 = tpu.vector_load %arg27[%parallel_loop3A_1559, %parallel_loop3A_1560, %parallel_loop3A_1561, %parallel_loop3A_1562] {strides = array<i32>} : memref<14x4x8x128xf32, #tpu.memory_space<vmem>>, vector<16xf32>,
      tpu.vector_store %arg27[%parallel_loop3A_1559, %parallel_loop3A_1560, %parallel_loop3A_1561, %parallel_loop3A_1562], %parallel_loop3A_1556 {strides = array<i32>} : memref<14x4x8x128xf32, #tpu.memory_space<vmem>>, vector<16xf32>,
    } {sc.loop_unroll_factor = 1 : i64, sc.parallel_access}
    %mul3A_101 = arith.constant 4 : i32
    %mul3A_102 = arith.muli %add3A, %mul3A_101 : i32
    %dma_start3A_103 = arith.constant 0 : i32
    %dma_start3A_104 = arith.constant 0 : i32
    %dma_start3A_105 = arith.constant 0 : i32
    %dma_start3A_106 = tpu.memref_slice %arg14[%dma_start3A_103, %mul3A_102, %dma_start3A_104, %dma_start3A_105] : memref<14x128x8x128xf32, #tpu.memory_space<hbm>> -> memref<14x4x8x128xf32, #tpu.memory_space<hbm>>
    %dma_start3A_107 = arith.constant 0 : i32
    %dma_start3A_108 = arith.constant 0 : i32
    %dma_start3A_109 = arith.constant 0 : i32
    %dma_start3A_110 = tpu.memref_slice %arg14[%dma_start3A_107, %mul3A_102, %dma_start3A_108, %dma_start3A_109] : memref<14x128x8x128xf32, #tpu.memory_space<hbm>> -> memref<14x4x8x128xf32, #tpu.memory_space<hbm>>
    tpu.enqueue_dma source(%arg27 : memref<14x4x8x128xf32, #tpu.memory_space<vmem>>) target(%dma_start3A_110 : memref<14x4x8x128xf32, #tpu.memory_space<hbm>>) target_semaphore(%arg29 : memref<!tpu.dma_semaphore, #tpu.memory_space<semaphore_mem>>)
    %dma_wait3A_111 = arith.constant 0 : i32
    %dma_wait3A_112 = arith.constant 0 : i32
    %dma_wait3A_113 = arith.constant 0 : i32
    %dma_wait3A_114 = tpu.memref_slice %arg14[%dma_wait3A_111, %mul3A_102, %dma_wait3A_112, %dma_wait3A_113] : memref<14x128x8x128xf32, #tpu.memory_space<hbm>> -> memref<14x4x8x128xf32, #tpu.memory_space<hbm>>
    %dma_wait3A_115 = arith.constant 0 : i32
    %dma_wait3A_116 = arith.constant 0 : i32
    %dma_wait3A_117 = arith.constant 0 : i32
    %dma_wait3A_118 = tpu.memref_slice %arg14[%dma_wait3A_115, %mul3A_102, %dma_wait3A_116, %dma_wait3A_117] : memref<14x128x8x128xf32, #tpu.memory_space<hbm>> -> memref<14x4x8x128xf32, #tpu.memory_space<hbm>>
    tpu.wait_dma2 semaphore(%arg29 : memref<!tpu.dma_semaphore, #tpu.memory_space<semaphore_mem>>) src(%arg27 : memref<14x4x8x128xf32, #tpu.memory_space<vmem>>) dst(%dma_wait3A_118 : memref<14x4x8x128xf32, #tpu.memory_space<hbm>>)
    return
  }
}

</mosaic_0001>

<sc_bundles>
// kernel: kernel.3.cloned.1.call-start
scs
__scs_entry_jumppad:
0x0: {  	(pc) =	sbr.rel $0x88, $3  }
0x1: {  	(tag) =	ssettag $0x0;
	lr =	simm.s32 $0x1  }
0x2: {  	[smem:$0x3F95] =	sst lr;
	_ =	strace $0xD0000000  }
0x3: {  	_ = 	snop  }
0x4: {  	_ = 	snop  }
0x5: {  	_ = 	snop  }
0x6: {  	_ = 	snop  }
0x7: {  	_ = 	snop  }
__scs_overlays_trampoline_lowered:
0x8: {  	[smem:$0x3FA4] =	sst s0  }
0x9: {  	[smem:$0x3FA5] =	sst s1  }
0xa: {  	[smem:$0x3FA6] =	sst s2  }
0xb: {  	[smem:$0x3FA7] =	sst s3  }
0xc: {  	[smem:$0x3FA8] =	sst s4  }
0xd: {  	[smem:$0x3FA9] =	sst s5  }
0xe: {  	[smem:$0x3FAA] =	sst s6  }
0xf: {  	[smem:$0x3FAB] =	sst s7  }
0x10: {  	[smem:$0x3FAC] =	sst s8  }
0x11: {  	[smem:$0x3FAD] =	sst s9;
	s0 =	simm.s32 @!p0 $0x0  }
0x12: {  	s1 =	sld [smem:$0x3F93];
	s0 =	simm.s32 @p0 $0x1  }
0x13: {  	[smem:$0x3FAE] =	sst s0;
	s0 =	simm.s32 @!p1 $0x0  }
0x14: {  	s2 =	sld [smem:$0x3F92];
	s0 =	simm.s32 @p1 $0x1  }
0x15: {  	[smem:$0x3FAF] =	sst s0;
	s0 =	simm.s32 @!p2 $0x0  }
0x16: {  	s3 =	sld [smem:$0x3FDB];
	s0 =	simm.s32 @p2 $0x1  }
0x17: {  	s4 =	simm.s32 $0x1BF5;
	[smem:$0x3FB1] =	sst s0  }
0x18: {  	s0 =	sld [smem:$0x3F94];
	_ =	swait.ge [sflag:s4], $0x0  }
0x19: {  	s7 =	sld [smem:$0x3F95]  }
0x1a: {  	s8 =	sadd.s32 $0xFFFFE003, lr  }
0x1b: {  	s9 =	sadd.s32 $0xFFFFFEF7, lr;
	s5 =	simm.s32 $0xFFFFFFFF;
	p2 =	slt.u32 s8, $0xFFFFF086  }
0x1c: {  	p1 =	slt.u32 s9, $0xF7A;
	s5 =	simm.s32 @!p2 $0x0  }
0x1d: {  	s5 =	simm.s32 @p1 $0x1;
	p0 =	seq.s32 s7, s2  }
0x1e: {  	s7 =	smul.u32 @!p0 $0xF7A, s2;
	p2 =	seq.s32 @!p0 s5, $0x0  }
0x1f: {  	s9 =	smul.u32 $0xF7A, s1;
	s8 =	simm.s32 @!p0 $0x1BF5;
	p2 =	por !p2, p0  }
0x20: {  	[sflag:s8] =	ssyncset.s32 @!p0 $0xFFFFF086;
	s6 =	sadd.s32 @!p0 s3, s7;
	s7 =	simm.s32 @!p0 $0x108  }
0x21: {  	s3 =	sadd.s32 s3, s9;
	s6 =	sadd.s32 @!p0 $0x88, s6;
	s7 =	simm.s32 @p2 $0x1082  }
0x22: {  	[simem:s7], [sflag:s8] =	dma.local @!p0 [hbm:s6], $0xF7A  }
0x23: {  	s9 =	sor.u32 $0xD0000000, s2;
	s6 =	simm.s32 $0x108;
	_ =	swait.ge @!p0 [sflag:s8], $0x0  }
0x24: {  	s3 =	sadd.s32 $0x88, s3;
	s6 =	simm.s32 @!p1 $0x1082;
	[sflag:s4] =	ssyncset.s32 $0xFFFFF086  }
0x25: {  	[simem:s6], [sflag:s4] =	dma.local [hbm:s3], $0xF7A  }
0x26: {  	[smem:$0x3F95] =	sst s1;
	(tag) =	ssettag s2;
	_ =	strace s9  }
0x27: {  	s1 =	sld [smem:$0x3FA5]  }
0x28: {  	s2 =	sld [smem:$0x3FA6]  }
0x29: {  	s4 =	sld [smem:$0x3FA8]  }
0x2a: {  	p0 =	seq.s32 s5, $0x0;
	s5 =	sld [smem:$0x3FA9]  }
0x2b: {  	s6 =	sld [smem:$0x3FAA]  }
0x2c: {  	s7 =	sld [smem:$0x3FAB]  }
0x2d: {  	s3 =	simm.s32 $0x108;
	s8 =	sld [smem:$0x3FAC]  }
0x2e: {  	s3 =	simm.s32 @!p0 $0x1082;
	s9 =	sld [smem:$0x3FAD]  }
0x2f: {  	lr =	sadd.s32 s0, s3;
	s0 =	sld [smem:$0x3FA4]  }
0x30: {  	s3 =	sld [smem:$0x3FA7]  }
0x31: {  	[smem:$0x3FB0] =	sst s10  }
0x32: {  	s10 =	sld [smem:$0x3FAE];
	_ =	sdelay $0x3  }
0x33: {  	p0 =	seq.s32 s10, $0x1;
	s10 =	sld [smem:$0x3FB0];
	_ =	sdelay $0x3  }
0x34: {  	[smem:$0x3FB0] =	sst s10  }
0x35: {  	s10 =	sld [smem:$0x3FAF];
	_ =	sdelay $0x3  }
0x36: {  	p1 =	seq.s32 s10, $0x1;
	s10 =	sld [smem:$0x3FB0];
	_ =	sdelay $0x3  }
0x37: {  	[smem:$0x3FB0] =	sst s10  }
0x38: {  	s10 =	sld [smem:$0x3FB1]  }
0x39: {  	_ = 	snop;
	(pc) =	sbr.ind lr, $3  }
0x3a: {  	_ = 	snop  }
0x3b: {  	_ = 	snop  }
0x3c: {  	p2 =	seq.s32 s10, $0x1;
	s10 =	sld [smem:$0x3FB0]  }
0x3d: {  	_ =	shalt  }
0x3e: {  	_ =	shalt  }
0x3f: {  	_ =	shalt  }
0x40: {  	_ =	shalt  }
0x41: {  	_ =	shalt  }
0x42: {  	_ =	shalt  }
0x43: {  	_ =	shalt  }
0x44: {  	_ =	shalt  }
0x45: {  	_ =	shalt  }
0x46: {  	_ =	shalt  }
0x47: {  	_ =	shalt  }
0x48: {  	_ =	shalt  }
0x49: {  	_ =	shalt  }
0x4a: {  	_ =	shalt  }
0x4b: {  	_ =	shalt  }
0x4c: {  	_ =	shalt  }
0x4d: {  	_ =	shalt  }
0x4e: {  	_ =	shalt  }
0x4f: {  	_ =	shalt  }
0x50: {  	_ =	shalt  }
0x51: {  	_ =	shalt  }
0x52: {  	_ =	shalt  }
0x53: {  	_ =	shalt  }
0x54: {  	_ =	shalt  }
0x55: {  	_ =	shalt  }
0x56: {  	_ =	shalt  }
0x57: {  	_ =	shalt  }
0x58: {  	_ =	shalt  }
0x59: {  	_ =	shalt  }
0x5a: {  	_ =	shalt  }
0x5b: {  	_ =	shalt  }
0x5c: {  	_ =	shalt  }
0x5d: {  	_ =	shalt  }
0x5e: {  	_ =	shalt  }
0x5f: {  	_ =	shalt  }
0x60: {  	_ =	shalt  }
0x61: {  	_ =	shalt  }
0x62: {  	_ =	shalt  }
0x63: {  	_ =	shalt  }
0x64: {  	_ =	shalt  }
0x65: {  	_ =	shalt  }
0x66: {  	_ =	shalt  }
0x67: {  	_ =	shalt  }
0x68: {  	_ =	shalt  }
0x69: {  	_ =	shalt  }
0x6a: {  	_ =	shalt  }
0x6b: {  	_ =	shalt  }
0x6c: {  	_ =	shalt  }
0x6d: {  	_ =	shalt  }
0x6e: {  	_ =	shalt  }
0x6f: {  	_ =	shalt  }
0x70: {  	_ =	shalt  }
0x71: {  	_ =	shalt  }
0x72: {  	_ =	shalt  }
0x73: {  	_ =	shalt  }
0x74: {  	_ =	shalt  }
0x75: {  	_ =	shalt  }
0x76: {  	_ =	shalt  }
0x77: {  	_ =	shalt  }
0x78: {  	_ =	shalt  }
0x79: {  	_ =	shalt  }
0x7a: {  	_ =	shalt  }
0x7b: {  	_ =	shalt  }
0x7c: {  	_ =	shalt  }
0x7d: {  	_ =	shalt  }
0x7e: {  	_ =	shalt  }
0x7f: {  	_ =	shalt  }
0x80: {  	_ =	shalt  }
0x81: {  	_ =	shalt  }
0x82: {  	_ =	shalt  }
0x83: {  	_ =	shalt  }
0x84: {  	_ =	shalt  }
0x85: {  	_ =	shalt  }
0x86: {  	_ =	shalt  }
0x87: {  	_ =	shalt  }
.Lfunc_end0:
.L_simem_size_0:
called_computation_lowered:
.L_overlay_start_0:
0x88: {  	s2 =	sld [smem:$0x3FD9]  }
0x89: {  	s3 =	sld [smem:$0x3FFE];
	_ =	sdelay $0x1  }
0x8a: {  	s1 =	srdreg.scid  }
0x8b: {  	s0 =	sand.u32 $0x1, s1  }
0x8c: {  	s17 =	sshll.u32 s0, $0xA;
	s2 =	sadd.s32 s3, s2  }
0x8d: {  	s2 =	sadd.s32 s2, s17  }
0x8e: {  	[smem:$0x3FBC] =	sst s2  }
0x8f: {  	_ = 	snop  }
0x90: {  	s2 =	sld [smem:$0x3FC9]  }
0x91: {  	s18 =	sld [smem:$0x3FC6]  }
0x92: {  	s4 =	sld [smem:$0x3FC5]  }
0x93: {  	s5 =	sld [smem:$0x3FC4]  }
0x94: {  	s6 =	sld [smem:$0x3FC1]  }
0x95: {  	s7 =	sld [smem:$0x3FC0]  }
0x96: {  	s8 =	sld [smem:$0x3FD0];
	(tm) =	ssettm $0x1  }
0x97: {  	s9 =	sld [smem:$0x3FFB];
	_ =	sdelay $0x3  }
0x98: {  	_ =	strace s9  }
0x99: {  	s9 =	sld [smem:$0x3FFC];
	_ =	sdelay $0x3  }
0x9a: {  	_ =	strace s9  }
0x9b: {  	s9 =	sld [smem:$0x3FFD];
	_ =	sdelay $0x3  }
0x9c: {  	_ =	strace s9  }
0x9d: {  	_ =	strace $0x8FFFFFFF  }
0x9e: {  	s19 =	sld [smem:$0x3FDB];
	_ =	sdelay $0x1  }
0x9f: {  	s10 =	simm.s32 $_scs_section_size  }
0xa0: {  	s11 =	simm.s32 $_size__tile_overlayer_lowered;
	s12 =	simm.s32 $_tile_overlayer_lowered  }
0xa1: {  	s22 =	simm.s32 $0x1BFF;
	s21 =	sshll.u32 s12, $0x1;
	s9 =	sadd.s32 s10, s19  }
0xa2: {  	s13 =	simm.s32 $0x0;
	s20 =	sshll.u32 s11, $0x1;
	s11 =	sadd.s32 s21, s9  }
0xa3: {  	[timem:s13], [sflag:s22] =	dma.local [hbm:s11], s20  }
0xa4: {  	_ =	swait.ge [sflag:s22], s20  }
0xa5: {  	s10 =	ssub.s32 $0x0, s20;
	[sflag:s22] =	ssyncset.done $0x0  }
0xa6: {  	[sflag:s22] =	ssyncadd.s32 s10;
	_ =	sdelay $0x1  }
0xa7: {  	s23 =	simm.s32 $0x1B8B  }
0xa8: {  	_ =	swait.ge [sflag:s23], $0x1  }
0xa9: {  	[sflag:s23] =	ssyncset.done $0x0  }
0xaa: {  	s25 =	simm.s32 $0x1B8E;
	s24 =	sld [smem:$0x3FFE];
	[sflag:s23] =	ssyncadd.s32 $0xFFFFFFFF  }
0xab: {  	s26 =	simm.s32 $execute0_lowered;
	[smem:$0x3FD2] =	sst s25  }
0xac: {  	s11 =	sshll.u32 s26, $0x1;
	_ =	strace $0x80000046;
	[dreg:$0x1] =	wrdreg $0xFFFFFFFF  }
0xad: {  	s28 =	simm.s32 $_size_execute0_lowered;
	s9 =	sadd.s32 s9, s11;
	[dreg:$0x0] =	wrdreg $0x0  }
0xae: {  	s11 =	sshll.u32 s28, $0x1;
	[dreg:$0x2] =	wrdreg s9  }
0xaf: {  	[dreg:$0x3] =	wrdreg s11  }
0xb0: {  	[dreg:$0x4] =	wrdreg $0xC0  }
0xb1: {  	_ =	task [dreg:s13], $0x5FFFF  }
0xb2: {  	[dreg:$0x1] =	wrdreg $0xFFFFFFFF  }
0xb3: {  	[dreg:$0x0] =	wrdreg $0x60  }
0xb4: {  	[dreg:$0x2] =	wrdreg s2  }
0xb5: {  	[dreg:$0x3] =	wrdreg s24  }
0xb6: {  	[dreg:$0x4] =	wrdreg s18  }
0xb7: {  	[dreg:$0x5] =	wrdreg s4  }
0xb8: {  	[dreg:$0x6] =	wrdreg s5  }
0xb9: {  	[dreg:$0x7] =	wrdreg s6  }
0xba: {  	[dreg:$0x8] =	wrdreg s7  }
0xbb: {  	[dreg:$0x9] =	wrdreg s8  }
0xbc: {  	[dreg:$0xa] =	wrdreg $0x9  }
0xbd: {  	_ =	task.clear_ibuf [dreg:s13], $0xBFFFF;
	_ =	strace $0x90000046  }
0xbe: {  	s29 =	simm.s32 $0x9;
	_ =	strace $0x80000048  }
0xbf: {  	_ =	swait.ge [sflag:s29], $0x1  }
0xc0: {  	[sflag:s29] =	ssyncadd.s32 $0xFFFFFFFF  }
0xc1: {  	_ =	strace $0x90000048  }
0xc2: {  	_ =	sfence  }
0xc3: {  	s30 =	sld [smem:$0x0];
	_ =	sdelay $0x2  }
0xc4: {  	s31 =	sshll.u32 s1, $0xD;
	s1 =	sshrl.u32 s1, $0x2  }
0xc5: {  	s3 =	sand.u32 $0x4000, s31;
	s1 =	sadd.s32 s1, s30  }
0xc6: {  	s0 =	sor.u32 s3, s0;
	s1 =	sshll.u32 s1, $0x11  }
0xc7: {  	s0 =	sor.u32 s1, s0  }
0xc8: {  	s0 =	sadd.s32 $0x8F2B, s0  }
0xc9: {  	[sflag:s0] =	ssyncadd.remote.s32 $0x1  }
0xca: {  	_ =	sfence.sel $0xFFFF  }
0xcb: {  	[dreg:$0x0] =	wrdreg $0xFFFFFFFF;
	(pc) =	sbr.abs _section_cstart, $3  }
0xcc: {  	[dreg:$0x1] =	wrdreg $0xFFFFFFFF  }
0xcd: {  	_ =	task.clear_ibuf [dreg:s13], $0x2FFFF;
	_ =	strace $0x9FFFFFFF  }
0xce: {  	(tm) =	ssettm $0x7FFFFFFF  }
0xcf: {  	_ =	shalt  }
tec
execute0_lowered:
.L_overlay_start_1:
0x0: {  	(tag) =	ssettag $0x1  }
0x1: {  	s0 =	rddreg [dreg:$0x0]  }
0x2: {  	s1 =	rddreg [dreg:$0x1]  }
0x3: {  	s2 =	rddreg [dreg:$0x2]  }
0x4: {  	s3 =	rddreg [dreg:$0x3]  }
0x5: {  	s4 =	rddreg [dreg:$0x4]  }
0x6: {  	s5 =	rddreg [dreg:$0x5]  }
0x7: {  	s6 =	rddreg [dreg:$0x6]  }
0x8: {  	s7 =	rddreg [dreg:$0x7];
	s8 =	srdreg.scid  }
0x9: {  	s9 =	stileid.u32;
	s10 =	simm.s32 $0x0;
	s8 =	sand.u32 $0x1, s8  }
0xa: {  	s9 =	sshll.u32 s9, $0x1;
	[smem:$0x7FF] =	sst s10;
	s14 =	sadd.s32 $0x600, s1  }
0xb: {  	s9 =	sor.u32 s8, s9;
	_ =	strace $0x80000047;
	[dreg:$0xe] =	wrdreg s14  }
0xc: {  	s17 =	sshll.u32 s9, $0x8;
	s11 =	sshll.u32 s9, $0x9;
	s9 =	sshll.u32 s9, $0x6  }
0xd: {  	s12 =	sadd.s32 s17, s1;
	s13 =	sadd.s32 s11, s1;
	s1 =	sadd.s32 $0x400, s1  }
0xe: {  	s2 =	sadd.s32 s2, s9;
	[dreg:$0xf] =	wrdreg s1  }
0xf: {  	s20 =	sadd.s32 s5, s9;
	[dreg:$0x10] =	wrdreg s2  }
0x10: {  	s21 =	sadd.s32 s3, s9;
	[dreg:$0x11] =	wrdreg s20  }
0x11: {  	s22 =	sadd.s32 s6, s9;
	[dreg:$0x12] =	wrdreg s21  }
0x12: {  	s0 =	sadd.s32 s0, s17;
	[dreg:$0x13] =	wrdreg s22  }
0x13: {  	s23 =	sadd.s32 s4, s17;
	[dreg:$0x14] =	wrdreg s0  }
0x14: {  	s28 =	simm.s32 $0xA800;
	s30 =	sadd.s32 s7, s11;
	[dreg:$0x15] =	wrdreg s23  }
0x15: {  	s8 =	ssub.s32 $0x2, s8;
	s24 =	sadd.s32 $0xE00, s12;
	[dreg:$0x1a] =	wrdreg s30  }
0x16: {  	s18 =	sshrl.u32 s8, $0x1;
	s25 =	sadd.s32 $0x2E00, s12;
	[dreg:$0x16] =	wrdreg s24  }
0x17: {  	s19 =	ssub.s32 s8, s18;
	s26 =	sadd.s32 $0x4E00, s13;
	[dreg:$0x17] =	wrdreg s25  }
0x18: {  	s6 =	simm.s32 $0x1000;
	s29 =	sadd.s32 $0xCE00, s13;
	[dreg:$0x18] =	wrdreg s26  }
0x19: {  	s7 =	simm.s32 $0x20000;
	s31 =	smax.u32 s19, $0x1;
	[dreg:$0x19] =	wrdreg s29  }
0x1a: {  	s2 =	simm.s32 $0x0;
	[dreg:$0x1b] =	wrdreg s31;
	s24 =	simm.s32 $0x6800  }
.LBB2_1:
0x1b: {  	[dreg:$0x1c] =	wrdreg s2  }
0x1c: {  	s5 =	simm.s32 $0x0;
	s0 =	rddreg [dreg:$0x10]  }
0x1d: {  	[tilespmem:s5], [sflag:$0x1] =	stream.linear.gather [hbm4b:s0+s5], $0x200, $0x38;
	[tilespmem:$0x18A00] =	vst v63  }
0x1e: {  	s1 =	rddreg [dreg:$0x11];
	s0 =	simm.s32 $0x400  }
0x1f: {  	[tilespmem:s0], [sflag:$0x1] =	stream.linear.gather [hbm4b:s1+s5], $0x200, $0x38;
	[tilespmem:$0x18A00] =	vst v63  }
0x20: {  	s19 =	simm.s32 $0x200;
	s20 =	rddreg [dreg:$0x12]  }
0x21: {  	[tilespmem:s19], [sflag:$0x1] =	stream.linear.gather [hbm4b:s20+s5], $0x200, $0x38;
	[tilespmem:$0x18A00] =	vst v63  }
0x22: {  	s21 =	simm.s32 $0x600;
	s3 =	rddreg [dreg:$0x13]  }
0x23: {  	[tilespmem:s21], [sflag:$0x1] =	stream.linear.gather [hbm4b:s3+s5], $0x200, $0x38;
	[tilespmem:$0x18A00] =	vst v63  }
0x24: {  	s22 =	rddreg [dreg:$0x14];
	s4 =	simm.s32 $0x800  }
0x25: {  	[tilespmem:s4], [sflag:$0x1] =	stream.linear.gather [hbm4b:s22+s5], $0x800, $0x38;
	[tilespmem:$0x18A00] =	vst v63  }
0x26: {  	s23 =	rddreg [dreg:$0x15]  }
0x27: {  	[tilespmem:s6], [sflag:$0x1] =	stream.linear.gather [hbm4b:s23+s5], $0x800, $0x38;
	[tilespmem:$0x18A00] =	vst v63  }
0x28: {  	s25 =	rddreg [dreg:$0x16];
	s26 =	simm.s32 $0x1800  }
0x29: {  	[tilespmem:s26], [sflag:$0x1] =	stream.linear.gather [hbm4b:s25+s5], $0x800, $0x38;
	[tilespmem:$0x18A00] =	vst v63  }
0x2a: {  	s8 =	rddreg [dreg:$0x17];
	s9 =	simm.s32 $0x2000  }
0x2b: {  	[tilespmem:s9], [sflag:$0x1] =	stream.linear.gather [hbm4b:s8+s5], $0x800, $0x38;
	[tilespmem:$0x18A00] =	vst v63  }
0x2c: {  	s10 =	rddreg [dreg:$0x18];
	s11 =	simm.s32 $0x2800  }
0x2d: {  	[tilespmem:s11], [sflag:$0x1] =	stream.strided.gather [hbm4b:s10+s6], $0x2000, s7, s6, $0x38;
	[tilespmem:$0x18A00] =	vst v63  }
0x2e: {  	s12 =	rddreg [dreg:$0x19];
	s13 =	simm.s32 $0x4800  }
0x2f: {  	[tilespmem:s13], [sflag:$0x1] =	stream.strided.gather [hbm4b:s12+s6], $0x2000, s7, s6, $0x38;
	[tilespmem:$0x18A00] =	vst v63  }
0x30: {  	s14 =	rddreg [dreg:$0xe]  }
0x31: {  	[tilespmem:s24], [sflag:$0x1] =	stream.linear.gather [hbm4b:s14+s5], $0x4000, $0x38;
	[tilespmem:$0x18A00] =	vst v63  }
0x32: {  	s15 =	rddreg [dreg:$0xf];
	s16 =	simm.s32 $0x1;
	s23 =	simm.s32 $0xA800  }
0x33: {  	[tilespmem:s23], [sflag:$0x1] =	stream.linear.gather [hbm4b:s15+s5], $0x200, $0x38;
	[tilespmem:$0x18A00] =	vst v63  }
0x34: {  	_ =	swait.ge [sflag:s16], $0x200  }
0x35: {  	[sflag:s16] =	ssyncset.done $0x0  }
0x36: {  	[sflag:s16] =	ssyncadd.s32 $0xFFFFFE00  }
0x37: {  	_ =	swait.ge [sflag:s16], $0x200  }
0x38: {  	[sflag:s16] =	ssyncset.done $0x0  }
0x39: {  	[sflag:s16] =	ssyncadd.s32 $0xFFFFFE00  }
0x3a: {  	_ =	swait.ge [sflag:s16], $0x200  }
0x3b: {  	[sflag:s16] =	ssyncset.done $0x0  }
0x3c: {  	[sflag:s16] =	ssyncadd.s32 $0xFFFFFE00  }
0x3d: {  	_ =	swait.ge [sflag:s16], $0x200  }
0x3e: {  	[sflag:s16] =	ssyncset.done $0x0  }
0x3f: {  	[sflag:s16] =	ssyncadd.s32 $0xFFFFFE00  }
0x40: {  	_ =	swait.ge [sflag:s16], $0x800  }
0x41: {  	[sflag:s16] =	ssyncset.done $0x0  }
0x42: {  	[sflag:s16] =	ssyncadd.s32 $0xFFFFF800  }
0x43: {  	_ =	swait.ge [sflag:s16], $0x800  }
0x44: {  	[sflag:s16] =	ssyncset.done $0x0  }
0x45: {  	[sflag:s16] =	ssyncadd.s32 $0xFFFFF800  }
0x46: {  	_ =	swait.ge [sflag:s16], $0x800  }
0x47: {  	[sflag:s16] =	ssyncset.done $0x0  }
0x48: {  	[sflag:s16] =	ssyncadd.s32 $0xFFFFF800  }
0x49: {  	_ =	swait.ge [sflag:s16], $0x800  }
0x4a: {  	[sflag:s16] =	ssyncset.done $0x0  }
0x4b: {  	[sflag:s16] =	ssyncadd.s32 $0xFFFFF800  }
0x4c: {  	_ =	swait.ge [sflag:s16], $0x2000  }
0x4d: {  	[sflag:s16] =	ssyncset.done $0x0  }
0x4e: {  	[sflag:s16] =	ssyncadd.s32 $0xFFFFE000  }
0x4f: {  	_ =	swait.ge [sflag:s16], $0x2000  }
0x50: {  	[sflag:s16] =	ssyncset.done $0x0  }
0x51: {  	[sflag:s16] =	ssyncadd.s32 $0xFFFFE000  }
0x52: {  	_ =	swait.ge [sflag:s16], $0x4000  }
0x53: {  	[sflag:s16] =	ssyncset.done $0x0  }
0x54: {  	[sflag:s16] =	ssyncadd.s32 $0xFFFFC000  }
0x55: {  	_ =	swait.ge [sflag:s16], $0x200  }
0x56: {  	s18 =	simm.s32 $0x0;
	s17 =	sand.u32 $0x70, s5;
	[sflag:s16] =	ssyncset.done $0x0  }
0x57: {  	s10 =	sor.u32 s17, s18;
	[sflag:s16] =	ssyncadd.s32 $0xFFFFFE00  }
0x58: {  	v0 =	vld [tilespmem:s10+$0x800];
	_ =	sdelay $0x1  }
0x59: {  	v1 =	vld [tilespmem:s5+$0x0]  }
0x5a: {  	v3 =	vld [tilespmem:s19+$0x0];
	s19 =	simm.s32 $0x0  }
0x5b: {  	v8 =	vld [tilespmem:s0+$0x0];
	s19 =	sor.u32 s17, s19  }
0x5c: {  	v5 =	vld [tilespmem:s21+$0x0];
	[tilespmem:s19+$0xAA00] =	vst v0  }
0x5d: {  	v0 =	vld [tilespmem:s10+$0x880];
	_ =	sdelay $0x4  }
0x5e: {  	[tilespmem:s19+$0xAA80] =	vst v0  }
0x5f: {  	v0 =	vld [tilespmem:s10+$0x900];
	_ =	sdelay $0x3  }
0x60: {  	s20 =	sor.u32 s18, s5  }
0x61: {  	s14 =	sor.u32 $0x180, s20;
	[tilespmem:s19+$0xAB00] =	vst v0  }
0x62: {  	v0 =	vld [tilespmem:s14+$0x800];
	_ =	sdelay $0x2  }
0x63: {  	s21 =	simm.s32 $0x0  }
0x64: {  	s11 =	sor.u32 $0x180, s21  }
0x65: {  	[tilespmem:s11+$0xAA00] =	vst v0  }
0x66: {  	v0 =	vld [tilespmem:s10+$0x1800];
	_ =	sdelay $0x4  }
0x67: {  	[tilespmem:s19+$0xAC00] =	vst v0  }
0x68: {  	v0 =	vld [tilespmem:s10+$0x1880];
	_ =	sdelay $0x4  }
0x69: {  	[tilespmem:s19+$0xAC80] =	vst v0  }
0x6a: {  	v0 =	vld [tilespmem:s10+$0x1900]  }
0x6b: {  	v2 =	vld [tilespmem:s19+$0x2800];
	_ =	sdelay $0x3  }
0x6c: {  	s6 =	sor.u32 $0x380, s21;
	[tilespmem:s19+$0xAD00] =	vst v0  }
0x6d: {  	[tilespmem:s6+$0xAA00] =	vst v2  }
0x6e: {  	v0 =	vld [tilespmem:s19+$0x2880]  }
0x6f: {  	v2 =	vld [tilespmem:s19+$0x2900];
	_ =	sdelay $0x3  }
0x70: {  	[tilespmem:s19+$0xBA00] =	vst v0  }
0x71: {  	[tilespmem:s19+$0xBA80] =	vst v2  }
0x72: {  	v2 =	vld [tilespmem:s11+$0x2800]  }
0x73: {  	v0 =	vld [tilespmem:s19+$0x2A00];
	_ =	sdelay $0x3  }
0x74: {  	s5 =	sor.u32 $0x1180, s21;
	[tilespmem:s19+$0xBB00] =	vst v2  }
0x75: {  	[tilespmem:s5+$0xAA00] =	vst v0  }
0x76: {  	v0 =	vld [tilespmem:s19+$0x2A80];
	_ =	sdelay $0x4  }
0x77: {  	[tilespmem:s19+$0xBC00] =	vst v0;
	v0 =	vld [tilespmem:s19+$0x2B00];
	_ =	sdelay $0x1  }
0x78: {  	v2 =	vld [tilespmem:s19+$0x3800];
	_ =	sdelay $0x2  }
0x79: {  	v4 =	vld [tilespmem:s19+$0x3880];
	[tilespmem:s19+$0xBC80] =	vst v0  }
0x7a: {  	v0 =	vld [tilespmem:s6+$0x2800]  }
0x7b: {  	[tilespmem:s19+$0xBD80] =	vst v2;
	v2 =	vld [tilespmem:s19+$0x3900];
	_ =	sdelay $0x3  }
0x7c: {  	[tilespmem:s19+$0xCA00] =	vst v4  }
0x7d: {  	[tilespmem:s19+$0xCA80] =	vst v2  }
0x7e: {  	[tilespmem:s19+$0xBD00] =	vst v0;
	v0 =	vld [tilespmem:s19+$0x3A00];
	v2 =	vshll.u32 v1, $0x3  }
0x7f: {  	v6 =	vand.u32 $0x7F, v1;
	v4 =	vld [tilespmem:s5+$0x2800];
	v2 =	vand.u32 $0xFFFFFC00, v2  }
0x80: {  	v6 =	vor.u32 v2, v6;
	_ =	sdelay $0x2  }
0x81: {  	[tilespmem:s19+$0xCB80] =	vst v0  }
0x82: {  	[tilespmem:s19+$0xCB00] =	vst v4  }
0x83: {  	v0 =	vld.idx.msk [tilespmem:v6+s24+$0x0], $0xffff  }
0x84: {  	v4 =	vor.u32 $0x80, v6;
	_ =	sdelay $0x3  }
0x85: {  	[tilespmem:s19+$0xCC00] =	vst v0  }
0x86: {  	v0 =	vld.idx.msk [tilespmem:v4+s24+$0x0], $0xffff  }
0x87: {  	v7 =	vor.u32 $0x100, v6  }
0x88: {  	s22 =	simm.s32 $0x10  }
0x89: {  	s25 =	sand.u32 $0x70, s22;
	s26 =	simm.s32 $0x0  }
0x8a: {  	s2 =	sor.u32 s25, s26  }
0x8b: {  	v10 =	vld [tilespmem:s2+$0x800];
	[tilespmem:s19+$0xCC80] =	vst v0  }
0x8c: {  	s8 =	simm.s32 $0x210;
	v7 =	vld.idx.msk [tilespmem:v7+s24+$0x0], $0xffff  }
0x8d: {  	s9 =	simm.s32 $0x410;
	v12 =	vld [tilespmem:s8+$0x0];
	v11 =	vor.u32 $0x180, v6  }
0x8e: {  	s13 =	simm.s32 $0x0;
	v9 =	vld [tilespmem:s9+$0x0]  }
0x8f: {  	s12 =	simm.s32 $0x610;
	s31 =	sor.u32 s25, s13;
	v4 =	vld [tilespmem:s22+$0x0]  }
0x90: {  	v0 =	vld [tilespmem:s12+$0x0];
	[tilespmem:s31+$0xAA00] =	vst v10  }
0x91: {  	v10 =	vld [tilespmem:s2+$0x880];
	[tilespmem:s19+$0xCD00] =	vst v7  }
0x92: {  	v7 =	vld.idx.msk [tilespmem:v11+s24+$0x0], $0xffff  }
0x93: {  	v11 =	vor.u32 $0x200, v6;
	_ =	sdelay $0x2  }
0x94: {  	[tilespmem:s31+$0xAA80] =	vst v10  }
0x95: {  	v10 =	vld [tilespmem:s2+$0x900];
	[tilespmem:s19+$0xCD80] =	vst v7  }
0x96: {  	v7 =	vld.idx.msk [tilespmem:v11+s24+$0x0], $0xffff  }
0x97: {  	v11 =	vor.u32 $0x280, v6;
	_ =	sdelay $0x1  }
0x98: {  	s0 =	sor.u32 s26, s22  }
0x99: {  	s9 =	sor.u32 $0x180, s0;
	[tilespmem:s31+$0xAB00] =	vst v10  }
0x9a: {  	v10 =	vld [tilespmem:s9+$0x800];
	[tilespmem:s19+$0xDA00] =	vst v7  }
0x9b: {  	v7 =	vld.idx.msk [tilespmem:v11+s24+$0x0], $0xffff  }
0x9c: {  	v11 =	vor.u32 $0x300, v6  }
0x9d: {  	s15 =	simm.s32 $0x10  }
0x9e: {  	s4 =	sor.u32 $0x180, s15  }
0x9f: {  	[tilespmem:s4+$0xAA00] =	vst v10  }
0xa0: {  	v10 =	vld [tilespmem:s2+$0x1800];
	[tilespmem:s19+$0xDA80] =	vst v7  }
0xa1: {  	v7 =	vld.idx.msk [tilespmem:v11+s24+$0x0], $0xffff  }
0xa2: {  	v6 =	vor.u32 $0x380, v6;
	_ =	sdelay $0x2  }
0xa3: {  	[tilespmem:s31+$0xAC00] =	vst v10;
	v11 =	vand.u32 $0x78, v1  }
0xa4: {  	v10 =	vld [tilespmem:s2+$0x1880];
	v1 =	vand.u32 $0x7, v1;
	v2 =	vor.u32 v11, v2;
	[tilespmem:s19+$0xDB00] =	vst v7  }
0xa5: {  	v2 =	vor.u32 v1, v2;
	v6 =	vld.idx.msk [tilespmem:v6+s24+$0x0], $0xffff  }
0xa6: {  	v1 =	vadd.s32 $0x1000, v2;
	_ =	sdelay $0x2  }
0xa7: {  	[tilespmem:s31+$0xAC80] =	vst v10  }
0xa8: {  	v7 =	vld [tilespmem:s2+$0x1900];
	[tilespmem:s19+$0xDB80] =	vst v6  }
0xa9: {  	v1 =	vld.idx.msk [tilespmem:v1+s24+$0x0], $0xffff  }
0xaa: {  	v10 =	vld [tilespmem:s31+$0x2800];
	v6 =	vadd.s32 $0x1080, v2;
	_ =	sdelay $0x2  }
0xab: {  	[tilespmem:s31+$0xAD00] =	vst v7  }
0xac: {  	s12 =	sor.u32 $0x380, s15;
	[tilespmem:s19+$0xDC00] =	vst v1  }
0xad: {  	[tilespmem:s12+$0xAA00] =	vst v10;
	v1 =	vld.idx.msk [tilespmem:v6+s24+$0x0], $0xffff  }
0xae: {  	v10 =	vadd.s32 $0x1100, v2;
	v7 =	vld [tilespmem:s31+$0x2880]  }
0xaf: {  	v6 =	vld [tilespmem:s31+$0x2900];
	_ =	sdelay $0x2  }
0xb0: {  	[tilespmem:s19+$0xDC80] =	vst v1  }
0xb1: {  	[tilespmem:s31+$0xBA00] =	vst v7;
	v1 =	vld.idx.msk [tilespmem:v10+s24+$0x0], $0xffff  }
0xb2: {  	[tilespmem:s31+$0xBA80] =	vst v6;
	v10 =	vadd.s32 $0x1180, v2  }
0xb3: {  	v6 =	vld [tilespmem:s4+$0x2800];
	_ =	sdelay $0x2  }
0xb4: {  	v7 =	vld [tilespmem:s31+$0x2A00];
	[tilespmem:s19+$0xDD00] =	vst v1  }
0xb5: {  	v1 =	vld.idx.msk [tilespmem:v10+s24+$0x0], $0xffff  }
0xb6: {  	[tilespmem:s31+$0xBB00] =	vst v6;
	v6 =	vadd.s32 $0x1200, v2;
	_ =	sdelay $0x1  }
0xb7: {  	s13 =	sor.u32 $0x1180, s15  }
0xb8: {  	[tilespmem:s13+$0xAA00] =	vst v7  }
0xb9: {  	v7 =	vld [tilespmem:s31+$0x2A80];
	[tilespmem:s19+$0xDD80] =	vst v1  }
0xba: {  	v1 =	vld.idx.msk [tilespmem:v6+s24+$0x0], $0xffff  }
0xbb: {  	v6 =	vadd.s32 $0x1280, v2;
	_ =	sdelay $0x2  }
0xbc: {  	[tilespmem:s31+$0xBC00] =	vst v7  }
0xbd: {  	v7 =	vld [tilespmem:s31+$0x2B00];
	[tilespmem:s19+$0xEA00] =	vst v1  }
0xbe: {  	v1 =	vld.idx.msk [tilespmem:v6+s24+$0x0], $0xffff  }
0xbf: {  	v6 =	vadd.s32 $0x1300, v2  }
0xc0: {  	v10 =	vld [tilespmem:s31+$0x3800];
	_ =	sdelay $0x1  }
0xc1: {  	v11 =	vld [tilespmem:s31+$0x3880];
	[tilespmem:s31+$0xBC80] =	vst v7  }
0xc2: {  	v7 =	vld [tilespmem:s12+$0x2800];
	[tilespmem:s19+$0xEA80] =	vst v1  }
0xc3: {  	v1 =	vld.idx.msk [tilespmem:v6+s24+$0x0], $0xffff  }
0xc4: {  	[tilespmem:s31+$0xBD80] =	vst v10;
	v10 =	vld [tilespmem:s31+$0x3900];
	v6 =	vadd.s32 $0x1380, v2;
	_ =	sdelay $0x1  }
0xc5: {  	[tilespmem:s31+$0xCA00] =	vst v11  }
0xc6: {  	[tilespmem:s31+$0xBD00] =	vst v7  }
0xc7: {  	v7 =	vld [tilespmem:s31+$0x3A00];
	[tilespmem:s19+$0xEB00] =	vst v1  }
0xc8: {  	[tilespmem:s31+$0xCA80] =	vst v10;
	v1 =	vshll.u32 v4, $0x3;
	v6 =	vld.idx.msk [tilespmem:v6+s24+$0x0], $0xffff  }
0xc9: {  	v11 =	vadd.s32 $0x2000, v2;
	v10 =	vld [tilespmem:s13+$0x2800];
	v13 =	vand.u32 $0xFFFFFC00, v1;
	v1 =	vand.u32 $0x7F, v4  }
0xca: {  	v14 =	vor.u32 v13, v1;
	_ =	sdelay $0x1  }
0xcb: {  	[tilespmem:s31+$0xCB80] =	vst v7  }
0xcc: {  	[tilespmem:s19+$0xEB80] =	vst v6  }
0xcd: {  	[tilespmem:s31+$0xCB00] =	vst v10;
	v1 =	vld.idx.msk [tilespmem:v11+s24+$0x0], $0xffff  }
0xce: {  	s16 =	simm.s32 $0x20;
	v10 =	vadd.s32 $0x2080, v2;
	v7 =	vld.idx.msk [tilespmem:v14+s24+$0x0], $0xffff  }
0xcf: {  	s20 =	simm.s32 $0x0;
	s18 =	sand.u32 $0x70, s16;
	s17 =	simm.s32 $0x220;
	v15 =	vor.u32 $0x80, v14  }
0xd0: {  	v16 =	vld [tilespmem:s17+$0x0];
	s15 =	sor.u32 s18, s20  }
0xd1: {  	s21 =	simm.s32 $0x420;
	v17 =	vld [tilespmem:s15+$0x800]  }
0xd2: {  	v6 =	vld [tilespmem:s21+$0x0];
	[tilespmem:s19+$0xEC00] =	vst v1  }
0xd3: {  	[tilespmem:s31+$0xCC00] =	vst v7;
	v7 =	vld.idx.msk [tilespmem:v10+s24+$0x0], $0xffff  }
0xd4: {  	s8 =	simm.s32 $0x0;
	v10 =	vld.idx.msk [tilespmem:v15+s24+$0x0], $0xffff;
	v15 =	vadd.s32 $0x2100, v2  }
0xd5: {  	s0 =	sor.u32 s18, s8;
	s22 =	simm.s32 $0x620;
	v18 =	vor.u32 $0x100, v14;
	v11 =	vld [tilespmem:s16+$0x0]  }
0xd6: {  	v1 =	vld [tilespmem:s22+$0x0];
	[tilespmem:s0+$0xAA00] =	vst v17  }
0xd7: {  	v17 =	vld [tilespmem:s15+$0x880]  }
0xd8: {  	[tilespmem:s19+$0xEC80] =	vst v7  }
0xd9: {  	[tilespmem:s31+$0xCC80] =	vst v10;
	v7 =	vld.idx.msk [tilespmem:v15+s24+$0x0], $0xffff  }
0xda: {  	v10 =	vld.idx.msk [tilespmem:v18+s24+$0x0], $0xffff;
	v15 =	vadd.s32 $0x2180, v2  }
0xdb: {  	v18 =	vor.u32 $0x180, v14  }
0xdc: {  	[tilespmem:s0+$0xAA80] =	vst v17  }
0xdd: {  	v17 =	vld [tilespmem:s15+$0x900]  }
0xde: {  	[tilespmem:s19+$0xED00] =	vst v7  }
0xdf: {  	[tilespmem:s31+$0xCD00] =	vst v10;
	v7 =	vld.idx.msk [tilespmem:v15+s24+$0x0], $0xffff  }
0xe0: {  	v10 =	vld.idx.msk [tilespmem:v18+s24+$0x0], $0xffff;
	v15 =	vadd.s32 $0x2200, v2  }
0xe1: {  	s1 =	sor.u32 s20, s16;
	v18 =	vor.u32 $0x200, v14  }
0xe2: {  	s21 =	sor.u32 $0x180, s1;
	[tilespmem:s0+$0xAB00] =	vst v17  }
0xe3: {  	v17 =	vld [tilespmem:s21+$0x800]  }
0xe4: {  	[tilespmem:s19+$0xED80] =	vst v7  }
0xe5: {  	[tilespmem:s31+$0xCD80] =	vst v10;
	v7 =	vld.idx.msk [tilespmem:v15+s24+$0x0], $0xffff  }
0xe6: {  	s25 =	simm.s32 $0x20;
	v10 =	vld.idx.msk [tilespmem:v18+s24+$0x0], $0xffff;
	v15 =	vadd.s32 $0x2280, v2  }
0xe7: {  	s16 =	sor.u32 $0x180, s25;
	v18 =	vor.u32 $0x280, v14  }
0xe8: {  	[tilespmem:s16+$0xAA00] =	vst v17  }
0xe9: {  	v17 =	vld [tilespmem:s15+$0x1800]  }
0xea: {  	[tilespmem:s19+$0xFA00] =	vst v7  }
0xeb: {  	[tilespmem:s31+$0xDA00] =	vst v10;
	v7 =	vld.idx.msk [tilespmem:v15+s24+$0x0], $0xffff  }
0xec: {  	v10 =	vld.idx.msk [tilespmem:v18+s24+$0x0], $0xffff;
	v15 =	vadd.s32 $0x2300, v2  }
0xed: {  	v18 =	vor.u32 $0x300, v14  }
0xee: {  	[tilespmem:s0+$0xAC00] =	vst v17  }
0xef: {  	v17 =	vld [tilespmem:s15+$0x1880]  }
0xf0: {  	[tilespmem:s19+$0xFA80] =	vst v7  }
0xf1: {  	[tilespmem:s31+$0xDA80] =	vst v10;
	v7 =	vld.idx.msk [tilespmem:v15+s24+$0x0], $0xffff  }
0xf2: {  	v10 =	vld.idx.msk [tilespmem:v18+s24+$0x0], $0xffff;
	v15 =	vadd.s32 $0x2380, v2  }
0xf3: {  	v14 =	vor.u32 $0x380, v14  }
0xf4: {  	[tilespmem:s0+$0xAC80] =	vst v17  }
0xf5: {  	v17 =	vld [tilespmem:s15+$0x1900]  }
0xf6: {  	v19 =	vand.u32 $0x78, v4;
	v18 =	vld [tilespmem:s0+$0x2800];
	[tilespmem:s19+$0xFB00] =	vst v7  }
0xf7: {  	v4 =	vand.u32 $0x7, v4;
	[tilespmem:s31+$0xDB00] =	vst v10;
	v7 =	vor.u32 v19, v13;
	v10 =	vld.idx.msk [tilespmem:v15+s24+$0x0], $0xffff  }
0xf8: {  	v13 =	vld.idx.msk [tilespmem:v14+s24+$0x0], $0xffff;
	v7 =	vor.u32 v4, v7;
	v4 =	vadd.s32 $0x3000, v2  }
0xf9: {  	v14 =	vadd.s32 $0x1000, v7  }
0xfa: {  	s8 =	sor.u32 $0x380, s25;
	[tilespmem:s0+$0xAD00] =	vst v17  }
0xfb: {  	[tilespmem:s8+$0xAA00] =	vst v18  }
0xfc: {  	v15 =	vld [tilespmem:s0+$0x2880];
	[tilespmem:s19+$0xFB80] =	vst v10  }
0xfd: {  	[tilespmem:s31+$0xDB80] =	vst v13;
	v4 =	vld.idx.msk [tilespmem:v4+s24+$0x0], $0xffff  }
0xfe: {  	v13 =	vadd.s32 $0x3080, v2;
	v10 =	vld.idx.msk [tilespmem:v14+s24+$0x0], $0xffff  }
0xff: {  	v17 =	vld [tilespmem:s0+$0x2900];
	v14 =	vadd.s32 $0x1080, v7;
	_ =	sdelay $0x1  }
0x100: {  	[tilespmem:s0+$0xBA00] =	vst v15  }
0x101: {  	[tilespmem:s19+$0xFC00] =	vst v4  }
0x102: {  	[tilespmem:s31+$0xDC00] =	vst v10;
	v4 =	vld.idx.msk [tilespmem:v13+s24+$0x0], $0xffff  }
0x103: {  	[tilespmem:s0+$0xBA80] =	vst v17;
	v10 =	vld.idx.msk [tilespmem:v14+s24+$0x0], $0xffff;
	v13 =	vadd.s32 $0x3100, v2  }
0x104: {  	v17 =	vadd.s32 $0x1100, v7;
	v14 =	vld [tilespmem:s16+$0x2800]  }
0x105: {  	v15 =	vld [tilespmem:s0+$0x2A00];
	_ =	sdelay $0x1  }
0x106: {  	[tilespmem:s19+$0xFC80] =	vst v4  }
0x107: {  	[tilespmem:s31+$0xDC80] =	vst v10;
	v4 =	vld.idx.msk [tilespmem:v13+s24+$0x0], $0xffff  }
0x108: {  	s1 =	sor.u32 $0x1180, s25;
	[tilespmem:s0+$0xBB00] =	vst v14;
	v10 =	vadd.s32 $0x3180, v2;
	v13 =	vld.idx.msk [tilespmem:v17+s24+$0x0], $0xffff  }
0x109: {  	[tilespmem:s1+$0xAA00] =	vst v15;
	v15 =	vadd.s32 $0x1180, v7  }
0x10a: {  	v14 =	vld [tilespmem:s0+$0x2A80];
	_ =	sdelay $0x1  }
0x10b: {  	[tilespmem:s19+$0xFD00] =	vst v4  }
0x10c: {  	[tilespmem:s31+$0xDD00] =	vst v13;
	v4 =	vld.idx.msk [tilespmem:v10+s24+$0x0], $0xffff  }
0x10d: {  	v13 =	vld.idx.msk [tilespmem:v15+s24+$0x0], $0xffff;
	v15 =	vadd.s32 $0x3200, v2  }
0x10e: {  	v17 =	vadd.s32 $0x1200, v7;
	[tilespmem:s0+$0xBC00] =	vst v14;
	v14 =	vld [tilespmem:s0+$0x2B00];
	_ =	sdelay $0x1  }
0x10f: {  	v10 =	vld [tilespmem:s0+$0x3800]  }
0x110: {  	[tilespmem:s19+$0xFD80] =	vst v4;
	v4 =	vld [tilespmem:s0+$0x3880]  }
0x111: {  	[tilespmem:s31+$0xDD80] =	vst v13;
	v15 =	vld.idx.msk [tilespmem:v15+s24+$0x0], $0xffff  }
0x112: {  	[tilespmem:s0+$0xBC80] =	vst v14;
	v13 =	vld.idx.msk [tilespmem:v17+s24+$0x0], $0xffff;
	v17 =	vadd.s32 $0x3280, v2  }
0x113: {  	v14 =	vld [tilespmem:s8+$0x2800]  }
0x114: {  	v18 =	vadd.s32 $0x1280, v7;
	[tilespmem:s0+$0xBD80] =	vst v10;
	v10 =	vld [tilespmem:s0+$0x3900];
	_ =	sdelay $0x1  }
0x115: {  	[tilespmem:s19+$0x10A00] =	vst v15  }
0x116: {  	[tilespmem:s31+$0xEA00] =	vst v13;
	v13 =	vld.idx.msk [tilespmem:v17+s24+$0x0], $0xffff  }
0x117: {  	[tilespmem:s0+$0xCA00] =	vst v4;
	v4 =	vadd.s32 $0x3300, v2  }
0x118: {  	[tilespmem:s0+$0xCA80] =	vst v10;
	v10 =	vld.idx.msk [tilespmem:v18+s24+$0x0], $0xffff  }
0x119: {  	[tilespmem:s0+$0xBD00] =	vst v14;
	v14 =	vadd.s32 $0x1300, v7  }
0x11a: {  	v15 =	vld [tilespmem:s0+$0x3A00];
	[dreg:$0xb] =	wrdreg s1  }
0x11b: {  	[tilespmem:s19+$0x10A80] =	vst v13  }
0x11c: {  	v17 =	vshll.u32 v11, $0x3;
	v4 =	vld.idx.msk [tilespmem:v4+s24+$0x0], $0xffff  }
0x11d: {  	v19 =	vand.u32 $0x7F, v11;
	v2 =	vadd.s32 $0x3380, v2;
	v18 =	vld [tilespmem:s1+$0x2800];
	v17 =	vand.u32 $0xFFFFFC00, v17;
	[tilespmem:s31+$0xEA80] =	vst v10  }
0x11e: {  	v13 =	vor.u32 v17, v19;
	v19 =	vld.idx.msk [tilespmem:v14+s24+$0x0], $0xffff  }
0x11f: {  	[tilespmem:s0+$0xCB80] =	vst v15;
	v15 =	vadd.s32 $0x1380, v7;
	_ =	sdelay $0x1  }
0x120: {  	[tilespmem:s19+$0x10B00] =	vst v4  }
0x121: {  	[tilespmem:s0+$0xCB00] =	vst v18;
	v2 =	vld.idx.msk [tilespmem:v2+s24+$0x0], $0xffff  }
0x122: {  	v18 =	vld.idx.msk [tilespmem:v13+s24+$0x0], $0xffff;
	[tilespmem:s31+$0xEB00] =	vst v19  }
0x123: {  	v4 =	vor.u32 $0x80, v13;
	v15 =	vld.idx.msk [tilespmem:v15+s24+$0x0], $0xffff;
	_ =	sdelay $0x2  }
0x124: {  	[tilespmem:s19+$0x10B80] =	vst v2  }
0x125: {  	[tilespmem:s0+$0xCC00] =	vst v18;
	v22 =	vld.idx.msk [tilespmem:v3+s23+$0x0], $0xffff  }
0x126: {  	v18 =	vld.idx.msk [tilespmem:v4+s24+$0x0], $0xffff;
	[tilespmem:s31+$0xEB80] =	vst v15;
	v15 =	vadd.s32 $0x80, v3  }
0x127: {  	s3 =	simm.s32 $0x30;
	s26 =	simm.s32 $0x230;
	v21 =	vor.u32 $0x100, v13  }
0x128: {  	s7 =	sand.u32 $0x70, s3;
	s17 =	simm.s32 $0x0;
	v10 =	vld [tilespmem:s26+$0x0]  }
0x129: {  	s20 =	sor.u32 s7, s17;
	v14 =	vld [tilespmem:s3+$0x0]  }
0x12a: {  	v20 =	vadd.s32 $0x2000, v7;
	v19 =	vld [tilespmem:s20+$0x800];
	[tilespmem:s19+$0x10C00] =	vst v22  }
0x12b: {  	[tilespmem:s0+$0xCC80] =	vst v18;
	v15 =	vld.idx.msk [tilespmem:v15+s23+$0x0], $0xffff  }
0x12c: {  	s18 =	simm.s32 $0x430;
	v18 =	vld.idx.msk [tilespmem:v21+s24+$0x0], $0xffff;
	v21 =	vadd.s32 $0x100, v3  }
0x12d: {  	s25 =	simm.s32 $0x630;
	s22 =	simm.s32 $0x0;
	v4 =	vld [tilespmem:s18+$0x0]  }
0x12e: {  	s1 =	sor.u32 s7, s22;
	v2 =	vld [tilespmem:s25+$0x0]  }
0x12f: {  	[tilespmem:s1+$0xAA00] =	vst v19;
	v19 =	vld.idx.msk [tilespmem:v20+s24+$0x0], $0xffff  }
0x130: {  	v20 =	vld [tilespmem:s20+$0x880];
	[tilespmem:s19+$0x10C80] =	vst v15  }
0x131: {  	v15 =	vadd.s32 $0x2080, v7;
	v21 =	vld.idx.msk [tilespmem:v21+s23+$0x0], $0xffff  }
0x132: {  	v3 =	vadd.s32 $0x180, v3;
	_ =	sdelay $0x2  }
0x133: {  	[tilespmem:s31+$0xEC00] =	vst v19  }
0x134: {  	v15 =	vld.idx.msk [tilespmem:v15+s24+$0x0], $0xffff;
	[tilespmem:s19+$0x10D00] =	vst v21  }
0x135: {  	v19 =	vadd.s32 $0x2100, v7;
	v3 =	vld.idx.msk [tilespmem:v3+s23+$0x0], $0xffff  }
0x136: {  	[tilespmem:s1+$0xAA80] =	vst v20  }
0x137: {  	v20 =	vor.u32 $0x180, v13;
	v21 =	vld [tilespmem:s20+$0x900];
	_ =	sdelay $0x1  }
0x138: {  	[tilespmem:s31+$0xEC80] =	vst v15  }
0x139: {  	v15 =	vld.idx.msk [tilespmem:v19+s24+$0x0], $0xffff;
	[tilespmem:s19+$0x10D80] =	vst v3  }
0x13a: {  	s3 =	sor.u32 s17, s3;
	[tilespmem:s0+$0xCD00] =	vst v18;
	v3 =	vadd.s32 $0x2180, v7;
	v18 =	vld [tilespmem:s10+$0x1000]  }
0x13b: {  	s3 =	sor.u32 $0x180, s3;
	v19 =	vld.idx.msk [tilespmem:v20+s24+$0x0], $0xffff;
	[tilespmem:s1+$0xAB00] =	vst v21  }
0x13c: {  	v20 =	vor.u32 $0x200, v13;
	[dreg:$0xa] =	wrdreg s3  }
0x13d: {  	v21 =	vld [tilespmem:s3+$0x800]  }
0x13e: {  	[tilespmem:s31+$0xED00] =	vst v15  }
0x13f: {  	v3 =	vld.idx.msk [tilespmem:v3+s24+$0x0], $0xffff;
	[tilespmem:s19+$0x11A00] =	vst v18  }
0x140: {  	s26 =	simm.s32 $0x30;
	[tilespmem:s0+$0xCD80] =	vst v19;
	v15 =	vadd.s32 $0x2200, v7;
	v18 =	vld [tilespmem:s10+$0x1080]  }
0x141: {  	s25 =	sor.u32 $0x180, s26;
	v19 =	vld.idx.msk [tilespmem:v20+s24+$0x0], $0xffff  }
0x142: {  	v20 =	vor.u32 $0x280, v13;
	[tilespmem:s25+$0xAA00] =	vst v21  }
0x143: {  	v21 =	vld [tilespmem:s20+$0x1800]  }
0x144: {  	[tilespmem:s31+$0xED80] =	vst v3  }
0x145: {  	v3 =	vld.idx.msk [tilespmem:v15+s24+$0x0], $0xffff;
	[tilespmem:s19+$0x11A80] =	vst v18  }
0x146: {  	[tilespmem:s0+$0xDA00] =	vst v19;
	v15 =	vadd.s32 $0x2280, v7;
	v18 =	vld [tilespmem:s10+$0x1100]  }
0x147: {  	v19 =	vld.idx.msk [tilespmem:v20+s24+$0x0], $0xffff  }
0x148: {  	v20 =	vor.u32 $0x300, v13;
	[tilespmem:s1+$0xAC00] =	vst v21  }
0x149: {  	v21 =	vld [tilespmem:s20+$0x1880]  }
0x14a: {  	[tilespmem:s31+$0xFA00] =	vst v3  }
0x14b: {  	v3 =	vld.idx.msk [tilespmem:v15+s24+$0x0], $0xffff;
	[tilespmem:s19+$0x11B00] =	vst v18  }
0x14c: {  	[tilespmem:s0+$0xDA80] =	vst v19;
	v15 =	vadd.s32 $0x2300, v7;
	v18 =	vld [tilespmem:s14+$0x1000]  }
0x14d: {  	v19 =	vld.idx.msk [tilespmem:v20+s24+$0x0], $0xffff  }
0x14e: {  	v13 =	vor.u32 $0x380, v13;
	[tilespmem:s1+$0xAC80] =	vst v21  }
0x14f: {  	v20 =	vld [tilespmem:s20+$0x1900]  }
0x150: {  	v21 =	vld [tilespmem:s1+$0x2800];
	[tilespmem:s31+$0xFA80] =	vst v3  }
0x151: {  	v3 =	vand.u32 $0x78, v11;
	v15 =	vld.idx.msk [tilespmem:v15+s24+$0x0], $0xffff;
	[tilespmem:s19+$0x11B80] =	vst v18  }
0x152: {  	[tilespmem:s0+$0xDB00] =	vst v19;
	v3 =	vor.u32 v3, v17;
	v17 =	vadd.s32 $0x2380, v7;
	v18 =	vld [tilespmem:s10+$0x2000]  }
0x153: {  	v11 =	vand.u32 $0x7, v11;
	v19 =	vld.idx.msk [tilespmem:v13+s24+$0x0], $0xffff  }
0x154: {  	s3 =	sor.u32 $0x380, s26;
	v13 =	vor.u32 v11, v3;
	[tilespmem:s1+$0xAD00] =	vst v20  }
0x155: {  	v3 =	vadd.s32 $0x1000, v13;
	[tilespmem:s3+$0xAA00] =	vst v21  }
0x156: {  	v22 =	vld [tilespmem:s19+$0x4900];
	[tilespmem:s31+$0xFB00] =	vst v15  }
0x157: {  	v17 =	vld.idx.msk [tilespmem:v17+s24+$0x0], $0xffff;
	[tilespmem:s19+$0x11C00] =	vst v18  }
0x158: {  	[tilespmem:s0+$0xDB80] =	vst v19;
	v18 =	vadd.s32 $0x3000, v7;
	v19 =	vld [tilespmem:s10+$0x2080]  }
0x159: {  	v11 =	vld [tilespmem:s1+$0x2880]  }
0x15a: {  	v3 =	vld.idx.msk [tilespmem:v3+s24+$0x0], $0xffff  }
0x15b: {  	v21 =	vld [tilespmem:s19+$0x4800]  }
0x15c: {  	[tilespmem:s31+$0xFB80] =	vst v17;
	v17 =	vld [tilespmem:s19+$0x4880]  }
0x15d: {  	v18 =	vld.idx.msk [tilespmem:v18+s24+$0x0], $0xffff;
	[tilespmem:s19+$0x11C80] =	vst v19;
	v19 =	vadd.s32 $0x1080, v13  }
0x15e: {  	v23 =	vadd.s32 $0x3080, v7;
	v20 =	vld [tilespmem:s1+$0x2900];
	[tilespmem:s1+$0xBA00] =	vst v11  }
0x15f: {  	[tilespmem:s0+$0xDC00] =	vst v3;
	v11 =	vld [tilespmem:s10+$0x2100]  }
0x160: {  	v3 =	vld [tilespmem:s19+$0x4A00];
	[tilespmem:s19+$0x12A80] =	vst v22  }
0x161: {  	v22 =	vld [tilespmem:s19+$0x4B00];
	[tilespmem:s19+$0x12A00] =	vst v17  }
0x162: {  	[tilespmem:s31+$0xFC00] =	vst v18;
	v17 =	vld.idx.msk [tilespmem:v19+s24+$0x0], $0xffff  }
0x163: {  	[tilespmem:s1+$0xBA80] =	vst v20;
	v19 =	vld.idx.msk [tilespmem:v23+s24+$0x0], $0xffff  }
0x164: {  	v18 =	vld [tilespmem:s19+$0x4A80];
	[tilespmem:s19+$0x11D00] =	vst v11;
	v11 =	vadd.s32 $0x3100, v7  }
0x165: {  	[tilespmem:s19+$0x11D80] =	vst v21;
	v23 =	vld [tilespmem:s25+$0x2800]  }
0x166: {  	v20 =	vld [tilespmem:s11+$0x4800];
	[tilespmem:s19+$0x12B80] =	vst v3  }
0x167: {  	[tilespmem:s19+$0x12C80] =	vst v22  }
0x168: {  	v21 =	vld [tilespmem:s1+$0x2A00];
	[tilespmem:s31+$0xFC80] =	vst v19  }
0x169: {  	[tilespmem:s19+$0x12C00] =	vst v18;
	v19 =	vadd.s32 $0x1100, v13;
	v11 =	vld.idx.msk [tilespmem:v11+s24+$0x0], $0xffff  }
0x16a: {  	v3 =	vld [tilespmem:s19+$0x5800];
	v18 =	vadd.s32 $0x3180, v7;
	[tilespmem:s0+$0xDC80] =	vst v17  }
0x16b: {  	v17 =	vld [tilespmem:s19+$0x5880];
	[tilespmem:s1+$0xBB00] =	vst v23  }
0x16c: {  	s7 =	sor.u32 $0x1180, s26;
	v22 =	vld [tilespmem:s19+$0x5900];
	[tilespmem:s19+$0x12B00] =	vst v20  }
0x16d: {  	[tilespmem:s7+$0xAA00] =	vst v21;
	v20 =	vld [tilespmem:s6+$0x4800]  }
0x16e: {  	v19 =	vld.idx.msk [tilespmem:v19+s24+$0x0], $0xffff;
	[tilespmem:s31+$0xFD00] =	vst v11  }
0x16f: {  	[tilespmem:s19+$0x12D80] =	vst v3;
	v11 =	vadd.s32 $0x1180, v13;
	v3 =	vld.idx.msk [tilespmem:v18+s24+$0x0], $0xffff  }
0x170: {  	[tilespmem:s19+$0x13A00] =	vst v17;
	v17 =	vadd.s32 $0x3200, v7  }
0x171: {  	[tilespmem:s19+$0x13A80] =	vst v22;
	v18 =	vld [tilespmem:s1+$0x2A80]  }
0x172: {  	v15 =	vld [tilespmem:s19+$0x5A00];
	[tilespmem:s19+$0x12D00] =	vst v20  }
0x173: {  	v20 =	vshll.u32 v8, $0x3;
	[tilespmem:s0+$0xDD00] =	vst v19;
	v19 =	vld [tilespmem:s5+$0x4800]  }
0x174: {  	v22 =	vand.u32 $0x7F, v8;
	v20 =	vand.u32 $0xFFFFFC00, v20;
	v11 =	vld.idx.msk [tilespmem:v11+s24+$0x0], $0xffff;
	[tilespmem:s31+$0xFD80] =	vst v3  }
0x175: {  	v22 =	vor.u32 v20, v22;
	v17 =	vld.idx.msk [tilespmem:v17+s24+$0x0], $0xffff  }
0x176: {  	v23 =	vadd.s32 $0x3280, v7;
	[tilespmem:s1+$0xBC00] =	vst v18;
	v18 =	vld [tilespmem:s1+$0x2B00]  }
0x177: {  	[tilespmem:s19+$0x13B80] =	vst v15;
	v3 =	vadd.s32 $0x1200, v13  }
0x178: {  	v21 =	vld [tilespmem:s1+$0x3800];
	[tilespmem:s19+$0x13B00] =	vst v19  }
0x179: {  	v24 =	vld [tilespmem:s1+$0x3900];
	[tilespmem:s0+$0xDD80] =	vst v11  }
0x17a: {  	v11 =	vld.idx.msk [tilespmem:v22+s24+$0x0], $0xffff;
	[tilespmem:s31+$0x10A00] =	vst v17  }
0x17b: {  	[tilespmem:s1+$0xBC80] =	vst v18;
	v17 =	vor.u32 $0x80, v22;
	v18 =	vld.idx.msk [tilespmem:v23+s24+$0x0], $0xffff  }
0x17c: {  	v3 =	vld.idx.msk [tilespmem:v3+s24+$0x0], $0xffff;
	v23 =	vadd.s32 $0x3300, v7  }
0x17d: {  	v15 =	vld [tilespmem:s1+$0x3880]  }
0x17e: {  	v19 =	vld [tilespmem:s3+$0x2800];
	[tilespmem:s1+$0xBD80] =	vst v21;
	v21 =	vadd.s32 $0x1280, v13  }
0x17f: {  	[tilespmem:s19+$0x13C00] =	vst v11  }
0x180: {  	v11 =	vld.idx.msk [tilespmem:v17+s24+$0x0], $0xffff;
	[tilespmem:s31+$0x10A80] =	vst v18  }
0x181: {  	[tilespmem:s0+$0xEA00] =	vst v3;
	v3 =	vor.u32 $0x100, v22;
	v18 =	vld.idx.msk [tilespmem:v23+s24+$0x0], $0xffff  }
0x182: {  	[tilespmem:s1+$0xCA00] =	vst v15;
	v7 =	vadd.s32 $0x3380, v7  }
0x183: {  	s11 =	simm.s32 $0x40;
	[tilespmem:s1+$0xCA80] =	vst v24;
	v15 =	vld.idx.msk [tilespmem:v21+s24+$0x0], $0xffff  }
0x184: {  	v17 =	vld [tilespmem:s11+$0x0];
	[tilespmem:s1+$0xBD00] =	vst v19  }
0x185: {  	v21 =	vadd.s32 $0x1300, v13;
	v19 =	vld [tilespmem:s1+$0x3A00];
	[tilespmem:s19+$0x13C80] =	vst v11  }
0x186: {  	v3 =	vld.idx.msk [tilespmem:v3+s24+$0x0], $0xffff;
	[tilespmem:s31+$0x10B00] =	vst v18  }
0x187: {  	v23 =	vld.idx.msk [tilespmem:v7+s24+$0x0], $0xffff;
	[dreg:$0x9] =	wrdreg s7  }
0x188: {  	s14 =	simm.s32 $0x240;
	v11 =	vshll.u32 v14, $0x3;
	v18 =	vor.u32 $0x180, v22;
	v24 =	vld [tilespmem:s7+$0x2800]  }
0x189: {  	v25 =	vand.u32 $0xFFFFFC00, v11;
	v7 =	vand.u32 $0x7F, v14;
	[tilespmem:s0+$0xEA80] =	vst v15;
	v11 =	vld [tilespmem:s14+$0x0]  }
0x18a: {  	s22 =	simm.s32 $0x0;
	s17 =	simm.s32 $0x440;
	s18 =	sand.u32 $0x70, s11;
	v15 =	vor.u32 v25, v7;
	v21 =	vld.idx.msk [tilespmem:v21+s24+$0x0], $0xffff  }
0x18b: {  	s26 =	sor.u32 s18, s22;
	[tilespmem:s1+$0xCB80] =	vst v19;
	v19 =	vadd.s32 $0x1380, v13;
	v7 =	vld [tilespmem:s17+$0x0]  }
0x18c: {  	v28 =	vld [tilespmem:s26+$0x800];
	[tilespmem:s19+$0x13D00] =	vst v3  }
0x18d: {  	v18 =	vld.idx.msk [tilespmem:v18+s24+$0x0], $0xffff;
	[tilespmem:s31+$0x10B80] =	vst v23  }
0x18e: {  	v23 =	vor.u32 $0x200, v22;
	[tilespmem:s1+$0xCB00] =	vst v24;
	v24 =	vld.idx.msk [tilespmem:v12+s23+$0x0], $0xffff  }
0x18f: {  	s17 =	simm.s32 $0x0;
	v26 =	vld.idx.msk [tilespmem:v15+s24+$0x0], $0xffff;
	[tilespmem:s0+$0xEB00] =	vst v21;
	v21 =	vadd.s32 $0x80, v12  }
0x190: {  	s7 =	simm.s32 $0x640;
	v27 =	vor.u32 $0x80, v15;
	s17 =	sor.u32 s18, s17;
	v19 =	vld.idx.msk [tilespmem:v19+s24+$0x0], $0xffff  }
0x191: {  	v3 =	vld [tilespmem:s7+$0x0];
	[tilespmem:s17+$0xAA00] =	vst v28  }
0x192: {  	v29 =	vadd.s32 $0x2000, v13;
	[tilespmem:s19+$0x13D80] =	vst v18  }
0x193: {  	v18 =	vld.idx.msk [tilespmem:v23+s24+$0x0], $0xffff;
	[tilespmem:s31+$0x10C00] =	vst v24  }
0x194: {  	v23 =	vor.u32 $0x280, v22;
	[tilespmem:s1+$0xCC00] =	vst v26;
	v21 =	vld.idx.msk [tilespmem:v21+s23+$0x0], $0xffff  }
0x195: {  	v24 =	vld.idx.msk [tilespmem:v27+s24+$0x0], $0xffff;
	[tilespmem:s0+$0xEB80] =	vst v19;
	v19 =	vadd.s32 $0x100, v12  }
0x196: {  	v28 =	vld [tilespmem:s26+$0x880];
	v26 =	vor.u32 $0x100, v15  }
0x197: {  	v27 =	vld.idx.msk [tilespmem:v29+s24+$0x0], $0xffff  }
0x198: {  	v41 =	vadd.s32 $0x2080, v13;
	[tilespmem:s19+$0x14A00] =	vst v18  }
0x199: {  	v18 =	vld.idx.msk [tilespmem:v23+s24+$0x0], $0xffff;
	[tilespmem:s31+$0x10C80] =	vst v21  }
0x19a: {  	v21 =	vor.u32 $0x300, v22;
	[tilespmem:s1+$0xCC80] =	vst v24;
	v19 =	vld.idx.msk [tilespmem:v19+s23+$0x0], $0xffff  }
0x19b: {  	[tilespmem:s17+$0xAA80] =	vst v28;
	v23 =	vld.idx.msk [tilespmem:v26+s24+$0x0], $0xffff  }
0x19c: {  	v12 =	vadd.s32 $0x180, v12;
	[tilespmem:s0+$0xEC00] =	vst v27;
	v27 =	vld [tilespmem:s26+$0x900]  }
0x19d: {  	v24 =	vor.u32 $0x180, v15;
	v26 =	vld.idx.msk [tilespmem:v41+s24+$0x0], $0xffff  }
0x19e: {  	v42 =	vadd.s32 $0x2100, v13;
	[tilespmem:s19+$0x14A80] =	vst v18  }
0x19f: {  	v18 =	vld.idx.msk [tilespmem:v21+s24+$0x0], $0xffff;
	[tilespmem:s31+$0x10D00] =	vst v19  }
0x1a0: {  	v19 =	vor.u32 $0x380, v22;
	[tilespmem:s1+$0xCD00] =	vst v23  }
0x1a1: {  	s6 =	sor.u32 s22, s11;
	v12 =	vld.idx.msk [tilespmem:v12+s23+$0x0], $0xffff;
	[tilespmem:s17+$0xAB00] =	vst v27  }
0x1a2: {  	s18 =	sor.u32 $0x180, s6;
	v21 =	vld.idx.msk [tilespmem:v24+s24+$0x0], $0xffff;
	[tilespmem:s0+$0xEC80] =	vst v26  }
0x1a3: {  	v22 =	vor.u32 $0x200, v15;
	v27 =	vand.u32 $0x78, v8;
	v23 =	vld.idx.msk [tilespmem:v42+s24+$0x0], $0xffff;
	[dreg:$0xc] =	wrdreg s18  }
0x1a4: {  	v8 =	vand.u32 $0x7, v8;
	v26 =	vadd.s32 $0x2180, v13;
	v24 =	vld [tilespmem:s18+$0x800];
	[tilespmem:s19+$0x14B00] =	vst v18;
	v18 =	vor.u32 v27, v20  }
0x1a5: {  	v19 =	vld.idx.msk [tilespmem:v19+s24+$0x0], $0xffff;
	v18 =	vor.u32 v8, v18  }
0x1a6: {  	[tilespmem:s31+$0x10D80] =	vst v12;
	v8 =	vadd.s32 $0x1000, v18  }
0x1a7: {  	s22 =	simm.s32 $0x40;
	[tilespmem:s1+$0xCD80] =	vst v21;
	v12 =	vld [tilespmem:s2+$0x1000]  }
0x1a8: {  	s7 =	sor.u32 $0x180, s22;
	v20 =	vld.idx.msk [tilespmem:v22+s24+$0x0], $0xffff;
	[tilespmem:s0+$0xED00] =	vst v23  }
0x1a9: {  	v21 =	vor.u32 $0x280, v15;
	[tilespmem:s7+$0xAA00] =	vst v24;
	v22 =	vld.idx.msk [tilespmem:v26+s24+$0x0], $0xffff  }
0x1aa: {  	v24 =	vadd.s32 $0x2200, v13;
	v23 =	vld [tilespmem:s26+$0x1800];
	[tilespmem:s19+$0x14B80] =	vst v19  }
0x1ab: {  	v8 =	vld.idx.msk [tilespmem:v8+s24+$0x0], $0xffff  }
0x1ac: {  	[tilespmem:s31+$0x11A00] =	vst v12;
	v12 =	vadd.s32 $0x1080, v18  }
0x1ad: {  	[tilespmem:s1+$0xDA00] =	vst v20;
	v19 =	vld [tilespmem:s2+$0x1080]  }
0x1ae: {  	v20 =	vld.idx.msk [tilespmem:v21+s24+$0x0], $0xffff;
	[tilespmem:s0+$0xED80] =	vst v22  }
0x1af: {  	v21 =	vor.u32 $0x300, v15;
	[tilespmem:s17+$0xAC00] =	vst v23;
	v22 =	vld.idx.msk [tilespmem:v24+s24+$0x0], $0xffff  }
0x1b0: {  	v24 =	vadd.s32 $0x2280, v13;
	v23 =	vld [tilespmem:s26+$0x1880];
	[tilespmem:s19+$0x14C00] =	vst v8  }
0x1b1: {  	v8 =	vld.idx.msk [tilespmem:v12+s24+$0x0], $0xffff  }
0x1b2: {  	v12 =	vadd.s32 $0x1100, v18;
	[tilespmem:s31+$0x11A80] =	vst v19  }
0x1b3: {  	[tilespmem:s1+$0xDA80] =	vst v20;
	v19 =	vld [tilespmem:s2+$0x1100]  }
0x1b4: {  	v20 =	vld.idx.msk [tilespmem:v21+s24+$0x0], $0xffff;
	[tilespmem:s0+$0xFA00] =	vst v22  }
0x1b5: {  	v15 =	vor.u32 $0x380, v15;
	[tilespmem:s17+$0xAC80] =	vst v23;
	v21 =	vld.idx.msk [tilespmem:v24+s24+$0x0], $0xffff  }
0x1b6: {  	v23 =	vadd.s32 $0x2300, v13;
	v22 =	vld [tilespmem:s26+$0x1900];
	[tilespmem:s19+$0x14C80] =	vst v8  }
0x1b7: {  	v12 =	vld.idx.msk [tilespmem:v12+s24+$0x0], $0xffff  }
0x1b8: {  	v24 =	vld [tilespmem:s17+$0x2800];
	v8 =	vand.u32 $0x78, v14;
	[tilespmem:s31+$0x11B00] =	vst v19;
	v19 =	vadd.s32 $0x1180, v18  }
0x1b9: {  	v14 =	vand.u32 $0x7, v14;
	v8 =	vor.u32 v8, v25;
	[tilespmem:s1+$0xDB00] =	vst v20;
	v20 =	vld [tilespmem:s9+$0x1000]  }
0x1ba: {  	v14 =	vor.u32 v14, v8;
	v15 =	vld.idx.msk [tilespmem:v15+s24+$0x0], $0xffff;
	[tilespmem:s0+$0xFA80] =	vst v21  }
0x1bb: {  	v8 =	vadd.s32 $0x1000, v14;
	[tilespmem:s17+$0xAD00] =	vst v22;
	v21 =	vld.idx.msk [tilespmem:v23+s24+$0x0], $0xffff  }
0x1bc: {  	s6 =	smov.u32 s26;
	s26 =	sor.u32 $0x380, s22;
	v22 =	vadd.s32 $0x2380, v13;
	[tilespmem:s19+$0x14D00] =	vst v12  }
0x1bd: {  	[tilespmem:s26+$0xAA00] =	vst v24;
	v12 =	vld.idx.msk [tilespmem:v19+s24+$0x0], $0xffff  }
0x1be: {  	v23 =	vld [tilespmem:s17+$0x2880];
	[tilespmem:s31+$0x11B80] =	vst v20  }
0x1bf: {  	[tilespmem:s1+$0xDB80] =	vst v15;
	v15 =	vadd.s32 $0x1200, v18;
	v19 =	vld [tilespmem:s2+$0x2000]  }
0x1c0: {  	v8 =	vld.idx.msk [tilespmem:v8+s24+$0x0], $0xffff;
	[tilespmem:s0+$0xFB00] =	vst v21  }
0x1c1: {  	v20 =	vld.idx.msk [tilespmem:v22+s24+$0x0], $0xffff  }
0x1c2: {  	v25 =	vld [tilespmem:s31+$0x4800];
	v22 =	vadd.s32 $0x3000, v13;
	[tilespmem:s19+$0x14D80] =	vst v12  }
0x1c3: {  	v21 =	vld [tilespmem:s17+$0x2900];
	[tilespmem:s17+$0xBA00] =	vst v23  }
0x1c4: {  	v15 =	vld.idx.msk [tilespmem:v15+s24+$0x0], $0xffff;
	[tilespmem:s31+$0x11C00] =	vst v19  }
0x1c5: {  	v19 =	vadd.s32 $0x1280, v18;
	v23 =	vld [tilespmem:s2+$0x2080];
	[tilespmem:s1+$0xDC00] =	vst v8  }
0x1c6: {  	v8 =	vld [tilespmem:s31+$0x4900];
	[tilespmem:s0+$0xFB80] =	vst v20  }
0x1c7: {  	v20 =	vld.idx.msk [tilespmem:v22+s24+$0x0], $0xffff;
	v22 =	vadd.s32 $0x1080, v14  }
0x1c8: {  	v24 =	vld [tilespmem:s17+$0x2A00];
	[tilespmem:s17+$0xBA80] =	vst v21  }
0x1c9: {  	[tilespmem:s19+$0x15A00] =	vst v15;
	v15 =	vld [tilespmem:s31+$0x4880]  }
0x1ca: {  	v26 =	vadd.s32 $0x3080, v13;
	v19 =	vld.idx.msk [tilespmem:v19+s24+$0x0], $0xffff;
	[tilespmem:s31+$0x11C80] =	vst v23  }
0x1cb: {  	v21 =	vld [tilespmem:s2+$0x2100];
	[tilespmem:s31+$0x11D80] =	vst v25  }
0x1cc: {  	v23 =	vadd.s32 $0x1300, v18;
	[tilespmem:s31+$0x12A80] =	vst v8;
	v22 =	vld.idx.msk [tilespmem:v22+s24+$0x0], $0xffff  }
0x1cd: {  	[tilespmem:s0+$0xFC00] =	vst v20;
	v20 =	vld [tilespmem:s31+$0x4A00]  }
0x1ce: {  	v8 =	vld [tilespmem:s31+$0x4A80];
	[tilespmem:s31+$0x12A00] =	vst v15  }
0x1cf: {  	v25 =	vld.idx.msk [tilespmem:v26+s24+$0x0], $0xffff;
	[tilespmem:s19+$0x15A80] =	vst v19  }
0x1d0: {  	v26 =	vadd.s32 $0x3100, v13;
	v15 =	vld [tilespmem:s7+$0x2800];
	[tilespmem:s31+$0x11D00] =	vst v21  }
0x1d1: {  	v19 =	vld.idx.msk [tilespmem:v23+s24+$0x0], $0xffff;
	[tilespmem:s1+$0xDC80] =	vst v22  }
0x1d2: {  	v23 =	vld [tilespmem:s4+$0x4800];
	[tilespmem:s31+$0x12B80] =	vst v20  }
0x1d3: {  	v21 =	vadd.s32 $0x1380, v18;
	v22 =	vld [tilespmem:s31+$0x4B00];
	[tilespmem:s31+$0x12C00] =	vst v8  }
0x1d4: {  	[tilespmem:s0+$0xFC80] =	vst v25  }
0x1d5: {  	s11 =	sor.u32 $0x1180, s22;
	v25 =	vld.idx.msk [tilespmem:v26+s24+$0x0], $0xffff;
	[tilespmem:s17+$0xBB00] =	vst v15  }
0x1d6: {  	v20 =	vadd.s32 $0x1100, v14;
	v15 =	vld [tilespmem:s31+$0x5800];
	[tilespmem:s11+$0xAA00] =	vst v24  }
0x1d7: {  	[tilespmem:s19+$0x15B00] =	vst v19;
	v19 =	vld [tilespmem:s31+$0x5880]  }
0x1d8: {  	v21 =	vld.idx.msk [tilespmem:v21+s24+$0x0], $0xffff;
	[tilespmem:s31+$0x12C80] =	vst v22  }
0x1d9: {  	v8 =	vadd.s32 $0x2000, v18;
	v22 =	vld [tilespmem:s31+$0x5900];
	[tilespmem:s31+$0x12B00] =	vst v23  }
0x1da: {  	v24 =	vadd.s32 $0x3180, v13;
	v23 =	vld [tilespmem:s12+$0x4800];
	[tilespmem:s0+$0xFD00] =	vst v25  }
0x1db: {  	v20 =	vld.idx.msk [tilespmem:v20+s24+$0x0], $0xffff;
	[tilespmem:s31+$0x12D80] =	vst v15  }
0x1dc: {  	v12 =	vld [tilespmem:s31+$0x5A00];
	v25 =	vadd.s32 $0x1180, v14;
	[tilespmem:s31+$0x13A00] =	vst v19  }
0x1dd: {  	[tilespmem:s19+$0x15B80] =	vst v21;
	v21 =	vld [tilespmem:s17+$0x2A80]  }
0x1de: {  	[tilespmem:s31+$0x13A80] =	vst v22;
	v8 =	vld.idx.msk [tilespmem:v8+s24+$0x0], $0xffff  }
0x1df: {  	v15 =	vld.idx.msk [tilespmem:v24+s24+$0x0], $0xffff;
	v19 =	vadd.s32 $0x2080, v18;
	[tilespmem:s31+$0x12D00] =	vst v23  }
0x1e0: {  	v24 =	vadd.s32 $0x3200, v13;
	[tilespmem:s1+$0xDD00] =	vst v20;
	v23 =	vshll.u32 v9, $0x3;
	v26 =	vld [tilespmem:s13+$0x4800]  }
0x1e1: {  	v20 =	vand.u32 $0xFFFFFC00, v23;
	v23 =	vand.u32 $0x7F, v9;
	v25 =	vld.idx.msk [tilespmem:v25+s24+$0x0], $0xffff;
	[tilespmem:s31+$0x13B80] =	vst v12  }
0x1e2: {  	[tilespmem:s17+$0xBC00] =	vst v21;
	v21 =	vor.u32 v20, v23;
	v23 =	vld [tilespmem:s17+$0x2B00]  }
0x1e3: {  	v22 =	vld [tilespmem:s17+$0x3800];
	[tilespmem:s19+$0x15C00] =	vst v8;
	v8 =	vadd.s32 $0x1200, v14  }
0x1e4: {  	[tilespmem:s0+$0xFD80] =	vst v15;
	v15 =	vld.idx.msk [tilespmem:v19+s24+$0x0], $0xffff  }
0x1e5: {  	v24 =	vld.idx.msk [tilespmem:v24+s24+$0x0], $0xffff;
	[tilespmem:s31+$0x13B00] =	vst v26  }
0x1e6: {  	v19 =	vld [tilespmem:s17+$0x3880];
	[tilespmem:s1+$0xDD80] =	vst v25  }
0x1e7: {  	v12 =	vadd.s32 $0x2100, v18;
	v25 =	vld.idx.msk [tilespmem:v21+s24+$0x0], $0xffff;
	[tilespmem:s17+$0xBC80] =	vst v23  }
0x1e8: {  	v8 =	vld.idx.msk [tilespmem:v8+s24+$0x0], $0xffff;
	[dreg:$0xd] =	wrdreg s26  }
0x1e9: {  	v23 =	vadd.s32 $0x3280, v13;
	v26 =	vld [tilespmem:s26+$0x2800];
	[tilespmem:s19+$0x15C80] =	vst v15  }
0x1ea: {  	s29 =	simm.s32 $0x50;
	s18 =	simm.s32 $0x250;
	v27 =	vor.u32 $0x80, v21;
	[tilespmem:s17+$0xBD80] =	vst v22;
	v22 =	vld [tilespmem:s17+$0x3900]  }
0x1eb: {  	v30 =	vadd.s32 $0x3380, v13;
	s10 =	simm.s32 $0x0;
	s9 =	sand.u32 $0x70, s29;
	v15 =	vadd.s32 $0x1280, v14;
	[tilespmem:s17+$0xCA00] =	vst v19;
	v19 =	vadd.s32 $0x3300, v13;
	v13 =	vld [tilespmem:s18+$0x0]  }
0x1ec: {  	s12 =	sor.u32 s9, s10;
	v12 =	vld.idx.msk [tilespmem:v12+s24+$0x0], $0xffff  }
0x1ed: {  	[tilespmem:s0+$0x10A00] =	vst v24;
	v47 =	vld [tilespmem:s12+$0x800]  }
0x1ee: {  	v24 =	vadd.s32 $0x2180, v18;
	[tilespmem:s31+$0x13C00] =	vst v25;
	v23 =	vld.idx.msk [tilespmem:v23+s24+$0x0], $0xffff  }
0x1ef: {  	[tilespmem:s1+$0xEA00] =	vst v8;
	v8 =	vld.idx.msk [tilespmem:v27+s24+$0x0], $0xffff  }
0x1f0: {  	v25 =	vld.idx.msk [tilespmem:v15+s24+$0x0], $0xffff  }
0x1f1: {  	v15 =	vld [tilespmem:s29+$0x0];
	[tilespmem:s19+$0x15D00] =	vst v12;
	v12 =	vor.u32 $0x100, v21  }
0x1f2: {  	v27 =	vadd.s32 $0x1300, v14;
	[tilespmem:s17+$0xBD00] =	vst v26;
	v26 =	vld [tilespmem:s17+$0x3A00]  }
0x1f3: {  	v24 =	vld.idx.msk [tilespmem:v24+s24+$0x0], $0xffff;
	[tilespmem:s0+$0x10A80] =	vst v23  }
0x1f4: {  	[tilespmem:s17+$0xCA80] =	vst v22;
	v22 =	vshll.u32 v17, $0x3;
	v23 =	vadd.s32 $0x2200, v18;
	v44 =	vld.idx.msk [tilespmem:v19+s24+$0x0], $0xffff  }
0x1f5: {  	v43 =	vld [tilespmem:s11+$0x2800];
	[tilespmem:s31+$0x13C80] =	vst v8;
	v19 =	vand.u32 $0xFFFFFC00, v22;
	v8 =	vand.u32 $0x7F, v17  }
0x1f6: {  	[tilespmem:s1+$0xEA80] =	vst v25;
	v22 =	vor.u32 v19, v8;
	v25 =	vld.idx.msk [tilespmem:v12+s24+$0x0], $0xffff  }
0x1f7: {  	s2 =	simm.s32 $0x450;
	[tilespmem:s17+$0xCB80] =	vst v26;
	v8 =	vld.idx.msk [tilespmem:v27+s24+$0x0], $0xffff  }
0x1f8: {  	v27 =	vor.u32 $0x180, v21;
	v12 =	vld [tilespmem:s2+$0x0];
	[tilespmem:s19+$0x15D80] =	vst v24  }
0x1f9: {  	v24 =	vadd.s32 $0x1380, v14;
	v23 =	vld.idx.msk [tilespmem:v23+s24+$0x0], $0xffff;
	[tilespmem:s0+$0x10B00] =	vst v44  }
0x1fa: {  	[tilespmem:s17+$0xCB00] =	vst v43;
	v45 =	vld.idx.msk [tilespmem:v30+s24+$0x0], $0xffff  }
0x1fb: {  	s30 =	simm.s32 $0x650;
	s22 =	simm.s32 $0x0;
	v46 =	vld.idx.msk [tilespmem:v22+s24+$0x0], $0xffff;
	[tilespmem:s31+$0x13D00] =	vst v25  }
0x1fc: {  	s4 =	sor.u32 s9, s22;
	v26 =	vadd.s32 $0x2280, v18;
	[tilespmem:s1+$0xEB00] =	vst v8;
	v8 =	vld [tilespmem:s30+$0x0]  }
0x1fd: {  	[tilespmem:s4+$0xAA00] =	vst v47;
	v25 =	vld.idx.msk [tilespmem:v27+s24+$0x0], $0xffff;
	v27 =	vor.u32 $0x80, v22  }
0x1fe: {  	v31 =	vor.u32 $0x200, v21;
	v24 =	vld.idx.msk [tilespmem:v24+s24+$0x0], $0xffff;
	[tilespmem:s19+$0x16A00] =	vst v23  }
0x1ff: {  	v50 =	vld [tilespmem:s12+$0x880];
	v23 =	vadd.s32 $0x2000, v14;
	[tilespmem:s0+$0x10B80] =	vst v45  }
0x200: {  	v28 =	vld.idx.msk [tilespmem:v16+s23+$0x0], $0xffff  }
0x201: {  	v48 =	vadd.s32 $0x80, v16;
	v26 =	vld.idx.msk [tilespmem:v26+s24+$0x0], $0xffff;
	[tilespmem:s17+$0xCC00] =	vst v46  }
0x202: {  	v32 =	vadd.s32 $0x2300, v18;
	v27 =	vld.idx.msk [tilespmem:v27+s24+$0x0], $0xffff;
	[tilespmem:s31+$0x13D80] =	vst v25  }
0x203: {  	v25 =	vor.u32 $0x100, v22;
	[tilespmem:s1+$0xEB80] =	vst v24;
	v24 =	vld.idx.msk [tilespmem:v31+s24+$0x0], $0xffff  }
0x204: {  	v49 =	vor.u32 $0x280, v21;
	[tilespmem:s4+$0xAA80] =	vst v50;
	v23 =	vld.idx.msk [tilespmem:v23+s24+$0x0], $0xffff  }
0x205: {  	v51 =	vadd.s32 $0x2080, v14;
	v31 =	vld [tilespmem:s12+$0x900];
	[tilespmem:s0+$0x10C00] =	vst v28  }
0x206: {  	[tilespmem:s19+$0x16A80] =	vst v26;
	v26 =	vld.idx.msk [tilespmem:v48+s23+$0x0], $0xffff  }
0x207: {  	v52 =	vld.idx.msk [tilespmem:v32+s24+$0x0], $0xffff;
	[tilespmem:s17+$0xCC80] =	vst v27;
	v27 =	vadd.s32 $0x100, v16  }
0x208: {  	v53 =	vadd.s32 $0x2380, v18;
	v25 =	vld.idx.msk [tilespmem:v25+s24+$0x0], $0xffff;
	[tilespmem:s31+$0x14A00] =	vst v24  }
0x209: {  	s13 =	sor.u32 s10, s29;
	v24 =	vor.u32 $0x180, v22;
	[tilespmem:s1+$0xEC00] =	vst v23;
	v23 =	vld.idx.msk [tilespmem:v49+s24+$0x0], $0xffff  }
0x20a: {  	s14 =	sor.u32 $0x180, s13;
	v54 =	vor.u32 $0x300, v21;
	[tilespmem:s4+$0xAB00] =	vst v31;
	v28 =	vld.idx.msk [tilespmem:v51+s24+$0x0], $0xffff  }
0x20b: {  	v56 =	vld [tilespmem:s14+$0x800];
	[tilespmem:s0+$0x10C80] =	vst v26;
	v26 =	vadd.s32 $0x2100, v14  }
0x20c: {  	[tilespmem:s19+$0x16B00] =	vst v52;
	v27 =	vld.idx.msk [tilespmem:v27+s23+$0x0], $0xffff  }
0x20d: {  	v16 =	vadd.s32 $0x180, v16;
	v29 =	vld.idx.msk [tilespmem:v53+s24+$0x0], $0xffff;
	[tilespmem:s17+$0xCD00] =	vst v25  }
0x20e: {  	s26 =	simm.s32 $0x50;
	v25 =	vadd.s32 $0x3000, v18;
	v24 =	vld.idx.msk [tilespmem:v24+s24+$0x0], $0xffff;
	[tilespmem:s31+$0x14A80] =	vst v23  }
0x20f: {  	s9 =	sor.u32 $0x180, s26;
	v23 =	vor.u32 $0x200, v22;
	[tilespmem:s1+$0xEC80] =	vst v28;
	v55 =	vld.idx.msk [tilespmem:v54+s24+$0x0], $0xffff  }
0x210: {  	v21 =	vor.u32 $0x380, v21;
	[tilespmem:s9+$0xAA00] =	vst v56;
	v26 =	vld.idx.msk [tilespmem:v26+s24+$0x0], $0xffff  }
0x211: {  	v57 =	vadd.s32 $0x2180, v14;
	v58 =	vld [tilespmem:s12+$0x1800];
	[tilespmem:s0+$0x10D00] =	vst v27  }
0x212: {  	[tilespmem:s19+$0x16B80] =	vst v29;
	v16 =	vld.idx.msk [tilespmem:v16+s23+$0x0], $0xffff  }
0x213: {  	v25 =	vld.idx.msk [tilespmem:v25+s24+$0x0], $0xffff;
	[tilespmem:s17+$0xCD80] =	vst v24;
	v24 =	vand.u32 $0x78, v9  }
0x214: {  	v27 =	vadd.s32 $0x3080, v18;
	v9 =	vand.u32 $0x7, v9;
	v23 =	vld.idx.msk [tilespmem:v23+s24+$0x0], $0xffff;
	[tilespmem:s31+$0x14B00] =	vst v55;
	v20 =	vor.u32 v24, v20  }
0x215: {  	v24 =	vor.u32 $0x280, v22;
	v21 =	vld.idx.msk [tilespmem:v21+s24+$0x0], $0xffff;
	v9 =	vor.u32 v9, v20;
	[tilespmem:s1+$0xED00] =	vst v26  }
0x216: {  	[tilespmem:s4+$0xAC00] =	vst v58;
	v26 =	vadd.s32 $0x1000, v9;
	v20 =	vld.idx.msk [tilespmem:v57+s24+$0x0], $0xffff  }
0x217: {  	[tilespmem:s0+$0x10D80] =	vst v16  }
0x218: {  	v59 =	vadd.s32 $0x2200, v14;
	[tilespmem:s19+$0x16C00] =	vst v25;
	v16 =	vld [tilespmem:s15+$0x1000]  }
0x219: {  	v25 =	vld.idx.msk [tilespmem:v27+s24+$0x0], $0xffff;
	[tilespmem:s17+$0xDA00] =	vst v23  }
0x21a: {  	v23 =	vld.idx.msk [tilespmem:v24+s24+$0x0], $0xffff;
	v24 =	vadd.s32 $0x3100, v18;
	[tilespmem:s31+$0x14B80] =	vst v21  }
0x21b: {  	v21 =	vor.u32 $0x300, v22;
	[tilespmem:s1+$0xED80] =	vst v20;
	v20 =	vld.idx.msk [tilespmem:v26+s24+$0x0], $0xffff  }
0x21c: {  	v28 =	vld [tilespmem:s12+$0x1880];
	v27 =	vadd.s32 $0x1080, v9  }
0x21d: {  	v26 =	vld.idx.msk [tilespmem:v59+s24+$0x0], $0xffff;
	[tilespmem:s0+$0x11A00] =	vst v16  }
0x21e: {  	v60 =	vadd.s32 $0x2280, v14;
	[tilespmem:s19+$0x16C80] =	vst v25;
	v16 =	vld [tilespmem:s15+$0x1080]  }
0x21f: {  	v24 =	vld.idx.msk [tilespmem:v24+s24+$0x0], $0xffff;
	[tilespmem:s17+$0xDA80] =	vst v23  }
0x220: {  	v23 =	vadd.s32 $0x3180, v18;
	v21 =	vld.idx.msk [tilespmem:v21+s24+$0x0], $0xffff;
	[tilespmem:s31+$0x14C00] =	vst v20  }
0x221: {  	[tilespmem:s4+$0xAC80] =	vst v28;
	v20 =	vld.idx.msk [tilespmem:v27+s24+$0x0], $0xffff  }
0x222: {  	v22 =	vor.u32 $0x380, v22;
	[tilespmem:s1+$0xFA00] =	vst v26;
	v26 =	vld [tilespmem:s12+$0x1900]  }
0x223: {  	v27 =	vadd.s32 $0x1100, v9;
	v25 =	vld.idx.msk [tilespmem:v60+s24+$0x0], $0xffff;
	[tilespmem:s0+$0x11A80] =	vst v16  }
0x224: {  	[tilespmem:s19+$0x16D00] =	vst v24;
	v24 =	vadd.s32 $0x2300, v14;
	v61 =	vld [tilespmem:s15+$0x1100]  }
0x225: {  	v16 =	vand.u32 $0x78, v17;
	v23 =	vld.idx.msk [tilespmem:v23+s24+$0x0], $0xffff;
	[tilespmem:s17+$0xDB00] =	vst v21  }
0x226: {  	v21 =	vld [tilespmem:s4+$0x2800];
	v16 =	vor.u32 v16, v19;
	v19 =	vadd.s32 $0x3200, v18;
	[tilespmem:s31+$0x14C80] =	vst v20  }
0x227: {  	v17 =	vand.u32 $0x7, v17;
	v20 =	vld.idx.msk [tilespmem:v22+s24+$0x0], $0xffff;
	[tilespmem:s4+$0xAD00] =	vst v26  }
0x228: {  	v16 =	vor.u32 v17, v16;
	[tilespmem:s1+$0xFA80] =	vst v25;
	v22 =	vld.idx.msk [tilespmem:v27+s24+$0x0], $0xffff  }
0x229: {  	v17 =	vadd.s32 $0x1000, v16;
	v24 =	vld.idx.msk [tilespmem:v24+s24+$0x0], $0xffff;
	[tilespmem:s0+$0x11B00] =	vst v61  }
0x22a: {  	v25 =	vadd.s32 $0x1180, v9;
	[tilespmem:s19+$0x16D80] =	vst v23;
	v26 =	vld [tilespmem:s21+$0x1000]  }
0x22b: {  	s21 =	sor.u32 $0x380, s26;
	v19 =	vld.idx.msk [tilespmem:v19+s24+$0x0], $0xffff  }
0x22c: {  	v62 =	vld [tilespmem:s0+$0x4900];
	v23 =	vadd.s32 $0x2380, v14;
	[tilespmem:s21+$0xAA00] =	vst v21  }
0x22d: {  	[tilespmem:s17+$0xDB80] =	vst v20;
	v20 =	vadd.s32 $0x3280, v18;
	v21 =	vld [tilespmem:s4+$0x2880]  }
0x22e: {  	v17 =	vld.idx.msk [tilespmem:v17+s24+$0x0], $0xffff;
	[tilespmem:s31+$0x14D00] =	vst v22  }
0x22f: {  	[tilespmem:s1+$0xFB00] =	vst v24;
	v22 =	vld.idx.msk [tilespmem:v25+s24+$0x0], $0xffff  }
0x230: {  	v24 =	vadd.s32 $0x1080, v16;
	v25 =	vld [tilespmem:s4+$0x2900];
	[tilespmem:s19+$0x17A00] =	vst v19  }
0x231: {  	v27 =	vadd.s32 $0x1200, v9;
	v23 =	vld.idx.msk [tilespmem:v23+s24+$0x0], $0xffff;
	[tilespmem:s0+$0x11B80] =	vst v26  }
0x232: {  	v20 =	vld.idx.msk [tilespmem:v20+s24+$0x0], $0xffff;
	[tilespmem:s4+$0xBA00] =	vst v21  }
0x233: {  	v19 =	vadd.s32 $0x3000, v14;
	v26 =	vld [tilespmem:s15+$0x2000];
	[tilespmem:s17+$0xDC00] =	vst v17  }
0x234: {  	v21 =	vld [tilespmem:s4+$0x2A00];
	[tilespmem:s31+$0x14D80] =	vst v22  }
0x235: {  	v24 =	vld.idx.msk [tilespmem:v24+s24+$0x0], $0xffff;
	v22 =	vadd.s32 $0x3300, v18;
	[tilespmem:s4+$0xBA80] =	vst v25  }
0x236: {  	[tilespmem:s1+$0xFB80] =	vst v23;
	v23 =	vld.idx.msk [tilespmem:v27+s24+$0x0], $0xffff  }
0x237: {  	v25 =	vld [tilespmem:s9+$0x2800]  }
0x238: {  	v27 =	vadd.s32 $0x1280, v9;
	v19 =	vld.idx.msk [tilespmem:v19+s24+$0x0], $0xffff;
	[tilespmem:s0+$0x11C00] =	vst v26  }
0x239: {  	[tilespmem:s19+$0x17A80] =	vst v20;
	v26 =	vld [tilespmem:s15+$0x2080]  }
0x23a: {  	v20 =	vadd.s32 $0x3080, v14;
	v22 =	vld.idx.msk [tilespmem:v22+s24+$0x0], $0xffff;
	[tilespmem:s17+$0xDC80] =	vst v24  }
0x23b: {  	v24 =	vld [tilespmem:s0+$0x4800];
	[tilespmem:s31+$0x15A00] =	vst v23  }
0x23c: {  	v17 =	vld [tilespmem:s0+$0x5A00];
	[tilespmem:s4+$0xBB00] =	vst v25  }
0x23d: {  	v18 =	vadd.s32 $0x3380, v18;
	v23 =	vld.idx.msk [tilespmem:v27+s24+$0x0], $0xffff;
	[tilespmem:s1+$0xFC00] =	vst v19  }
0x23e: {  	v27 =	vadd.s32 $0x1100, v16;
	v19 =	vld [tilespmem:s0+$0x4880];
	[tilespmem:s0+$0x11C80] =	vst v26  }
0x23f: {  	v25 =	vadd.s32 $0x1300, v9;
	v20 =	vld.idx.msk [tilespmem:v20+s24+$0x0], $0xffff;
	[tilespmem:s19+$0x17B00] =	vst v22  }
0x240: {  	v26 =	vld [tilespmem:s15+$0x2100];
	v22 =	vadd.s32 $0x3100, v14;
	[tilespmem:s0+$0x11D80] =	vst v24  }
0x241: {  	s15 =	sor.u32 $0x1180, s26;
	[tilespmem:s0+$0x12A80] =	vst v62;
	v24 =	vld [tilespmem:s0+$0x4B00]  }
0x242: {  	v18 =	vld.idx.msk [tilespmem:v18+s24+$0x0], $0xffff;
	[tilespmem:s15+$0xAA00] =	vst v21  }
0x243: {  	v27 =	vld.idx.msk [tilespmem:v27+s24+$0x0], $0xffff;
	[tilespmem:s31+$0x15A80] =	vst v23  }
0x244: {  	[tilespmem:s1+$0xFC80] =	vst v20;
	v23 =	vld.idx.msk [tilespmem:v25+s24+$0x0], $0xffff  }
0x245: {  	v63 =	vadd.s32 $0x1380, v9;
	[tilespmem:s0+$0x12A00] =	vst v19;
	v25 =	vld.idx.msk [tilespmem:v22+s24+$0x0], $0xffff  }
0x246: {  	v20 =	vld [tilespmem:s0+$0x4A00];
	[tilespmem:s0+$0x11D00] =	vst v26  }
0x247: {  	v22 =	vld [tilespmem:s0+$0x4A80];
	[tilespmem:s19+$0x17B80] =	vst v18  }
0x248: {  	[tilespmem:s17+$0xDD00] =	vst v27;
	v18 =	vld.idx.msk [tilespmem:v5+s23+$0x0], $0xffff  }
0x249: {  	v21 =	vld [tilespmem:s16+$0x4800];
	[tilespmem:s31+$0x15B00] =	vst v23  }
0x24a: {  	s26 =	simm.s32 $0x50;
	v19 =	vadd.s32 $0x80, v5;
	s16 =	simm.s32 $0x6;
	v23 =	vld.idx.msk [tilespmem:v63+s24+$0x0], $0xffff;
	[tilespmem:s1+$0xFD00] =	vst v25  }
.LBB2_2:
0x24b: {  	_ = 	snop  }
0x24c: {  	[tilespmem:s0+$0x12B80] =	vst v20;
	v20 =	vld [tilespmem:s0+$0x5800]  }
0x24d: {  	v25 =	vld [tilespmem:s0+$0x5880];
	[tilespmem:s19+$0x17C00] =	vst v18  }
0x24e: {  	v26 =	vadd.s32 $0x2000, v9;
	[tilespmem:s0+$0x12C00] =	vst v22;
	v22 =	vld [tilespmem:s0+$0x5900]  }
0x24f: {  	v18 =	vadd.s32 $0x3180, v14;
	v19 =	vld.idx.msk [tilespmem:v19+s28+$0x0], $0xffff;
	[tilespmem:s0+$0x12C80] =	vst v24  }
0x250: {  	v24 =	vld [tilespmem:s4+$0x2A80];
	[tilespmem:s0+$0x12B00] =	vst v21  }
0x251: {  	v28 =	vld [tilespmem:s8+$0x4800];
	[tilespmem:s31+$0x15B80] =	vst v23  }
0x252: {  	v21 =	vadd.s32 $0x100, v5;
	[tilespmem:s0+$0x12D80] =	vst v20  }
0x253: {  	v27 =	vadd.s32 $0x1180, v16;
	v23 =	vld.idx.msk [tilespmem:v26+s24+$0x0], $0xffff  }
0x254: {  	v26 =	vld.idx.msk [tilespmem:v18+s24+$0x0], $0xffff;
	[tilespmem:s0+$0x13A00] =	vst v25  }
0x255: {  	v25 =	vld [tilespmem:s4+$0x3800];
	[tilespmem:s19+$0x17C80] =	vst v19  }
0x256: {  	[tilespmem:s0+$0x13A80] =	vst v22  }
0x257: {  	v29 =	vadd.s32 $0x2080, v9;
	v19 =	vld.idx.msk [tilespmem:v21+s28+$0x0], $0xffff  }
0x258: {  	s13 =	rddreg [dreg:$0xd];
	v21 =	vld.idx.msk [tilespmem:v27+s24+$0x0], $0xffff;
	[tilespmem:s0+$0x12D00] =	vst v28  }
0x259: {  	s5 =	smov.u32 s13;
	s13 =	smov.u32 s21;
	s21 =	rddreg [dreg:$0xb];
	v22 =	vadd.s32 $0x3200, v14;
	[tilespmem:s4+$0xBC00] =	vst v24;
	v28 =	vld [tilespmem:s4+$0x2B00]  }
0x25a: {  	v18 =	vshll.u32 v6, $0x3;
	v24 =	vld [tilespmem:s21+$0x4800];
	[tilespmem:s31+$0x15C00] =	vst v23  }
0x25b: {  	v20 =	vand.u32 $0x7F, v6;
	v18 =	vand.u32 $0xFFFFFC00, v18;
	v27 =	vadd.s32 $0x180, v5;
	[tilespmem:s1+$0xFD80] =	vst v26  }
0x25c: {  	v20 =	vor.u32 v18, v20;
	v5 =	vmov v0;
	v23 =	vld.idx.msk [tilespmem:v29+s24+$0x0], $0xffff  }
0x25d: {  	v0 =	vmovc v1;
	v1 =	vmovc v2;
	v2 =	vmov v3;
	v3 =	vmov v8;
	v8 =	vadd.s32 $0x1200, v16;
	v26 =	vld [tilespmem:s4+$0x3880];
	[tilespmem:s0+$0x13B80] =	vst v17  }
0x25e: {  	v17 =	vld.idx.msk [tilespmem:v22+s24+$0x0], $0xffff;
	[tilespmem:s19+$0x17D00] =	vst v19  }
0x25f: {  	[tilespmem:s0+$0x13B00] =	vst v24  }
0x260: {  	v22 =	vadd.s32 $0x2100, v9;
	v19 =	vld.idx.msk [tilespmem:v27+s28+$0x0], $0xffff;
	[tilespmem:s17+$0xDD80] =	vst v21  }
0x261: {  	v21 =	vld.idx.msk [tilespmem:v20+s24+$0x0], $0xffff;
	[tilespmem:s4+$0xBC80] =	vst v28  }
0x262: {  	v24 =	vadd.s32 $0x3280, v14;
	v8 =	vld.idx.msk [tilespmem:v8+s24+$0x0], $0xffff  }
0x263: {  	v27 =	vld [tilespmem:s13+$0x2800];
	[tilespmem:s31+$0x15C80] =	vst v23  }
0x264: {  	v42 =	vor.u32 $0x80, v20;
	[tilespmem:s4+$0xBD80] =	vst v25  }
0x265: {  	v23 =	vadd.s32 $0x1280, v16;
	v22 =	vld.idx.msk [tilespmem:v22+s24+$0x0], $0xffff;
	[tilespmem:s1+$0x10A00] =	vst v17  }
0x266: {  	v25 =	vld [tilespmem:s4+$0x3900];
	[tilespmem:s19+$0x17D80] =	vst v19;
	s19 =	smov.u32 s31;
	s31 =	smov.u32 s0  }
0x267: {  	s0 =	smov.u32 s1;
	s1 =	smov.u32 s17;
	v19 =	vld.idx.msk [tilespmem:v24+s24+$0x0], $0xffff;
	[tilespmem:s31+$0x13C00] =	vst v21  }
0x268: {  	v43 =	vadd.s32 $0x2180, v9;
	s17 =	smov.u32 s4;
	[tilespmem:s1+$0xEA00] =	vst v8  }
0x269: {  	v8 =	vld.idx.msk [tilespmem:v42+s24+$0x0], $0xffff;
	[tilespmem:s17+$0xCA00] =	vst v26  }
0x26a: {  	s29 =	sadd.s32 $0x10, s29;
	v21 =	vadd.s32 $0x3300, v14;
	v23 =	vld.idx.msk [tilespmem:v23+s24+$0x0], $0xffff  }
0x26b: {  	v17 =	vld [tilespmem:s29+$0x0];
	[tilespmem:s19+$0x15D00] =	vst v22  }
0x26c: {  	v24 =	vor.u32 $0x100, v20;
	[tilespmem:s17+$0xCA80] =	vst v25;
	v26 =	vld [tilespmem:s17+$0x3A00]  }
0x26d: {  	s8 =	smov.u32 s11;
	s11 =	smov.u32 s15;
	v22 =	vadd.s32 $0x1300, v16;
	v25 =	vld.idx.msk [tilespmem:v43+s24+$0x0], $0xffff;
	[tilespmem:s17+$0xBD00] =	vst v27  }
0x26e: {  	v27 =	vld [tilespmem:s11+$0x2800];
	[tilespmem:s0+$0x10A80] =	vst v19  }
0x26f: {  	v30 =	vld.idx.msk [tilespmem:v21+s24+$0x0], $0xffff;
	[tilespmem:s31+$0x13C80] =	vst v8  }
0x270: {  	v44 =	vshll.u32 v15, $0x3;
	v45 =	vadd.s32 $0x2200, v9;
	[tilespmem:s1+$0xEA80] =	vst v23  }
0x271: {  	v46 =	vand.u32 $0x7F, v15;
	v19 =	vand.u32 $0xFFFFFC00, v44;
	v8 =	vld.idx.msk [tilespmem:v24+s24+$0x0], $0xffff  }
0x272: {  	s18 =	sadd.s32 $0x10, s18;
	v21 =	vor.u32 v19, v46;
	v22 =	vld.idx.msk [tilespmem:v22+s24+$0x0], $0xffff  }
0x273: {  	v23 =	vadd.s32 $0x3380, v14;
	v24 =	vld [tilespmem:s18+$0x0];
	[tilespmem:s19+$0x15D80] =	vst v25  }
0x274: {  	[tilespmem:s17+$0xCB80] =	vst v26  }
0x275: {  	s2 =	sadd.s32 $0x10, s2;
	v47 =	vor.u32 $0x180, v20;
	v14 =	vmov v16;
	v26 =	vld.idx.msk [tilespmem:v45+s24+$0x0], $0xffff  }
0x276: {  	v25 =	vadd.s32 $0x1380, v14;
	v16 =	vld [tilespmem:s2+$0x0];
	[tilespmem:s17+$0xCB00] =	vst v27  }
0x277: {  	v27 =	vld.idx.msk [tilespmem:v21+s24+$0x0], $0xffff;
	[tilespmem:s0+$0x10B00] =	vst v30  }
0x278: {  	s22 =	rddreg [dreg:$0x9];
	v48 =	vadd.s32 $0x2280, v9;
	v23 =	vld.idx.msk [tilespmem:v23+s24+$0x0], $0xffff;
	[tilespmem:s31+$0x13D00] =	vst v8  }
0x279: {  	s26 =	sadd.s32 $0x10, s26;
	s23 =	smov.u32 s22;
	s21 =	sshrl.u32 s16, $0x3;
	[tilespmem:s1+$0xEB00] =	vst v22  }
0x27a: {  	s22 =	sand.u32 $0x70, s26;
	[dreg:$0xb] =	wrdreg s23;
	s23 =	sshll.u32 s21, $0x9;
	v49 =	vor.u32 $0x80, v21;
	v22 =	vld.idx.msk [tilespmem:v47+s24+$0x0], $0xffff  }
0x27b: {  	s10 =	smov.u32 s3;
	s3 =	smov.u32 s25;
	s25 =	sor.u32 s22, s23;
	v25 =	vld.idx.msk [tilespmem:v25+s24+$0x0], $0xffff  }
0x27c: {  	v50 =	vld [tilespmem:s25+$0x800];
	[tilespmem:s19+$0x16A00] =	vst v26  }
0x27d: {  	s30 =	sadd.s32 $0x10, s30;
	v31 =	vor.u32 $0x200, v20;
	v29 =	vld.idx.msk [tilespmem:v48+s24+$0x0], $0xffff  }
0x27e: {  	v26 =	vadd.s32 $0x2000, v14;
	v8 =	vld [tilespmem:s30+$0x0];
	[tilespmem:s17+$0xCC00] =	vst v27  }
0x27f: {  	v27 =	vld.idx.msk [tilespmem:v49+s24+$0x0], $0xffff;
	[tilespmem:s0+$0x10B80] =	vst v23  }
0x280: {  	[dreg:$0x9] =	wrdreg s8;
	s8 =	sshll.u32 s21, $0xA;
	v23 =	vadd.s32 $0x2300, v9;
	v51 =	vld.idx.msk [tilespmem:v10+s28+$0x0], $0xffff;
	[tilespmem:s31+$0x13D80] =	vst v22  }
0x281: {  	s4 =	sor.u32 s22, s8;
	v22 =	vor.u32 $0x100, v21;
	[tilespmem:s1+$0xEB80] =	vst v25  }
0x282: {  	v52 =	vadd.s32 $0x80, v10;
	v25 =	vld.idx.msk [tilespmem:v31+s24+$0x0], $0xffff;
	[tilespmem:s4+$0xAA00] =	vst v50  }
0x283: {  	v26 =	vld.idx.msk [tilespmem:v26+s24+$0x0], $0xffff  }
0x284: {  	v32 =	vor.u32 $0x280, v20;
	v53 =	vld [tilespmem:s25+$0x880];
	[tilespmem:s19+$0x16A80] =	vst v29  }
0x285: {  	v54 =	vadd.s32 $0x2080, v14;
	v23 =	vld.idx.msk [tilespmem:v23+s24+$0x0], $0xffff;
	[tilespmem:s17+$0xCC80] =	vst v27  }
0x286: {  	v22 =	vld.idx.msk [tilespmem:v22+s24+$0x0], $0xffff;
	[tilespmem:s0+$0x10C00] =	vst v51  }
0x287: {  	v27 =	vadd.s32 $0x2380, v9;
	v28 =	vld.idx.msk [tilespmem:v52+s28+$0x0], $0xffff;
	[tilespmem:s31+$0x14A00] =	vst v25  }
0x288: {  	v25 =	vor.u32 $0x180, v21;
	[tilespmem:s1+$0xEC00] =	vst v26  }
0x289: {  	v55 =	vadd.s32 $0x100, v10;
	v26 =	vld.idx.msk [tilespmem:v32+s24+$0x0], $0xffff;
	[tilespmem:s4+$0xAA80] =	vst v53  }
0x28a: {  	v29 =	vld.idx.msk [tilespmem:v54+s24+$0x0], $0xffff  }
0x28b: {  	v56 =	vor.u32 $0x300, v20;
	v31 =	vld [tilespmem:s25+$0x900];
	[tilespmem:s19+$0x16B00] =	vst v23  }
0x28c: {  	v23 =	vadd.s32 $0x2100, v14;
	v27 =	vld.idx.msk [tilespmem:v27+s24+$0x0], $0xffff;
	[tilespmem:s17+$0xCD00] =	vst v22  }
0x28d: {  	v22 =	vld.idx.msk [tilespmem:v25+s24+$0x0], $0xffff;
	[tilespmem:s0+$0x10C80] =	vst v28  }
0x28e: {  	v25 =	vadd.s32 $0x3000, v9;
	v28 =	vld.idx.msk [tilespmem:v55+s28+$0x0], $0xffff;
	[tilespmem:s31+$0x14A80] =	vst v26  }
0x28f: {  	v26 =	vor.u32 $0x200, v21;
	[tilespmem:s1+$0xEC80] =	vst v29  }
0x290: {  	v57 =	vadd.s32 $0x180, v10;
	s21 =	sor.u32 s23, s26;
	v29 =	vld.idx.msk [tilespmem:v56+s24+$0x0], $0xffff;
	[tilespmem:s4+$0xAB00] =	vst v31  }
0x291: {  	s23 =	sor.u32 $0x180, s21;
	v23 =	vld.idx.msk [tilespmem:v23+s24+$0x0], $0xffff  }
0x292: {  	v20 =	vor.u32 $0x380, v20;
	v10 =	vmovc v11;
	v11 =	vmov v13;
	v13 =	vmov v24;
	v24 =	vld [tilespmem:s23+$0x800];
	[tilespmem:s19+$0x16B80] =	vst v27  }
0x293: {  	v27 =	vadd.s32 $0x2180, v14;
	v25 =	vld.idx.msk [tilespmem:v25+s24+$0x0], $0xffff;
	[tilespmem:s17+$0xCD80] =	vst v22  }
0x294: {  	v22 =	vld.idx.msk [tilespmem:v26+s24+$0x0], $0xffff;
	[tilespmem:s0+$0x10D00] =	vst v28  }
0x295: {  	s15 =	sadd.s32 s8, s26;
	v26 =	vadd.s32 $0x3080, v9;
	v28 =	vld.idx.msk [tilespmem:v57+s28+$0x0], $0xffff;
	[tilespmem:s31+$0x14B00] =	vst v29  }
0x296: {  	v58 =	vand.u32 $0x78, v6;
	s22 =	sor.u32 $0x180, s15;
	v59 =	vor.u32 $0x280, v21;
	[tilespmem:s1+$0xED00] =	vst v23  }
0x297: {  	v18 =	vor.u32 v58, v18;
	v23 =	vand.u32 $0x7, v6;
	v20 =	vld.idx.msk [tilespmem:v20+s24+$0x0], $0xffff;
	[tilespmem:s22+$0xAA00] =	vst v24  }
0x298: {  	v18 =	vor.u32 v23, v18;
	v24 =	vld.idx.msk [tilespmem:v27+s24+$0x0], $0xffff  }
0x299: {  	v6 =	vmovc v4;
	v4 =	vmovc v7;
	v7 =	vmov v12;
	v12 =	vmov v16;
	v16 =	vld [tilespmem:s25+$0x1800];
	v23 =	vadd.s32 $0x1000, v18;
	[tilespmem:s19+$0x16C00] =	vst v25  }
0x29a: {  	v25 =	vadd.s32 $0x2200, v14;
	v26 =	vld.idx.msk [tilespmem:v26+s24+$0x0], $0xffff;
	[tilespmem:s17+$0xDA00] =	vst v22  }
0x29b: {  	v22 =	vld.idx.msk [tilespmem:v59+s24+$0x0], $0xffff;
	[tilespmem:s0+$0x10D80] =	vst v28  }
0x29c: {  	v27 =	vadd.s32 $0x3100, v9;
	v28 =	vld [tilespmem:s20+$0x1000];
	[tilespmem:s31+$0x14B80] =	vst v20  }
0x29d: {  	v20 =	vor.u32 $0x300, v21;
	[tilespmem:s1+$0xED80] =	vst v24  }
0x29e: {  	v23 =	vld.idx.msk [tilespmem:v23+s24+$0x0], $0xffff;
	[tilespmem:s4+$0xAC00] =	vst v16  }
0x29f: {  	v16 =	vld.idx.msk [tilespmem:v25+s24+$0x0], $0xffff  }
0x2a0: {  	v24 =	vld [tilespmem:s25+$0x1880];
	v25 =	vadd.s32 $0x1080, v18;
	[tilespmem:s19+$0x16C80] =	vst v26  }
0x2a1: {  	v26 =	vadd.s32 $0x2280, v14;
	v27 =	vld.idx.msk [tilespmem:v27+s24+$0x0], $0xffff;
	[tilespmem:s17+$0xDA80] =	vst v22  }
0x2a2: {  	v20 =	vld.idx.msk [tilespmem:v20+s24+$0x0], $0xffff;
	[tilespmem:s0+$0x11A00] =	vst v28  }
0x2a3: {  	v22 =	vadd.s32 $0x3180, v9;
	v28 =	vld [tilespmem:s20+$0x1080];
	[tilespmem:s31+$0x14C00] =	vst v23  }
0x2a4: {  	[tilespmem:s1+$0xFA00] =	vst v16  }
0x2a5: {  	v21 =	vor.u32 $0x380, v21;
	v23 =	vld.idx.msk [tilespmem:v25+s24+$0x0], $0xffff;
	[tilespmem:s4+$0xAC80] =	vst v24  }
0x2a6: {  	v24 =	vld.idx.msk [tilespmem:v26+s24+$0x0], $0xffff  }
0x2a7: {  	v25 =	vld [tilespmem:s25+$0x1900];
	[tilespmem:s19+$0x16D00] =	vst v27  }
0x2a8: {  	v26 =	vadd.s32 $0x1100, v18;
	v22 =	vld.idx.msk [tilespmem:v22+s24+$0x0], $0xffff  }
0x2a9: {  	v27 =	vadd.s32 $0x2300, v14;
	v60 =	vld [tilespmem:s4+$0x2800];
	[tilespmem:s17+$0xDB00] =	vst v20  }
0x2aa: {  	v16 =	vand.u32 $0x78, v15;
	v21 =	vld.idx.msk [tilespmem:v21+s24+$0x0], $0xffff;
	[tilespmem:s0+$0x11A80] =	vst v28  }
0x2ab: {  	v16 =	vor.u32 v16, v19;
	v19 =	vadd.s32 $0x3200, v9;
	v20 =	vand.u32 $0x7, v15;
	v15 =	vmovc v17;
	v17 =	vld [tilespmem:s20+$0x1100];
	[tilespmem:s31+$0x14C80] =	vst v23  }
0x2ac: {  	v16 =	vor.u32 v20, v16;
	[tilespmem:s1+$0xFA80] =	vst v24  }
0x2ad: {  	v20 =	vadd.s32 $0x1000, v16;
	v23 =	vld.idx.msk [tilespmem:v26+s24+$0x0], $0xffff;
	[tilespmem:s4+$0xAD00] =	vst v25  }
0x2ae: {  	s21 =	sor.u32 $0x380, s15;
	v24 =	vld.idx.msk [tilespmem:v27+s24+$0x0], $0xffff;
	[tilespmem:s19+$0x16D80] =	vst v22  }
0x2af: {  	[tilespmem:s21+$0xAA00] =	vst v60  }
0x2b0: {  	v25 =	vadd.s32 $0x1180, v18;
	v19 =	vld.idx.msk [tilespmem:v19+s24+$0x0], $0xffff  }
0x2b1: {  	[dreg:$0xd] =	wrdreg s13;
	v22 =	vadd.s32 $0x2380, v14;
	v26 =	vld [tilespmem:s4+$0x2880];
	[tilespmem:s17+$0xDB80] =	vst v21  }
0x2b2: {  	s13 =	rddreg [dreg:$0xa];
	v20 =	vld.idx.msk [tilespmem:v20+s24+$0x0], $0xffff;
	[tilespmem:s0+$0x11B00] =	vst v17  }
0x2b3: {  	v21 =	vld [tilespmem:s13+$0x1000];
	[tilespmem:s31+$0x14D00] =	vst v23  }
0x2b4: {  	v17 =	vadd.s32 $0x3280, v9;
	[tilespmem:s1+$0xFB00] =	vst v24  }
0x2b5: {  	v23 =	vadd.s32 $0x1080, v16;
	v24 =	vld.idx.msk [tilespmem:v25+s24+$0x0], $0xffff  }
0x2b6: {  	v22 =	vld.idx.msk [tilespmem:v22+s24+$0x0], $0xffff  }
0x2b7: {  	v25 =	vld [tilespmem:s4+$0x2900];
	[tilespmem:s19+$0x17A00] =	vst v19  }
0x2b8: {  	v27 =	vadd.s32 $0x1200, v18;
	[tilespmem:s4+$0xBA00] =	vst v26;
	v26 =	vld [tilespmem:s4+$0x2A00]  }
0x2b9: {  	v19 =	vadd.s32 $0x3000, v14;
	v17 =	vld.idx.msk [tilespmem:v17+s24+$0x0], $0xffff;
	[tilespmem:s17+$0xDC00] =	vst v20  }
0x2ba: {  	v20 =	vld.idx.msk [tilespmem:v23+s24+$0x0], $0xffff;
	[tilespmem:s0+$0x11B80] =	vst v21  }
0x2bb: {  	v21 =	vadd.s32 $0x3300, v9;
	v23 =	vld [tilespmem:s20+$0x2000];
	[tilespmem:s31+$0x14D80] =	vst v24  }
0x2bc: {  	[tilespmem:s1+$0xFB80] =	vst v22  }
0x2bd: {  	v24 =	vadd.s32 $0x1100, v16;
	v22 =	vld.idx.msk [tilespmem:v27+s24+$0x0], $0xffff;
	[tilespmem:s4+$0xBA80] =	vst v25  }
0x2be: {  	v19 =	vld.idx.msk [tilespmem:v19+s24+$0x0], $0xffff  }
0x2bf: {  	v25 =	vld [tilespmem:s22+$0x2800];
	[tilespmem:s19+$0x17A80] =	vst v17  }
0x2c0: {  	v27 =	vadd.s32 $0x1280, v18;
	v21 =	vld.idx.msk [tilespmem:v21+s24+$0x0], $0xffff;
	[tilespmem:s17+$0xDC80] =	vst v20  }
0x2c1: {  	v61 =	vadd.s32 $0x3080, v14;
	v17 =	vld [tilespmem:s0+$0x5A00]  }
0x2c2: {  	v20 =	vld.idx.msk [tilespmem:v24+s24+$0x0], $0xffff;
	[tilespmem:s0+$0x11C00] =	vst v23  }
0x2c3: {  	v23 =	vadd.s32 $0x3380, v9;
	v9 =	vmov v18;
	v18 =	vld [tilespmem:s20+$0x2080];
	[tilespmem:s31+$0x15A00] =	vst v22  }
0x2c4: {  	[tilespmem:s1+$0xFC00] =	vst v19  }
0x2c5: {  	v19 =	vld.idx.msk [tilespmem:v27+s24+$0x0], $0xffff;
	[tilespmem:s4+$0xBB00] =	vst v25  }
0x2c6: {  	v22 =	vld.idx.msk [tilespmem:v61+s24+$0x0], $0xffff  }
0x2c7: {  	s15 =	sor.u32 $0x1180, s15;
	v24 =	vld [tilespmem:s0+$0x4800];
	[tilespmem:s19+$0x17B00] =	vst v21  }
0x2c8: {  	[tilespmem:s15+$0xAA00] =	vst v26  }
0x2c9: {  	v25 =	vadd.s32 $0x1300, v9;
	v23 =	vld.idx.msk [tilespmem:v23+s24+$0x0], $0xffff;
	[tilespmem:s17+$0xDD00] =	vst v20  }
0x2ca: {  	v21 =	vadd.s32 $0x3100, v14;
	v26 =	vld [tilespmem:s0+$0x4880]  }
0x2cb: {  	[tilespmem:s0+$0x11C80] =	vst v18;
	v27 =	vld [tilespmem:s0+$0x4900]  }
0x2cc: {  	v62 =	vld [tilespmem:s20+$0x2100];
	[tilespmem:s31+$0x15A80] =	vst v19  }
0x2cd: {  	[tilespmem:s1+$0xFC80] =	vst v22  }
0x2ce: {  	v25 =	vld.idx.msk [tilespmem:v25+s24+$0x0], $0xffff  }
0x2cf: {  	v29 =	vld.idx.msk [tilespmem:v21+s24+$0x0], $0xffff;
	[tilespmem:s0+$0x11D80] =	vst v24  }
0x2d0: {  	p0 =	sne.s32 s16, $0x1F;
	s16 =	sadd.s32 $0x1, s16;
	v20 =	vld [tilespmem:s0+$0x4A00];
	[tilespmem:s19+$0x17B80] =	vst v23  }
0x2d1: {  	s8 =	smov.u32 s7;
	s13 =	smov.u32 s12;
	s12 =	rddreg [dreg:$0xc];
	v63 =	vadd.s32 $0x1380, v9;
	[tilespmem:s0+$0x12A00] =	vst v26;
	v22 =	vld [tilespmem:s0+$0x4A80]  }
.Ltmp0:
0x2d2: {  	s7 =	smov.u32 s6;
	s6 =	smov.u32 s12;
	v18 =	vld.idx.msk [tilespmem:v5+s28+$0x0], $0xffff;
	[tilespmem:s0+$0x12A80] =	vst v27;
	(pc) =	sbr.rel @p0 .LBB2_2-.Ltmp0, $4  }
0x2d3: {  	s12 =	smov.u32 s14;
	s14 =	smov.u32 s23;
	[dreg:$0xa] =	wrdreg s6;
	v24 =	vld [tilespmem:s0+$0x4B00];
	[tilespmem:s0+$0x11D00] =	vst v62  }
0x2d4: {  	[dreg:$0xc] =	wrdreg s12;
	s6 =	smov.u32 s13;
	s12 =	smov.u32 s25;
	v21 =	vld [tilespmem:s3+$0x4800];
	[tilespmem:s31+$0x15B00] =	vst v25  }
0x2d5: {  	s25 =	smov.u32 s8;
	s8 =	smov.u32 s10;
	s20 =	smov.u32 s7;
	[tilespmem:s1+$0xFD00] =	vst v29  }
0x2d6: {  	v19 =	vadd.s32 $0x80, v5;
	s7 =	smov.u32 s9;
	s9 =	smov.u32 s22;
	s3 =	smov.u32 s5;
	v23 =	vld.idx.msk [tilespmem:v63+s24+$0x0], $0xffff  }
0x2d7: {  	[tilespmem:s0+$0x12B80] =	vst v20;
	v32 =	vadd.s32 $0x2000, v9  }
0x2d8: {  	v31 =	vld [tilespmem:s0+$0x5800];
	[tilespmem:s0+$0x12C00] =	vst v22  }
0x2d9: {  	v25 =	vld [tilespmem:s0+$0x5880];
	[tilespmem:s0+$0x12C80] =	vst v24  }
0x2da: {  	v33 =	vld [tilespmem:s0+$0x5900];
	[tilespmem:s0+$0x12B00] =	vst v21  }
0x2db: {  	v21 =	vld [tilespmem:s8+$0x4800];
	[tilespmem:s31+$0x15B80] =	vst v23  }
0x2dc: {  	v22 =	vld.idx.msk [tilespmem:v32+s24+$0x0], $0xffff  }
0x2dd: {  	v36 =	vadd.s32 $0x2080, v9;
	[tilespmem:s0+$0x12D80] =	vst v31  }
0x2de: {  	[tilespmem:s0+$0x13A00] =	vst v25  }
0x2df: {  	v27 =	vld [tilespmem:s4+$0x2A80];
	[tilespmem:s0+$0x13A80] =	vst v33  }
0x2e0: {  	v29 =	vld [tilespmem:s4+$0x2B00];
	[tilespmem:s0+$0x12D00] =	vst v21  }
0x2e1: {  	s2 =	rddreg [dreg:$0xb];
	[tilespmem:s31+$0x15C00] =	vst v22  }
0x2e2: {  	v26 =	vadd.s32 $0x3180, v14;
	v22 =	vld.idx.msk [tilespmem:v36+s24+$0x0], $0xffff  }
0x2e3: {  	v37 =	vld [tilespmem:s4+$0x3800];
	v44 =	vadd.s32 $0x2100, v9  }
0x2e4: {  	v40 =	vld [tilespmem:s4+$0x3880];
	[tilespmem:s4+$0xBC00] =	vst v27  }
0x2e5: {  	v46 =	vld [tilespmem:s4+$0x3900];
	[tilespmem:s4+$0xBC80] =	vst v29  }
0x2e6: {  	v43 =	vld [tilespmem:s21+$0x2800]  }
0x2e7: {  	v35 =	vld.idx.msk [tilespmem:v26+s24+$0x0], $0xffff;
	[tilespmem:s31+$0x15C80] =	vst v22  }
0x2e8: {  	[tilespmem:s4+$0xBD80] =	vst v37;
	v22 =	vld.idx.msk [tilespmem:v44+s24+$0x0], $0xffff  }
0x2e9: {  	v28 =	vadd.s32 $0x3200, v14;
	[tilespmem:s4+$0xCA00] =	vst v40  }
0x2ea: {  	v34 =	vadd.s32 $0x1180, v16;
	[tilespmem:s4+$0xCA80] =	vst v46  }
0x2eb: {  	v52 =	vld [tilespmem:s4+$0x3A00];
	v53 =	vshll.u32 v15, $0x3;
	[tilespmem:s4+$0xBD00] =	vst v43  }
0x2ec: {  	v31 =	vand.u32 $0x7F, v15;
	v29 =	vand.u32 $0xFFFFFC00, v53;
	[tilespmem:s1+$0xFD80] =	vst v35;
	v55 =	vld [tilespmem:s15+$0x2800]  }
0x2ed: {  	[tilespmem:s31+$0x15D00] =	vst v22;
	v22 =	vor.u32 v29, v31  }
0x2ee: {  	v49 =	vadd.s32 $0x2180, v9;
	v41 =	vld.idx.msk [tilespmem:v28+s24+$0x0], $0xffff  }
0x2ef: {  	v45 =	vadd.s32 $0x3280, v14;
	v23 =	vld.idx.msk [tilespmem:v34+s24+$0x0], $0xffff  }
0x2f0: {  	v38 =	vshll.u32 v6, $0x3;
	[tilespmem:s4+$0xCB80] =	vst v52  }
0x2f1: {  	v39 =	vand.u32 $0x7F, v6;
	v42 =	vadd.s32 $0x1200, v16;
	v20 =	vand.u32 $0xFFFFFC00, v38;
	v21 =	vld [tilespmem:s2+$0x4800];
	[tilespmem:s4+$0xCB00] =	vst v55  }
0x2f2: {  	v27 =	vor.u32 v20, v39;
	v28 =	vld.idx.msk [tilespmem:v22+s24+$0x0], $0xffff  }
0x2f3: {  	[tilespmem:s1+$0x10A00] =	vst v41;
	v25 =	vld.idx.msk [tilespmem:v49+s24+$0x0], $0xffff;
	v60 =	vor.u32 $0x80, v22  }
0x2f4: {  	v57 =	vadd.s32 $0x2200, v9;
	[tilespmem:s17+$0xDD80] =	vst v23;
	v23 =	vld.idx.msk [tilespmem:v45+s24+$0x0], $0xffff  }
0x2f5: {  	v51 =	vadd.s32 $0x3300, v14;
	[tilespmem:s0+$0x13B80] =	vst v17  }
0x2f6: {  	v47 =	vld.idx.msk [tilespmem:v42+s24+$0x0], $0xffff;
	[tilespmem:s0+$0x13B00] =	vst v21  }
0x2f7: {  	v48 =	vadd.s32 $0x1280, v16;
	v21 =	vld.idx.msk [tilespmem:v27+s24+$0x0], $0xffff;
	[tilespmem:s4+$0xCC00] =	vst v28  }
0x2f8: {  	v30 =	vor.u32 $0x80, v27;
	[tilespmem:s31+$0x15D80] =	vst v25;
	v33 =	vld.idx.msk [tilespmem:v60+s24+$0x0], $0xffff  }
0x2f9: {  	[tilespmem:s1+$0x10A80] =	vst v23;
	v35 =	vor.u32 $0x100, v22;
	v24 =	vld.idx.msk [tilespmem:v57+s24+$0x0], $0xffff  }
0x2fa: {  	v62 =	vadd.s32 $0x2280, v9;
	v26 =	vld.idx.msk [tilespmem:v51+s24+$0x0], $0xffff  }
0x2fb: {  	v58 =	vadd.s32 $0x3380, v14;
	[tilespmem:s17+$0xEA00] =	vst v47  }
0x2fc: {  	[tilespmem:s0+$0x13C00] =	vst v21;
	v21 =	vld.idx.msk [tilespmem:v48+s24+$0x0], $0xffff  }
0x2fd: {  	v56 =	vadd.s32 $0x1300, v16;
	v50 =	vld.idx.msk [tilespmem:v30+s24+$0x0], $0xffff;
	[tilespmem:s4+$0xCC80] =	vst v33  }
0x2fe: {  	v54 =	vor.u32 $0x100, v27;
	[tilespmem:s31+$0x16A00] =	vst v24;
	v24 =	vld.idx.msk [tilespmem:v35+s24+$0x0], $0xffff  }
0x2ff: {  	v41 =	vor.u32 $0x180, v22;
	[tilespmem:s1+$0x10B00] =	vst v26;
	v26 =	vld.idx.msk [tilespmem:v62+s24+$0x0], $0xffff  }
0x300: {  	v37 =	vadd.s32 $0x2300, v9;
	v14 =	vld.idx.msk [tilespmem:v58+s24+$0x0], $0xffff  }
0x301: {  	[tilespmem:s17+$0xEA80] =	vst v21  }
0x302: {  	[tilespmem:s0+$0x13C80] =	vst v50;
	v23 =	vld.idx.msk [tilespmem:v56+s24+$0x0], $0xffff  }
0x303: {  	v61 =	vadd.s32 $0x1380, v16;
	v17 =	vld.idx.msk [tilespmem:v54+s24+$0x0], $0xffff;
	[tilespmem:s4+$0xCD00] =	vst v24  }
0x304: {  	v59 =	vor.u32 $0x180, v27;
	[tilespmem:s31+$0x16A80] =	vst v26;
	v46 =	vld.idx.msk [tilespmem:v41+s24+$0x0], $0xffff  }
0x305: {  	v48 =	vor.u32 $0x200, v22;
	[tilespmem:s1+$0x10B80] =	vst v14;
	v14 =	vld.idx.msk [tilespmem:v37+s24+$0x0], $0xffff;
	_ =	sdelay $0x1  }
0x306: {  	[tilespmem:s17+$0xEB00] =	vst v23  }
0x307: {  	[tilespmem:s0+$0x13D00] =	vst v17;
	v34 =	vld.idx.msk [tilespmem:v61+s24+$0x0], $0xffff  }
0x308: {  	v36 =	vadd.s32 $0x2000, v16;
	v17 =	vld.idx.msk [tilespmem:v59+s24+$0x0], $0xffff;
	[tilespmem:s4+$0xCD80] =	vst v46  }
0x309: {  	v63 =	vor.u32 $0x200, v27;
	[tilespmem:s31+$0x16B00] =	vst v14;
	v14 =	vld.idx.msk [tilespmem:v48+s24+$0x0], $0xffff  }
0x30a: {  	v55 =	vor.u32 $0x280, v22  }
0x30b: {  	s18 =	simm.s32 $0xA800;
	v43 =	vadd.s32 $0x2380, v9  }
0x30c: {  	v38 =	vld.idx.msk [tilespmem:v10+s18+$0x0], $0xffff;
	[tilespmem:s17+$0xEB80] =	vst v34  }
0x30d: {  	v39 =	vadd.s32 $0x80, v10;
	[tilespmem:s0+$0x13D80] =	vst v17;
	v25 =	vld.idx.msk [tilespmem:v36+s24+$0x0], $0xffff  }
0x30e: {  	v42 =	vadd.s32 $0x2080, v16;
	v21 =	vld.idx.msk [tilespmem:v63+s24+$0x0], $0xffff;
	[tilespmem:s4+$0xDA00] =	vst v14  }
0x30f: {  	v40 =	vor.u32 $0x280, v27;
	v14 =	vld.idx.msk [tilespmem:v55+s24+$0x0], $0xffff  }
0x310: {  	v61 =	vor.u32 $0x300, v22;
	v50 =	vld.idx.msk [tilespmem:v43+s24+$0x0], $0xffff  }
0x311: {  	v51 =	vadd.s32 $0x3000, v9;
	[tilespmem:s1+$0x10C00] =	vst v38  }
0x312: {  	v17 =	vld.idx.msk [tilespmem:v39+s18+$0x0], $0xffff;
	[tilespmem:s17+$0xEC00] =	vst v25  }
0x313: {  	[tilespmem:s0+$0x14A00] =	vst v21;
	v47 =	vld.idx.msk [tilespmem:v42+s24+$0x0], $0xffff  }
0x314: {  	v44 =	vadd.s32 $0x100, v10;
	v23 =	vld.idx.msk [tilespmem:v40+s24+$0x0], $0xffff;
	[tilespmem:s4+$0xDA80] =	vst v14  }
0x315: {  	v45 =	vor.u32 $0x300, v27;
	[tilespmem:s31+$0x16B80] =	vst v50;
	v14 =	vld.idx.msk [tilespmem:v61+s24+$0x0], $0xffff  }
0x316: {  	[tilespmem:s19+$0x17C00] =	vst v18;
	v30 =	vor.u32 $0x380, v22;
	v18 =	vld.idx.msk [tilespmem:v51+s24+$0x0], $0xffff  }
0x317: {  	v19 =	vld.idx.msk [tilespmem:v19+s18+$0x0], $0xffff;
	v49 =	vadd.s32 $0x2100, v16;
	[tilespmem:s1+$0x10C80] =	vst v17  }
0x318: {  	v53 =	vadd.s32 $0x100, v5;
	[tilespmem:s17+$0xEC80] =	vst v47  }
0x319: {  	v32 =	vand.u32 $0x78, v15;
	v21 =	vld.idx.msk [tilespmem:v44+s18+$0x0], $0xffff;
	[tilespmem:s0+$0x14A80] =	vst v23  }
0x31a: {  	v52 =	vadd.s32 $0x180, v10;
	v33 =	vand.u32 $0x7, v15;
	v34 =	vor.u32 v32, v29;
	v24 =	vld.idx.msk [tilespmem:v45+s24+$0x0], $0xffff;
	[tilespmem:s4+$0xDB00] =	vst v14  }
0x31b: {  	v54 =	vor.u32 $0x380, v27;
	[tilespmem:s31+$0x16C00] =	vst v18;
	v14 =	vor.u32 v33, v34;
	v18 =	vld.idx.msk [tilespmem:v30+s24+$0x0], $0xffff  }
0x31c: {  	[tilespmem:s19+$0x17C80] =	vst v19;
	v17 =	vld.idx.msk [tilespmem:v49+s24+$0x0], $0xffff;
	v15 =	vadd.s32 $0x1000, v14  }
0x31d: {  	v56 =	vadd.s32 $0x2180, v16;
	v23 =	vld.idx.msk [tilespmem:v53+s18+$0x0], $0xffff  }
0x31e: {  	v58 =	vand.u32 $0x78, v6;
	v60 =	vadd.s32 $0x180, v5;
	[tilespmem:s1+$0x10D00] =	vst v21  }
0x31f: {  	v57 =	vadd.s32 $0x3080, v9;
	v20 =	vor.u32 v58, v20;
	v59 =	vand.u32 $0x7, v6;
	v10 =	vld.idx.msk [tilespmem:v52+s18+$0x0], $0xffff;
	[tilespmem:s0+$0x14B00] =	vst v24  }
0x320: {  	v5 =	vor.u32 v59, v20;
	v24 =	vld.idx.msk [tilespmem:v54+s24+$0x0], $0xffff;
	[tilespmem:s4+$0xDB80] =	vst v18  }
0x321: {  	v6 =	vadd.s32 $0x1000, v5;
	[tilespmem:s17+$0xED00] =	vst v17;
	v15 =	vld.idx.msk [tilespmem:v15+s24+$0x0], $0xffff  }
0x322: {  	[tilespmem:s19+$0x17D00] =	vst v23;
	v17 =	vld.idx.msk [tilespmem:v56+s24+$0x0], $0xffff;
	v35 =	vadd.s32 $0x1080, v14  }
0x323: {  	v21 =	vld.idx.msk [tilespmem:v60+s18+$0x0], $0xffff  }
0x324: {  	[tilespmem:s1+$0x10D80] =	vst v10;
	v19 =	vld.idx.msk [tilespmem:v57+s24+$0x0], $0xffff  }
0x325: {  	v62 =	vadd.s32 $0x2200, v16;
	v28 =	vld [tilespmem:s20+$0x1000];
	[tilespmem:s0+$0x14B80] =	vst v24  }
0x326: {  	v63 =	vadd.s32 $0x3100, v9;
	v24 =	vld.idx.msk [tilespmem:v6+s24+$0x0], $0xffff;
	[tilespmem:s4+$0xDC00] =	vst v15  }
0x327: {  	[tilespmem:s17+$0xED80] =	vst v17;
	v15 =	vld.idx.msk [tilespmem:v35+s24+$0x0], $0xffff  }
0x328: {  	[tilespmem:s19+$0x17D80] =	vst v21;
	v36 =	vadd.s32 $0x1100, v14  }
0x329: {  	[tilespmem:s31+$0x16C80] =	vst v19  }
0x32a: {  	v17 =	vld.idx.msk [tilespmem:v62+s24+$0x0], $0xffff;
	[tilespmem:s1+$0x11A00] =	vst v28  }
0x32b: {  	v6 =	vld.idx.msk [tilespmem:v63+s24+$0x0], $0xffff;
	[tilespmem:s0+$0x14C00] =	vst v24  }
0x32c: {  	v31 =	vld [tilespmem:s20+$0x1080];
	[tilespmem:s4+$0xDC80] =	vst v15  }
0x32d: {  	v15 =	vld.idx.msk [tilespmem:v36+s24+$0x0], $0xffff  }
0x32e: {  	v37 =	vadd.s32 $0x1180, v14;
	_ =	sdelay $0x3  }
0x32f: {  	[tilespmem:s4+$0xDD00] =	vst v15  }
0x330: {  	v15 =	vld.idx.msk [tilespmem:v37+s24+$0x0], $0xffff  }
0x331: {  	v38 =	vadd.s32 $0x1200, v14;
	_ =	sdelay $0x3  }
0x332: {  	[tilespmem:s4+$0xDD80] =	vst v15  }
0x333: {  	v15 =	vld.idx.msk [tilespmem:v38+s24+$0x0], $0xffff  }
0x334: {  	v39 =	vadd.s32 $0x1280, v14;
	_ =	sdelay $0x3  }
0x335: {  	[tilespmem:s4+$0xEA00] =	vst v15  }
0x336: {  	v15 =	vld.idx.msk [tilespmem:v39+s24+$0x0], $0xffff  }
0x337: {  	v40 =	vadd.s32 $0x1300, v14;
	_ =	sdelay $0x3  }
0x338: {  	[tilespmem:s4+$0xEA80] =	vst v15  }
0x339: {  	v15 =	vld.idx.msk [tilespmem:v40+s24+$0x0], $0xffff  }
0x33a: {  	v41 =	vadd.s32 $0x1380, v14;
	_ =	sdelay $0x3  }
0x33b: {  	[tilespmem:s4+$0xEB00] =	vst v15  }
0x33c: {  	v15 =	vld.idx.msk [tilespmem:v41+s24+$0x0], $0xffff  }
0x33d: {  	v42 =	vadd.s32 $0x2000, v14;
	_ =	sdelay $0x3  }
0x33e: {  	[tilespmem:s4+$0xEB80] =	vst v15  }
0x33f: {  	v15 =	vld.idx.msk [tilespmem:v42+s24+$0x0], $0xffff  }
0x340: {  	v43 =	vadd.s32 $0x2080, v14;
	_ =	sdelay $0x3  }
0x341: {  	[tilespmem:s4+$0xEC00] =	vst v15  }
0x342: {  	v15 =	vld.idx.msk [tilespmem:v43+s24+$0x0], $0xffff  }
0x343: {  	v44 =	vadd.s32 $0x2100, v14;
	_ =	sdelay $0x3  }
0x344: {  	[tilespmem:s4+$0xEC80] =	vst v15  }
0x345: {  	v15 =	vld.idx.msk [tilespmem:v44+s24+$0x0], $0xffff  }
0x346: {  	v45 =	vadd.s32 $0x2180, v14;
	_ =	sdelay $0x1  }
0x347: {  	v46 =	vadd.s32 $0x2280, v16;
	_ =	sdelay $0x1  }
0x348: {  	[tilespmem:s4+$0xED00] =	vst v15  }
0x349: {  	v15 =	vld.idx.msk [tilespmem:v45+s24+$0x0], $0xffff  }
0x34a: {  	v47 =	vadd.s32 $0x2200, v14;
	[tilespmem:s17+$0xFA00] =	vst v17  }
0x34b: {  	v17 =	vld.idx.msk [tilespmem:v46+s24+$0x0], $0xffff  }
0x34c: {  	v48 =	vadd.s32 $0x2300, v16;
	_ =	sdelay $0x1  }
0x34d: {  	[tilespmem:s4+$0xED80] =	vst v15  }
0x34e: {  	v15 =	vld.idx.msk [tilespmem:v47+s24+$0x0], $0xffff  }
0x34f: {  	v49 =	vadd.s32 $0x2280, v14;
	[tilespmem:s17+$0xFA80] =	vst v17  }
0x350: {  	v17 =	vld.idx.msk [tilespmem:v48+s24+$0x0], $0xffff  }
0x351: {  	v50 =	vadd.s32 $0x2380, v16;
	_ =	sdelay $0x1  }
0x352: {  	[tilespmem:s4+$0xFA00] =	vst v15  }
0x353: {  	v15 =	vld.idx.msk [tilespmem:v49+s24+$0x0], $0xffff  }
0x354: {  	v51 =	vadd.s32 $0x2300, v14;
	[tilespmem:s17+$0xFB00] =	vst v17  }
0x355: {  	v17 =	vld.idx.msk [tilespmem:v50+s24+$0x0], $0xffff  }
0x356: {  	v52 =	vadd.s32 $0x3000, v16;
	_ =	sdelay $0x1  }
0x357: {  	[tilespmem:s4+$0xFA80] =	vst v15  }
0x358: {  	v15 =	vld.idx.msk [tilespmem:v51+s24+$0x0], $0xffff  }
0x359: {  	v53 =	vadd.s32 $0x2380, v14;
	[tilespmem:s17+$0xFB80] =	vst v17  }
0x35a: {  	v17 =	vld.idx.msk [tilespmem:v52+s24+$0x0], $0xffff  }
0x35b: {  	v54 =	vadd.s32 $0x3080, v16;
	_ =	sdelay $0x1  }
0x35c: {  	[tilespmem:s4+$0xFB00] =	vst v15  }
0x35d: {  	v15 =	vld.idx.msk [tilespmem:v53+s24+$0x0], $0xffff  }
0x35e: {  	v55 =	vadd.s32 $0x3000, v14;
	[tilespmem:s17+$0xFC00] =	vst v17  }
0x35f: {  	v17 =	vld.idx.msk [tilespmem:v54+s24+$0x0], $0xffff  }
0x360: {  	v56 =	vadd.s32 $0x3100, v16;
	_ =	sdelay $0x1  }
0x361: {  	[tilespmem:s4+$0xFB80] =	vst v15  }
0x362: {  	v15 =	vld.idx.msk [tilespmem:v55+s24+$0x0], $0xffff  }
0x363: {  	v57 =	vadd.s32 $0x3080, v14;
	[tilespmem:s17+$0xFC80] =	vst v17  }
0x364: {  	v17 =	vld.idx.msk [tilespmem:v56+s24+$0x0], $0xffff  }
0x365: {  	v58 =	vadd.s32 $0x3180, v16;
	_ =	sdelay $0x1  }
0x366: {  	[tilespmem:s4+$0xFC00] =	vst v15  }
0x367: {  	v15 =	vld.idx.msk [tilespmem:v57+s24+$0x0], $0xffff  }
0x368: {  	v59 =	vadd.s32 $0x3100, v14;
	[tilespmem:s17+$0xFD00] =	vst v17  }
0x369: {  	v17 =	vld.idx.msk [tilespmem:v58+s24+$0x0], $0xffff  }
0x36a: {  	v60 =	vadd.s32 $0x3200, v16;
	_ =	sdelay $0x1  }
0x36b: {  	[tilespmem:s4+$0xFC80] =	vst v15  }
0x36c: {  	v15 =	vld.idx.msk [tilespmem:v59+s24+$0x0], $0xffff  }
0x36d: {  	v61 =	vadd.s32 $0x3180, v14;
	[tilespmem:s17+$0xFD80] =	vst v17  }
0x36e: {  	v17 =	vld.idx.msk [tilespmem:v60+s24+$0x0], $0xffff  }
0x36f: {  	v62 =	vadd.s32 $0x3280, v16;
	_ =	sdelay $0x1  }
0x370: {  	[tilespmem:s4+$0xFD00] =	vst v15  }
0x371: {  	v15 =	vld.idx.msk [tilespmem:v61+s24+$0x0], $0xffff  }
0x372: {  	v63 =	vadd.s32 $0x3200, v14;
	[tilespmem:s17+$0x10A00] =	vst v17  }
0x373: {  	v17 =	vld.idx.msk [tilespmem:v62+s24+$0x0], $0xffff  }
0x374: {  	v21 =	vadd.s32 $0x3300, v16;
	_ =	sdelay $0x1  }
0x375: {  	[tilespmem:s4+$0xFD80] =	vst v15  }
0x376: {  	v15 =	vld.idx.msk [tilespmem:v63+s24+$0x0], $0xffff  }
0x377: {  	v22 =	vadd.s32 $0x3280, v14;
	[tilespmem:s17+$0x10A80] =	vst v17  }
0x378: {  	v17 =	vld.idx.msk [tilespmem:v21+s24+$0x0], $0xffff  }
0x379: {  	v23 =	vadd.s32 $0x3380, v16;
	_ =	sdelay $0x1  }
0x37a: {  	[tilespmem:s4+$0x10A00] =	vst v15  }
0x37b: {  	v15 =	vld.idx.msk [tilespmem:v22+s24+$0x0], $0xffff  }
0x37c: {  	v24 =	vadd.s32 $0x3300, v14;
	[tilespmem:s17+$0x10B00] =	vst v17  }
0x37d: {  	v16 =	vld.idx.msk [tilespmem:v23+s24+$0x0], $0xffff;
	_ =	sdelay $0x2  }
0x37e: {  	[tilespmem:s4+$0x10A80] =	vst v15  }
0x37f: {  	v15 =	vld.idx.msk [tilespmem:v24+s24+$0x0], $0xffff  }
0x380: {  	v14 =	vadd.s32 $0x3380, v14;
	[tilespmem:s17+$0x10B80] =	vst v16  }
0x381: {  	v16 =	vld.idx.msk [tilespmem:v11+s18+$0x0], $0xffff  }
0x382: {  	v25 =	vadd.s32 $0x80, v11;
	_ =	sdelay $0x1  }
0x383: {  	[tilespmem:s4+$0x10B00] =	vst v15  }
0x384: {  	v14 =	vld.idx.msk [tilespmem:v14+s24+$0x0], $0xffff  }
0x385: {  	[tilespmem:s17+$0x10C00] =	vst v16  }
0x386: {  	v26 =	vld.idx.msk [tilespmem:v25+s18+$0x0], $0xffff  }
0x387: {  	v27 =	vadd.s32 $0x100, v11;
	_ =	sdelay $0x1  }
0x388: {  	[tilespmem:s4+$0x10B80] =	vst v14  }
0x389: {  	v14 =	vld.idx.msk [tilespmem:v13+s18+$0x0], $0xffff  }
0x38a: {  	v28 =	vadd.s32 $0x80, v13;
	[tilespmem:s17+$0x10C80] =	vst v26  }
0x38b: {  	v15 =	vld.idx.msk [tilespmem:v27+s18+$0x0], $0xffff  }
0x38c: {  	v29 =	vadd.s32 $0x180, v11  }
0x38d: {  	[tilespmem:s1+$0x11A80] =	vst v31  }
0x38e: {  	v31 =	vld [tilespmem:s20+$0x1100];
	[tilespmem:s4+$0x10C00] =	vst v14  }
0x38f: {  	v14 =	vld.idx.msk [tilespmem:v28+s18+$0x0], $0xffff  }
0x390: {  	v30 =	vadd.s32 $0x100, v13;
	[tilespmem:s17+$0x10D00] =	vst v15  }
0x391: {  	v11 =	vld.idx.msk [tilespmem:v29+s18+$0x0], $0xffff;
	_ =	sdelay $0x1  }
0x392: {  	[tilespmem:s1+$0x11B00] =	vst v31  }
0x393: {  	[tilespmem:s4+$0x10C80] =	vst v14  }
0x394: {  	v10 =	vld.idx.msk [tilespmem:v30+s18+$0x0], $0xffff;
	s5 =	rddreg [dreg:$0xa]  }
0x395: {  	v32 =	vadd.s32 $0x180, v13;
	[tilespmem:s17+$0x10D80] =	vst v11;
	v33 =	vld [tilespmem:s5+$0x1000]  }
0x396: {  	v11 =	vld [tilespmem:s6+$0x1000];
	_ =	sdelay $0x2  }
0x397: {  	[tilespmem:s4+$0x10D00] =	vst v10  }
0x398: {  	v10 =	vld.idx.msk [tilespmem:v32+s18+$0x0], $0xffff;
	[tilespmem:s1+$0x11B80] =	vst v33  }
0x399: {  	[tilespmem:s17+$0x11A00] =	vst v11;
	v34 =	vld [tilespmem:s20+$0x2000]  }
0x39a: {  	v11 =	vld [tilespmem:s6+$0x1080];
	_ =	sdelay $0x2  }
0x39b: {  	[tilespmem:s4+$0x10D80] =	vst v10  }
0x39c: {  	v10 =	vld [tilespmem:s12+$0x1000];
	[tilespmem:s1+$0x11C00] =	vst v34  }
0x39d: {  	[tilespmem:s17+$0x11A80] =	vst v11;
	v13 =	vld [tilespmem:s20+$0x2080]  }
0x39e: {  	v11 =	vld [tilespmem:s6+$0x1100];
	_ =	sdelay $0x1  }
0x39f: {  	v35 =	vld [tilespmem:s1+$0x4800]  }
0x3a0: {  	v36 =	vld [tilespmem:s1+$0x4880];
	[tilespmem:s4+$0x11A00] =	vst v10  }
0x3a1: {  	v10 =	vld [tilespmem:s12+$0x1080];
	[tilespmem:s1+$0x11C80] =	vst v13  }
0x3a2: {  	v46 =	vld [tilespmem:s1+$0x5900];
	[tilespmem:s17+$0x11B00] =	vst v11  }
0x3a3: {  	v37 =	vld [tilespmem:s1+$0x4900];
	s22 =	rddreg [dreg:$0xc]  }
0x3a4: {  	v11 =	vld [tilespmem:s22+$0x1000]  }
0x3a5: {  	v38 =	vld [tilespmem:s1+$0x4A00]  }
0x3a6: {  	v13 =	vld [tilespmem:s20+$0x2100];
	[tilespmem:s4+$0x11A80] =	vst v10  }
0x3a7: {  	[tilespmem:s1+$0x11D80] =	vst v35;
	v10 =	vld [tilespmem:s12+$0x1100]  }
0x3a8: {  	v50 =	vld [tilespmem:s17+$0x4A00];
	[tilespmem:s1+$0x12A00] =	vst v36  }
0x3a9: {  	v39 =	vld [tilespmem:s1+$0x4A80];
	[tilespmem:s17+$0x11B80] =	vst v11  }
0x3aa: {  	[tilespmem:s1+$0x12A80] =	vst v37;
	v11 =	vld [tilespmem:s6+$0x2000]  }
0x3ab: {  	v40 =	vld [tilespmem:s1+$0x4B00];
	[tilespmem:s1+$0x11D00] =	vst v13  }
0x3ac: {  	v13 =	vld [tilespmem:s25+$0x4800];
	[tilespmem:s4+$0x11B00] =	vst v10  }
0x3ad: {  	[tilespmem:s1+$0x12B80] =	vst v38;
	v10 =	vld [tilespmem:s14+$0x1000]  }
0x3ae: {  	v42 =	vld [tilespmem:s1+$0x5800];
	[tilespmem:s1+$0x12C00] =	vst v39  }
0x3af: {  	v43 =	vld [tilespmem:s1+$0x5880];
	[tilespmem:s17+$0x11C00] =	vst v11  }
0x3b0: {  	[tilespmem:s1+$0x12C80] =	vst v40;
	v11 =	vld [tilespmem:s6+$0x2080]  }
0x3b1: {  	v44 =	vld [tilespmem:s17+$0x4800];
	[tilespmem:s1+$0x12B00] =	vst v13  }
0x3b2: {  	v51 =	vld [tilespmem:s3+$0x4800];
	[tilespmem:s4+$0x11B80] =	vst v10  }
0x3b3: {  	[tilespmem:s1+$0x12D80] =	vst v42;
	v10 =	vld [tilespmem:s12+$0x2000]  }
0x3b4: {  	v45 =	vld [tilespmem:s17+$0x4880];
	[tilespmem:s1+$0x13A00] =	vst v43  }
0x3b5: {  	v47 =	vld [tilespmem:s17+$0x4900];
	[tilespmem:s17+$0x11C80] =	vst v11  }
0x3b6: {  	[tilespmem:s1+$0x13A80] =	vst v46;
	v48 =	vld [tilespmem:s6+$0x2100]  }
0x3b7: {  	v52 =	vld [tilespmem:s17+$0x4A80];
	[tilespmem:s17+$0x11D80] =	vst v44  }
0x3b8: {  	v54 =	vld [tilespmem:s4+$0x4880];
	[tilespmem:s4+$0x11C00] =	vst v10  }
0x3b9: {  	[tilespmem:s17+$0x12A00] =	vst v45;
	v10 =	vld [tilespmem:s12+$0x2080]  }
0x3ba: {  	v58 =	vld [tilespmem:s17+$0x4B00];
	[tilespmem:s17+$0x12A80] =	vst v47  }
0x3bb: {  	v53 =	vld [tilespmem:s4+$0x4800];
	[tilespmem:s17+$0x11D00] =	vst v48  }
0x3bc: {  	v55 =	vld [tilespmem:s7+$0x4800];
	[tilespmem:s17+$0x12B80] =	vst v50  }
0x3bd: {  	v56 =	vld [tilespmem:s4+$0x4900];
	[tilespmem:s17+$0x12C00] =	vst v52  }
0x3be: {  	[tilespmem:s4+$0x11C80] =	vst v10  }
0x3bf: {  	[tilespmem:s17+$0x12C80] =	vst v58;
	v57 =	vld [tilespmem:s12+$0x2100]  }
0x3c0: {  	v59 =	vld [tilespmem:s4+$0x4A00];
	[tilespmem:s4+$0x11D80] =	vst v53  }
0x3c1: {  	v60 =	vld [tilespmem:s17+$0x5800];
	[tilespmem:s4+$0x12A00] =	vst v54  }
0x3c2: {  	v62 =	vld [tilespmem:s4+$0x4A80];
	[tilespmem:s4+$0x12A80] =	vst v56  }
0x3c3: {  	v25 =	vld [tilespmem:s4+$0x4B00];
	[tilespmem:s17+$0x12B00] =	vst v55  }
0x3c4: {  	v61 =	vld [tilespmem:s17+$0x5880];
	[tilespmem:s4+$0x11D00] =	vst v57  }
0x3c5: {  	v63 =	vld [tilespmem:s9+$0x4800];
	s23 =	rddreg [dreg:$0xd];
	[tilespmem:s4+$0x12B80] =	vst v59  }
0x3c6: {  	[tilespmem:s1+$0x12D00] =	vst v51  }
0x3c7: {  	v24 =	vld [tilespmem:s17+$0x5900];
	[tilespmem:s4+$0x12C00] =	vst v62  }
0x3c8: {  	[tilespmem:s4+$0x12C80] =	vst v25;
	v19 =	vld [tilespmem:s23+$0x4800]  }
0x3c9: {  	v26 =	vld [tilespmem:s4+$0x5800];
	[tilespmem:s17+$0x12D80] =	vst v60  }
0x3ca: {  	v27 =	vld [tilespmem:s4+$0x5880];
	[tilespmem:s17+$0x13A00] =	vst v61  }
0x3cb: {  	v28 =	vld [tilespmem:s4+$0x5900];
	[tilespmem:s4+$0x12B00] =	vst v63  }
0x3cc: {  	[tilespmem:s17+$0x13A80] =	vst v24;
	v11 =	vld [tilespmem:s21+$0x4800]  }
0x3cd: {  	v41 =	vld [tilespmem:s17+$0x5A00];
	[tilespmem:s17+$0x12D00] =	vst v19  }
0x3ce: {  	v14 =	vld [tilespmem:s1+$0x5A00];
	s25 =	rddreg [dreg:$0x9];
	[tilespmem:s4+$0x12D80] =	vst v26  }
0x3cf: {  	v30 =	vshll.u32 v4, $0x3;
	v33 =	vshll.u32 v7, $0x3;
	[tilespmem:s4+$0x13A00] =	vst v27;
	v19 =	vld [tilespmem:s11+$0x4800]  }
0x3d0: {  	v49 =	vld [tilespmem:s4+$0x5A00];
	v31 =	vand.u32 $0xFFFFFC00, v30;
	v34 =	vand.u32 $0xFFFFFC00, v33;
	v35 =	vand.u32 $0x7F, v7;
	[tilespmem:s4+$0x13A80] =	vst v28  }
0x3d1: {  	v32 =	vand.u32 $0x7F, v4;
	v36 =	vshll.u32 v12, $0x3;
	v38 =	vor.u32 v34, v35;
	v29 =	vld [tilespmem:s25+$0x4800];
	[tilespmem:s4+$0x12D00] =	vst v11  }
0x3d2: {  	v18 =	vor.u32 v31, v32;
	v39 =	vand.u32 $0x7F, v12;
	[tilespmem:s17+$0x13B80] =	vst v41;
	v11 =	vand.u32 $0xFFFFFC00, v36;
	v37 =	vld [tilespmem:s15+$0x4800]  }
0x3d3: {  	[tilespmem:s1+$0x13B80] =	vst v14;
	v40 =	vor.u32 v11, v39  }
0x3d4: {  	[tilespmem:s17+$0x13B00] =	vst v19  }
0x3d5: {  	[tilespmem:s4+$0x13B80] =	vst v49  }
0x3d6: {  	[tilespmem:s1+$0x13B00] =	vst v29;
	v19 =	vld.idx.msk [tilespmem:v38+s24+$0x0], $0xffff  }
0x3d7: {  	v43 =	vor.u32 $0x80, v38;
	v41 =	vld.idx.msk [tilespmem:v18+s24+$0x0], $0xffff;
	[tilespmem:s4+$0x13B00] =	vst v37  }
0x3d8: {  	v42 =	vor.u32 $0x80, v18;
	v21 =	vld.idx.msk [tilespmem:v40+s24+$0x0], $0xffff  }
0x3d9: {  	v44 =	vor.u32 $0x80, v40;
	_ =	sdelay $0x1  }
0x3da: {  	[tilespmem:s17+$0x13C00] =	vst v19  }
0x3db: {  	[tilespmem:s1+$0x13C00] =	vst v41;
	v19 =	vld.idx.msk [tilespmem:v43+s24+$0x0], $0xffff  }
0x3dc: {  	v46 =	vor.u32 $0x100, v38;
	v13 =	vld.idx.msk [tilespmem:v42+s24+$0x0], $0xffff;
	[tilespmem:s4+$0x13C00] =	vst v21  }
0x3dd: {  	v45 =	vor.u32 $0x100, v18;
	v21 =	vld.idx.msk [tilespmem:v44+s24+$0x0], $0xffff  }
0x3de: {  	v47 =	vor.u32 $0x100, v40;
	_ =	sdelay $0x1  }
0x3df: {  	[tilespmem:s17+$0x13C80] =	vst v19  }
0x3e0: {  	[tilespmem:s1+$0x13C80] =	vst v13;
	v19 =	vld.idx.msk [tilespmem:v46+s24+$0x0], $0xffff  }
0x3e1: {  	v49 =	vor.u32 $0x180, v38;
	v13 =	vld.idx.msk [tilespmem:v45+s24+$0x0], $0xffff;
	[tilespmem:s4+$0x13C80] =	vst v21  }
0x3e2: {  	v48 =	vor.u32 $0x180, v18;
	v21 =	vld.idx.msk [tilespmem:v47+s24+$0x0], $0xffff  }
0x3e3: {  	v50 =	vor.u32 $0x180, v40;
	_ =	sdelay $0x1  }
0x3e4: {  	[tilespmem:s17+$0x13D00] =	vst v19  }
0x3e5: {  	[tilespmem:s1+$0x13D00] =	vst v13;
	v19 =	vld.idx.msk [tilespmem:v49+s24+$0x0], $0xffff  }
0x3e6: {  	v52 =	vor.u32 $0x200, v38;
	v13 =	vld.idx.msk [tilespmem:v48+s24+$0x0], $0xffff;
	[tilespmem:s4+$0x13D00] =	vst v21  }
0x3e7: {  	v51 =	vor.u32 $0x200, v18;
	v21 =	vld.idx.msk [tilespmem:v50+s24+$0x0], $0xffff  }
0x3e8: {  	v53 =	vor.u32 $0x200, v40;
	_ =	sdelay $0x1  }
0x3e9: {  	[tilespmem:s17+$0x13D80] =	vst v19  }
0x3ea: {  	[tilespmem:s1+$0x13D80] =	vst v13;
	v19 =	vld.idx.msk [tilespmem:v52+s24+$0x0], $0xffff  }
0x3eb: {  	v55 =	vor.u32 $0x280, v38;
	v13 =	vld.idx.msk [tilespmem:v51+s24+$0x0], $0xffff;
	[tilespmem:s4+$0x13D80] =	vst v21  }
0x3ec: {  	v54 =	vor.u32 $0x280, v18;
	v21 =	vld.idx.msk [tilespmem:v53+s24+$0x0], $0xffff  }
0x3ed: {  	v56 =	vor.u32 $0x280, v40;
	_ =	sdelay $0x1  }
0x3ee: {  	[tilespmem:s17+$0x14A00] =	vst v19  }
0x3ef: {  	[tilespmem:s1+$0x14A00] =	vst v13;
	v19 =	vld.idx.msk [tilespmem:v55+s24+$0x0], $0xffff  }
0x3f0: {  	v58 =	vor.u32 $0x300, v38;
	v13 =	vld.idx.msk [tilespmem:v54+s24+$0x0], $0xffff;
	[tilespmem:s4+$0x14A00] =	vst v21  }
0x3f1: {  	v57 =	vor.u32 $0x300, v18;
	v21 =	vld.idx.msk [tilespmem:v56+s24+$0x0], $0xffff  }
0x3f2: {  	v59 =	vor.u32 $0x300, v40;
	_ =	sdelay $0x1  }
0x3f3: {  	[tilespmem:s17+$0x14A80] =	vst v19  }
0x3f4: {  	[tilespmem:s1+$0x14A80] =	vst v13;
	v61 =	vld.idx.msk [tilespmem:v58+s24+$0x0], $0xffff  }
0x3f5: {  	v14 =	vor.u32 $0x380, v38;
	v13 =	vld.idx.msk [tilespmem:v57+s24+$0x0], $0xffff;
	[tilespmem:s4+$0x14A80] =	vst v21  }
0x3f6: {  	v60 =	vor.u32 $0x380, v18;
	v63 =	vld.idx.msk [tilespmem:v59+s24+$0x0], $0xffff  }
0x3f7: {  	v17 =	vor.u32 $0x380, v40  }
0x3f8: {  	v23 =	vand.u32 $0x7, v4;
	v62 =	vand.u32 $0x78, v4;
	v25 =	vand.u32 $0x78, v7  }
0x3f9: {  	v16 =	vor.u32 v62, v31;
	v10 =	vor.u32 v25, v34;
	v26 =	vand.u32 $0x7, v7;
	[tilespmem:s17+$0x14B00] =	vst v61  }
0x3fa: {  	v4 =	vor.u32 v23, v16;
	v27 =	vand.u32 $0x78, v12;
	v7 =	vor.u32 v26, v10;
	[tilespmem:s1+$0x14B00] =	vst v13;
	v14 =	vld.idx.msk [tilespmem:v14+s24+$0x0], $0xffff  }
0x3fb: {  	v28 =	vand.u32 $0x7, v12;
	v11 =	vor.u32 v27, v11;
	v29 =	vadd.s32 $0x1000, v7;
	v15 =	vld.idx.msk [tilespmem:v60+s24+$0x0], $0xffff;
	[tilespmem:s4+$0x14B00] =	vst v63  }
0x3fc: {  	v24 =	vadd.s32 $0x1000, v4;
	v10 =	vor.u32 v28, v11;
	v30 =	vld.idx.msk [tilespmem:v17+s24+$0x0], $0xffff  }
0x3fd: {  	v11 =	vadd.s32 $0x1000, v10;
	_ =	sdelay $0x1  }
0x3fe: {  	[tilespmem:s17+$0x14B80] =	vst v14  }
0x3ff: {  	v31 =	vadd.s32 $0x1080, v5;
	[tilespmem:s1+$0x14B80] =	vst v15;
	v12 =	vld.idx.msk [tilespmem:v29+s24+$0x0], $0xffff  }
0x400: {  	v33 =	vadd.s32 $0x1080, v7;
	v13 =	vld.idx.msk [tilespmem:v24+s24+$0x0], $0xffff;
	[tilespmem:s4+$0x14B80] =	vst v30  }
0x401: {  	v32 =	vadd.s32 $0x1080, v4;
	v11 =	vld.idx.msk [tilespmem:v11+s24+$0x0], $0xffff  }
0x402: {  	v34 =	vadd.s32 $0x1080, v10;
	_ =	sdelay $0x1  }
0x403: {  	v15 =	vld.idx.msk [tilespmem:v31+s24+$0x0], $0xffff;
	[tilespmem:s17+$0x14C00] =	vst v12  }
0x404: {  	v35 =	vadd.s32 $0x1100, v5;
	[tilespmem:s1+$0x14C00] =	vst v13;
	v16 =	vld.idx.msk [tilespmem:v33+s24+$0x0], $0xffff  }
0x405: {  	v37 =	vadd.s32 $0x1100, v7;
	v14 =	vld.idx.msk [tilespmem:v32+s24+$0x0], $0xffff;
	[tilespmem:s4+$0x14C00] =	vst v11  }
0x406: {  	v36 =	vadd.s32 $0x1100, v4;
	v17 =	vld.idx.msk [tilespmem:v34+s24+$0x0], $0xffff  }
0x407: {  	v38 =	vadd.s32 $0x1100, v10  }
0x408: {  	[tilespmem:s0+$0x14C80] =	vst v15  }
0x409: {  	v13 =	vld.idx.msk [tilespmem:v35+s24+$0x0], $0xffff;
	[tilespmem:s17+$0x14C80] =	vst v16  }
0x40a: {  	v39 =	vadd.s32 $0x1180, v5;
	[tilespmem:s1+$0x14C80] =	vst v14;
	v11 =	vld.idx.msk [tilespmem:v37+s24+$0x0], $0xffff  }
0x40b: {  	v41 =	vadd.s32 $0x1180, v7;
	v12 =	vld.idx.msk [tilespmem:v36+s24+$0x0], $0xffff;
	[tilespmem:s4+$0x14C80] =	vst v17  }
0x40c: {  	v40 =	vadd.s32 $0x1180, v4;
	v17 =	vld.idx.msk [tilespmem:v38+s24+$0x0], $0xffff  }
0x40d: {  	v42 =	vadd.s32 $0x1180, v10  }
0x40e: {  	[tilespmem:s0+$0x14D00] =	vst v13  }
0x40f: {  	v13 =	vld.idx.msk [tilespmem:v39+s24+$0x0], $0xffff;
	[tilespmem:s17+$0x14D00] =	vst v11  }
0x410: {  	v43 =	vadd.s32 $0x1200, v5;
	[tilespmem:s1+$0x14D00] =	vst v12;
	v46 =	vld.idx.msk [tilespmem:v41+s24+$0x0], $0xffff  }
0x411: {  	v47 =	vadd.s32 $0x1200, v7;
	v44 =	vld.idx.msk [tilespmem:v40+s24+$0x0], $0xffff;
	[tilespmem:s4+$0x14D00] =	vst v17  }
0x412: {  	v45 =	vadd.s32 $0x1200, v4;
	v17 =	vld.idx.msk [tilespmem:v42+s24+$0x0], $0xffff  }
0x413: {  	v48 =	vadd.s32 $0x1200, v10  }
0x414: {  	[tilespmem:s0+$0x14D80] =	vst v13  }
0x415: {  	v12 =	vld.idx.msk [tilespmem:v43+s24+$0x0], $0xffff;
	[tilespmem:s17+$0x14D80] =	vst v46  }
0x416: {  	v49 =	vadd.s32 $0x1280, v5;
	[tilespmem:s1+$0x14D80] =	vst v44;
	v15 =	vld.idx.msk [tilespmem:v47+s24+$0x0], $0xffff  }
0x417: {  	v51 =	vadd.s32 $0x1280, v7;
	v11 =	vld.idx.msk [tilespmem:v45+s24+$0x0], $0xffff;
	[tilespmem:s4+$0x14D80] =	vst v17  }
0x418: {  	v50 =	vadd.s32 $0x1280, v4;
	v17 =	vld.idx.msk [tilespmem:v48+s24+$0x0], $0xffff  }
0x419: {  	v52 =	vadd.s32 $0x1280, v10  }
0x41a: {  	[tilespmem:s0+$0x15A00] =	vst v12  }
0x41b: {  	v12 =	vld.idx.msk [tilespmem:v49+s24+$0x0], $0xffff;
	[tilespmem:s17+$0x15A00] =	vst v15  }
0x41c: {  	v53 =	vadd.s32 $0x1300, v5;
	[tilespmem:s1+$0x15A00] =	vst v11;
	v15 =	vld.idx.msk [tilespmem:v51+s24+$0x0], $0xffff  }
0x41d: {  	v56 =	vadd.s32 $0x1300, v7;
	v54 =	vld.idx.msk [tilespmem:v50+s24+$0x0], $0xffff;
	[tilespmem:s4+$0x15A00] =	vst v17  }
0x41e: {  	v55 =	vadd.s32 $0x1300, v4;
	v17 =	vld.idx.msk [tilespmem:v52+s24+$0x0], $0xffff  }
0x41f: {  	v57 =	vadd.s32 $0x1300, v10  }
0x420: {  	[tilespmem:s0+$0x15A80] =	vst v12  }
0x421: {  	v11 =	vld.idx.msk [tilespmem:v53+s24+$0x0], $0xffff;
	[tilespmem:s17+$0x15A80] =	vst v15  }
0x422: {  	v58 =	vadd.s32 $0x1380, v5;
	[tilespmem:s1+$0x15A80] =	vst v54;
	v15 =	vld.idx.msk [tilespmem:v56+s24+$0x0], $0xffff  }
0x423: {  	v60 =	vadd.s32 $0x1380, v7;
	v13 =	vld.idx.msk [tilespmem:v55+s24+$0x0], $0xffff;
	[tilespmem:s4+$0x15A80] =	vst v17  }
0x424: {  	v59 =	vadd.s32 $0x1380, v4;
	v17 =	vld.idx.msk [tilespmem:v57+s24+$0x0], $0xffff  }
0x425: {  	v61 =	vadd.s32 $0x1380, v10  }
0x426: {  	[tilespmem:s0+$0x15B00] =	vst v11  }
0x427: {  	v11 =	vld.idx.msk [tilespmem:v58+s24+$0x0], $0xffff;
	[tilespmem:s17+$0x15B00] =	vst v15  }
0x428: {  	v62 =	vadd.s32 $0x2000, v5;
	[tilespmem:s1+$0x15B00] =	vst v13;
	v15 =	vld.idx.msk [tilespmem:v60+s24+$0x0], $0xffff  }
0x429: {  	v21 =	vadd.s32 $0x2000, v7;
	v13 =	vld.idx.msk [tilespmem:v59+s24+$0x0], $0xffff;
	[tilespmem:s4+$0x15B00] =	vst v17  }
0x42a: {  	v63 =	vadd.s32 $0x2000, v4;
	v17 =	vld.idx.msk [tilespmem:v61+s24+$0x0], $0xffff  }
0x42b: {  	v22 =	vadd.s32 $0x2000, v10  }
0x42c: {  	[tilespmem:s0+$0x15B80] =	vst v11  }
0x42d: {  	v11 =	vld.idx.msk [tilespmem:v62+s24+$0x0], $0xffff;
	[tilespmem:s17+$0x15B80] =	vst v15  }
0x42e: {  	v23 =	vadd.s32 $0x2080, v5;
	[tilespmem:s1+$0x15B80] =	vst v13;
	v15 =	vld.idx.msk [tilespmem:v21+s24+$0x0], $0xffff  }
0x42f: {  	v25 =	vadd.s32 $0x2080, v7;
	v13 =	vld.idx.msk [tilespmem:v63+s24+$0x0], $0xffff;
	[tilespmem:s4+$0x15B80] =	vst v17  }
0x430: {  	v24 =	vadd.s32 $0x2080, v4;
	v17 =	vld.idx.msk [tilespmem:v22+s24+$0x0], $0xffff  }
0x431: {  	v26 =	vadd.s32 $0x2080, v10  }
0x432: {  	[tilespmem:s0+$0x15C00] =	vst v11  }
0x433: {  	v11 =	vld.idx.msk [tilespmem:v23+s24+$0x0], $0xffff;
	[tilespmem:s17+$0x15C00] =	vst v15  }
0x434: {  	v27 =	vadd.s32 $0x2100, v5;
	[tilespmem:s1+$0x15C00] =	vst v13;
	v15 =	vld.idx.msk [tilespmem:v25+s24+$0x0], $0xffff  }
0x435: {  	v29 =	vadd.s32 $0x2100, v7;
	v13 =	vld.idx.msk [tilespmem:v24+s24+$0x0], $0xffff;
	[tilespmem:s4+$0x15C00] =	vst v17  }
0x436: {  	v28 =	vadd.s32 $0x2100, v4;
	v17 =	vld.idx.msk [tilespmem:v26+s24+$0x0], $0xffff  }
0x437: {  	v30 =	vadd.s32 $0x2100, v10  }
0x438: {  	[tilespmem:s0+$0x15C80] =	vst v11  }
0x439: {  	v11 =	vld.idx.msk [tilespmem:v27+s24+$0x0], $0xffff;
	[tilespmem:s17+$0x15C80] =	vst v15  }
0x43a: {  	v31 =	vadd.s32 $0x2180, v5;
	[tilespmem:s1+$0x15C80] =	vst v13;
	v15 =	vld.idx.msk [tilespmem:v29+s24+$0x0], $0xffff  }
0x43b: {  	v33 =	vadd.s32 $0x2180, v7;
	v13 =	vld.idx.msk [tilespmem:v28+s24+$0x0], $0xffff;
	[tilespmem:s4+$0x15C80] =	vst v17  }
0x43c: {  	v32 =	vadd.s32 $0x2180, v4;
	v17 =	vld.idx.msk [tilespmem:v30+s24+$0x0], $0xffff  }
0x43d: {  	v34 =	vadd.s32 $0x2180, v10  }
0x43e: {  	[tilespmem:s0+$0x15D00] =	vst v11  }
0x43f: {  	v11 =	vld.idx.msk [tilespmem:v31+s24+$0x0], $0xffff;
	[tilespmem:s17+$0x15D00] =	vst v15  }
0x440: {  	v35 =	vadd.s32 $0x2200, v5;
	[tilespmem:s1+$0x15D00] =	vst v13;
	v15 =	vld.idx.msk [tilespmem:v33+s24+$0x0], $0xffff  }
0x441: {  	v37 =	vadd.s32 $0x2200, v7;
	v13 =	vld.idx.msk [tilespmem:v32+s24+$0x0], $0xffff;
	[tilespmem:s4+$0x15D00] =	vst v17  }
0x442: {  	v36 =	vadd.s32 $0x2200, v4;
	v17 =	vld.idx.msk [tilespmem:v34+s24+$0x0], $0xffff  }
0x443: {  	v38 =	vadd.s32 $0x2200, v10  }
0x444: {  	[tilespmem:s0+$0x15D80] =	vst v11  }
0x445: {  	v11 =	vld.idx.msk [tilespmem:v35+s24+$0x0], $0xffff;
	[tilespmem:s17+$0x15D80] =	vst v15  }
0x446: {  	v39 =	vadd.s32 $0x2280, v5;
	[tilespmem:s1+$0x15D80] =	vst v13;
	v15 =	vld.idx.msk [tilespmem:v37+s24+$0x0], $0xffff  }
0x447: {  	v41 =	vadd.s32 $0x2280, v7;
	v13 =	vld.idx.msk [tilespmem:v36+s24+$0x0], $0xffff;
	[tilespmem:s4+$0x15D80] =	vst v17  }
0x448: {  	v40 =	vadd.s32 $0x2280, v4;
	v17 =	vld.idx.msk [tilespmem:v38+s24+$0x0], $0xffff  }
0x449: {  	v42 =	vadd.s32 $0x2280, v10  }
0x44a: {  	[tilespmem:s0+$0x16A00] =	vst v11  }
0x44b: {  	v11 =	vld.idx.msk [tilespmem:v39+s24+$0x0], $0xffff;
	[tilespmem:s17+$0x16A00] =	vst v15  }
0x44c: {  	v43 =	vadd.s32 $0x2300, v5;
	[tilespmem:s1+$0x16A00] =	vst v13;
	v15 =	vld.idx.msk [tilespmem:v41+s24+$0x0], $0xffff  }
0x44d: {  	v45 =	vadd.s32 $0x2300, v7;
	v13 =	vld.idx.msk [tilespmem:v40+s24+$0x0], $0xffff;
	[tilespmem:s4+$0x16A00] =	vst v17  }
0x44e: {  	v44 =	vadd.s32 $0x2300, v4;
	v17 =	vld.idx.msk [tilespmem:v42+s24+$0x0], $0xffff  }
0x44f: {  	v46 =	vadd.s32 $0x2300, v10  }
0x450: {  	[tilespmem:s0+$0x16A80] =	vst v11  }
0x451: {  	v11 =	vld.idx.msk [tilespmem:v43+s24+$0x0], $0xffff;
	[tilespmem:s17+$0x16A80] =	vst v15  }
0x452: {  	v47 =	vadd.s32 $0x2380, v5;
	[tilespmem:s1+$0x16A80] =	vst v13;
	v15 =	vld.idx.msk [tilespmem:v45+s24+$0x0], $0xffff  }
0x453: {  	v49 =	vadd.s32 $0x2380, v7;
	v13 =	vld.idx.msk [tilespmem:v44+s24+$0x0], $0xffff;
	[tilespmem:s4+$0x16A80] =	vst v17  }
0x454: {  	v48 =	vadd.s32 $0x2380, v4;
	v17 =	vld.idx.msk [tilespmem:v46+s24+$0x0], $0xffff  }
0x455: {  	v50 =	vadd.s32 $0x2380, v10  }
0x456: {  	[tilespmem:s0+$0x16B00] =	vst v11  }
0x457: {  	v11 =	vld.idx.msk [tilespmem:v47+s24+$0x0], $0xffff;
	[tilespmem:s17+$0x16B00] =	vst v15  }
0x458: {  	v51 =	vadd.s32 $0x3000, v5;
	[tilespmem:s1+$0x16B00] =	vst v13;
	v15 =	vld.idx.msk [tilespmem:v49+s24+$0x0], $0xffff  }
0x459: {  	v53 =	vadd.s32 $0x3000, v7;
	v13 =	vld.idx.msk [tilespmem:v48+s24+$0x0], $0xffff;
	[tilespmem:s4+$0x16B00] =	vst v17  }
0x45a: {  	v52 =	vadd.s32 $0x3000, v4;
	v17 =	vld.idx.msk [tilespmem:v50+s24+$0x0], $0xffff  }
0x45b: {  	v54 =	vadd.s32 $0x3000, v10  }
0x45c: {  	[tilespmem:s0+$0x16B80] =	vst v11  }
0x45d: {  	v11 =	vld.idx.msk [tilespmem:v51+s24+$0x0], $0xffff;
	[tilespmem:s17+$0x16B80] =	vst v15  }
0x45e: {  	v55 =	vadd.s32 $0x3080, v5;
	[tilespmem:s1+$0x16B80] =	vst v13;
	v15 =	vld.idx.msk [tilespmem:v53+s24+$0x0], $0xffff  }
0x45f: {  	v57 =	vadd.s32 $0x3080, v7;
	v13 =	vld.idx.msk [tilespmem:v52+s24+$0x0], $0xffff;
	[tilespmem:s4+$0x16B80] =	vst v17  }
0x460: {  	v56 =	vadd.s32 $0x3080, v4;
	v17 =	vld.idx.msk [tilespmem:v54+s24+$0x0], $0xffff  }
0x461: {  	v58 =	vadd.s32 $0x3080, v10  }
0x462: {  	[tilespmem:s0+$0x16C00] =	vst v11  }
0x463: {  	v11 =	vld.idx.msk [tilespmem:v55+s24+$0x0], $0xffff;
	[tilespmem:s17+$0x16C00] =	vst v15  }
0x464: {  	v59 =	vadd.s32 $0x3100, v5;
	[tilespmem:s1+$0x16C00] =	vst v13;
	v15 =	vld.idx.msk [tilespmem:v57+s24+$0x0], $0xffff  }
0x465: {  	v61 =	vadd.s32 $0x3100, v7;
	v13 =	vld.idx.msk [tilespmem:v56+s24+$0x0], $0xffff;
	[tilespmem:s4+$0x16C00] =	vst v17  }
0x466: {  	v60 =	vadd.s32 $0x3100, v4;
	v17 =	vld.idx.msk [tilespmem:v58+s24+$0x0], $0xffff  }
0x467: {  	v62 =	vadd.s32 $0x3100, v10  }
0x468: {  	[tilespmem:s0+$0x16C80] =	vst v11  }
0x469: {  	v63 =	vadd.s32 $0x3180, v9;
	v12 =	vld.idx.msk [tilespmem:v59+s24+$0x0], $0xffff;
	[tilespmem:s17+$0x16C80] =	vst v15  }
0x46a: {  	v21 =	vadd.s32 $0x3180, v5;
	[tilespmem:s1+$0x16C80] =	vst v13;
	v16 =	vld.idx.msk [tilespmem:v61+s24+$0x0], $0xffff  }
0x46b: {  	v23 =	vadd.s32 $0x3180, v7;
	v14 =	vld.idx.msk [tilespmem:v60+s24+$0x0], $0xffff;
	[tilespmem:s4+$0x16C80] =	vst v17  }
0x46c: {  	v22 =	vadd.s32 $0x3180, v4;
	v18 =	vld.idx.msk [tilespmem:v62+s24+$0x0], $0xffff  }
0x46d: {  	[tilespmem:s31+$0x16D00] =	vst v6;
	v24 =	vadd.s32 $0x3180, v10  }
0x46e: {  	v11 =	vld.idx.msk [tilespmem:v63+s24+$0x0], $0xffff;
	[tilespmem:s0+$0x16D00] =	vst v12  }
0x46f: {  	v25 =	vadd.s32 $0x3200, v9;
	v13 =	vld.idx.msk [tilespmem:v21+s24+$0x0], $0xffff;
	[tilespmem:s17+$0x16D00] =	vst v16  }
0x470: {  	v26 =	vadd.s32 $0x3200, v5;
	[tilespmem:s1+$0x16D00] =	vst v14;
	v17 =	vld.idx.msk [tilespmem:v23+s24+$0x0], $0xffff  }
0x471: {  	v28 =	vadd.s32 $0x3200, v7;
	v15 =	vld.idx.msk [tilespmem:v22+s24+$0x0], $0xffff;
	[tilespmem:s4+$0x16D00] =	vst v18  }
0x472: {  	v27 =	vadd.s32 $0x3200, v4;
	v6 =	vld.idx.msk [tilespmem:v24+s24+$0x0], $0xffff  }
0x473: {  	v29 =	vadd.s32 $0x3200, v10;
	[tilespmem:s31+$0x16D80] =	vst v11  }
0x474: {  	v12 =	vld.idx.msk [tilespmem:v25+s24+$0x0], $0xffff;
	[tilespmem:s0+$0x16D80] =	vst v13  }
0x475: {  	v30 =	vadd.s32 $0x3280, v9;
	v14 =	vld.idx.msk [tilespmem:v26+s24+$0x0], $0xffff;
	[tilespmem:s17+$0x16D80] =	vst v17  }
0x476: {  	v31 =	vadd.s32 $0x3280, v5;
	[tilespmem:s1+$0x16D80] =	vst v15;
	v18 =	vld.idx.msk [tilespmem:v28+s24+$0x0], $0xffff  }
0x477: {  	v33 =	vadd.s32 $0x3280, v7;
	v16 =	vld.idx.msk [tilespmem:v27+s24+$0x0], $0xffff;
	[tilespmem:s4+$0x16D80] =	vst v6  }
0x478: {  	v32 =	vadd.s32 $0x3280, v4;
	v11 =	vld.idx.msk [tilespmem:v29+s24+$0x0], $0xffff  }
0x479: {  	v34 =	vadd.s32 $0x3280, v10;
	[tilespmem:s31+$0x17A00] =	vst v12  }
0x47a: {  	v13 =	vld.idx.msk [tilespmem:v30+s24+$0x0], $0xffff;
	[tilespmem:s0+$0x17A00] =	vst v14  }
0x47b: {  	v35 =	vadd.s32 $0x3300, v9;
	v15 =	vld.idx.msk [tilespmem:v31+s24+$0x0], $0xffff;
	[tilespmem:s17+$0x17A00] =	vst v18  }
0x47c: {  	v36 =	vadd.s32 $0x3300, v5;
	[tilespmem:s1+$0x17A00] =	vst v16;
	v6 =	vld.idx.msk [tilespmem:v33+s24+$0x0], $0xffff  }
0x47d: {  	v38 =	vadd.s32 $0x3300, v7;
	v17 =	vld.idx.msk [tilespmem:v32+s24+$0x0], $0xffff;
	[tilespmem:s4+$0x17A00] =	vst v11  }
0x47e: {  	v37 =	vadd.s32 $0x3300, v4;
	v12 =	vld.idx.msk [tilespmem:v34+s24+$0x0], $0xffff  }
0x47f: {  	v39 =	vadd.s32 $0x3300, v10;
	[tilespmem:s31+$0x17A80] =	vst v13  }
0x480: {  	v14 =	vld.idx.msk [tilespmem:v35+s24+$0x0], $0xffff;
	[tilespmem:s0+$0x17A80] =	vst v15  }
0x481: {  	v40 =	vadd.s32 $0x3380, v9;
	v15 =	vld.idx.msk [tilespmem:v36+s24+$0x0], $0xffff;
	[tilespmem:s17+$0x17A80] =	vst v6  }
0x482: {  	v5 =	vadd.s32 $0x3380, v5;
	[tilespmem:s1+$0x17A80] =	vst v17;
	v6 =	vld.idx.msk [tilespmem:v38+s24+$0x0], $0xffff  }
0x483: {  	v7 =	vadd.s32 $0x3380, v7;
	v41 =	vld.idx.msk [tilespmem:v37+s24+$0x0], $0xffff;
	[tilespmem:s4+$0x17A80] =	vst v12  }
0x484: {  	v4 =	vadd.s32 $0x3380, v4;
	v42 =	vld.idx.msk [tilespmem:v39+s24+$0x0], $0xffff  }
0x485: {  	v10 =	vadd.s32 $0x3380, v10;
	[tilespmem:s31+$0x17B00] =	vst v14  }
0x486: {  	v9 =	vld.idx.msk [tilespmem:v40+s24+$0x0], $0xffff;
	[tilespmem:s0+$0x17B00] =	vst v15  }
0x487: {  	v5 =	vld.idx.msk [tilespmem:v5+s24+$0x0], $0xffff;
	[tilespmem:s17+$0x17B00] =	vst v6  }
0x488: {  	[tilespmem:s1+$0x17B00] =	vst v41;
	v6 =	vld.idx.msk [tilespmem:v7+s24+$0x0], $0xffff  }
0x489: {  	v4 =	vld.idx.msk [tilespmem:v4+s24+$0x0], $0xffff;
	[tilespmem:s4+$0x17B00] =	vst v42  }
0x48a: {  	v43 =	vld.idx.msk [tilespmem:v10+s24+$0x0], $0xffff  }
0x48b: {  	[tilespmem:s31+$0x17B80] =	vst v9  }
0x48c: {  	v9 =	vld.idx.msk [tilespmem:v0+s18+$0x0], $0xffff;
	[tilespmem:s0+$0x17B80] =	vst v5  }
0x48d: {  	v44 =	vadd.s32 $0x80, v0;
	v45 =	vld.idx.msk [tilespmem:v1+s18+$0x0], $0xffff;
	[tilespmem:s17+$0x17B80] =	vst v6  }
0x48e: {  	v46 =	vadd.s32 $0x80, v1;
	[tilespmem:s1+$0x17B80] =	vst v4;
	v49 =	vld.idx.msk [tilespmem:v3+s18+$0x0], $0xffff  }
0x48f: {  	v50 =	vadd.s32 $0x80, v3;
	v47 =	vld.idx.msk [tilespmem:v2+s18+$0x0], $0xffff;
	[tilespmem:s4+$0x17B80] =	vst v43  }
0x490: {  	v48 =	vadd.s32 $0x80, v2;
	v51 =	vld.idx.msk [tilespmem:v8+s18+$0x0], $0xffff  }
0x491: {  	v52 =	vadd.s32 $0x80, v8;
	[tilespmem:s31+$0x17C00] =	vst v9  }
0x492: {  	v5 =	vld.idx.msk [tilespmem:v44+s18+$0x0], $0xffff;
	[tilespmem:s0+$0x17C00] =	vst v45  }
0x493: {  	v53 =	vadd.s32 $0x100, v0;
	v4 =	vld.idx.msk [tilespmem:v46+s18+$0x0], $0xffff;
	[tilespmem:s17+$0x17C00] =	vst v49  }
0x494: {  	v54 =	vadd.s32 $0x100, v1;
	[tilespmem:s1+$0x17C00] =	vst v47;
	v7 =	vld.idx.msk [tilespmem:v50+s18+$0x0], $0xffff  }
0x495: {  	v56 =	vadd.s32 $0x100, v3;
	v6 =	vld.idx.msk [tilespmem:v48+s18+$0x0], $0xffff;
	[tilespmem:s4+$0x17C00] =	vst v51  }
0x496: {  	v55 =	vadd.s32 $0x100, v2;
	v9 =	vld.idx.msk [tilespmem:v52+s18+$0x0], $0xffff  }
0x497: {  	v57 =	vadd.s32 $0x100, v8;
	[tilespmem:s31+$0x17C80] =	vst v5  }
0x498: {  	v10 =	vld.idx.msk [tilespmem:v53+s18+$0x0], $0xffff;
	[tilespmem:s0+$0x17C80] =	vst v4  }
0x499: {  	v58 =	vadd.s32 $0x180, v0;
	v4 =	vld.idx.msk [tilespmem:v54+s18+$0x0], $0xffff;
	[tilespmem:s17+$0x17C80] =	vst v7  }
0x49a: {  	v59 =	vadd.s32 $0x180, v1;
	[tilespmem:s1+$0x17C80] =	vst v6;
	v7 =	vld.idx.msk [tilespmem:v56+s18+$0x0], $0xffff  }
0x49b: {  	v61 =	vadd.s32 $0x180, v3;
	v6 =	vld.idx.msk [tilespmem:v55+s18+$0x0], $0xffff;
	[tilespmem:s4+$0x17C80] =	vst v9  }
0x49c: {  	v60 =	vadd.s32 $0x180, v2;
	v5 =	vld.idx.msk [tilespmem:v57+s18+$0x0], $0xffff  }
0x49d: {  	v62 =	vadd.s32 $0x180, v8;
	[tilespmem:s31+$0x17D00] =	vst v10  }
0x49e: {  	v0 =	vld.idx.msk [tilespmem:v58+s18+$0x0], $0xffff;
	[tilespmem:s0+$0x17D00] =	vst v4  }
0x49f: {  	v1 =	vld.idx.msk [tilespmem:v59+s18+$0x0], $0xffff;
	[tilespmem:s17+$0x17D00] =	vst v7  }
0x4a0: {  	[tilespmem:s1+$0x17D00] =	vst v6;
	v3 =	vld.idx.msk [tilespmem:v61+s18+$0x0], $0xffff  }
0x4a1: {  	v2 =	vld.idx.msk [tilespmem:v60+s18+$0x0], $0xffff;
	[tilespmem:s4+$0x17D00] =	vst v5  }
0x4a2: {  	v63 =	vld.idx.msk [tilespmem:v62+s18+$0x0], $0xffff  }
0x4a3: {  	[tilespmem:s31+$0x17D80] =	vst v0  }
0x4a4: {  	[tilespmem:s0+$0x17D80] =	vst v1  }
0x4a5: {  	[tilespmem:s17+$0x17D80] =	vst v3  }
0x4a6: {  	[tilespmem:s1+$0x17D80] =	vst v2  }
0x4a7: {  	s26 =	simm.s32 $0xAA00;
	s29 =	simm.s32 $0x2;
	[tilespmem:s4+$0x17D80] =	vst v63  }
0x4a8: {  	s6 =	simm.s32 $0x1000;
	s7 =	simm.s32 $0x20000;
	s0 =	rddreg [dreg:$0x1a]  }
0x4a9: {  	[hbm4b:s0+s6] =	stream.strided.scatter [tilespmem:s26], [sflag:$0x2], $0xE000, s7, s6, $0x38;
	[tilespmem:$0x18A00] =	vst v63  }
0x4aa: {  	_ =	swait.ge [sflag:s29], $0xE000  }
0x4ab: {  	s30 =	rddreg [dreg:$0x1c]  }
0x4ac: {  	s31 =	rddreg [dreg:$0x1b];
	s2 =	sadd.s32 $0x1, s30  }
0x4ad: {  	p0 =	sne.s32 s2, s31  }
.Ltmp1:
0x4ae: {  	_ = 	snop;
	(pc) =	sbr.rel @p0 .LBB2_1-.Ltmp1, $3  }
0x4af: {  	_ =	sdelay $0x1  }
0x4b0: {  	[sflag:s29] =	ssyncset.done $0x0  }
0x4b1: {  	[sflag:s29] =	ssyncadd.s32 $0xFFFF2000  }
0x4b2: {  	_ =	sfence.sel $0x180000  }
0x4b3: {  	[bflag:$0x0] =	sbarrier.arrive $0xFFFF  }
0x4b4: {  	_ =	strace $0x90000047  }
0x4b5: {  	s0 =	stileid.u32;
	[bflag:$0x2] =	sbarrier.arrive $0xFFFF  }
0x4b6: {  	p0 =	sne.s32 s0, $0x0;
	s0 =	rddreg [dreg:$0x8]  }
0x4b7: {  	s0 =	sadd.s32 @!p0 $0x100000, s0  }
0x4b8: {  	[sflag:s0] =	ssyncadd.tile.s32 @!p0 $0x1;
	_ =	shalt  }
.Lfunc_end2:
_tile_overlayer_lowered:
.L_overlay_start_2:
0x4b9: {  	(tag) =	ssettag $0x2  }
0x4ba: {  	s0 =	rddreg [dreg:$0x0];
	s2 =	stileid.u32  }
0x4bb: {  	s1 =	rddreg [dreg:$0x1];
	p0 =	sne.s32 s2, $0x0  }
0x4bc: {  	s3 =	rddreg [dreg:$0x2];
	[bflag:$0x3] =	sbarrier.arrive $0xFFFF;
	s2 =	simm.s32 @!p0 $0x1C03  }
0x4bd: {  	[timem:s3], [sflag:s2] =	dma.local @!p0 [hbm:s0], s1  }
0x4be: {  	s0 =	simm.s32 @!p0 $0x3  }
0x4bf: {  	_ =	swait.ge @!p0 [sflag:s0], s1  }
0x4c0: {  	s1 =	ssub.s32 @!p0 $0x0, s1;
	[sflag:s0] =	ssyncset.done @!p0 $0x0  }
0x4c1: {  	[sflag:s0] =	ssyncadd.s32 @!p0 s1  }
0x4c2: {  	[bflag:$0x3] =	sbarrier.arrive $0xFFFF  }
0x4c3: {  	_ =	shalt  }

</sc_bundles>
